<compile_context>
chip_gen: v7x
topology: tpu7x:2x2x1
jax: 0.10.2.dev20260603
libtpu: 0.0.44.dev20260713+nightly
codegen_flags: <defaults>
</compile_context>

<pallas_src>
import functools

import jax
import jax.numpy as jnp
from jax import lax
from jax.experimental import pallas as pl
from jax.experimental.pallas import tpu as pltpu
from jax.experimental.pallas import tpu_sc as plsc

_N = 50000
_DEG = 16
_M = _N * _DEG
_IN_CH = 35
_OUT_CH = 32
_H = 8
_AH = 4
_KV = 125

_NC = 2
_NS = 16
_NW = _NC * _NS
_E = 128
_EPW = 25088
_M_PAD = _NW * _EPW
_N_ACC = 50176


def _bn_t(x, g, b, eps=1e-5):
    mu = jnp.mean(x, axis=1, keepdims=True)
    var = jnp.mean((x - mu) ** 2, axis=1, keepdims=True)
    return (x - mu) / jnp.sqrt(var + eps) * g + b


def _tc_dense(npT, fT, W1T, g1, b1, W2T, g2, b2, W3T, b3, WqT, bq, WvT, bv, pe2d):
    n = npT.shape[1]

    def body(np_ref, f_ref, w1_ref, g1_ref, b1_ref, w2_ref, g2_ref, b2_ref,
             w3_ref, b3_ref, wq_ref, bq_ref, wv_ref, bv_ref, pe_ref,
             nq_ref, v_ref, pen_ref):
        f32 = jnp.float32
        h = jnp.dot(w1_ref[...], np_ref[...], preferred_element_type=f32)
        h = jnp.maximum(_bn_t(h, g1_ref[...], b1_ref[...]), 0.0)
        h = jnp.dot(w2_ref[...], h, preferred_element_type=f32)
        h = jnp.maximum(_bn_t(h, g2_ref[...], b2_ref[...]), 0.0)
        intra = jnp.dot(w3_ref[...], h, preferred_element_type=f32) + b3_ref[...]
        x = f_ref[...] + intra
        q = jnp.dot(wq_ref[...], x, preferred_element_type=f32) + bq_ref[...]
        v = jnp.dot(wv_ref[...], x, preferred_element_type=f32) + bv_ref[...]
        r8 = lax.broadcasted_iota(jnp.int32, (_H, _OUT_CH), 0)
        c8 = lax.broadcasted_iota(jnp.int32, (_H, _OUT_CH), 1)
        eg = (c8 // _AH == r8).astype(f32)
        r32 = lax.broadcasted_iota(jnp.int32, (_OUT_CH, _H), 0)
        c32 = lax.broadcasted_iota(jnp.int32, (_OUT_CH, _H), 1)
        egt = (r32 // _AH == c32).astype(f32)
        s = jnp.dot(eg, q * q, preferred_element_type=f32)
        inv = 1.0 / jnp.maximum(jnp.sqrt(s), 1e-12)
        nq_ref[...] = q * jnp.dot(egt, inv, preferred_element_type=f32)
        v_ref[...] = v
        pe = pe_ref[...]
        sp = jnp.dot(pe * pe, egt, preferred_element_type=f32)
        invp = 1.0 / jnp.maximum(jnp.sqrt(sp), 1e-12)
        pen_ref[...] = pe * jnp.dot(invp, eg, preferred_element_type=f32)

    return pl.pallas_call(
        body,
        out_shape=[
            jax.ShapeDtypeStruct((_OUT_CH, n), jnp.float32),
            jax.ShapeDtypeStruct((_OUT_CH, n), jnp.float32),
            jax.ShapeDtypeStruct((_KV, _OUT_CH), jnp.float32),
        ],
    )(npT, fT, W1T, g1, b1, W2T, g2, b2, W3T, b3, WqT, bq, WvT, bv, pe2d)


_CH = 128
_SUB = _CH // _E
_NCHUNK = _EPW // _CH
_ROWS_W = _EPW // _E


def _sc_attn(nq_pad, v_tab, pe_tab, qi2, ki2, kn2, zeros):
    mesh = plsc.VectorSubcoreMesh(core_axis_name="c", subcore_axis_name="s")
    rows = _N_ACC // _NS

    @functools.partial(
        pl.kernel,
        out_type=jax.ShapeDtypeStruct((_NC, _N_ACC, _OUT_CH), jnp.float32),
        mesh=mesh,
        compiler_params=pltpu.CompilerParams(use_tc_tiling_on_sc=False),
        scratch_types=[
            pltpu.VMEM((4, _SUB, _E), jnp.int32),
            pltpu.VMEM((4, _SUB, _E), jnp.int32),
            pltpu.VMEM((4, _SUB, _E), jnp.int32),
            pltpu.SMEM((4, _SUB, _E), jnp.int32),
            pltpu.VMEM((2, _CH, _OUT_CH), jnp.float32),
            pltpu.VMEM((3, _CH, _OUT_CH), jnp.float32),
            pltpu.VMEM((_KV, _OUT_CH), jnp.float32),
            pltpu.VMEM_SHARED((_N_ACC, _OUT_CH), jnp.float32),
            pltpu.SemaphoreType.DMA,
            pltpu.SemaphoreType.DMA,
            pltpu.SemaphoreType.DMA,
            pltpu.SemaphoreType.DMA,
            pltpu.SemaphoreType.DMA,
            pltpu.SemaphoreType.DMA,
        ],
    )
    def k(nq_hbm, v_hbm, pe_hbm, qi_hbm, ki_hbm, kn_flat, z_hbm, out_hbm,
          qi_v, ki_v, kn_v, kn_s, nq_b, v_b, pe_tab, acc,
          si0, si1, sg0, sg1, ss0, ss1):
        msg_b = v_b
        cid = lax.axis_index("c")
        sid = lax.axis_index("s")
        wid = sid * _NC + cid
        row_base = wid * _ROWS_W

        def idx_pairs(c):
            s4 = lax.rem(c, 4)
            r = row_base + c * _SUB
            return [(qi_hbm.at[pl.ds(r, _SUB)], qi_v.at[s4]),
                    (ki_hbm.at[pl.ds(r, _SUB)], ki_v.at[s4]),
                    (kn_flat.at[pl.ds(r, _SUB)], kn_v.at[s4])]

        def gather_pairs(c):
            s4 = lax.rem(c, 4)
            s2 = lax.rem(c, 2)
            s3 = lax.rem(c, 3)
            out = []
            for tab, idx, dst, sl in ((nq_hbm, qi_v, nq_b, s2),
                                      (v_hbm, ki_v, v_b, s3)):
                for j in range(_SUB):
                    out.append((tab.at[idx.at[s4, j]],
                                dst.at[sl, pl.ds(j * _E, _E)]))
            return out

        def scatter_pairs(c):
            s4 = lax.rem(c, 4)
            s3 = lax.rem(c, 3)
            return [(msg_b.at[s3, pl.ds(j * _E, _E)], acc.at[qi_v.at[s4, j]])
                    for j in range(_SUB)]

        def issue(pairs, sem, add=False):
            for src, dst in pairs:
                pltpu.async_copy(src, dst, sem, add=add)

        def drain(pairs, sem):
            for src, dst in pairs:
                pltpu.make_async_copy(src, dst, sem).wait()

        lane = lax.iota(jnp.int32, 16)
        pxor1 = lane ^ 1
        pxor2 = lane ^ 2

        def bfly4(t):
            t = t + t.at[pxor1].get(mode="promise_in_bounds")
            return t + t.at[pxor2].get(mode="promise_in_bounds")

        def compute(c):
            s2 = lax.rem(c, 2)
            s3 = lax.rem(c, 3)
            s4 = lax.rem(c, 4)

            @pl.loop(0, _CH // 16)
            def _(g):
                kn16 = kn_v[s4, 0, pl.ds(g * 16, 16)]
                for e0 in range(16):
                    e = g * 16 + e0
                    kk = kn16[e0]
                    a0 = nq_b[s2, e, pl.ds(0, 16)]
                    a1 = nq_b[s2, e, pl.ds(16, 16)]
                    p0 = pe_tab[kk, pl.ds(0, 16)]
                    p1 = pe_tab[kk, pl.ds(16, 16)]
                    g0 = bfly4(a0 * p0)
                    g1 = bfly4(a1 * p1)
                    msg_b[s3, e, pl.ds(0, 16)] = g0 * v_b[s3, e, pl.ds(0, 16)]
                    msg_b[s3, e, pl.ds(16, 16)] = g1 * v_b[s3, e, pl.ds(16, 16)]

        pltpu.sync_copy(z_hbm.at[pl.ds(sid * rows, rows)],
                        acc.at[pl.ds(sid * rows, rows)])
        pltpu.sync_copy(pe_hbm, pe_tab)
        plsc.subcore_barrier()
        issue(idx_pairs(0), si0)
        issue(idx_pairs(1), si1)
        drain(idx_pairs(0), si0)
        issue(gather_pairs(0), sg0)

        def step(c, sem_i_cur, sem_i_nxt, sem_g_cur, sem_g_nxt, sem_s_cur, g):
            @pl.when(c >= 2)
            def _():
                drain(scatter_pairs(c - 2), sem_s_cur)
            @pl.when(g < _NCHUNK // 2 - 1)
            def _():
                issue(idx_pairs(c + 2), sem_i_cur)
            @pl.when(c + 1 < _NCHUNK)
            def _():
                drain(idx_pairs(c + 1), sem_i_nxt)
                issue(gather_pairs(c + 1), sem_g_nxt)
            drain(gather_pairs(c), sem_g_cur)
            compute(c)
            issue(scatter_pairs(c), sem_s_cur, add=True)

        @pl.loop(0, _NCHUNK, step=2)
        def _(c0):
            g = lax.div(c0, 2)
            step(c0, si0, si1, sg0, sg1, ss0, g)
            step(c0 + 1, si1, si0, sg1, sg0, ss1, g)

        drain(scatter_pairs(_NCHUNK - 2), ss0)
        drain(scatter_pairs(_NCHUNK - 1), ss1)
        plsc.subcore_barrier()
        pltpu.sync_copy(acc.at[pl.ds(sid * rows, rows)],
                        out_hbm.at[cid, pl.ds(sid * rows, rows)])

    return k(nq_pad, v_tab, pe_tab, qi2, ki2, kn2, zeros)


def _tc_post(p0, p1, Wo, bo2d):
    blk = 2000

    def body(p0_ref, p1_ref, wo_ref, bo_ref, o_ref):
        o_ref[...] = jnp.dot(p0_ref[...] + p1_ref[...], wo_ref[...],
                             preferred_element_type=jnp.float32) + bo_ref[...]

    return pl.pallas_call(
        body,
        grid=(_N // blk,),
        in_specs=[
            pl.BlockSpec((blk, _OUT_CH), lambda i: (i, 0)),
            pl.BlockSpec((blk, _OUT_CH), lambda i: (i, 0)),
            pl.BlockSpec((_OUT_CH, _OUT_CH), lambda i: (0, 0)),
            pl.BlockSpec((1, _OUT_CH), lambda i: (0, 0)),
        ],
        out_specs=pl.BlockSpec((blk, _OUT_CH), lambda i: (i, 0)),
        out_shape=jax.ShapeDtypeStruct((_N, _OUT_CH), jnp.float32),
    )(p0, p1, Wo, bo2d)


def kernel(feats, norm_points, kq_query_idx, kq_key_idx, kernel_idx,
           W1, g1, b1, W2, g2, b2, W3, b3, Wq, bq, Wv, bv, Wo, bo, pos_enc):
    f32 = jnp.float32
    nqT, vT, pen = _tc_dense(
        norm_points.T, feats.T,
        W1.T, g1.reshape(-1, 1), b1.reshape(-1, 1),
        W2.T, g2.reshape(-1, 1), b2.reshape(-1, 1),
        W3.T, b3.reshape(-1, 1),
        Wq.T, bq.reshape(-1, 1),
        Wv.T, bv.reshape(-1, 1),
        pos_enc.reshape(_KV, _OUT_CH).astype(f32),
    )
    nq = nqT.T
    v = vT.T
    pad = _M_PAD - _M
    qi = jnp.concatenate([kq_query_idx.astype(jnp.int32),
                          jnp.full((pad,), _N, jnp.int32)])
    ki = jnp.concatenate([kq_key_idx.astype(jnp.int32),
                          jnp.zeros((pad,), jnp.int32)])
    kn = jnp.concatenate([kernel_idx.astype(jnp.int32),
                          jnp.zeros((pad,), jnp.int32)])
    nq_pad = jnp.concatenate([nq, jnp.zeros((8, _OUT_CH), f32)], axis=0)
    partials = _sc_attn(nq_pad, v, pen,
                        qi.reshape(-1, _E), ki.reshape(-1, _E),
                        kn.reshape(-1, _E),
                        jnp.zeros((_N_ACC, _OUT_CH), f32))
    return _tc_post(partials[0, :_N], partials[1, :_N], Wo,
                    bo.reshape(1, _OUT_CH))

# --- scband reference (transcript-rebuilt; emitter-appended) ---
"""Pipeline reference for scband-fast-point-transformer-81381040324813 (READ-ONLY COPY).

The authoritative reference and input builder live on the scoring server;
editing this copy changes nothing except your own understanding.
"""

import jax, jax.numpy as jnp
import numpy as np

N = 50000
DEG = 16
M = N * DEG
IN_CH = 35
OUT_CH = 32
H = 8
AH = OUT_CH // H
KV = 125


def _bn(x, gamma, beta, eps=1e-5):
    mu = jnp.mean(x, axis=0)
    var = jnp.mean((x - mu) ** 2, axis=0)
    return (x - mu) / jnp.sqrt(var + eps) * gamma + beta


def _l2norm(x, eps=1e-12):
    n = jnp.sqrt(jnp.sum(x * x, axis=-1, keepdims=True))
    return x / jnp.maximum(n, eps)


def setup_inputs(seed: int = 0) -> dict:
    key = jax.random.key(seed)
    ks = jax.random.split(key, 16)
    inp = {}
    inp["feats"] = jax.random.normal(ks[0], (N, IN_CH), jnp.float32)
    inp["norm_points"] = jax.random.uniform(ks[1], (N, 3), jnp.float32) - 0.5
    inp["kq_query_idx"] = jax.random.randint(ks[2], (M,), 0, N)
    inp["kq_key_idx"] = jax.random.randint(ks[3], (M,), 0, N)
    inp["kernel_idx"] = jax.random.randint(ks[4], (M,), 0, KV)
    inp["W1"] = jax.random.normal(ks[5], (3, 3), jnp.float32) * 0.5
    inp["g1"] = jnp.ones((3,), jnp.float32)
    inp["b1"] = jnp.zeros((3,), jnp.float32)
    inp["W2"] = jax.random.normal(ks[6], (3, IN_CH), jnp.float32) * 0.5
    inp["g2"] = jnp.ones((IN_CH,), jnp.float32)
    inp["b2"] = jnp.zeros((IN_CH,), jnp.float32)
    inp["W3"] = jax.random.normal(ks[7], (IN_CH, IN_CH), jnp.float32) * (1.0 / np.sqrt(IN_CH))
    inp["b3"] = jnp.zeros((IN_CH,), jnp.float32)
    inp["Wq"] = jax.random.normal(ks[8], (IN_CH, OUT_CH), jnp.float32) * (1.0 / np.sqrt(IN_CH))
    inp["bq"] = jnp.zeros((OUT_CH,), jnp.float32)
    inp["Wv"] = jax.random.normal(ks[9], (IN_CH, OUT_CH), jnp.float32) * (1.0 / np.sqrt(IN_CH))
    inp["bv"] = jnp.zeros((OUT_CH,), jnp.float32)
    inp["Wo"] = jax.random.normal(ks[10], (OUT_CH, OUT_CH), jnp.float32) * (1.0 / np.sqrt(OUT_CH))
    inp["bo"] = jnp.zeros((OUT_CH,), jnp.float32)
    inp["pos_enc"] = jax.random.normal(ks[11], (KV, H, AH), jnp.float32)
    return inp


def reference(feats, norm_points, kq_query_idx, kq_key_idx, kernel_idx,
              W1, g1, b1, W2, g2, b2, W3, b3, Wq, bq, Wv, bv, Wo, bo, pos_enc):
    # intra-voxel positional MLP: Linear -> BN -> ReLU -> Linear -> BN -> ReLU -> Linear
    h = jax.nn.relu(_bn(norm_points @ W1, g1, b1))
    h = jax.nn.relu(_bn(h @ W2, g2, b2))
    intra = h @ W3 + b3
    x = feats + intra
    # query / value projections
    q = (x @ Wq + bq).reshape(N, H, AH)
    v = (x @ Wv + bv).reshape(N, H, AH)
    nq = _l2norm(q)
    npe = _l2norm(pos_enc)
    # ops.dot_product_cuda: cosine sim between query and inter-voxel pos enc per kq pair
    attn = jnp.sum(jnp.take(nq, kq_query_idx, axis=0) * jnp.take(npe, kernel_idx, axis=0), axis=-1)  # [M, H]
    # ops.scalar_attention_cuda: scatter-add of attn-weighted values to queries
    msgs = attn[:, :, None] * jnp.take(v, kq_key_idx, axis=0)  # [M, H, AH]
    out_F = jnp.zeros((N, H, AH), jnp.float32).at[kq_query_idx].add(msgs)
    out = out_F.reshape(N, OUT_CH) @ Wo + bo
    return out

if __name__ == "__main__":
    import jax
    _d = setup_inputs()
    print(jax.jit(kernel)(*tuple(_d.values())))

</pallas_src>

<mosaic_0001>
#map = affine_map<(d0, d1) -> (0, 0)>
#map1 = affine_map<(d0, d1) -> (0, 0, 0)>
module attributes {stable_mosaic.version = 14 : i64} {
  func.func @k(%arg0: i32, %arg1: i32, %arg2: memref<50008x32xf32, #tpu.memory_space<hbm>>, %arg3: memref<50000x32xf32, #tpu.memory_space<hbm>>, %arg4: memref<125x32xf32, #tpu.memory_space<hbm>>, %arg5: memref<6272x128xi32, #tpu.memory_space<hbm>>, %arg6: memref<6272x128xi32, #tpu.memory_space<hbm>>, %arg7: memref<6272x128xi32, #tpu.memory_space<hbm>>, %arg8: memref<50176x32xf32, #tpu.memory_space<hbm>>, %arg9: memref<2x50176x32xf32, #tpu.memory_space<hbm>>, %arg10: memref<4x1x128xi32, #tpu.memory_space<vmem>>, %arg11: memref<4x1x128xi32, #tpu.memory_space<vmem>>, %arg12: memref<4x1x128xi32, #tpu.memory_space<vmem>>, %arg13: memref<4x1x128xi32, #tpu.memory_space<smem>>, %arg14: memref<2x128x32xf32, #tpu.memory_space<vmem>>, %arg15: memref<3x128x32xf32, #tpu.memory_space<vmem>>, %arg16: memref<125x32xf32, #tpu.memory_space<vmem>>, %arg17: memref<50176x32xf32, #tpu.memory_space<vmem_shared>>, %arg18: memref<!tpu.dma_semaphore, #tpu.memory_space<semaphore_mem>>, %arg19: memref<!tpu.dma_semaphore, #tpu.memory_space<semaphore_mem>>, %arg20: memref<!tpu.dma_semaphore, #tpu.memory_space<semaphore_mem>>, %arg21: memref<!tpu.dma_semaphore, #tpu.memory_space<semaphore_mem>>, %arg22: memref<!tpu.dma_semaphore, #tpu.memory_space<semaphore_mem>>, %arg23: memref<!tpu.dma_semaphore, #tpu.memory_space<semaphore_mem>>) attributes {dimension_semantics = [#tpu.dimension_semantics<core_parallel>, #tpu.dimension_semantics<subcore_parallel>], iteration_bounds = array<i64: 2, 16>, scalar_prefetch = 0 : i64, scratch_operands = 14 : i64, tpu.core_type = #tpu.core_type<sc_vector_subcore>, window_params = [{transform_indices = #map}, {transform_indices = #map}, {transform_indices = #map}, {transform_indices = #map}, {transform_indices = #map}, {transform_indices = #map}, {transform_indices = #map}, {transform_indices = #map1}]} {
    %mul3A = arith.constant 2 : i32
    %mul3A_0 = arith.muli %arg1, %mul3A : i32
    %add3A = arith.addi %mul3A_0, %arg0 : i32
    %mul3A_1 = arith.constant 196 : i32
    %mul3A_2 = arith.muli %add3A, %mul3A_1 : i32
    %iota3A = tpu.iota {dimensions = array<i32: 0>} : vector<16xi32>
    %xor3A = arith.constant 1 : i32
    %xor3A_3 = vector.broadcast %xor3A : i32 to vector<16xi32>
    %xor3A_4 = arith.xori %iota3A, %xor3A_3 : vector<16xi32>
    %xor3A_5 = arith.constant 2 : i32
    %xor3A_6 = vector.broadcast %xor3A_5 : i32 to vector<16xi32>
    %xor3A_7 = arith.xori %iota3A, %xor3A_6 : vector<16xi32>
    %mul3A_8 = arith.constant 3136 : i32
    %mul3A_9 = arith.muli %arg1, %mul3A_8 : i32
    %mul3A_10 = arith.constant 3136 : i32
    %mul3A_11 = arith.muli %arg1, %mul3A_10 : i32
    "tpu.region"() ({
      %run_scoped3A = tpu.sem_alloc : memref<!tpu.dma_semaphore, #tpu.memory_space<semaphore_mem>>
      %dma_start3A_206 = arith.constant 0 : i32
      %dma_start3A_207 = tpu.memref_slice %arg17[%mul3A_11, %dma_start3A_206] : memref<50176x32xf32, #tpu.memory_space<vmem_shared>> -> memref<3136x32xf32, #tpu.memory_space<vmem_shared>>
      %dma_start3A_208 = arith.constant 0 : i32
      %dma_start3A_209 = tpu.memref_slice %arg8[%mul3A_9, %dma_start3A_208] : memref<50176x32xf32, #tpu.memory_space<hbm>> -> memref<3136x32xf32, #tpu.memory_space<hbm>>
      tpu.enqueue_dma source(%dma_start3A_209 : memref<3136x32xf32, #tpu.memory_space<hbm>>) target(%dma_start3A_207 : memref<3136x32xf32, #tpu.memory_space<vmem_shared>>) target_semaphore(%run_scoped3A : memref<!tpu.dma_semaphore, #tpu.memory_space<semaphore_mem>>)
      %dma_wait3A_210 = arith.constant 0 : i32
      %dma_wait3A_211 = tpu.memref_slice %arg17[%mul3A_11, %dma_wait3A_210] : memref<50176x32xf32, #tpu.memory_space<vmem_shared>> -> memref<3136x32xf32, #tpu.memory_space<vmem_shared>>
      %dma_wait3A_212 = arith.constant 0 : i32
      %dma_wait3A_213 = tpu.memref_slice %arg8[%mul3A_9, %dma_wait3A_212] : memref<50176x32xf32, #tpu.memory_space<hbm>> -> memref<3136x32xf32, #tpu.memory_space<hbm>>
      tpu.wait_dma2 semaphore(%run_scoped3A : memref<!tpu.dma_semaphore, #tpu.memory_space<semaphore_mem>>) src(%dma_wait3A_213 : memref<3136x32xf32, #tpu.memory_space<hbm>>) dst(%dma_wait3A_211 : memref<3136x32xf32, #tpu.memory_space<vmem_shared>>)
      tpu.yield
    }) : () -> ()
    "tpu.region"() ({
      %run_scoped3A = tpu.sem_alloc : memref<!tpu.dma_semaphore, #tpu.memory_space<semaphore_mem>>
      tpu.enqueue_dma source(%arg4 : memref<125x32xf32, #tpu.memory_space<hbm>>) target(%arg16 : memref<125x32xf32, #tpu.memory_space<vmem>>) target_semaphore(%run_scoped3A : memref<!tpu.dma_semaphore, #tpu.memory_space<semaphore_mem>>)
      tpu.wait_dma2 semaphore(%run_scoped3A : memref<!tpu.dma_semaphore, #tpu.memory_space<semaphore_mem>>) src(%arg4 : memref<125x32xf32, #tpu.memory_space<hbm>>) dst(%arg16 : memref<125x32xf32, #tpu.memory_space<vmem>>)
      tpu.yield
    }) : () -> ()
    %barrier3A = arith.constant 0 : index
    tpu.barrier barrier_id(%barrier3A)
    %rem3A = arith.constant 0 : i32
    %rem3A_12 = arith.constant 4 : i32
    %rem3A_13 = arith.remsi %rem3A, %rem3A_12 : i32
    %add3A_14 = arith.constant 0 : i32
    %add3A_15 = arith.addi %mul3A_2, %add3A_14 : i32
    %dma_start3A = arith.constant 0 : i32
    %dma_start3A_16 = arith.constant 0 : i32
    %dma_start3A_17 = tpu.memref_slice %arg10[%rem3A_13, %dma_start3A, %dma_start3A_16] : memref<4x1x128xi32, #tpu.memory_space<vmem>> -> memref<1x1x128xi32, #tpu.memory_space<vmem>>
    %dma_start3A_18 = tpu.memref_squeeze %dma_start3A_17 : memref<1x1x128xi32, #tpu.memory_space<vmem>> -> memref<1x128xi32, #tpu.memory_space<vmem>>
    %dma_start3A_19 = arith.constant 0 : i32
    %dma_start3A_20 = tpu.memref_slice %arg5[%add3A_15, %dma_start3A_19] : memref<6272x128xi32, #tpu.memory_space<hbm>> -> memref<1x128xi32, #tpu.memory_space<hbm>>
    %dma_start3A_21 = arith.constant 0 : i32
    %dma_start3A_22 = arith.constant 0 : i32
    %dma_start3A_23 = tpu.memref_slice %arg10[%rem3A_13, %dma_start3A_21, %dma_start3A_22] : memref<4x1x128xi32, #tpu.memory_space<vmem>> -> memref<1x1x128xi32, #tpu.memory_space<vmem>>
    %dma_start3A_24 = tpu.memref_squeeze %dma_start3A_23 : memref<1x1x128xi32, #tpu.memory_space<vmem>> -> memref<1x128xi32, #tpu.memory_space<vmem>>
    %dma_start3A_25 = arith.constant 0 : i32
    %dma_start3A_26 = tpu.memref_slice %arg5[%add3A_15, %dma_start3A_25] : memref<6272x128xi32, #tpu.memory_space<hbm>> -> memref<1x128xi32, #tpu.memory_space<hbm>>
    tpu.enqueue_dma source(%dma_start3A_26 : memref<1x128xi32, #tpu.memory_space<hbm>>) target(%dma_start3A_24 : memref<1x128xi32, #tpu.memory_space<vmem>>) target_semaphore(%arg18 : memref<!tpu.dma_semaphore, #tpu.memory_space<semaphore_mem>>)
    %dma_start3A_27 = arith.constant 0 : i32
    %dma_start3A_28 = arith.constant 0 : i32
    %dma_start3A_29 = tpu.memref_slice %arg11[%rem3A_13, %dma_start3A_27, %dma_start3A_28] : memref<4x1x128xi32, #tpu.memory_space<vmem>> -> memref<1x1x128xi32, #tpu.memory_space<vmem>>
    %dma_start3A_30 = tpu.memref_squeeze %dma_start3A_29 : memref<1x1x128xi32, #tpu.memory_space<vmem>> -> memref<1x128xi32, #tpu.memory_space<vmem>>
    %dma_start3A_31 = arith.constant 0 : i32
    %dma_start3A_32 = tpu.memref_slice %arg6[%add3A_15, %dma_start3A_31] : memref<6272x128xi32, #tpu.memory_space<hbm>> -> memref<1x128xi32, #tpu.memory_space<hbm>>
    %dma_start3A_33 = arith.constant 0 : i32
    %dma_start3A_34 = arith.constant 0 : i32
    %dma_start3A_35 = tpu.memref_slice %arg11[%rem3A_13, %dma_start3A_33, %dma_start3A_34] : memref<4x1x128xi32, #tpu.memory_space<vmem>> -> memref<1x1x128xi32, #tpu.memory_space<vmem>>
    %dma_start3A_36 = tpu.memref_squeeze %dma_start3A_35 : memref<1x1x128xi32, #tpu.memory_space<vmem>> -> memref<1x128xi32, #tpu.memory_space<vmem>>
    %dma_start3A_37 = arith.constant 0 : i32
    %dma_start3A_38 = tpu.memref_slice %arg6[%add3A_15, %dma_start3A_37] : memref<6272x128xi32, #tpu.memory_space<hbm>> -> memref<1x128xi32, #tpu.memory_space<hbm>>
    tpu.enqueue_dma source(%dma_start3A_38 : memref<1x128xi32, #tpu.memory_space<hbm>>) target(%dma_start3A_36 : memref<1x128xi32, #tpu.memory_space<vmem>>) target_semaphore(%arg18 : memref<!tpu.dma_semaphore, #tpu.memory_space<semaphore_mem>>)
    %dma_start3A_39 = arith.constant 0 : i32
    %dma_start3A_40 = arith.constant 0 : i32
    %dma_start3A_41 = tpu.memref_slice %arg12[%rem3A_13, %dma_start3A_39, %dma_start3A_40] : memref<4x1x128xi32, #tpu.memory_space<vmem>> -> memref<1x1x128xi32, #tpu.memory_space<vmem>>
    %dma_start3A_42 = tpu.memref_squeeze %dma_start3A_41 : memref<1x1x128xi32, #tpu.memory_space<vmem>> -> memref<1x128xi32, #tpu.memory_space<vmem>>
    %dma_start3A_43 = arith.constant 0 : i32
    %dma_start3A_44 = tpu.memref_slice %arg7[%add3A_15, %dma_start3A_43] : memref<6272x128xi32, #tpu.memory_space<hbm>> -> memref<1x128xi32, #tpu.memory_space<hbm>>
    %dma_start3A_45 = arith.constant 0 : i32
    %dma_start3A_46 = arith.constant 0 : i32
    %dma_start3A_47 = tpu.memref_slice %arg12[%rem3A_13, %dma_start3A_45, %dma_start3A_46] : memref<4x1x128xi32, #tpu.memory_space<vmem>> -> memref<1x1x128xi32, #tpu.memory_space<vmem>>
    %dma_start3A_48 = tpu.memref_squeeze %dma_start3A_47 : memref<1x1x128xi32, #tpu.memory_space<vmem>> -> memref<1x128xi32, #tpu.memory_space<vmem>>
    %dma_start3A_49 = arith.constant 0 : i32
    %dma_start3A_50 = tpu.memref_slice %arg7[%add3A_15, %dma_start3A_49] : memref<6272x128xi32, #tpu.memory_space<hbm>> -> memref<1x128xi32, #tpu.memory_space<hbm>>
    tpu.enqueue_dma source(%dma_start3A_50 : memref<1x128xi32, #tpu.memory_space<hbm>>) target(%dma_start3A_48 : memref<1x128xi32, #tpu.memory_space<vmem>>) target_semaphore(%arg18 : memref<!tpu.dma_semaphore, #tpu.memory_space<semaphore_mem>>)
    %rem3A_51 = arith.constant 1 : i32
    %rem3A_52 = arith.constant 4 : i32
    %rem3A_53 = arith.remsi %rem3A_51, %rem3A_52 : i32
    %add3A_54 = arith.constant 1 : i32
    %add3A_55 = arith.addi %mul3A_2, %add3A_54 : i32
    %dma_start3A_56 = arith.constant 0 : i32
    %dma_start3A_57 = arith.constant 0 : i32
    %dma_start3A_58 = tpu.memref_slice %arg10[%rem3A_53, %dma_start3A_56, %dma_start3A_57] : memref<4x1x128xi32, #tpu.memory_space<vmem>> -> memref<1x1x128xi32, #tpu.memory_space<vmem>>
    %dma_start3A_59 = tpu.memref_squeeze %dma_start3A_58 : memref<1x1x128xi32, #tpu.memory_space<vmem>> -> memref<1x128xi32, #tpu.memory_space<vmem>>
    %dma_start3A_60 = arith.constant 0 : i32
    %dma_start3A_61 = tpu.memref_slice %arg5[%add3A_55, %dma_start3A_60] : memref<6272x128xi32, #tpu.memory_space<hbm>> -> memref<1x128xi32, #tpu.memory_space<hbm>>
    %dma_start3A_62 = arith.constant 0 : i32
    %dma_start3A_63 = arith.constant 0 : i32
    %dma_start3A_64 = tpu.memref_slice %arg10[%rem3A_53, %dma_start3A_62, %dma_start3A_63] : memref<4x1x128xi32, #tpu.memory_space<vmem>> -> memref<1x1x128xi32, #tpu.memory_space<vmem>>
    %dma_start3A_65 = tpu.memref_squeeze %dma_start3A_64 : memref<1x1x128xi32, #tpu.memory_space<vmem>> -> memref<1x128xi32, #tpu.memory_space<vmem>>
    %dma_start3A_66 = arith.constant 0 : i32
    %dma_start3A_67 = tpu.memref_slice %arg5[%add3A_55, %dma_start3A_66] : memref<6272x128xi32, #tpu.memory_space<hbm>> -> memref<1x128xi32, #tpu.memory_space<hbm>>
    tpu.enqueue_dma source(%dma_start3A_67 : memref<1x128xi32, #tpu.memory_space<hbm>>) target(%dma_start3A_65 : memref<1x128xi32, #tpu.memory_space<vmem>>) target_semaphore(%arg19 : memref<!tpu.dma_semaphore, #tpu.memory_space<semaphore_mem>>)
    %dma_start3A_68 = arith.constant 0 : i32
    %dma_start3A_69 = arith.constant 0 : i32
    %dma_start3A_70 = tpu.memref_slice %arg11[%rem3A_53, %dma_start3A_68, %dma_start3A_69] : memref<4x1x128xi32, #tpu.memory_space<vmem>> -> memref<1x1x128xi32, #tpu.memory_space<vmem>>
    %dma_start3A_71 = tpu.memref_squeeze %dma_start3A_70 : memref<1x1x128xi32, #tpu.memory_space<vmem>> -> memref<1x128xi32, #tpu.memory_space<vmem>>
    %dma_start3A_72 = arith.constant 0 : i32
    %dma_start3A_73 = tpu.memref_slice %arg6[%add3A_55, %dma_start3A_72] : memref<6272x128xi32, #tpu.memory_space<hbm>> -> memref<1x128xi32, #tpu.memory_space<hbm>>
    %dma_start3A_74 = arith.constant 0 : i32
    %dma_start3A_75 = arith.constant 0 : i32
    %dma_start3A_76 = tpu.memref_slice %arg11[%rem3A_53, %dma_start3A_74, %dma_start3A_75] : memref<4x1x128xi32, #tpu.memory_space<vmem>> -> memref<1x1x128xi32, #tpu.memory_space<vmem>>
    %dma_start3A_77 = tpu.memref_squeeze %dma_start3A_76 : memref<1x1x128xi32, #tpu.memory_space<vmem>> -> memref<1x128xi32, #tpu.memory_space<vmem>>
    %dma_start3A_78 = arith.constant 0 : i32
    %dma_start3A_79 = tpu.memref_slice %arg6[%add3A_55, %dma_start3A_78] : memref<6272x128xi32, #tpu.memory_space<hbm>> -> memref<1x128xi32, #tpu.memory_space<hbm>>
    tpu.enqueue_dma source(%dma_start3A_79 : memref<1x128xi32, #tpu.memory_space<hbm>>) target(%dma_start3A_77 : memref<1x128xi32, #tpu.memory_space<vmem>>) target_semaphore(%arg19 : memref<!tpu.dma_semaphore, #tpu.memory_space<semaphore_mem>>)
    %dma_start3A_80 = arith.constant 0 : i32
    %dma_start3A_81 = arith.constant 0 : i32
    %dma_start3A_82 = tpu.memref_slice %arg12[%rem3A_53, %dma_start3A_80, %dma_start3A_81] : memref<4x1x128xi32, #tpu.memory_space<vmem>> -> memref<1x1x128xi32, #tpu.memory_space<vmem>>
    %dma_start3A_83 = tpu.memref_squeeze %dma_start3A_82 : memref<1x1x128xi32, #tpu.memory_space<vmem>> -> memref<1x128xi32, #tpu.memory_space<vmem>>
    %dma_start3A_84 = arith.constant 0 : i32
    %dma_start3A_85 = tpu.memref_slice %arg7[%add3A_55, %dma_start3A_84] : memref<6272x128xi32, #tpu.memory_space<hbm>> -> memref<1x128xi32, #tpu.memory_space<hbm>>
    %dma_start3A_86 = arith.constant 0 : i32
    %dma_start3A_87 = arith.constant 0 : i32
    %dma_start3A_88 = tpu.memref_slice %arg12[%rem3A_53, %dma_start3A_86, %dma_start3A_87] : memref<4x1x128xi32, #tpu.memory_space<vmem>> -> memref<1x1x128xi32, #tpu.memory_space<vmem>>
    %dma_start3A_89 = tpu.memref_squeeze %dma_start3A_88 : memref<1x1x128xi32, #tpu.memory_space<vmem>> -> memref<1x128xi32, #tpu.memory_space<vmem>>
    %dma_start3A_90 = arith.constant 0 : i32
    %dma_start3A_91 = tpu.memref_slice %arg7[%add3A_55, %dma_start3A_90] : memref<6272x128xi32, #tpu.memory_space<hbm>> -> memref<1x128xi32, #tpu.memory_space<hbm>>
    tpu.enqueue_dma source(%dma_start3A_91 : memref<1x128xi32, #tpu.memory_space<hbm>>) target(%dma_start3A_89 : memref<1x128xi32, #tpu.memory_space<vmem>>) target_semaphore(%arg19 : memref<!tpu.dma_semaphore, #tpu.memory_space<semaphore_mem>>)
    %rem3A_92 = arith.constant 0 : i32
    %rem3A_93 = arith.constant 4 : i32
    %rem3A_94 = arith.remsi %rem3A_92, %rem3A_93 : i32
    %add3A_95 = arith.constant 0 : i32
    %add3A_96 = arith.addi %mul3A_2, %add3A_95 : i32
    %dma_wait3A = arith.constant 0 : i32
    %dma_wait3A_97 = arith.constant 0 : i32
    %dma_wait3A_98 = tpu.memref_slice %arg10[%rem3A_94, %dma_wait3A, %dma_wait3A_97] : memref<4x1x128xi32, #tpu.memory_space<vmem>> -> memref<1x1x128xi32, #tpu.memory_space<vmem>>
    %dma_wait3A_99 = tpu.memref_squeeze %dma_wait3A_98 : memref<1x1x128xi32, #tpu.memory_space<vmem>> -> memref<1x128xi32, #tpu.memory_space<vmem>>
    %dma_wait3A_100 = arith.constant 0 : i32
    %dma_wait3A_101 = tpu.memref_slice %arg5[%add3A_96, %dma_wait3A_100] : memref<6272x128xi32, #tpu.memory_space<hbm>> -> memref<1x128xi32, #tpu.memory_space<hbm>>
    %dma_wait3A_102 = arith.constant 0 : i32
    %dma_wait3A_103 = arith.constant 0 : i32
    %dma_wait3A_104 = tpu.memref_slice %arg10[%rem3A_94, %dma_wait3A_102, %dma_wait3A_103] : memref<4x1x128xi32, #tpu.memory_space<vmem>> -> memref<1x1x128xi32, #tpu.memory_space<vmem>>
    %dma_wait3A_105 = tpu.memref_squeeze %dma_wait3A_104 : memref<1x1x128xi32, #tpu.memory_space<vmem>> -> memref<1x128xi32, #tpu.memory_space<vmem>>
    %dma_wait3A_106 = arith.constant 0 : i32
    %dma_wait3A_107 = tpu.memref_slice %arg5[%add3A_96, %dma_wait3A_106] : memref<6272x128xi32, #tpu.memory_space<hbm>> -> memref<1x128xi32, #tpu.memory_space<hbm>>
    tpu.wait_dma2 semaphore(%arg18 : memref<!tpu.dma_semaphore, #tpu.memory_space<semaphore_mem>>) src(%dma_wait3A_107 : memref<1x128xi32, #tpu.memory_space<hbm>>) dst(%dma_wait3A_105 : memref<1x128xi32, #tpu.memory_space<vmem>>)
    %dma_wait3A_108 = arith.constant 0 : i32
    %dma_wait3A_109 = arith.constant 0 : i32
    %dma_wait3A_110 = tpu.memref_slice %arg11[%rem3A_94, %dma_wait3A_108, %dma_wait3A_109] : memref<4x1x128xi32, #tpu.memory_space<vmem>> -> memref<1x1x128xi32, #tpu.memory_space<vmem>>
    %dma_wait3A_111 = tpu.memref_squeeze %dma_wait3A_110 : memref<1x1x128xi32, #tpu.memory_space<vmem>> -> memref<1x128xi32, #tpu.memory_space<vmem>>
    %dma_wait3A_112 = arith.constant 0 : i32
    %dma_wait3A_113 = tpu.memref_slice %arg6[%add3A_96, %dma_wait3A_112] : memref<6272x128xi32, #tpu.memory_space<hbm>> -> memref<1x128xi32, #tpu.memory_space<hbm>>
    %dma_wait3A_114 = arith.constant 0 : i32
    %dma_wait3A_115 = arith.constant 0 : i32
    %dma_wait3A_116 = tpu.memref_slice %arg11[%rem3A_94, %dma_wait3A_114, %dma_wait3A_115] : memref<4x1x128xi32, #tpu.memory_space<vmem>> -> memref<1x1x128xi32, #tpu.memory_space<vmem>>
    %dma_wait3A_117 = tpu.memref_squeeze %dma_wait3A_116 : memref<1x1x128xi32, #tpu.memory_space<vmem>> -> memref<1x128xi32, #tpu.memory_space<vmem>>
    %dma_wait3A_118 = arith.constant 0 : i32
    %dma_wait3A_119 = tpu.memref_slice %arg6[%add3A_96, %dma_wait3A_118] : memref<6272x128xi32, #tpu.memory_space<hbm>> -> memref<1x128xi32, #tpu.memory_space<hbm>>
    tpu.wait_dma2 semaphore(%arg18 : memref<!tpu.dma_semaphore, #tpu.memory_space<semaphore_mem>>) src(%dma_wait3A_119 : memref<1x128xi32, #tpu.memory_space<hbm>>) dst(%dma_wait3A_117 : memref<1x128xi32, #tpu.memory_space<vmem>>)
    %dma_wait3A_120 = arith.constant 0 : i32
    %dma_wait3A_121 = arith.constant 0 : i32
    %dma_wait3A_122 = tpu.memref_slice %arg12[%rem3A_94, %dma_wait3A_120, %dma_wait3A_121] : memref<4x1x128xi32, #tpu.memory_space<vmem>> -> memref<1x1x128xi32, #tpu.memory_space<vmem>>
    %dma_wait3A_123 = tpu.memref_squeeze %dma_wait3A_122 : memref<1x1x128xi32, #tpu.memory_space<vmem>> -> memref<1x128xi32, #tpu.memory_space<vmem>>
    %dma_wait3A_124 = arith.constant 0 : i32
    %dma_wait3A_125 = tpu.memref_slice %arg7[%add3A_96, %dma_wait3A_124] : memref<6272x128xi32, #tpu.memory_space<hbm>> -> memref<1x128xi32, #tpu.memory_space<hbm>>
    %dma_wait3A_126 = arith.constant 0 : i32
    %dma_wait3A_127 = arith.constant 0 : i32
    %dma_wait3A_128 = tpu.memref_slice %arg12[%rem3A_94, %dma_wait3A_126, %dma_wait3A_127] : memref<4x1x128xi32, #tpu.memory_space<vmem>> -> memref<1x1x128xi32, #tpu.memory_space<vmem>>
    %dma_wait3A_129 = tpu.memref_squeeze %dma_wait3A_128 : memref<1x1x128xi32, #tpu.memory_space<vmem>> -> memref<1x128xi32, #tpu.memory_space<vmem>>
    %dma_wait3A_130 = arith.constant 0 : i32
    %dma_wait3A_131 = tpu.memref_slice %arg7[%add3A_96, %dma_wait3A_130] : memref<6272x128xi32, #tpu.memory_space<hbm>> -> memref<1x128xi32, #tpu.memory_space<hbm>>
    tpu.wait_dma2 semaphore(%arg18 : memref<!tpu.dma_semaphore, #tpu.memory_space<semaphore_mem>>) src(%dma_wait3A_131 : memref<1x128xi32, #tpu.memory_space<hbm>>) dst(%dma_wait3A_129 : memref<1x128xi32, #tpu.memory_space<vmem>>)
    %rem3A_132 = arith.constant 0 : i32
    %rem3A_133 = arith.constant 4 : i32
    %rem3A_134 = arith.remsi %rem3A_132, %rem3A_133 : i32
    %rem3A_135 = arith.constant 0 : i32
    %rem3A_136 = arith.constant 2 : i32
    %rem3A_137 = arith.remsi %rem3A_135, %rem3A_136 : i32
    %rem3A_138 = arith.constant 0 : i32
    %rem3A_139 = arith.constant 3 : i32
    %rem3A_140 = arith.remsi %rem3A_138, %rem3A_139 : i32
    %dma_start3A_141 = arith.constant 0 : i32
    %dma_start3A_142 = arith.constant 0 : i32
    %dma_start3A_143 = arith.constant 0 : i32
    %dma_start3A_144 = tpu.memref_slice %arg14[%rem3A_137, %dma_start3A_142, %dma_start3A_143] : memref<2x128x32xf32, #tpu.memory_space<vmem>> -> memref<1x128x32xf32, #tpu.memory_space<vmem>>
    %dma_start3A_145 = tpu.memref_squeeze %dma_start3A_144 : memref<1x128x32xf32, #tpu.memory_space<vmem>> -> memref<128x32xf32, #tpu.memory_space<vmem>>
    %dma_start3A_146 = arith.constant 0 : i32
    %dma_start3A_147 = tpu.memref_slice %arg10[%rem3A_134, %dma_start3A_141, %dma_start3A_146] : memref<4x1x128xi32, #tpu.memory_space<vmem>> -> memref<1x1x128xi32, #tpu.memory_space<vmem>>
    %dma_start3A_148 = tpu.memref_squeeze %dma_start3A_147 : memref<1x1x128xi32, #tpu.memory_space<vmem>> -> memref<128xi32, #tpu.memory_space<vmem>>
    %dma_start3A_149 = arith.constant 0 : i32
    %dma_start3A_150 = arith.constant 0 : i32
    %dma_start3A_151 = tpu.memref_slice %arg2[%dma_start3A_149, %dma_start3A_150] : memref<50008x32xf32, #tpu.memory_space<hbm>> -> memref<50008x32xf32, #tpu.memory_space<hbm>>
    tpu.enqueue_indirect_dma source(%dma_start3A_151 : memref<50008x32xf32, #tpu.memory_space<hbm>>) target(%dma_start3A_145 : memref<128x32xf32, #tpu.memory_space<vmem>>) offsets(%dma_start3A_148 : memref<128xi32, #tpu.memory_space<vmem>>) semaphore(%arg20 : memref<!tpu.dma_semaphore, #tpu.memory_space<semaphore_mem>>)
    %dma_start3A_152 = arith.constant 0 : i32
    %dma_start3A_153 = arith.constant 0 : i32
    %dma_start3A_154 = arith.constant 0 : i32
    %dma_start3A_155 = tpu.memref_slice %arg15[%rem3A_140, %dma_start3A_153, %dma_start3A_154] : memref<3x128x32xf32, #tpu.memory_space<vmem>> -> memref<1x128x32xf32, #tpu.memory_space<vmem>>
    %dma_start3A_156 = tpu.memref_squeeze %dma_start3A_155 : memref<1x128x32xf32, #tpu.memory_space<vmem>> -> memref<128x32xf32, #tpu.memory_space<vmem>>
    %dma_start3A_157 = arith.constant 0 : i32
    %dma_start3A_158 = tpu.memref_slice %arg11[%rem3A_134, %dma_start3A_152, %dma_start3A_157] : memref<4x1x128xi32, #tpu.memory_space<vmem>> -> memref<1x1x128xi32, #tpu.memory_space<vmem>>
    %dma_start3A_159 = tpu.memref_squeeze %dma_start3A_158 : memref<1x1x128xi32, #tpu.memory_space<vmem>> -> memref<128xi32, #tpu.memory_space<vmem>>
    %dma_start3A_160 = arith.constant 0 : i32
    %dma_start3A_161 = arith.constant 0 : i32
    %dma_start3A_162 = tpu.memref_slice %arg3[%dma_start3A_160, %dma_start3A_161] : memref<50000x32xf32, #tpu.memory_space<hbm>> -> memref<50000x32xf32, #tpu.memory_space<hbm>>
    tpu.enqueue_indirect_dma source(%dma_start3A_162 : memref<50000x32xf32, #tpu.memory_space<hbm>>) target(%dma_start3A_156 : memref<128x32xf32, #tpu.memory_space<vmem>>) offsets(%dma_start3A_159 : memref<128xi32, #tpu.memory_space<vmem>>) semaphore(%arg20 : memref<!tpu.dma_semaphore, #tpu.memory_space<semaphore_mem>>)
    %scan3A = arith.constant 0 : i32
    %scan3A_163 = arith.constant 98 : i32
    %scan3A_164 = arith.addi %scan3A, %scan3A_163 : i32
    %scan3A_165 = arith.constant 1 : i32
    scf.for %scan3A_206 = %scan3A to %scan3A_164 step %scan3A_165  : i32 {
      %mul3A_207 = arith.constant 2 : i32
      %mul3A_208 = arith.muli %scan3A_206, %mul3A_207 : i32
      %add3A_209 = arith.constant 0 : i32
      %add3A_210 = arith.addi %add3A_209, %mul3A_208 : i32
      %div3A = arith.constant 2 : i32
      %div3A_211 = arith.divsi %add3A_210, %div3A : i32
      %ge3A = arith.constant 2 : i32
      %ge3A_212 = arith.cmpi sge, %add3A_210, %ge3A : i32
      %convert_element_type3A = arith.extui %ge3A_212 : i1 to i32
      %cond3A = arith.constant 0 : i32
      %cond3A_213 = arith.cmpi ne, %convert_element_type3A, %cond3A : i32
      scf.if %cond3A_213 {
        %sub3A = arith.constant 2 : i32
        %sub3A_352 = arith.subi %add3A_210, %sub3A : i32
        %rem3A_353 = arith.constant 4 : i32
        %rem3A_354 = arith.remsi %sub3A_352, %rem3A_353 : i32
        %rem3A_355 = arith.constant 3 : i32
        %rem3A_356 = arith.remsi %sub3A_352, %rem3A_355 : i32
        %dma_wait3A_357 = arith.constant 0 : i32
        %dma_wait3A_358 = arith.constant 0 : i32
        %dma_wait3A_359 = arith.constant 0 : i32
        %dma_wait3A_360 = tpu.memref_slice %arg15[%rem3A_356, %dma_wait3A_358, %dma_wait3A_359] : memref<3x128x32xf32, #tpu.memory_space<vmem>> -> memref<1x128x32xf32, #tpu.memory_space<vmem>>
        %dma_wait3A_361 = tpu.memref_squeeze %dma_wait3A_360 : memref<1x128x32xf32, #tpu.memory_space<vmem>> -> memref<128x32xf32, #tpu.memory_space<vmem>>
        %dma_wait3A_362 = arith.constant 0 : i32
        %dma_wait3A_363 = tpu.memref_slice %arg10[%rem3A_354, %dma_wait3A_357, %dma_wait3A_362] : memref<4x1x128xi32, #tpu.memory_space<vmem>> -> memref<1x1x128xi32, #tpu.memory_space<vmem>>
        %dma_wait3A_364 = tpu.memref_squeeze %dma_wait3A_363 : memref<1x1x128xi32, #tpu.memory_space<vmem>> -> memref<128xi32, #tpu.memory_space<vmem>>
        %dma_wait3A_365 = arith.constant 0 : i32
        %dma_wait3A_366 = arith.constant 0 : i32
        %dma_wait3A_367 = tpu.memref_slice %arg17[%dma_wait3A_365, %dma_wait3A_366] : memref<50176x32xf32, #tpu.memory_space<vmem_shared>> -> memref<50176x32xf32, #tpu.memory_space<vmem_shared>>
        tpu.wait_indirect_dma semaphore(%arg22 : memref<!tpu.dma_semaphore, #tpu.memory_space<semaphore_mem>>) src(%dma_wait3A_361 : memref<128x32xf32, #tpu.memory_space<vmem>>) dst(%dma_wait3A_367 : memref<50176x32xf32, #tpu.memory_space<vmem_shared>>)
      } else {
      }
      %lt3A = arith.constant 97 : i32
      %lt3A_214 = arith.cmpi slt, %div3A_211, %lt3A : i32
      %convert_element_type3A_215 = arith.extui %lt3A_214 : i1 to i32
      %cond3A_216 = arith.constant 0 : i32
      %cond3A_217 = arith.cmpi ne, %convert_element_type3A_215, %cond3A_216 : i32
      scf.if %cond3A_217 {
        %add3A_352 = arith.constant 2 : i32
        %add3A_353 = arith.addi %add3A_210, %add3A_352 : i32
        %rem3A_354 = arith.constant 4 : i32
        %rem3A_355 = arith.remsi %add3A_353, %rem3A_354 : i32
        %mul3A_356 = arith.constant 1 : i32
        %mul3A_357 = arith.muli %add3A_353, %mul3A_356 : i32
        %add3A_358 = arith.addi %mul3A_2, %mul3A_357 : i32
        %dma_start3A_359 = arith.constant 0 : i32
        %dma_start3A_360 = arith.constant 0 : i32
        %dma_start3A_361 = tpu.memref_slice %arg10[%rem3A_355, %dma_start3A_359, %dma_start3A_360] : memref<4x1x128xi32, #tpu.memory_space<vmem>> -> memref<1x1x128xi32, #tpu.memory_space<vmem>>
        %dma_start3A_362 = tpu.memref_squeeze %dma_start3A_361 : memref<1x1x128xi32, #tpu.memory_space<vmem>> -> memref<1x128xi32, #tpu.memory_space<vmem>>
        %dma_start3A_363 = arith.constant 0 : i32
        %dma_start3A_364 = tpu.memref_slice %arg5[%add3A_358, %dma_start3A_363] : memref<6272x128xi32, #tpu.memory_space<hbm>> -> memref<1x128xi32, #tpu.memory_space<hbm>>
        %dma_start3A_365 = arith.constant 0 : i32
        %dma_start3A_366 = arith.constant 0 : i32
        %dma_start3A_367 = tpu.memref_slice %arg10[%rem3A_355, %dma_start3A_365, %dma_start3A_366] : memref<4x1x128xi32, #tpu.memory_space<vmem>> -> memref<1x1x128xi32, #tpu.memory_space<vmem>>
        %dma_start3A_368 = tpu.memref_squeeze %dma_start3A_367 : memref<1x1x128xi32, #tpu.memory_space<vmem>> -> memref<1x128xi32, #tpu.memory_space<vmem>>
        %dma_start3A_369 = arith.constant 0 : i32
        %dma_start3A_370 = tpu.memref_slice %arg5[%add3A_358, %dma_start3A_369] : memref<6272x128xi32, #tpu.memory_space<hbm>> -> memref<1x128xi32, #tpu.memory_space<hbm>>
        tpu.enqueue_dma source(%dma_start3A_370 : memref<1x128xi32, #tpu.memory_space<hbm>>) target(%dma_start3A_368 : memref<1x128xi32, #tpu.memory_space<vmem>>) target_semaphore(%arg18 : memref<!tpu.dma_semaphore, #tpu.memory_space<semaphore_mem>>)
        %dma_start3A_371 = arith.constant 0 : i32
        %dma_start3A_372 = arith.constant 0 : i32
        %dma_start3A_373 = tpu.memref_slice %arg11[%rem3A_355, %dma_start3A_371, %dma_start3A_372] : memref<4x1x128xi32, #tpu.memory_space<vmem>> -> memref<1x1x128xi32, #tpu.memory_space<vmem>>
        %dma_start3A_374 = tpu.memref_squeeze %dma_start3A_373 : memref<1x1x128xi32, #tpu.memory_space<vmem>> -> memref<1x128xi32, #tpu.memory_space<vmem>>
        %dma_start3A_375 = arith.constant 0 : i32
        %dma_start3A_376 = tpu.memref_slice %arg6[%add3A_358, %dma_start3A_375] : memref<6272x128xi32, #tpu.memory_space<hbm>> -> memref<1x128xi32, #tpu.memory_space<hbm>>
        %dma_start3A_377 = arith.constant 0 : i32
        %dma_start3A_378 = arith.constant 0 : i32
        %dma_start3A_379 = tpu.memref_slice %arg11[%rem3A_355, %dma_start3A_377, %dma_start3A_378] : memref<4x1x128xi32, #tpu.memory_space<vmem>> -> memref<1x1x128xi32, #tpu.memory_space<vmem>>
        %dma_start3A_380 = tpu.memref_squeeze %dma_start3A_379 : memref<1x1x128xi32, #tpu.memory_space<vmem>> -> memref<1x128xi32, #tpu.memory_space<vmem>>
        %dma_start3A_381 = arith.constant 0 : i32
        %dma_start3A_382 = tpu.memref_slice %arg6[%add3A_358, %dma_start3A_381] : memref<6272x128xi32, #tpu.memory_space<hbm>> -> memref<1x128xi32, #tpu.memory_space<hbm>>
        tpu.enqueue_dma source(%dma_start3A_382 : memref<1x128xi32, #tpu.memory_space<hbm>>) target(%dma_start3A_380 : memref<1x128xi32, #tpu.memory_space<vmem>>) target_semaphore(%arg18 : memref<!tpu.dma_semaphore, #tpu.memory_space<semaphore_mem>>)
        %dma_start3A_383 = arith.constant 0 : i32
        %dma_start3A_384 = arith.constant 0 : i32
        %dma_start3A_385 = tpu.memref_slice %arg12[%rem3A_355, %dma_start3A_383, %dma_start3A_384] : memref<4x1x128xi32, #tpu.memory_space<vmem>> -> memref<1x1x128xi32, #tpu.memory_space<vmem>>
        %dma_start3A_386 = tpu.memref_squeeze %dma_start3A_385 : memref<1x1x128xi32, #tpu.memory_space<vmem>> -> memref<1x128xi32, #tpu.memory_space<vmem>>
        %dma_start3A_387 = arith.constant 0 : i32
        %dma_start3A_388 = tpu.memref_slice %arg7[%add3A_358, %dma_start3A_387] : memref<6272x128xi32, #tpu.memory_space<hbm>> -> memref<1x128xi32, #tpu.memory_space<hbm>>
        %dma_start3A_389 = arith.constant 0 : i32
        %dma_start3A_390 = arith.constant 0 : i32
        %dma_start3A_391 = tpu.memref_slice %arg12[%rem3A_355, %dma_start3A_389, %dma_start3A_390] : memref<4x1x128xi32, #tpu.memory_space<vmem>> -> memref<1x1x128xi32, #tpu.memory_space<vmem>>
        %dma_start3A_392 = tpu.memref_squeeze %dma_start3A_391 : memref<1x1x128xi32, #tpu.memory_space<vmem>> -> memref<1x128xi32, #tpu.memory_space<vmem>>
        %dma_start3A_393 = arith.constant 0 : i32
        %dma_start3A_394 = tpu.memref_slice %arg7[%add3A_358, %dma_start3A_393] : memref<6272x128xi32, #tpu.memory_space<hbm>> -> memref<1x128xi32, #tpu.memory_space<hbm>>
        tpu.enqueue_dma source(%dma_start3A_394 : memref<1x128xi32, #tpu.memory_space<hbm>>) target(%dma_start3A_392 : memref<1x128xi32, #tpu.memory_space<vmem>>) target_semaphore(%arg18 : memref<!tpu.dma_semaphore, #tpu.memory_space<semaphore_mem>>)
      } else {
      }
      %add3A_218 = arith.constant 1 : i32
      %add3A_219 = arith.addi %add3A_210, %add3A_218 : i32
      %lt3A_220 = arith.constant 196 : i32
      %lt3A_221 = arith.cmpi slt, %add3A_219, %lt3A_220 : i32
      %convert_element_type3A_222 = arith.extui %lt3A_221 : i1 to i32
      %cond3A_223 = arith.constant 0 : i32
      %cond3A_224 = arith.cmpi ne, %convert_element_type3A_222, %cond3A_223 : i32
      scf.if %cond3A_224 {
        %add3A_352 = arith.constant 1 : i32
        %add3A_353 = arith.addi %add3A_210, %add3A_352 : i32
        %rem3A_354 = arith.constant 4 : i32
        %rem3A_355 = arith.remsi %add3A_353, %rem3A_354 : i32
        %mul3A_356 = arith.constant 1 : i32
        %mul3A_357 = arith.muli %add3A_353, %mul3A_356 : i32
        %add3A_358 = arith.addi %mul3A_2, %mul3A_357 : i32
        %dma_wait3A_359 = arith.constant 0 : i32
        %dma_wait3A_360 = arith.constant 0 : i32
        %dma_wait3A_361 = tpu.memref_slice %arg10[%rem3A_355, %dma_wait3A_359, %dma_wait3A_360] : memref<4x1x128xi32, #tpu.memory_space<vmem>> -> memref<1x1x128xi32, #tpu.memory_space<vmem>>
        %dma_wait3A_362 = tpu.memref_squeeze %dma_wait3A_361 : memref<1x1x128xi32, #tpu.memory_space<vmem>> -> memref<1x128xi32, #tpu.memory_space<vmem>>
        %dma_wait3A_363 = arith.constant 0 : i32
        %dma_wait3A_364 = tpu.memref_slice %arg5[%add3A_358, %dma_wait3A_363] : memref<6272x128xi32, #tpu.memory_space<hbm>> -> memref<1x128xi32, #tpu.memory_space<hbm>>
        %dma_wait3A_365 = arith.constant 0 : i32
        %dma_wait3A_366 = arith.constant 0 : i32
        %dma_wait3A_367 = tpu.memref_slice %arg10[%rem3A_355, %dma_wait3A_365, %dma_wait3A_366] : memref<4x1x128xi32, #tpu.memory_space<vmem>> -> memref<1x1x128xi32, #tpu.memory_space<vmem>>
        %dma_wait3A_368 = tpu.memref_squeeze %dma_wait3A_367 : memref<1x1x128xi32, #tpu.memory_space<vmem>> -> memref<1x128xi32, #tpu.memory_space<vmem>>
        %dma_wait3A_369 = arith.constant 0 : i32
        %dma_wait3A_370 = tpu.memref_slice %arg5[%add3A_358, %dma_wait3A_369] : memref<6272x128xi32, #tpu.memory_space<hbm>> -> memref<1x128xi32, #tpu.memory_space<hbm>>
        tpu.wait_dma2 semaphore(%arg19 : memref<!tpu.dma_semaphore, #tpu.memory_space<semaphore_mem>>) src(%dma_wait3A_370 : memref<1x128xi32, #tpu.memory_space<hbm>>) dst(%dma_wait3A_368 : memref<1x128xi32, #tpu.memory_space<vmem>>)
        %dma_wait3A_371 = arith.constant 0 : i32
        %dma_wait3A_372 = arith.constant 0 : i32
        %dma_wait3A_373 = tpu.memref_slice %arg11[%rem3A_355, %dma_wait3A_371, %dma_wait3A_372] : memref<4x1x128xi32, #tpu.memory_space<vmem>> -> memref<1x1x128xi32, #tpu.memory_space<vmem>>
        %dma_wait3A_374 = tpu.memref_squeeze %dma_wait3A_373 : memref<1x1x128xi32, #tpu.memory_space<vmem>> -> memref<1x128xi32, #tpu.memory_space<vmem>>
        %dma_wait3A_375 = arith.constant 0 : i32
        %dma_wait3A_376 = tpu.memref_slice %arg6[%add3A_358, %dma_wait3A_375] : memref<6272x128xi32, #tpu.memory_space<hbm>> -> memref<1x128xi32, #tpu.memory_space<hbm>>
        %dma_wait3A_377 = arith.constant 0 : i32
        %dma_wait3A_378 = arith.constant 0 : i32
        %dma_wait3A_379 = tpu.memref_slice %arg11[%rem3A_355, %dma_wait3A_377, %dma_wait3A_378] : memref<4x1x128xi32, #tpu.memory_space<vmem>> -> memref<1x1x128xi32, #tpu.memory_space<vmem>>
        %dma_wait3A_380 = tpu.memref_squeeze %dma_wait3A_379 : memref<1x1x128xi32, #tpu.memory_space<vmem>> -> memref<1x128xi32, #tpu.memory_space<vmem>>
        %dma_wait3A_381 = arith.constant 0 : i32
        %dma_wait3A_382 = tpu.memref_slice %arg6[%add3A_358, %dma_wait3A_381] : memref<6272x128xi32, #tpu.memory_space<hbm>> -> memref<1x128xi32, #tpu.memory_space<hbm>>
        tpu.wait_dma2 semaphore(%arg19 : memref<!tpu.dma_semaphore, #tpu.memory_space<semaphore_mem>>) src(%dma_wait3A_382 : memref<1x128xi32, #tpu.memory_space<hbm>>) dst(%dma_wait3A_380 : memref<1x128xi32, #tpu.memory_space<vmem>>)
        %dma_wait3A_383 = arith.constant 0 : i32
        %dma_wait3A_384 = arith.constant 0 : i32
        %dma_wait3A_385 = tpu.memref_slice %arg12[%rem3A_355, %dma_wait3A_383, %dma_wait3A_384] : memref<4x1x128xi32, #tpu.memory_space<vmem>> -> memref<1x1x128xi32, #tpu.memory_space<vmem>>
        %dma_wait3A_386 = tpu.memref_squeeze %dma_wait3A_385 : memref<1x1x128xi32, #tpu.memory_space<vmem>> -> memref<1x128xi32, #tpu.memory_space<vmem>>
        %dma_wait3A_387 = arith.constant 0 : i32
        %dma_wait3A_388 = tpu.memref_slice %arg7[%add3A_358, %dma_wait3A_387] : memref<6272x128xi32, #tpu.memory_space<hbm>> -> memref<1x128xi32, #tpu.memory_space<hbm>>
        %dma_wait3A_389 = arith.constant 0 : i32
        %dma_wait3A_390 = arith.constant 0 : i32
        %dma_wait3A_391 = tpu.memref_slice %arg12[%rem3A_355, %dma_wait3A_389, %dma_wait3A_390] : memref<4x1x128xi32, #tpu.memory_space<vmem>> -> memref<1x1x128xi32, #tpu.memory_space<vmem>>
        %dma_wait3A_392 = tpu.memref_squeeze %dma_wait3A_391 : memref<1x1x128xi32, #tpu.memory_space<vmem>> -> memref<1x128xi32, #tpu.memory_space<vmem>>
        %dma_wait3A_393 = arith.constant 0 : i32
        %dma_wait3A_394 = tpu.memref_slice %arg7[%add3A_358, %dma_wait3A_393] : memref<6272x128xi32, #tpu.memory_space<hbm>> -> memref<1x128xi32, #tpu.memory_space<hbm>>
        tpu.wait_dma2 semaphore(%arg19 : memref<!tpu.dma_semaphore, #tpu.memory_space<semaphore_mem>>) src(%dma_wait3A_394 : memref<1x128xi32, #tpu.memory_space<hbm>>) dst(%dma_wait3A_392 : memref<1x128xi32, #tpu.memory_space<vmem>>)
        %add3A_395 = arith.constant 1 : i32
        %add3A_396 = arith.addi %add3A_210, %add3A_395 : i32
        %rem3A_397 = arith.constant 4 : i32
        %rem3A_398 = arith.remsi %add3A_396, %rem3A_397 : i32
        %rem3A_399 = arith.constant 2 : i32
        %rem3A_400 = arith.remsi %add3A_396, %rem3A_399 : i32
        %rem3A_401 = arith.constant 3 : i32
        %rem3A_402 = arith.remsi %add3A_396, %rem3A_401 : i32
        %dma_start3A_403 = arith.constant 0 : i32
        %dma_start3A_404 = arith.constant 0 : i32
        %dma_start3A_405 = arith.constant 0 : i32
        %dma_start3A_406 = tpu.memref_slice %arg14[%rem3A_400, %dma_start3A_404, %dma_start3A_405] : memref<2x128x32xf32, #tpu.memory_space<vmem>> -> memref<1x128x32xf32, #tpu.memory_space<vmem>>
        %dma_start3A_407 = tpu.memref_squeeze %dma_start3A_406 : memref<1x128x32xf32, #tpu.memory_space<vmem>> -> memref<128x32xf32, #tpu.memory_space<vmem>>
        %dma_start3A_408 = arith.constant 0 : i32
        %dma_start3A_409 = tpu.memref_slice %arg10[%rem3A_398, %dma_start3A_403, %dma_start3A_408] : memref<4x1x128xi32, #tpu.memory_space<vmem>> -> memref<1x1x128xi32, #tpu.memory_space<vmem>>
        %dma_start3A_410 = tpu.memref_squeeze %dma_start3A_409 : memref<1x1x128xi32, #tpu.memory_space<vmem>> -> memref<128xi32, #tpu.memory_space<vmem>>
        %dma_start3A_411 = arith.constant 0 : i32
        %dma_start3A_412 = arith.constant 0 : i32
        %dma_start3A_413 = tpu.memref_slice %arg2[%dma_start3A_411, %dma_start3A_412] : memref<50008x32xf32, #tpu.memory_space<hbm>> -> memref<50008x32xf32, #tpu.memory_space<hbm>>
        tpu.enqueue_indirect_dma source(%dma_start3A_413 : memref<50008x32xf32, #tpu.memory_space<hbm>>) target(%dma_start3A_407 : memref<128x32xf32, #tpu.memory_space<vmem>>) offsets(%dma_start3A_410 : memref<128xi32, #tpu.memory_space<vmem>>) semaphore(%arg21 : memref<!tpu.dma_semaphore, #tpu.memory_space<semaphore_mem>>)
        %dma_start3A_414 = arith.constant 0 : i32
        %dma_start3A_415 = arith.constant 0 : i32
        %dma_start3A_416 = arith.constant 0 : i32
        %dma_start3A_417 = tpu.memref_slice %arg15[%rem3A_402, %dma_start3A_415, %dma_start3A_416] : memref<3x128x32xf32, #tpu.memory_space<vmem>> -> memref<1x128x32xf32, #tpu.memory_space<vmem>>
        %dma_start3A_418 = tpu.memref_squeeze %dma_start3A_417 : memref<1x128x32xf32, #tpu.memory_space<vmem>> -> memref<128x32xf32, #tpu.memory_space<vmem>>
        %dma_start3A_419 = arith.constant 0 : i32
        %dma_start3A_420 = tpu.memref_slice %arg11[%rem3A_398, %dma_start3A_414, %dma_start3A_419] : memref<4x1x128xi32, #tpu.memory_space<vmem>> -> memref<1x1x128xi32, #tpu.memory_space<vmem>>
        %dma_start3A_421 = tpu.memref_squeeze %dma_start3A_420 : memref<1x1x128xi32, #tpu.memory_space<vmem>> -> memref<128xi32, #tpu.memory_space<vmem>>
        %dma_start3A_422 = arith.constant 0 : i32
        %dma_start3A_423 = arith.constant 0 : i32
        %dma_start3A_424 = tpu.memref_slice %arg3[%dma_start3A_422, %dma_start3A_423] : memref<50000x32xf32, #tpu.memory_space<hbm>> -> memref<50000x32xf32, #tpu.memory_space<hbm>>
        tpu.enqueue_indirect_dma source(%dma_start3A_424 : memref<50000x32xf32, #tpu.memory_space<hbm>>) target(%dma_start3A_418 : memref<128x32xf32, #tpu.memory_space<vmem>>) offsets(%dma_start3A_421 : memref<128xi32, #tpu.memory_space<vmem>>) semaphore(%arg21 : memref<!tpu.dma_semaphore, #tpu.memory_space<semaphore_mem>>)
      } else {
      }
      %rem3A_225 = arith.constant 4 : i32
      %rem3A_226 = arith.remsi %add3A_210, %rem3A_225 : i32
      %rem3A_227 = arith.constant 2 : i32
      %rem3A_228 = arith.remsi %add3A_210, %rem3A_227 : i32
      %rem3A_229 = arith.constant 3 : i32
      %rem3A_230 = arith.remsi %add3A_210, %rem3A_229 : i32
      %dma_wait3A_231 = arith.constant 0 : i32
      %dma_wait3A_232 = arith.constant 0 : i32
      %dma_wait3A_233 = arith.constant 0 : i32
      %dma_wait3A_234 = tpu.memref_slice %arg14[%rem3A_228, %dma_wait3A_232, %dma_wait3A_233] : memref<2x128x32xf32, #tpu.memory_space<vmem>> -> memref<1x128x32xf32, #tpu.memory_space<vmem>>
      %dma_wait3A_235 = tpu.memref_squeeze %dma_wait3A_234 : memref<1x128x32xf32, #tpu.memory_space<vmem>> -> memref<128x32xf32, #tpu.memory_space<vmem>>
      %dma_wait3A_236 = arith.constant 0 : i32
      %dma_wait3A_237 = tpu.memref_slice %arg10[%rem3A_226, %dma_wait3A_231, %dma_wait3A_236] : memref<4x1x128xi32, #tpu.memory_space<vmem>> -> memref<1x1x128xi32, #tpu.memory_space<vmem>>
      %dma_wait3A_238 = tpu.memref_squeeze %dma_wait3A_237 : memref<1x1x128xi32, #tpu.memory_space<vmem>> -> memref<128xi32, #tpu.memory_space<vmem>>
      %dma_wait3A_239 = arith.constant 0 : i32
      %dma_wait3A_240 = arith.constant 0 : i32
      %dma_wait3A_241 = tpu.memref_slice %arg2[%dma_wait3A_239, %dma_wait3A_240] : memref<50008x32xf32, #tpu.memory_space<hbm>> -> memref<50008x32xf32, #tpu.memory_space<hbm>>
      tpu.wait_indirect_dma semaphore(%arg20 : memref<!tpu.dma_semaphore, #tpu.memory_space<semaphore_mem>>) src(%dma_wait3A_241 : memref<50008x32xf32, #tpu.memory_space<hbm>>) dst(%dma_wait3A_235 : memref<128x32xf32, #tpu.memory_space<vmem>>)
      %dma_wait3A_242 = arith.constant 0 : i32
      %dma_wait3A_243 = arith.constant 0 : i32
      %dma_wait3A_244 = arith.constant 0 : i32
      %dma_wait3A_245 = tpu.memref_slice %arg15[%rem3A_230, %dma_wait3A_243, %dma_wait3A_244] : memref<3x128x32xf32, #tpu.memory_space<vmem>> -> memref<1x128x32xf32, #tpu.memory_space<vmem>>
      %dma_wait3A_246 = tpu.memref_squeeze %dma_wait3A_245 : memref<1x128x32xf32, #tpu.memory_space<vmem>> -> memref<128x32xf32, #tpu.memory_space<vmem>>
      %dma_wait3A_247 = arith.constant 0 : i32
      %dma_wait3A_248 = tpu.memref_slice %arg11[%rem3A_226, %dma_wait3A_242, %dma_wait3A_247] : memref<4x1x128xi32, #tpu.memory_space<vmem>> -> memref<1x1x128xi32, #tpu.memory_space<vmem>>
      %dma_wait3A_249 = tpu.memref_squeeze %dma_wait3A_248 : memref<1x1x128xi32, #tpu.memory_space<vmem>> -> memref<128xi32, #tpu.memory_space<vmem>>
      %dma_wait3A_250 = arith.constant 0 : i32
      %dma_wait3A_251 = arith.constant 0 : i32
      %dma_wait3A_252 = tpu.memref_slice %arg3[%dma_wait3A_250, %dma_wait3A_251] : memref<50000x32xf32, #tpu.memory_space<hbm>> -> memref<50000x32xf32, #tpu.memory_space<hbm>>
      tpu.wait_indirect_dma semaphore(%arg20 : memref<!tpu.dma_semaphore, #tpu.memory_space<semaphore_mem>>) src(%dma_wait3A_252 : memref<50000x32xf32, #tpu.memory_space<hbm>>) dst(%dma_wait3A_246 : memref<128x32xf32, #tpu.memory_space<vmem>>)
      %rem3A_253 = arith.constant 2 : i32
      %rem3A_254 = arith.remsi %add3A_210, %rem3A_253 : i32
      %rem3A_255 = arith.constant 3 : i32
      %rem3A_256 = arith.remsi %add3A_210, %rem3A_255 : i32
      %rem3A_257 = arith.constant 4 : i32
      %rem3A_258 = arith.remsi %add3A_210, %rem3A_257 : i32
      %scan3A_259 = arith.constant 0 : i32
      %scan3A_260 = arith.constant 8 : i32
      %scan3A_261 = arith.addi %scan3A_259, %scan3A_260 : i32
      %scan3A_262 = arith.constant 1 : i32
      scf.for %scan3A_352 = %scan3A_259 to %scan3A_261 step %scan3A_262  : i32 {
        %mul3A_353 = arith.constant 1 : i32
        %mul3A_354 = arith.muli %scan3A_352, %mul3A_353 : i32
        %add3A_355 = arith.constant 0 : i32
        %add3A_356 = arith.addi %add3A_355, %mul3A_354 : i32
        %mul3A_357 = arith.constant 16 : i32
        %mul3A_358 = arith.muli %add3A_356, %mul3A_357 : i32
        %get3A = arith.constant 0 : i32
        %get3A_359 = arith.index_cast %rem3A_258 : i32 to index
        %get3A_360 = arith.index_cast %get3A : i32 to index
        %get3A_361 = arith.index_cast %mul3A_358 : i32 to index
        %get3A_362 = tpu.vector_load %arg12[%get3A_359, %get3A_360, %get3A_361] {strides = array<i32>} : memref<4x1x128xi32, #tpu.memory_space<vmem>>, vector<1x1x16xi32>,
        %get3A_363 = vector.shape_cast %get3A_362 : vector<1x1x16xi32> to vector<16xi32>
        %mul3A_364 = arith.constant 16 : i32
        %mul3A_365 = arith.muli %add3A_356, %mul3A_364 : i32
        %add3A_366 = arith.constant 0 : i32
        %add3A_367 = arith.addi %mul3A_365, %add3A_366 : i32
        %slice3A = vector.extract_strided_slice %get3A_363 {offsets = [0], sizes = [1], strides = [1]} : vector<16xi32> to vector<1xi32>
        %squeeze3A = vector.extract %slice3A[0] : i32 from vector<1xi32>
        %get3A_368 = arith.index_cast %rem3A_254 : i32 to index
        %get3A_369 = arith.index_cast %add3A_367 : i32 to index
        %get3A_370 = arith.constant 0 : index
        %get3A_371 = tpu.vector_load %arg14[%get3A_368, %get3A_369, %get3A_370] {strides = array<i32>} : memref<2x128x32xf32, #tpu.memory_space<vmem>>, vector<1x1x16xf32>,
        %get3A_372 = vector.shape_cast %get3A_371 : vector<1x1x16xf32> to vector<16xf32>
        %get3A_373 = arith.index_cast %rem3A_254 : i32 to index
        %get3A_374 = arith.index_cast %add3A_367 : i32 to index
        %get3A_375 = arith.constant 16 : index
        %get3A_376 = tpu.vector_load %arg14[%get3A_373, %get3A_374, %get3A_375] {strides = array<i32>} : memref<2x128x32xf32, #tpu.memory_space<vmem>>, vector<1x1x16xf32>,
        %get3A_377 = vector.shape_cast %get3A_376 : vector<1x1x16xf32> to vector<16xf32>
        %get3A_378 = arith.index_cast %squeeze3A : i32 to index
        %get3A_379 = arith.constant 0 : index
        %get3A_380 = tpu.vector_load %arg16[%get3A_378, %get3A_379] {strides = array<i32>} : memref<125x32xf32, #tpu.memory_space<vmem>>, vector<1x16xf32>,
        %get3A_381 = vector.shape_cast %get3A_380 : vector<1x16xf32> to vector<16xf32>
        %get3A_382 = arith.index_cast %squeeze3A : i32 to index
        %get3A_383 = arith.constant 16 : index
        %get3A_384 = tpu.vector_load %arg16[%get3A_382, %get3A_383] {strides = array<i32>} : memref<125x32xf32, #tpu.memory_space<vmem>>, vector<1x16xf32>,
        %get3A_385 = vector.shape_cast %get3A_384 : vector<1x16xf32> to vector<16xf32>
        %mul3A_386 = arith.mulf %get3A_372, %get3A_381 : vector<16xf32>
        %lt3A_387 = arith.constant 0 : i32
        %lt3A_388 = vector.broadcast %lt3A_387 : i32 to vector<16xi32>
        %lt3A_389 = arith.cmpi slt, %xor3A_4, %lt3A_388 : vector<16xi32>
        %add3A_390 = arith.constant 16 : i32
        %add3A_391 = vector.broadcast %add3A_390 : i32 to vector<16xi32>
        %add3A_392 = arith.addi %xor3A_4, %add3A_391 : vector<16xi32>
        %select_n3A = arith.select %lt3A_389, %add3A_392, %xor3A_4 : vector<16xi1>, vector<16xi32>
        %broadcast_in_dim3A = vector.shape_cast %select_n3A : vector<16xi32> to vector<16x1xi32>
        %gather3A = vector.shape_cast %broadcast_in_dim3A : vector<16x1xi32> to vector<16xi32>
        %gather3A_393 = tpu.dynamic_gather %mul3A_386[%gather3A] in [0] : vector<16xf32>, vector<16xi32> -> vector<16xf32>
        %add3A_394 = arith.addf %mul3A_386, %gather3A_393 : vector<16xf32>
        %lt3A_395 = arith.constant 0 : i32
        %lt3A_396 = vector.broadcast %lt3A_395 : i32 to vector<16xi32>
        %lt3A_397 = arith.cmpi slt, %xor3A_7, %lt3A_396 : vector<16xi32>
        %add3A_398 = arith.constant 16 : i32
        %add3A_399 = vector.broadcast %add3A_398 : i32 to vector<16xi32>
        %add3A_400 = arith.addi %xor3A_7, %add3A_399 : vector<16xi32>
        %select_n3A_401 = arith.select %lt3A_397, %add3A_400, %xor3A_7 : vector<16xi1>, vector<16xi32>
        %broadcast_in_dim3A_402 = vector.shape_cast %select_n3A_401 : vector<16xi32> to vector<16x1xi32>
        %gather3A_403 = vector.shape_cast %broadcast_in_dim3A_402 : vector<16x1xi32> to vector<16xi32>
        %gather3A_404 = tpu.dynamic_gather %add3A_394[%gather3A_403] in [0] : vector<16xf32>, vector<16xi32> -> vector<16xf32>
        %add3A_405 = arith.addf %add3A_394, %gather3A_404 : vector<16xf32>
        %mul3A_406 = arith.mulf %get3A_377, %get3A_385 : vector<16xf32>
        %lt3A_407 = arith.constant 0 : i32
        %lt3A_408 = vector.broadcast %lt3A_407 : i32 to vector<16xi32>
        %lt3A_409 = arith.cmpi slt, %xor3A_4, %lt3A_408 : vector<16xi32>
        %add3A_410 = arith.constant 16 : i32
        %add3A_411 = vector.broadcast %add3A_410 : i32 to vector<16xi32>
        %add3A_412 = arith.addi %xor3A_4, %add3A_411 : vector<16xi32>
        %select_n3A_413 = arith.select %lt3A_409, %add3A_412, %xor3A_4 : vector<16xi1>, vector<16xi32>
        %broadcast_in_dim3A_414 = vector.shape_cast %select_n3A_413 : vector<16xi32> to vector<16x1xi32>
        %gather3A_415 = vector.shape_cast %broadcast_in_dim3A_414 : vector<16x1xi32> to vector<16xi32>
        %gather3A_416 = tpu.dynamic_gather %mul3A_406[%gather3A_415] in [0] : vector<16xf32>, vector<16xi32> -> vector<16xf32>
        %add3A_417 = arith.addf %mul3A_406, %gather3A_416 : vector<16xf32>
        %lt3A_418 = arith.constant 0 : i32
        %lt3A_419 = vector.broadcast %lt3A_418 : i32 to vector<16xi32>
        %lt3A_420 = arith.cmpi slt, %xor3A_7, %lt3A_419 : vector<16xi32>
        %add3A_421 = arith.constant 16 : i32
        %add3A_422 = vector.broadcast %add3A_421 : i32 to vector<16xi32>
        %add3A_423 = arith.addi %xor3A_7, %add3A_422 : vector<16xi32>
        %select_n3A_424 = arith.select %lt3A_420, %add3A_423, %xor3A_7 : vector<16xi1>, vector<16xi32>
        %broadcast_in_dim3A_425 = vector.shape_cast %select_n3A_424 : vector<16xi32> to vector<16x1xi32>
        %gather3A_426 = vector.shape_cast %broadcast_in_dim3A_425 : vector<16x1xi32> to vector<16xi32>
        %gather3A_427 = tpu.dynamic_gather %add3A_417[%gather3A_426] in [0] : vector<16xf32>, vector<16xi32> -> vector<16xf32>
        %add3A_428 = arith.addf %add3A_417, %gather3A_427 : vector<16xf32>
        %get3A_429 = arith.index_cast %rem3A_256 : i32 to index
        %get3A_430 = arith.index_cast %add3A_367 : i32 to index
        %get3A_431 = arith.constant 0 : index
        %get3A_432 = tpu.vector_load %arg15[%get3A_429, %get3A_430, %get3A_431] {strides = array<i32>} : memref<3x128x32xf32, #tpu.memory_space<vmem>>, vector<1x1x16xf32>,
        %get3A_433 = vector.shape_cast %get3A_432 : vector<1x1x16xf32> to vector<16xf32>
        %mul3A_434 = arith.mulf %add3A_405, %get3A_433 : vector<16xf32>
        %swap3A = arith.index_cast %rem3A_256 : i32 to index
        %swap3A_435 = arith.index_cast %add3A_367 : i32 to index
        %swap3A_436 = arith.constant 0 : index
        %swap3A_437 = tpu.vector_load %arg15[%swap3A, %swap3A_435, %swap3A_436] {strides = array<i32>} : memref<3x128x32xf32, #tpu.memory_space<vmem>>, vector<1x1x16xf32>,
        %swap3A_438 = vector.shape_cast %swap3A_437 : vector<1x1x16xf32> to vector<16xf32>
        %swap3A_439 = vector.shape_cast %mul3A_434 : vector<16xf32> to vector<1x1x16xf32>
        tpu.vector_store %arg15[%swap3A, %swap3A_435, %swap3A_436], %swap3A_439 {strides = array<i32>} : memref<3x128x32xf32, #tpu.memory_space<vmem>>, vector<1x1x16xf32>,
        %get3A_440 = arith.index_cast %rem3A_256 : i32 to index
        %get3A_441 = arith.index_cast %add3A_367 : i32 to index
        %get3A_442 = arith.constant 16 : index
        %get3A_443 = tpu.vector_load %arg15[%get3A_440, %get3A_441, %get3A_442] {strides = array<i32>} : memref<3x128x32xf32, #tpu.memory_space<vmem>>, vector<1x1x16xf32>,
        %get3A_444 = vector.shape_cast %get3A_443 : vector<1x1x16xf32> to vector<16xf32>
        %mul3A_445 = arith.mulf %add3A_428, %get3A_444 : vector<16xf32>
        %swap3A_446 = arith.index_cast %rem3A_256 : i32 to index
        %swap3A_447 = arith.index_cast %add3A_367 : i32 to index
        %swap3A_448 = arith.constant 16 : index
        %swap3A_449 = tpu.vector_load %arg15[%swap3A_446, %swap3A_447, %swap3A_448] {strides = array<i32>} : memref<3x128x32xf32, #tpu.memory_space<vmem>>, vector<1x1x16xf32>,
        %swap3A_450 = vector.shape_cast %swap3A_449 : vector<1x1x16xf32> to vector<16xf32>
        %swap3A_451 = vector.shape_cast %mul3A_445 : vector<16xf32> to vector<1x1x16xf32>
        tpu.vector_store %arg15[%swap3A_446, %swap3A_447, %swap3A_448], %swap3A_451 {strides = array<i32>} : memref<3x128x32xf32, #tpu.memory_space<vmem>>, vector<1x1x16xf32>,
        %mul3A_452 = arith.constant 16 : i32
        %mul3A_453 = arith.muli %add3A_356, %mul3A_452 : i32
        %add3A_454 = arith.constant 1 : i32
        %add3A_455 = arith.addi %mul3A_453, %add3A_454 : i32
        %slice3A_456 = vector.extract_strided_slice %get3A_363 {offsets = [1], sizes = [1], strides = [1]} : vector<16xi32> to vector<1xi32>
        %squeeze3A_457 = vector.extract %slice3A_456[0] : i32 from vector<1xi32>
        %get3A_458 = arith.index_cast %rem3A_254 : i32 to index
        %get3A_459 = arith.index_cast %add3A_455 : i32 to index
        %get3A_460 = arith.constant 0 : index
        %get3A_461 = tpu.vector_load %arg14[%get3A_458, %get3A_459, %get3A_460] {strides = array<i32>} : memref<2x128x32xf32, #tpu.memory_space<vmem>>, vector<1x1x16xf32>,
        %get3A_462 = vector.shape_cast %get3A_461 : vector<1x1x16xf32> to vector<16xf32>
        %get3A_463 = arith.index_cast %rem3A_254 : i32 to index
        %get3A_464 = arith.index_cast %add3A_455 : i32 to index
        %get3A_465 = arith.constant 16 : index
        %get3A_466 = tpu.vector_load %arg14[%get3A_463, %get3A_464, %get3A_465] {strides = array<i32>} : memref<2x128x32xf32, #tpu.memory_space<vmem>>, vector<1x1x16xf32>,
        %get3A_467 = vector.shape_cast %get3A_466 : vector<1x1x16xf32> to vector<16xf32>
        %get3A_468 = arith.index_cast %squeeze3A_457 : i32 to index
        %get3A_469 = arith.constant 0 : index
        %get3A_470 = tpu.vector_load %arg16[%get3A_468, %get3A_469] {strides = array<i32>} : memref<125x32xf32, #tpu.memory_space<vmem>>, vector<1x16xf32>,
        %get3A_471 = vector.shape_cast %get3A_470 : vector<1x16xf32> to vector<16xf32>
        %get3A_472 = arith.index_cast %squeeze3A_457 : i32 to index
        %get3A_473 = arith.constant 16 : index
        %get3A_474 = tpu.vector_load %arg16[%get3A_472, %get3A_473] {strides = array<i32>} : memref<125x32xf32, #tpu.memory_space<vmem>>, vector<1x16xf32>,
        %get3A_475 = vector.shape_cast %get3A_474 : vector<1x16xf32> to vector<16xf32>
        %mul3A_476 = arith.mulf %get3A_462, %get3A_471 : vector<16xf32>
        %lt3A_477 = arith.constant 0 : i32
        %lt3A_478 = vector.broadcast %lt3A_477 : i32 to vector<16xi32>
        %lt3A_479 = arith.cmpi slt, %xor3A_4, %lt3A_478 : vector<16xi32>
        %add3A_480 = arith.constant 16 : i32
        %add3A_481 = vector.broadcast %add3A_480 : i32 to vector<16xi32>
        %add3A_482 = arith.addi %xor3A_4, %add3A_481 : vector<16xi32>
        %select_n3A_483 = arith.select %lt3A_479, %add3A_482, %xor3A_4 : vector<16xi1>, vector<16xi32>
        %broadcast_in_dim3A_484 = vector.shape_cast %select_n3A_483 : vector<16xi32> to vector<16x1xi32>
        %gather3A_485 = vector.shape_cast %broadcast_in_dim3A_484 : vector<16x1xi32> to vector<16xi32>
        %gather3A_486 = tpu.dynamic_gather %mul3A_476[%gather3A_485] in [0] : vector<16xf32>, vector<16xi32> -> vector<16xf32>
        %add3A_487 = arith.addf %mul3A_476, %gather3A_486 : vector<16xf32>
        %lt3A_488 = arith.constant 0 : i32
        %lt3A_489 = vector.broadcast %lt3A_488 : i32 to vector<16xi32>
        %lt3A_490 = arith.cmpi slt, %xor3A_7, %lt3A_489 : vector<16xi32>
        %add3A_491 = arith.constant 16 : i32
        %add3A_492 = vector.broadcast %add3A_491 : i32 to vector<16xi32>
        %add3A_493 = arith.addi %xor3A_7, %add3A_492 : vector<16xi32>
        %select_n3A_494 = arith.select %lt3A_490, %add3A_493, %xor3A_7 : vector<16xi1>, vector<16xi32>
        %broadcast_in_dim3A_495 = vector.shape_cast %select_n3A_494 : vector<16xi32> to vector<16x1xi32>
        %gather3A_496 = vector.shape_cast %broadcast_in_dim3A_495 : vector<16x1xi32> to vector<16xi32>
        %gather3A_497 = tpu.dynamic_gather %add3A_487[%gather3A_496] in [0] : vector<16xf32>, vector<16xi32> -> vector<16xf32>
        %add3A_498 = arith.addf %add3A_487, %gather3A_497 : vector<16xf32>
        %mul3A_499 = arith.mulf %get3A_467, %get3A_475 : vector<16xf32>
        %lt3A_500 = arith.constant 0 : i32
        %lt3A_501 = vector.broadcast %lt3A_500 : i32 to vector<16xi32>
        %lt3A_502 = arith.cmpi slt, %xor3A_4, %lt3A_501 : vector<16xi32>
        %add3A_503 = arith.constant 16 : i32
        %add3A_504 = vector.broadcast %add3A_503 : i32 to vector<16xi32>
        %add3A_505 = arith.addi %xor3A_4, %add3A_504 : vector<16xi32>
        %select_n3A_506 = arith.select %lt3A_502, %add3A_505, %xor3A_4 : vector<16xi1>, vector<16xi32>
        %broadcast_in_dim3A_507 = vector.shape_cast %select_n3A_506 : vector<16xi32> to vector<16x1xi32>
        %gather3A_508 = vector.shape_cast %broadcast_in_dim3A_507 : vector<16x1xi32> to vector<16xi32>
        %gather3A_509 = tpu.dynamic_gather %mul3A_499[%gather3A_508] in [0] : vector<16xf32>, vector<16xi32> -> vector<16xf32>
        %add3A_510 = arith.addf %mul3A_499, %gather3A_509 : vector<16xf32>
        %lt3A_511 = arith.constant 0 : i32
        %lt3A_512 = vector.broadcast %lt3A_511 : i32 to vector<16xi32>
        %lt3A_513 = arith.cmpi slt, %xor3A_7, %lt3A_512 : vector<16xi32>
        %add3A_514 = arith.constant 16 : i32
        %add3A_515 = vector.broadcast %add3A_514 : i32 to vector<16xi32>
        %add3A_516 = arith.addi %xor3A_7, %add3A_515 : vector<16xi32>
        %select_n3A_517 = arith.select %lt3A_513, %add3A_516, %xor3A_7 : vector<16xi1>, vector<16xi32>
        %broadcast_in_dim3A_518 = vector.shape_cast %select_n3A_517 : vector<16xi32> to vector<16x1xi32>
        %gather3A_519 = vector.shape_cast %broadcast_in_dim3A_518 : vector<16x1xi32> to vector<16xi32>
        %gather3A_520 = tpu.dynamic_gather %add3A_510[%gather3A_519] in [0] : vector<16xf32>, vector<16xi32> -> vector<16xf32>
        %add3A_521 = arith.addf %add3A_510, %gather3A_520 : vector<16xf32>
        %get3A_522 = arith.index_cast %rem3A_256 : i32 to index
        %get3A_523 = arith.index_cast %add3A_455 : i32 to index
        %get3A_524 = arith.constant 0 : index
        %get3A_525 = tpu.vector_load %arg15[%get3A_522, %get3A_523, %get3A_524] {strides = array<i32>} : memref<3x128x32xf32, #tpu.memory_space<vmem>>, vector<1x1x16xf32>,
        %get3A_526 = vector.shape_cast %get3A_525 : vector<1x1x16xf32> to vector<16xf32>
        %mul3A_527 = arith.mulf %add3A_498, %get3A_526 : vector<16xf32>
        %swap3A_528 = arith.index_cast %rem3A_256 : i32 to index
        %swap3A_529 = arith.index_cast %add3A_455 : i32 to index
        %swap3A_530 = arith.constant 0 : index
        %swap3A_531 = tpu.vector_load %arg15[%swap3A_528, %swap3A_529, %swap3A_530] {strides = array<i32>} : memref<3x128x32xf32, #tpu.memory_space<vmem>>, vector<1x1x16xf32>,
        %swap3A_532 = vector.shape_cast %swap3A_531 : vector<1x1x16xf32> to vector<16xf32>
        %swap3A_533 = vector.shape_cast %mul3A_527 : vector<16xf32> to vector<1x1x16xf32>
        tpu.vector_store %arg15[%swap3A_528, %swap3A_529, %swap3A_530], %swap3A_533 {strides = array<i32>} : memref<3x128x32xf32, #tpu.memory_space<vmem>>, vector<1x1x16xf32>,
        %get3A_534 = arith.index_cast %rem3A_256 : i32 to index
        %get3A_535 = arith.index_cast %add3A_455 : i32 to index
        %get3A_536 = arith.constant 16 : index
        %get3A_537 = tpu.vector_load %arg15[%get3A_534, %get3A_535, %get3A_536] {strides = array<i32>} : memref<3x128x32xf32, #tpu.memory_space<vmem>>, vector<1x1x16xf32>,
        %get3A_538 = vector.shape_cast %get3A_537 : vector<1x1x16xf32> to vector<16xf32>
        %mul3A_539 = arith.mulf %add3A_521, %get3A_538 : vector<16xf32>
        %swap3A_540 = arith.index_cast %rem3A_256 : i32 to index
        %swap3A_541 = arith.index_cast %add3A_455 : i32 to index
        %swap3A_542 = arith.constant 16 : index
        %swap3A_543 = tpu.vector_load %arg15[%swap3A_540, %swap3A_541, %swap3A_542] {strides = array<i32>} : memref<3x128x32xf32, #tpu.memory_space<vmem>>, vector<1x1x16xf32>,
        %swap3A_544 = vector.shape_cast %swap3A_543 : vector<1x1x16xf32> to vector<16xf32>
        %swap3A_545 = vector.shape_cast %mul3A_539 : vector<16xf32> to vector<1x1x16xf32>
        tpu.vector_store %arg15[%swap3A_540, %swap3A_541, %swap3A_542], %swap3A_545 {strides = array<i32>} : memref<3x128x32xf32, #tpu.memory_space<vmem>>, vector<1x1x16xf32>,
        %mul3A_546 = arith.constant 16 : i32
        %mul3A_547 = arith.muli %add3A_356, %mul3A_546 : i32
        %add3A_548 = arith.constant 2 : i32
        %add3A_549 = arith.addi %mul3A_547, %add3A_548 : i32
        %slice3A_550 = vector.extract_strided_slice %get3A_363 {offsets = [2], sizes = [1], strides = [1]} : vector<16xi32> to vector<1xi32>
        %squeeze3A_551 = vector.extract %slice3A_550[0] : i32 from vector<1xi32>
        %get3A_552 = arith.index_cast %rem3A_254 : i32 to index
        %get3A_553 = arith.index_cast %add3A_549 : i32 to index
        %get3A_554 = arith.constant 0 : index
        %get3A_555 = tpu.vector_load %arg14[%get3A_552, %get3A_553, %get3A_554] {strides = array<i32>} : memref<2x128x32xf32, #tpu.memory_space<vmem>>, vector<1x1x16xf32>,
        %get3A_556 = vector.shape_cast %get3A_555 : vector<1x1x16xf32> to vector<16xf32>
        %get3A_557 = arith.index_cast %rem3A_254 : i32 to index
        %get3A_558 = arith.index_cast %add3A_549 : i32 to index
        %get3A_559 = arith.constant 16 : index
        %get3A_560 = tpu.vector_load %arg14[%get3A_557, %get3A_558, %get3A_559] {strides = array<i32>} : memref<2x128x32xf32, #tpu.memory_space<vmem>>, vector<1x1x16xf32>,
        %get3A_561 = vector.shape_cast %get3A_560 : vector<1x1x16xf32> to vector<16xf32>
        %get3A_562 = arith.index_cast %squeeze3A_551 : i32 to index
        %get3A_563 = arith.constant 0 : index
        %get3A_564 = tpu.vector_load %arg16[%get3A_562, %get3A_563] {strides = array<i32>} : memref<125x32xf32, #tpu.memory_space<vmem>>, vector<1x16xf32>,
        %get3A_565 = vector.shape_cast %get3A_564 : vector<1x16xf32> to vector<16xf32>
        %get3A_566 = arith.index_cast %squeeze3A_551 : i32 to index
        %get3A_567 = arith.constant 16 : index
        %get3A_568 = tpu.vector_load %arg16[%get3A_566, %get3A_567] {strides = array<i32>} : memref<125x32xf32, #tpu.memory_space<vmem>>, vector<1x16xf32>,
        %get3A_569 = vector.shape_cast %get3A_568 : vector<1x16xf32> to vector<16xf32>
        %mul3A_570 = arith.mulf %get3A_556, %get3A_565 : vector<16xf32>
        %lt3A_571 = arith.constant 0 : i32
        %lt3A_572 = vector.broadcast %lt3A_571 : i32 to vector<16xi32>
        %lt3A_573 = arith.cmpi slt, %xor3A_4, %lt3A_572 : vector<16xi32>
        %add3A_574 = arith.constant 16 : i32
        %add3A_575 = vector.broadcast %add3A_574 : i32 to vector<16xi32>
        %add3A_576 = arith.addi %xor3A_4, %add3A_575 : vector<16xi32>
        %select_n3A_577 = arith.select %lt3A_573, %add3A_576, %xor3A_4 : vector<16xi1>, vector<16xi32>
        %broadcast_in_dim3A_578 = vector.shape_cast %select_n3A_577 : vector<16xi32> to vector<16x1xi32>
        %gather3A_579 = vector.shape_cast %broadcast_in_dim3A_578 : vector<16x1xi32> to vector<16xi32>
        %gather3A_580 = tpu.dynamic_gather %mul3A_570[%gather3A_579] in [0] : vector<16xf32>, vector<16xi32> -> vector<16xf32>
        %add3A_581 = arith.addf %mul3A_570, %gather3A_580 : vector<16xf32>
        %lt3A_582 = arith.constant 0 : i32
        %lt3A_583 = vector.broadcast %lt3A_582 : i32 to vector<16xi32>
        %lt3A_584 = arith.cmpi slt, %xor3A_7, %lt3A_583 : vector<16xi32>
        %add3A_585 = arith.constant 16 : i32
        %add3A_586 = vector.broadcast %add3A_585 : i32 to vector<16xi32>
        %add3A_587 = arith.addi %xor3A_7, %add3A_586 : vector<16xi32>
        %select_n3A_588 = arith.select %lt3A_584, %add3A_587, %xor3A_7 : vector<16xi1>, vector<16xi32>
        %broadcast_in_dim3A_589 = vector.shape_cast %select_n3A_588 : vector<16xi32> to vector<16x1xi32>
        %gather3A_590 = vector.shape_cast %broadcast_in_dim3A_589 : vector<16x1xi32> to vector<16xi32>
        %gather3A_591 = tpu.dynamic_gather %add3A_581[%gather3A_590] in [0] : vector<16xf32>, vector<16xi32> -> vector<16xf32>
        %add3A_592 = arith.addf %add3A_581, %gather3A_591 : vector<16xf32>
        %mul3A_593 = arith.mulf %get3A_561, %get3A_569 : vector<16xf32>
        %lt3A_594 = arith.constant 0 : i32
        %lt3A_595 = vector.broadcast %lt3A_594 : i32 to vector<16xi32>
        %lt3A_596 = arith.cmpi slt, %xor3A_4, %lt3A_595 : vector<16xi32>
        %add3A_597 = arith.constant 16 : i32
        %add3A_598 = vector.broadcast %add3A_597 : i32 to vector<16xi32>
        %add3A_599 = arith.addi %xor3A_4, %add3A_598 : vector<16xi32>
        %select_n3A_600 = arith.select %lt3A_596, %add3A_599, %xor3A_4 : vector<16xi1>, vector<16xi32>
        %broadcast_in_dim3A_601 = vector.shape_cast %select_n3A_600 : vector<16xi32> to vector<16x1xi32>
        %gather3A_602 = vector.shape_cast %broadcast_in_dim3A_601 : vector<16x1xi32> to vector<16xi32>
        %gather3A_603 = tpu.dynamic_gather %mul3A_593[%gather3A_602] in [0] : vector<16xf32>, vector<16xi32> -> vector<16xf32>
        %add3A_604 = arith.addf %mul3A_593, %gather3A_603 : vector<16xf32>
        %lt3A_605 = arith.constant 0 : i32
        %lt3A_606 = vector.broadcast %lt3A_605 : i32 to vector<16xi32>
        %lt3A_607 = arith.cmpi slt, %xor3A_7, %lt3A_606 : vector<16xi32>
        %add3A_608 = arith.constant 16 : i32
        %add3A_609 = vector.broadcast %add3A_608 : i32 to vector<16xi32>
        %add3A_610 = arith.addi %xor3A_7, %add3A_609 : vector<16xi32>
        %select_n3A_611 = arith.select %lt3A_607, %add3A_610, %xor3A_7 : vector<16xi1>, vector<16xi32>
        %broadcast_in_dim3A_612 = vector.shape_cast %select_n3A_611 : vector<16xi32> to vector<16x1xi32>
        %gather3A_613 = vector.shape_cast %broadcast_in_dim3A_612 : vector<16x1xi32> to vector<16xi32>
        %gather3A_614 = tpu.dynamic_gather %add3A_604[%gather3A_613] in [0] : vector<16xf32>, vector<16xi32> -> vector<16xf32>
        %add3A_615 = arith.addf %add3A_604, %gather3A_614 : vector<16xf32>
        %get3A_616 = arith.index_cast %rem3A_256 : i32 to index
        %get3A_617 = arith.index_cast %add3A_549 : i32 to index
        %get3A_618 = arith.constant 0 : index
        %get3A_619 = tpu.vector_load %arg15[%get3A_616, %get3A_617, %get3A_618] {strides = array<i32>} : memref<3x128x32xf32, #tpu.memory_space<vmem>>, vector<1x1x16xf32>,
        %get3A_620 = vector.shape_cast %get3A_619 : vector<1x1x16xf32> to vector<16xf32>
        %mul3A_621 = arith.mulf %add3A_592, %get3A_620 : vector<16xf32>
        %swap3A_622 = arith.index_cast %rem3A_256 : i32 to index
        %swap3A_623 = arith.index_cast %add3A_549 : i32 to index
        %swap3A_624 = arith.constant 0 : index
        %swap3A_625 = tpu.vector_load %arg15[%swap3A_622, %swap3A_623, %swap3A_624] {strides = array<i32>} : memref<3x128x32xf32, #tpu.memory_space<vmem>>, vector<1x1x16xf32>,
        %swap3A_626 = vector.shape_cast %swap3A_625 : vector<1x1x16xf32> to vector<16xf32>
        %swap3A_627 = vector.shape_cast %mul3A_621 : vector<16xf32> to vector<1x1x16xf32>
        tpu.vector_store %arg15[%swap3A_622, %swap3A_623, %swap3A_624], %swap3A_627 {strides = array<i32>} : memref<3x128x32xf32, #tpu.memory_space<vmem>>, vector<1x1x16xf32>,
        %get3A_628 = arith.index_cast %rem3A_256 : i32 to index
        %get3A_629 = arith.index_cast %add3A_549 : i32 to index
        %get3A_630 = arith.constant 16 : index
        %get3A_631 = tpu.vector_load %arg15[%get3A_628, %get3A_629, %get3A_630] {strides = array<i32>} : memref<3x128x32xf32, #tpu.memory_space<vmem>>, vector<1x1x16xf32>,
        %get3A_632 = vector.shape_cast %get3A_631 : vector<1x1x16xf32> to vector<16xf32>
        %mul3A_633 = arith.mulf %add3A_615, %get3A_632 : vector<16xf32>
        %swap3A_634 = arith.index_cast %rem3A_256 : i32 to index
        %swap3A_635 = arith.index_cast %add3A_549 : i32 to index
        %swap3A_636 = arith.constant 16 : index
        %swap3A_637 = tpu.vector_load %arg15[%swap3A_634, %swap3A_635, %swap3A_636] {strides = array<i32>} : memref<3x128x32xf32, #tpu.memory_space<vmem>>, vector<1x1x16xf32>,
        %swap3A_638 = vector.shape_cast %swap3A_637 : vector<1x1x16xf32> to vector<16xf32>
        %swap3A_639 = vector.shape_cast %mul3A_633 : vector<16xf32> to vector<1x1x16xf32>
        tpu.vector_store %arg15[%swap3A_634, %swap3A_635, %swap3A_636], %swap3A_639 {strides = array<i32>} : memref<3x128x32xf32, #tpu.memory_space<vmem>>, vector<1x1x16xf32>,
        %mul3A_640 = arith.constant 16 : i32
        %mul3A_641 = arith.muli %add3A_356, %mul3A_640 : i32
        %add3A_642 = arith.constant 3 : i32
        %add3A_643 = arith.addi %mul3A_641, %add3A_642 : i32
        %slice3A_644 = vector.extract_strided_slice %get3A_363 {offsets = [3], sizes = [1], strides = [1]} : vector<16xi32> to vector<1xi32>
        %squeeze3A_645 = vector.extract %slice3A_644[0] : i32 from vector<1xi32>
        %get3A_646 = arith.index_cast %rem3A_254 : i32 to index
        %get3A_647 = arith.index_cast %add3A_643 : i32 to index
        %get3A_648 = arith.constant 0 : index
        %get3A_649 = tpu.vector_load %arg14[%get3A_646, %get3A_647, %get3A_648] {strides = array<i32>} : memref<2x128x32xf32, #tpu.memory_space<vmem>>, vector<1x1x16xf32>,
        %get3A_650 = vector.shape_cast %get3A_649 : vector<1x1x16xf32> to vector<16xf32>
        %get3A_651 = arith.index_cast %rem3A_254 : i32 to index
        %get3A_652 = arith.index_cast %add3A_643 : i32 to index
        %get3A_653 = arith.constant 16 : index
        %get3A_654 = tpu.vector_load %arg14[%get3A_651, %get3A_652, %get3A_653] {strides = array<i32>} : memref<2x128x32xf32, #tpu.memory_space<vmem>>, vector<1x1x16xf32>,
        %get3A_655 = vector.shape_cast %get3A_654 : vector<1x1x16xf32> to vector<16xf32>
        %get3A_656 = arith.index_cast %squeeze3A_645 : i32 to index
        %get3A_657 = arith.constant 0 : index
        %get3A_658 = tpu.vector_load %arg16[%get3A_656, %get3A_657] {strides = array<i32>} : memref<125x32xf32, #tpu.memory_space<vmem>>, vector<1x16xf32>,
        %get3A_659 = vector.shape_cast %get3A_658 : vector<1x16xf32> to vector<16xf32>
        %get3A_660 = arith.index_cast %squeeze3A_645 : i32 to index
        %get3A_661 = arith.constant 16 : index
        %get3A_662 = tpu.vector_load %arg16[%get3A_660, %get3A_661] {strides = array<i32>} : memref<125x32xf32, #tpu.memory_space<vmem>>, vector<1x16xf32>,
        %get3A_663 = vector.shape_cast %get3A_662 : vector<1x16xf32> to vector<16xf32>
        %mul3A_664 = arith.mulf %get3A_650, %get3A_659 : vector<16xf32>
        %lt3A_665 = arith.constant 0 : i32
        %lt3A_666 = vector.broadcast %lt3A_665 : i32 to vector<16xi32>
        %lt3A_667 = arith.cmpi slt, %xor3A_4, %lt3A_666 : vector<16xi32>
        %add3A_668 = arith.constant 16 : i32
        %add3A_669 = vector.broadcast %add3A_668 : i32 to vector<16xi32>
        %add3A_670 = arith.addi %xor3A_4, %add3A_669 : vector<16xi32>
        %select_n3A_671 = arith.select %lt3A_667, %add3A_670, %xor3A_4 : vector<16xi1>, vector<16xi32>
        %broadcast_in_dim3A_672 = vector.shape_cast %select_n3A_671 : vector<16xi32> to vector<16x1xi32>
        %gather3A_673 = vector.shape_cast %broadcast_in_dim3A_672 : vector<16x1xi32> to vector<16xi32>
        %gather3A_674 = tpu.dynamic_gather %mul3A_664[%gather3A_673] in [0] : vector<16xf32>, vector<16xi32> -> vector<16xf32>
        %add3A_675 = arith.addf %mul3A_664, %gather3A_674 : vector<16xf32>
        %lt3A_676 = arith.constant 0 : i32
        %lt3A_677 = vector.broadcast %lt3A_676 : i32 to vector<16xi32>
        %lt3A_678 = arith.cmpi slt, %xor3A_7, %lt3A_677 : vector<16xi32>
        %add3A_679 = arith.constant 16 : i32
        %add3A_680 = vector.broadcast %add3A_679 : i32 to vector<16xi32>
        %add3A_681 = arith.addi %xor3A_7, %add3A_680 : vector<16xi32>
        %select_n3A_682 = arith.select %lt3A_678, %add3A_681, %xor3A_7 : vector<16xi1>, vector<16xi32>
        %broadcast_in_dim3A_683 = vector.shape_cast %select_n3A_682 : vector<16xi32> to vector<16x1xi32>
        %gather3A_684 = vector.shape_cast %broadcast_in_dim3A_683 : vector<16x1xi32> to vector<16xi32>
        %gather3A_685 = tpu.dynamic_gather %add3A_675[%gather3A_684] in [0] : vector<16xf32>, vector<16xi32> -> vector<16xf32>
        %add3A_686 = arith.addf %add3A_675, %gather3A_685 : vector<16xf32>
        %mul3A_687 = arith.mulf %get3A_655, %get3A_663 : vector<16xf32>
        %lt3A_688 = arith.constant 0 : i32
        %lt3A_689 = vector.broadcast %lt3A_688 : i32 to vector<16xi32>
        %lt3A_690 = arith.cmpi slt, %xor3A_4, %lt3A_689 : vector<16xi32>
        %add3A_691 = arith.constant 16 : i32
        %add3A_692 = vector.broadcast %add3A_691 : i32 to vector<16xi32>
        %add3A_693 = arith.addi %xor3A_4, %add3A_692 : vector<16xi32>
        %select_n3A_694 = arith.select %lt3A_690, %add3A_693, %xor3A_4 : vector<16xi1>, vector<16xi32>
        %broadcast_in_dim3A_695 = vector.shape_cast %select_n3A_694 : vector<16xi32> to vector<16x1xi32>
        %gather3A_696 = vector.shape_cast %broadcast_in_dim3A_695 : vector<16x1xi32> to vector<16xi32>
        %gather3A_697 = tpu.dynamic_gather %mul3A_687[%gather3A_696] in [0] : vector<16xf32>, vector<16xi32> -> vector<16xf32>
        %add3A_698 = arith.addf %mul3A_687, %gather3A_697 : vector<16xf32>
        %lt3A_699 = arith.constant 0 : i32
        %lt3A_700 = vector.broadcast %lt3A_699 : i32 to vector<16xi32>
        %lt3A_701 = arith.cmpi slt, %xor3A_7, %lt3A_700 : vector<16xi32>
        %add3A_702 = arith.constant 16 : i32
        %add3A_703 = vector.broadcast %add3A_702 : i32 to vector<16xi32>
        %add3A_704 = arith.addi %xor3A_7, %add3A_703 : vector<16xi32>
        %select_n3A_705 = arith.select %lt3A_701, %add3A_704, %xor3A_7 : vector<16xi1>, vector<16xi32>
        %broadcast_in_dim3A_706 = vector.shape_cast %select_n3A_705 : vector<16xi32> to vector<16x1xi32>
        %gather3A_707 = vector.shape_cast %broadcast_in_dim3A_706 : vector<16x1xi32> to vector<16xi32>
        %gather3A_708 = tpu.dynamic_gather %add3A_698[%gather3A_707] in [0] : vector<16xf32>, vector<16xi32> -> vector<16xf32>
        %add3A_709 = arith.addf %add3A_698, %gather3A_708 : vector<16xf32>
        %get3A_710 = arith.index_cast %rem3A_256 : i32 to index
        %get3A_711 = arith.index_cast %add3A_643 : i32 to index
        %get3A_712 = arith.constant 0 : index
        %get3A_713 = tpu.vector_load %arg15[%get3A_710, %get3A_711, %get3A_712] {strides = array<i32>} : memref<3x128x32xf32, #tpu.memory_space<vmem>>, vector<1x1x16xf32>,
        %get3A_714 = vector.shape_cast %get3A_713 : vector<1x1x16xf32> to vector<16xf32>
        %mul3A_715 = arith.mulf %add3A_686, %get3A_714 : vector<16xf32>
        %swap3A_716 = arith.index_cast %rem3A_256 : i32 to index
        %swap3A_717 = arith.index_cast %add3A_643 : i32 to index
        %swap3A_718 = arith.constant 0 : index
        %swap3A_719 = tpu.vector_load %arg15[%swap3A_716, %swap3A_717, %swap3A_718] {strides = array<i32>} : memref<3x128x32xf32, #tpu.memory_space<vmem>>, vector<1x1x16xf32>,
        %swap3A_720 = vector.shape_cast %swap3A_719 : vector<1x1x16xf32> to vector<16xf32>
        %swap3A_721 = vector.shape_cast %mul3A_715 : vector<16xf32> to vector<1x1x16xf32>
        tpu.vector_store %arg15[%swap3A_716, %swap3A_717, %swap3A_718], %swap3A_721 {strides = array<i32>} : memref<3x128x32xf32, #tpu.memory_space<vmem>>, vector<1x1x16xf32>,
        %get3A_722 = arith.index_cast %rem3A_256 : i32 to index
        %get3A_723 = arith.index_cast %add3A_643 : i32 to index
        %get3A_724 = arith.constant 16 : index
        %get3A_725 = tpu.vector_load %arg15[%get3A_722, %get3A_723, %get3A_724] {strides = array<i32>} : memref<3x128x32xf32, #tpu.memory_space<vmem>>, vector<1x1x16xf32>,
        %get3A_726 = vector.shape_cast %get3A_725 : vector<1x1x16xf32> to vector<16xf32>
        %mul3A_727 = arith.mulf %add3A_709, %get3A_726 : vector<16xf32>
        %swap3A_728 = arith.index_cast %rem3A_256 : i32 to index
        %swap3A_729 = arith.index_cast %add3A_643 : i32 to index
        %swap3A_730 = arith.constant 16 : index
        %swap3A_731 = tpu.vector_load %arg15[%swap3A_728, %swap3A_729, %swap3A_730] {strides = array<i32>} : memref<3x128x32xf32, #tpu.memory_space<vmem>>, vector<1x1x16xf32>,
        %swap3A_732 = vector.shape_cast %swap3A_731 : vector<1x1x16xf32> to vector<16xf32>
        %swap3A_733 = vector.shape_cast %mul3A_727 : vector<16xf32> to vector<1x1x16xf32>
        tpu.vector_store %arg15[%swap3A_728, %swap3A_729, %swap3A_730], %swap3A_733 {strides = array<i32>} : memref<3x128x32xf32, #tpu.memory_space<vmem>>, vector<1x1x16xf32>,
        %mul3A_734 = arith.constant 16 : i32
        %mul3A_735 = arith.muli %add3A_356, %mul3A_734 : i32
        %add3A_736 = arith.constant 4 : i32
        %add3A_737 = arith.addi %mul3A_735, %add3A_736 : i32
        %slice3A_738 = vector.extract_strided_slice %get3A_363 {offsets = [4], sizes = [1], strides = [1]} : vector<16xi32> to vector<1xi32>
        %squeeze3A_739 = vector.extract %slice3A_738[0] : i32 from vector<1xi32>
        %get3A_740 = arith.index_cast %rem3A_254 : i32 to index
        %get3A_741 = arith.index_cast %add3A_737 : i32 to index
        %get3A_742 = arith.constant 0 : index
        %get3A_743 = tpu.vector_load %arg14[%get3A_740, %get3A_741, %get3A_742] {strides = array<i32>} : memref<2x128x32xf32, #tpu.memory_space<vmem>>, vector<1x1x16xf32>,
        %get3A_744 = vector.shape_cast %get3A_743 : vector<1x1x16xf32> to vector<16xf32>
        %get3A_745 = arith.index_cast %rem3A_254 : i32 to index
        %get3A_746 = arith.index_cast %add3A_737 : i32 to index
        %get3A_747 = arith.constant 16 : index
        %get3A_748 = tpu.vector_load %arg14[%get3A_745, %get3A_746, %get3A_747] {strides = array<i32>} : memref<2x128x32xf32, #tpu.memory_space<vmem>>, vector<1x1x16xf32>,
        %get3A_749 = vector.shape_cast %get3A_748 : vector<1x1x16xf32> to vector<16xf32>
        %get3A_750 = arith.index_cast %squeeze3A_739 : i32 to index
        %get3A_751 = arith.constant 0 : index
        %get3A_752 = tpu.vector_load %arg16[%get3A_750, %get3A_751] {strides = array<i32>} : memref<125x32xf32, #tpu.memory_space<vmem>>, vector<1x16xf32>,
        %get3A_753 = vector.shape_cast %get3A_752 : vector<1x16xf32> to vector<16xf32>
        %get3A_754 = arith.index_cast %squeeze3A_739 : i32 to index
        %get3A_755 = arith.constant 16 : index
        %get3A_756 = tpu.vector_load %arg16[%get3A_754, %get3A_755] {strides = array<i32>} : memref<125x32xf32, #tpu.memory_space<vmem>>, vector<1x16xf32>,
        %get3A_757 = vector.shape_cast %get3A_756 : vector<1x16xf32> to vector<16xf32>
        %mul3A_758 = arith.mulf %get3A_744, %get3A_753 : vector<16xf32>
        %lt3A_759 = arith.constant 0 : i32
        %lt3A_760 = vector.broadcast %lt3A_759 : i32 to vector<16xi32>
        %lt3A_761 = arith.cmpi slt, %xor3A_4, %lt3A_760 : vector<16xi32>
        %add3A_762 = arith.constant 16 : i32
        %add3A_763 = vector.broadcast %add3A_762 : i32 to vector<16xi32>
        %add3A_764 = arith.addi %xor3A_4, %add3A_763 : vector<16xi32>
        %select_n3A_765 = arith.select %lt3A_761, %add3A_764, %xor3A_4 : vector<16xi1>, vector<16xi32>
        %broadcast_in_dim3A_766 = vector.shape_cast %select_n3A_765 : vector<16xi32> to vector<16x1xi32>
        %gather3A_767 = vector.shape_cast %broadcast_in_dim3A_766 : vector<16x1xi32> to vector<16xi32>
        %gather3A_768 = tpu.dynamic_gather %mul3A_758[%gather3A_767] in [0] : vector<16xf32>, vector<16xi32> -> vector<16xf32>
        %add3A_769 = arith.addf %mul3A_758, %gather3A_768 : vector<16xf32>
        %lt3A_770 = arith.constant 0 : i32
        %lt3A_771 = vector.broadcast %lt3A_770 : i32 to vector<16xi32>
        %lt3A_772 = arith.cmpi slt, %xor3A_7, %lt3A_771 : vector<16xi32>
        %add3A_773 = arith.constant 16 : i32
        %add3A_774 = vector.broadcast %add3A_773 : i32 to vector<16xi32>
        %add3A_775 = arith.addi %xor3A_7, %add3A_774 : vector<16xi32>
        %select_n3A_776 = arith.select %lt3A_772, %add3A_775, %xor3A_7 : vector<16xi1>, vector<16xi32>
        %broadcast_in_dim3A_777 = vector.shape_cast %select_n3A_776 : vector<16xi32> to vector<16x1xi32>
        %gather3A_778 = vector.shape_cast %broadcast_in_dim3A_777 : vector<16x1xi32> to vector<16xi32>
        %gather3A_779 = tpu.dynamic_gather %add3A_769[%gather3A_778] in [0] : vector<16xf32>, vector<16xi32> -> vector<16xf32>
        %add3A_780 = arith.addf %add3A_769, %gather3A_779 : vector<16xf32>
        %mul3A_781 = arith.mulf %get3A_749, %get3A_757 : vector<16xf32>
        %lt3A_782 = arith.constant 0 : i32
        %lt3A_783 = vector.broadcast %lt3A_782 : i32 to vector<16xi32>
        %lt3A_784 = arith.cmpi slt, %xor3A_4, %lt3A_783 : vector<16xi32>
        %add3A_785 = arith.constant 16 : i32
        %add3A_786 = vector.broadcast %add3A_785 : i32 to vector<16xi32>
        %add3A_787 = arith.addi %xor3A_4, %add3A_786 : vector<16xi32>
        %select_n3A_788 = arith.select %lt3A_784, %add3A_787, %xor3A_4 : vector<16xi1>, vector<16xi32>
        %broadcast_in_dim3A_789 = vector.shape_cast %select_n3A_788 : vector<16xi32> to vector<16x1xi32>
        %gather3A_790 = vector.shape_cast %broadcast_in_dim3A_789 : vector<16x1xi32> to vector<16xi32>
        %gather3A_791 = tpu.dynamic_gather %mul3A_781[%gather3A_790] in [0] : vector<16xf32>, vector<16xi32> -> vector<16xf32>
        %add3A_792 = arith.addf %mul3A_781, %gather3A_791 : vector<16xf32>
        %lt3A_793 = arith.constant 0 : i32
        %lt3A_794 = vector.broadcast %lt3A_793 : i32 to vector<16xi32>
        %lt3A_795 = arith.cmpi slt, %xor3A_7, %lt3A_794 : vector<16xi32>
        %add3A_796 = arith.constant 16 : i32
        %add3A_797 = vector.broadcast %add3A_796 : i32 to vector<16xi32>
        %add3A_798 = arith.addi %xor3A_7, %add3A_797 : vector<16xi32>
        %select_n3A_799 = arith.select %lt3A_795, %add3A_798, %xor3A_7 : vector<16xi1>, vector<16xi32>
        %broadcast_in_dim3A_800 = vector.shape_cast %select_n3A_799 : vector<16xi32> to vector<16x1xi32>
        %gather3A_801 = vector.shape_cast %broadcast_in_dim3A_800 : vector<16x1xi32> to vector<16xi32>
        %gather3A_802 = tpu.dynamic_gather %add3A_792[%gather3A_801] in [0] : vector<16xf32>, vector<16xi32> -> vector<16xf32>
        %add3A_803 = arith.addf %add3A_792, %gather3A_802 : vector<16xf32>
        %get3A_804 = arith.index_cast %rem3A_256 : i32 to index
        %get3A_805 = arith.index_cast %add3A_737 : i32 to index
        %get3A_806 = arith.constant 0 : index
        %get3A_807 = tpu.vector_load %arg15[%get3A_804, %get3A_805, %get3A_806] {strides = array<i32>} : memref<3x128x32xf32, #tpu.memory_space<vmem>>, vector<1x1x16xf32>,
        %get3A_808 = vector.shape_cast %get3A_807 : vector<1x1x16xf32> to vector<16xf32>
        %mul3A_809 = arith.mulf %add3A_780, %get3A_808 : vector<16xf32>
        %swap3A_810 = arith.index_cast %rem3A_256 : i32 to index
        %swap3A_811 = arith.index_cast %add3A_737 : i32 to index
        %swap3A_812 = arith.constant 0 : index
        %swap3A_813 = tpu.vector_load %arg15[%swap3A_810, %swap3A_811, %swap3A_812] {strides = array<i32>} : memref<3x128x32xf32, #tpu.memory_space<vmem>>, vector<1x1x16xf32>,
        %swap3A_814 = vector.shape_cast %swap3A_813 : vector<1x1x16xf32> to vector<16xf32>
        %swap3A_815 = vector.shape_cast %mul3A_809 : vector<16xf32> to vector<1x1x16xf32>
        tpu.vector_store %arg15[%swap3A_810, %swap3A_811, %swap3A_812], %swap3A_815 {strides = array<i32>} : memref<3x128x32xf32, #tpu.memory_space<vmem>>, vector<1x1x16xf32>,
        %get3A_816 = arith.index_cast %rem3A_256 : i32 to index
        %get3A_817 = arith.index_cast %add3A_737 : i32 to index
        %get3A_818 = arith.constant 16 : index
        %get3A_819 = tpu.vector_load %arg15[%get3A_816, %get3A_817, %get3A_818] {strides = array<i32>} : memref<3x128x32xf32, #tpu.memory_space<vmem>>, vector<1x1x16xf32>,
        %get3A_820 = vector.shape_cast %get3A_819 : vector<1x1x16xf32> to vector<16xf32>
        %mul3A_821 = arith.mulf %add3A_803, %get3A_820 : vector<16xf32>
        %swap3A_822 = arith.index_cast %rem3A_256 : i32 to index
        %swap3A_823 = arith.index_cast %add3A_737 : i32 to index
        %swap3A_824 = arith.constant 16 : index
        %swap3A_825 = tpu.vector_load %arg15[%swap3A_822, %swap3A_823, %swap3A_824] {strides = array<i32>} : memref<3x128x32xf32, #tpu.memory_space<vmem>>, vector<1x1x16xf32>,
        %swap3A_826 = vector.shape_cast %swap3A_825 : vector<1x1x16xf32> to vector<16xf32>
        %swap3A_827 = vector.shape_cast %mul3A_821 : vector<16xf32> to vector<1x1x16xf32>
        tpu.vector_store %arg15[%swap3A_822, %swap3A_823, %swap3A_824], %swap3A_827 {strides = array<i32>} : memref<3x128x32xf32, #tpu.memory_space<vmem>>, vector<1x1x16xf32>,
        %mul3A_828 = arith.constant 16 : i32
        %mul3A_829 = arith.muli %add3A_356, %mul3A_828 : i32
        %add3A_830 = arith.constant 5 : i32
        %add3A_831 = arith.addi %mul3A_829, %add3A_830 : i32
        %slice3A_832 = vector.extract_strided_slice %get3A_363 {offsets = [5], sizes = [1], strides = [1]} : vector<16xi32> to vector<1xi32>
        %squeeze3A_833 = vector.extract %slice3A_832[0] : i32 from vector<1xi32>
        %get3A_834 = arith.index_cast %rem3A_254 : i32 to index
        %get3A_835 = arith.index_cast %add3A_831 : i32 to index
        %get3A_836 = arith.constant 0 : index
        %get3A_837 = tpu.vector_load %arg14[%get3A_834, %get3A_835, %get3A_836] {strides = array<i32>} : memref<2x128x32xf32, #tpu.memory_space<vmem>>, vector<1x1x16xf32>,
        %get3A_838 = vector.shape_cast %get3A_837 : vector<1x1x16xf32> to vector<16xf32>
        %get3A_839 = arith.index_cast %rem3A_254 : i32 to index
        %get3A_840 = arith.index_cast %add3A_831 : i32 to index
        %get3A_841 = arith.constant 16 : index
        %get3A_842 = tpu.vector_load %arg14[%get3A_839, %get3A_840, %get3A_841] {strides = array<i32>} : memref<2x128x32xf32, #tpu.memory_space<vmem>>, vector<1x1x16xf32>,
        %get3A_843 = vector.shape_cast %get3A_842 : vector<1x1x16xf32> to vector<16xf32>
        %get3A_844 = arith.index_cast %squeeze3A_833 : i32 to index
        %get3A_845 = arith.constant 0 : index
        %get3A_846 = tpu.vector_load %arg16[%get3A_844, %get3A_845] {strides = array<i32>} : memref<125x32xf32, #tpu.memory_space<vmem>>, vector<1x16xf32>,
        %get3A_847 = vector.shape_cast %get3A_846 : vector<1x16xf32> to vector<16xf32>
        %get3A_848 = arith.index_cast %squeeze3A_833 : i32 to index
        %get3A_849 = arith.constant 16 : index
        %get3A_850 = tpu.vector_load %arg16[%get3A_848, %get3A_849] {strides = array<i32>} : memref<125x32xf32, #tpu.memory_space<vmem>>, vector<1x16xf32>,
        %get3A_851 = vector.shape_cast %get3A_850 : vector<1x16xf32> to vector<16xf32>
        %mul3A_852 = arith.mulf %get3A_838, %get3A_847 : vector<16xf32>
        %lt3A_853 = arith.constant 0 : i32
        %lt3A_854 = vector.broadcast %lt3A_853 : i32 to vector<16xi32>
        %lt3A_855 = arith.cmpi slt, %xor3A_4, %lt3A_854 : vector<16xi32>
        %add3A_856 = arith.constant 16 : i32
        %add3A_857 = vector.broadcast %add3A_856 : i32 to vector<16xi32>
        %add3A_858 = arith.addi %xor3A_4, %add3A_857 : vector<16xi32>
        %select_n3A_859 = arith.select %lt3A_855, %add3A_858, %xor3A_4 : vector<16xi1>, vector<16xi32>
        %broadcast_in_dim3A_860 = vector.shape_cast %select_n3A_859 : vector<16xi32> to vector<16x1xi32>
        %gather3A_861 = vector.shape_cast %broadcast_in_dim3A_860 : vector<16x1xi32> to vector<16xi32>
        %gather3A_862 = tpu.dynamic_gather %mul3A_852[%gather3A_861] in [0] : vector<16xf32>, vector<16xi32> -> vector<16xf32>
        %add3A_863 = arith.addf %mul3A_852, %gather3A_862 : vector<16xf32>
        %lt3A_864 = arith.constant 0 : i32
        %lt3A_865 = vector.broadcast %lt3A_864 : i32 to vector<16xi32>
        %lt3A_866 = arith.cmpi slt, %xor3A_7, %lt3A_865 : vector<16xi32>
        %add3A_867 = arith.constant 16 : i32
        %add3A_868 = vector.broadcast %add3A_867 : i32 to vector<16xi32>
        %add3A_869 = arith.addi %xor3A_7, %add3A_868 : vector<16xi32>
        %select_n3A_870 = arith.select %lt3A_866, %add3A_869, %xor3A_7 : vector<16xi1>, vector<16xi32>
        %broadcast_in_dim3A_871 = vector.shape_cast %select_n3A_870 : vector<16xi32> to vector<16x1xi32>
        %gather3A_872 = vector.shape_cast %broadcast_in_dim3A_871 : vector<16x1xi32> to vector<16xi32>
        %gather3A_873 = tpu.dynamic_gather %add3A_863[%gather3A_872] in [0] : vector<16xf32>, vector<16xi32> -> vector<16xf32>
        %add3A_874 = arith.addf %add3A_863, %gather3A_873 : vector<16xf32>
        %mul3A_875 = arith.mulf %get3A_843, %get3A_851 : vector<16xf32>
        %lt3A_876 = arith.constant 0 : i32
        %lt3A_877 = vector.broadcast %lt3A_876 : i32 to vector<16xi32>
        %lt3A_878 = arith.cmpi slt, %xor3A_4, %lt3A_877 : vector<16xi32>
        %add3A_879 = arith.constant 16 : i32
        %add3A_880 = vector.broadcast %add3A_879 : i32 to vector<16xi32>
        %add3A_881 = arith.addi %xor3A_4, %add3A_880 : vector<16xi32>
        %select_n3A_882 = arith.select %lt3A_878, %add3A_881, %xor3A_4 : vector<16xi1>, vector<16xi32>
        %broadcast_in_dim3A_883 = vector.shape_cast %select_n3A_882 : vector<16xi32> to vector<16x1xi32>
        %gather3A_884 = vector.shape_cast %broadcast_in_dim3A_883 : vector<16x1xi32> to vector<16xi32>
        %gather3A_885 = tpu.dynamic_gather %mul3A_875[%gather3A_884] in [0] : vector<16xf32>, vector<16xi32> -> vector<16xf32>
        %add3A_886 = arith.addf %mul3A_875, %gather3A_885 : vector<16xf32>
        %lt3A_887 = arith.constant 0 : i32
        %lt3A_888 = vector.broadcast %lt3A_887 : i32 to vector<16xi32>
        %lt3A_889 = arith.cmpi slt, %xor3A_7, %lt3A_888 : vector<16xi32>
        %add3A_890 = arith.constant 16 : i32
        %add3A_891 = vector.broadcast %add3A_890 : i32 to vector<16xi32>
        %add3A_892 = arith.addi %xor3A_7, %add3A_891 : vector<16xi32>
        %select_n3A_893 = arith.select %lt3A_889, %add3A_892, %xor3A_7 : vector<16xi1>, vector<16xi32>
        %broadcast_in_dim3A_894 = vector.shape_cast %select_n3A_893 : vector<16xi32> to vector<16x1xi32>
        %gather3A_895 = vector.shape_cast %broadcast_in_dim3A_894 : vector<16x1xi32> to vector<16xi32>
        %gather3A_896 = tpu.dynamic_gather %add3A_886[%gather3A_895] in [0] : vector<16xf32>, vector<16xi32> -> vector<16xf32>
        %add3A_897 = arith.addf %add3A_886, %gather3A_896 : vector<16xf32>
        %get3A_898 = arith.index_cast %rem3A_256 : i32 to index
        %get3A_899 = arith.index_cast %add3A_831 : i32 to index
        %get3A_900 = arith.constant 0 : index
        %get3A_901 = tpu.vector_load %arg15[%get3A_898, %get3A_899, %get3A_900] {strides = array<i32>} : memref<3x128x32xf32, #tpu.memory_space<vmem>>, vector<1x1x16xf32>,
        %get3A_902 = vector.shape_cast %get3A_901 : vector<1x1x16xf32> to vector<16xf32>
        %mul3A_903 = arith.mulf %add3A_874, %get3A_902 : vector<16xf32>
        %swap3A_904 = arith.index_cast %rem3A_256 : i32 to index
        %swap3A_905 = arith.index_cast %add3A_831 : i32 to index
        %swap3A_906 = arith.constant 0 : index
        %swap3A_907 = tpu.vector_load %arg15[%swap3A_904, %swap3A_905, %swap3A_906] {strides = array<i32>} : memref<3x128x32xf32, #tpu.memory_space<vmem>>, vector<1x1x16xf32>,
        %swap3A_908 = vector.shape_cast %swap3A_907 : vector<1x1x16xf32> to vector<16xf32>
        %swap3A_909 = vector.shape_cast %mul3A_903 : vector<16xf32> to vector<1x1x16xf32>
        tpu.vector_store %arg15[%swap3A_904, %swap3A_905, %swap3A_906], %swap3A_909 {strides = array<i32>} : memref<3x128x32xf32, #tpu.memory_space<vmem>>, vector<1x1x16xf32>,
        %get3A_910 = arith.index_cast %rem3A_256 : i32 to index
        %get3A_911 = arith.index_cast %add3A_831 : i32 to index
        %get3A_912 = arith.constant 16 : index
        %get3A_913 = tpu.vector_load %arg15[%get3A_910, %get3A_911, %get3A_912] {strides = array<i32>} : memref<3x128x32xf32, #tpu.memory_space<vmem>>, vector<1x1x16xf32>,
        %get3A_914 = vector.shape_cast %get3A_913 : vector<1x1x16xf32> to vector<16xf32>
        %mul3A_915 = arith.mulf %add3A_897, %get3A_914 : vector<16xf32>
        %swap3A_916 = arith.index_cast %rem3A_256 : i32 to index
        %swap3A_917 = arith.index_cast %add3A_831 : i32 to index
        %swap3A_918 = arith.constant 16 : index
        %swap3A_919 = tpu.vector_load %arg15[%swap3A_916, %swap3A_917, %swap3A_918] {strides = array<i32>} : memref<3x128x32xf32, #tpu.memory_space<vmem>>, vector<1x1x16xf32>,
        %swap3A_920 = vector.shape_cast %swap3A_919 : vector<1x1x16xf32> to vector<16xf32>
        %swap3A_921 = vector.shape_cast %mul3A_915 : vector<16xf32> to vector<1x1x16xf32>
        tpu.vector_store %arg15[%swap3A_916, %swap3A_917, %swap3A_918], %swap3A_921 {strides = array<i32>} : memref<3x128x32xf32, #tpu.memory_space<vmem>>, vector<1x1x16xf32>,
        %mul3A_922 = arith.constant 16 : i32
        %mul3A_923 = arith.muli %add3A_356, %mul3A_922 : i32
        %add3A_924 = arith.constant 6 : i32
        %add3A_925 = arith.addi %mul3A_923, %add3A_924 : i32
        %slice3A_926 = vector.extract_strided_slice %get3A_363 {offsets = [6], sizes = [1], strides = [1]} : vector<16xi32> to vector<1xi32>
        %squeeze3A_927 = vector.extract %slice3A_926[0] : i32 from vector<1xi32>
        %get3A_928 = arith.index_cast %rem3A_254 : i32 to index
        %get3A_929 = arith.index_cast %add3A_925 : i32 to index
        %get3A_930 = arith.constant 0 : index
        %get3A_931 = tpu.vector_load %arg14[%get3A_928, %get3A_929, %get3A_930] {strides = array<i32>} : memref<2x128x32xf32, #tpu.memory_space<vmem>>, vector<1x1x16xf32>,
        %get3A_932 = vector.shape_cast %get3A_931 : vector<1x1x16xf32> to vector<16xf32>
        %get3A_933 = arith.index_cast %rem3A_254 : i32 to index
        %get3A_934 = arith.index_cast %add3A_925 : i32 to index
        %get3A_935 = arith.constant 16 : index
        %get3A_936 = tpu.vector_load %arg14[%get3A_933, %get3A_934, %get3A_935] {strides = array<i32>} : memref<2x128x32xf32, #tpu.memory_space<vmem>>, vector<1x1x16xf32>,
        %get3A_937 = vector.shape_cast %get3A_936 : vector<1x1x16xf32> to vector<16xf32>
        %get3A_938 = arith.index_cast %squeeze3A_927 : i32 to index
        %get3A_939 = arith.constant 0 : index
        %get3A_940 = tpu.vector_load %arg16[%get3A_938, %get3A_939] {strides = array<i32>} : memref<125x32xf32, #tpu.memory_space<vmem>>, vector<1x16xf32>,
        %get3A_941 = vector.shape_cast %get3A_940 : vector<1x16xf32> to vector<16xf32>
        %get3A_942 = arith.index_cast %squeeze3A_927 : i32 to index
        %get3A_943 = arith.constant 16 : index
        %get3A_944 = tpu.vector_load %arg16[%get3A_942, %get3A_943] {strides = array<i32>} : memref<125x32xf32, #tpu.memory_space<vmem>>, vector<1x16xf32>,
        %get3A_945 = vector.shape_cast %get3A_944 : vector<1x16xf32> to vector<16xf32>
        %mul3A_946 = arith.mulf %get3A_932, %get3A_941 : vector<16xf32>
        %lt3A_947 = arith.constant 0 : i32
        %lt3A_948 = vector.broadcast %lt3A_947 : i32 to vector<16xi32>
        %lt3A_949 = arith.cmpi slt, %xor3A_4, %lt3A_948 : vector<16xi32>
        %add3A_950 = arith.constant 16 : i32
        %add3A_951 = vector.broadcast %add3A_950 : i32 to vector<16xi32>
        %add3A_952 = arith.addi %xor3A_4, %add3A_951 : vector<16xi32>
        %select_n3A_953 = arith.select %lt3A_949, %add3A_952, %xor3A_4 : vector<16xi1>, vector<16xi32>
        %broadcast_in_dim3A_954 = vector.shape_cast %select_n3A_953 : vector<16xi32> to vector<16x1xi32>
        %gather3A_955 = vector.shape_cast %broadcast_in_dim3A_954 : vector<16x1xi32> to vector<16xi32>
        %gather3A_956 = tpu.dynamic_gather %mul3A_946[%gather3A_955] in [0] : vector<16xf32>, vector<16xi32> -> vector<16xf32>
        %add3A_957 = arith.addf %mul3A_946, %gather3A_956 : vector<16xf32>
        %lt3A_958 = arith.constant 0 : i32
        %lt3A_959 = vector.broadcast %lt3A_958 : i32 to vector<16xi32>
        %lt3A_960 = arith.cmpi slt, %xor3A_7, %lt3A_959 : vector<16xi32>
        %add3A_961 = arith.constant 16 : i32
        %add3A_962 = vector.broadcast %add3A_961 : i32 to vector<16xi32>
        %add3A_963 = arith.addi %xor3A_7, %add3A_962 : vector<16xi32>
        %select_n3A_964 = arith.select %lt3A_960, %add3A_963, %xor3A_7 : vector<16xi1>, vector<16xi32>
        %broadcast_in_dim3A_965 = vector.shape_cast %select_n3A_964 : vector<16xi32> to vector<16x1xi32>
        %gather3A_966 = vector.shape_cast %broadcast_in_dim3A_965 : vector<16x1xi32> to vector<16xi32>
        %gather3A_967 = tpu.dynamic_gather %add3A_957[%gather3A_966] in [0] : vector<16xf32>, vector<16xi32> -> vector<16xf32>
        %add3A_968 = arith.addf %add3A_957, %gather3A_967 : vector<16xf32>
        %mul3A_969 = arith.mulf %get3A_937, %get3A_945 : vector<16xf32>
        %lt3A_970 = arith.constant 0 : i32
        %lt3A_971 = vector.broadcast %lt3A_970 : i32 to vector<16xi32>
        %lt3A_972 = arith.cmpi slt, %xor3A_4, %lt3A_971 : vector<16xi32>
        %add3A_973 = arith.constant 16 : i32
        %add3A_974 = vector.broadcast %add3A_973 : i32 to vector<16xi32>
        %add3A_975 = arith.addi %xor3A_4, %add3A_974 : vector<16xi32>
        %select_n3A_976 = arith.select %lt3A_972, %add3A_975, %xor3A_4 : vector<16xi1>, vector<16xi32>
        %broadcast_in_dim3A_977 = vector.shape_cast %select_n3A_976 : vector<16xi32> to vector<16x1xi32>
        %gather3A_978 = vector.shape_cast %broadcast_in_dim3A_977 : vector<16x1xi32> to vector<16xi32>
        %gather3A_979 = tpu.dynamic_gather %mul3A_969[%gather3A_978] in [0] : vector<16xf32>, vector<16xi32> -> vector<16xf32>
        %add3A_980 = arith.addf %mul3A_969, %gather3A_979 : vector<16xf32>
        %lt3A_981 = arith.constant 0 : i32
        %lt3A_982 = vector.broadcast %lt3A_981 : i32 to vector<16xi32>
        %lt3A_983 = arith.cmpi slt, %xor3A_7, %lt3A_982 : vector<16xi32>
        %add3A_984 = arith.constant 16 : i32
        %add3A_985 = vector.broadcast %add3A_984 : i32 to vector<16xi32>
        %add3A_986 = arith.addi %xor3A_7, %add3A_985 : vector<16xi32>
        %select_n3A_987 = arith.select %lt3A_983, %add3A_986, %xor3A_7 : vector<16xi1>, vector<16xi32>
        %broadcast_in_dim3A_988 = vector.shape_cast %select_n3A_987 : vector<16xi32> to vector<16x1xi32>
        %gather3A_989 = vector.shape_cast %broadcast_in_dim3A_988 : vector<16x1xi32> to vector<16xi32>
        %gather3A_990 = tpu.dynamic_gather %add3A_980[%gather3A_989] in [0] : vector<16xf32>, vector<16xi32> -> vector<16xf32>
        %add3A_991 = arith.addf %add3A_980, %gather3A_990 : vector<16xf32>
        %get3A_992 = arith.index_cast %rem3A_256 : i32 to index
        %get3A_993 = arith.index_cast %add3A_925 : i32 to index
        %get3A_994 = arith.constant 0 : index
        %get3A_995 = tpu.vector_load %arg15[%get3A_992, %get3A_993, %get3A_994] {strides = array<i32>} : memref<3x128x32xf32, #tpu.memory_space<vmem>>, vector<1x1x16xf32>,
        %get3A_996 = vector.shape_cast %get3A_995 : vector<1x1x16xf32> to vector<16xf32>
        %mul3A_997 = arith.mulf %add3A_968, %get3A_996 : vector<16xf32>
        %swap3A_998 = arith.index_cast %rem3A_256 : i32 to index
        %swap3A_999 = arith.index_cast %add3A_925 : i32 to index
        %swap3A_1000 = arith.constant 0 : index
        %swap3A_1001 = tpu.vector_load %arg15[%swap3A_998, %swap3A_999, %swap3A_1000] {strides = array<i32>} : memref<3x128x32xf32, #tpu.memory_space<vmem>>, vector<1x1x16xf32>,
        %swap3A_1002 = vector.shape_cast %swap3A_1001 : vector<1x1x16xf32> to vector<16xf32>
        %swap3A_1003 = vector.shape_cast %mul3A_997 : vector<16xf32> to vector<1x1x16xf32>
        tpu.vector_store %arg15[%swap3A_998, %swap3A_999, %swap3A_1000], %swap3A_1003 {strides = array<i32>} : memref<3x128x32xf32, #tpu.memory_space<vmem>>, vector<1x1x16xf32>,
        %get3A_1004 = arith.index_cast %rem3A_256 : i32 to index
        %get3A_1005 = arith.index_cast %add3A_925 : i32 to index
        %get3A_1006 = arith.constant 16 : index
        %get3A_1007 = tpu.vector_load %arg15[%get3A_1004, %get3A_1005, %get3A_1006] {strides = array<i32>} : memref<3x128x32xf32, #tpu.memory_space<vmem>>, vector<1x1x16xf32>,
        %get3A_1008 = vector.shape_cast %get3A_1007 : vector<1x1x16xf32> to vector<16xf32>
        %mul3A_1009 = arith.mulf %add3A_991, %get3A_1008 : vector<16xf32>
        %swap3A_1010 = arith.index_cast %rem3A_256 : i32 to index
        %swap3A_1011 = arith.index_cast %add3A_925 : i32 to index
        %swap3A_1012 = arith.constant 16 : index
        %swap3A_1013 = tpu.vector_load %arg15[%swap3A_1010, %swap3A_1011, %swap3A_1012] {strides = array<i32>} : memref<3x128x32xf32, #tpu.memory_space<vmem>>, vector<1x1x16xf32>,
        %swap3A_1014 = vector.shape_cast %swap3A_1013 : vector<1x1x16xf32> to vector<16xf32>
        %swap3A_1015 = vector.shape_cast %mul3A_1009 : vector<16xf32> to vector<1x1x16xf32>
        tpu.vector_store %arg15[%swap3A_1010, %swap3A_1011, %swap3A_1012], %swap3A_1015 {strides = array<i32>} : memref<3x128x32xf32, #tpu.memory_space<vmem>>, vector<1x1x16xf32>,
        %mul3A_1016 = arith.constant 16 : i32
        %mul3A_1017 = arith.muli %add3A_356, %mul3A_1016 : i32
        %add3A_1018 = arith.constant 7 : i32
        %add3A_1019 = arith.addi %mul3A_1017, %add3A_1018 : i32
        %slice3A_1020 = vector.extract_strided_slice %get3A_363 {offsets = [7], sizes = [1], strides = [1]} : vector<16xi32> to vector<1xi32>
        %squeeze3A_1021 = vector.extract %slice3A_1020[0] : i32 from vector<1xi32>
        %get3A_1022 = arith.index_cast %rem3A_254 : i32 to index
        %get3A_1023 = arith.index_cast %add3A_1019 : i32 to index
        %get3A_1024 = arith.constant 0 : index
        %get3A_1025 = tpu.vector_load %arg14[%get3A_1022, %get3A_1023, %get3A_1024] {strides = array<i32>} : memref<2x128x32xf32, #tpu.memory_space<vmem>>, vector<1x1x16xf32>,
        %get3A_1026 = vector.shape_cast %get3A_1025 : vector<1x1x16xf32> to vector<16xf32>
        %get3A_1027 = arith.index_cast %rem3A_254 : i32 to index
        %get3A_1028 = arith.index_cast %add3A_1019 : i32 to index
        %get3A_1029 = arith.constant 16 : index
        %get3A_1030 = tpu.vector_load %arg14[%get3A_1027, %get3A_1028, %get3A_1029] {strides = array<i32>} : memref<2x128x32xf32, #tpu.memory_space<vmem>>, vector<1x1x16xf32>,
        %get3A_1031 = vector.shape_cast %get3A_1030 : vector<1x1x16xf32> to vector<16xf32>
        %get3A_1032 = arith.index_cast %squeeze3A_1021 : i32 to index
        %get3A_1033 = arith.constant 0 : index
        %get3A_1034 = tpu.vector_load %arg16[%get3A_1032, %get3A_1033] {strides = array<i32>} : memref<125x32xf32, #tpu.memory_space<vmem>>, vector<1x16xf32>,
        %get3A_1035 = vector.shape_cast %get3A_1034 : vector<1x16xf32> to vector<16xf32>
        %get3A_1036 = arith.index_cast %squeeze3A_1021 : i32 to index
        %get3A_1037 = arith.constant 16 : index
        %get3A_1038 = tpu.vector_load %arg16[%get3A_1036, %get3A_1037] {strides = array<i32>} : memref<125x32xf32, #tpu.memory_space<vmem>>, vector<1x16xf32>,
        %get3A_1039 = vector.shape_cast %get3A_1038 : vector<1x16xf32> to vector<16xf32>
        %mul3A_1040 = arith.mulf %get3A_1026, %get3A_1035 : vector<16xf32>
        %lt3A_1041 = arith.constant 0 : i32
        %lt3A_1042 = vector.broadcast %lt3A_1041 : i32 to vector<16xi32>
        %lt3A_1043 = arith.cmpi slt, %xor3A_4, %lt3A_1042 : vector<16xi32>
        %add3A_1044 = arith.constant 16 : i32
        %add3A_1045 = vector.broadcast %add3A_1044 : i32 to vector<16xi32>
        %add3A_1046 = arith.addi %xor3A_4, %add3A_1045 : vector<16xi32>
        %select_n3A_1047 = arith.select %lt3A_1043, %add3A_1046, %xor3A_4 : vector<16xi1>, vector<16xi32>
        %broadcast_in_dim3A_1048 = vector.shape_cast %select_n3A_1047 : vector<16xi32> to vector<16x1xi32>
        %gather3A_1049 = vector.shape_cast %broadcast_in_dim3A_1048 : vector<16x1xi32> to vector<16xi32>
        %gather3A_1050 = tpu.dynamic_gather %mul3A_1040[%gather3A_1049] in [0] : vector<16xf32>, vector<16xi32> -> vector<16xf32>
        %add3A_1051 = arith.addf %mul3A_1040, %gather3A_1050 : vector<16xf32>
        %lt3A_1052 = arith.constant 0 : i32
        %lt3A_1053 = vector.broadcast %lt3A_1052 : i32 to vector<16xi32>
        %lt3A_1054 = arith.cmpi slt, %xor3A_7, %lt3A_1053 : vector<16xi32>
        %add3A_1055 = arith.constant 16 : i32
        %add3A_1056 = vector.broadcast %add3A_1055 : i32 to vector<16xi32>
        %add3A_1057 = arith.addi %xor3A_7, %add3A_1056 : vector<16xi32>
        %select_n3A_1058 = arith.select %lt3A_1054, %add3A_1057, %xor3A_7 : vector<16xi1>, vector<16xi32>
        %broadcast_in_dim3A_1059 = vector.shape_cast %select_n3A_1058 : vector<16xi32> to vector<16x1xi32>
        %gather3A_1060 = vector.shape_cast %broadcast_in_dim3A_1059 : vector<16x1xi32> to vector<16xi32>
        %gather3A_1061 = tpu.dynamic_gather %add3A_1051[%gather3A_1060] in [0] : vector<16xf32>, vector<16xi32> -> vector<16xf32>
        %add3A_1062 = arith.addf %add3A_1051, %gather3A_1061 : vector<16xf32>
        %mul3A_1063 = arith.mulf %get3A_1031, %get3A_1039 : vector<16xf32>
        %lt3A_1064 = arith.constant 0 : i32
        %lt3A_1065 = vector.broadcast %lt3A_1064 : i32 to vector<16xi32>
        %lt3A_1066 = arith.cmpi slt, %xor3A_4, %lt3A_1065 : vector<16xi32>
        %add3A_1067 = arith.constant 16 : i32
        %add3A_1068 = vector.broadcast %add3A_1067 : i32 to vector<16xi32>
        %add3A_1069 = arith.addi %xor3A_4, %add3A_1068 : vector<16xi32>
        %select_n3A_1070 = arith.select %lt3A_1066, %add3A_1069, %xor3A_4 : vector<16xi1>, vector<16xi32>
        %broadcast_in_dim3A_1071 = vector.shape_cast %select_n3A_1070 : vector<16xi32> to vector<16x1xi32>
        %gather3A_1072 = vector.shape_cast %broadcast_in_dim3A_1071 : vector<16x1xi32> to vector<16xi32>
        %gather3A_1073 = tpu.dynamic_gather %mul3A_1063[%gather3A_1072] in [0] : vector<16xf32>, vector<16xi32> -> vector<16xf32>
        %add3A_1074 = arith.addf %mul3A_1063, %gather3A_1073 : vector<16xf32>
        %lt3A_1075 = arith.constant 0 : i32
        %lt3A_1076 = vector.broadcast %lt3A_1075 : i32 to vector<16xi32>
        %lt3A_1077 = arith.cmpi slt, %xor3A_7, %lt3A_1076 : vector<16xi32>
        %add3A_1078 = arith.constant 16 : i32
        %add3A_1079 = vector.broadcast %add3A_1078 : i32 to vector<16xi32>
        %add3A_1080 = arith.addi %xor3A_7, %add3A_1079 : vector<16xi32>
        %select_n3A_1081 = arith.select %lt3A_1077, %add3A_1080, %xor3A_7 : vector<16xi1>, vector<16xi32>
        %broadcast_in_dim3A_1082 = vector.shape_cast %select_n3A_1081 : vector<16xi32> to vector<16x1xi32>
        %gather3A_1083 = vector.shape_cast %broadcast_in_dim3A_1082 : vector<16x1xi32> to vector<16xi32>
        %gather3A_1084 = tpu.dynamic_gather %add3A_1074[%gather3A_1083] in [0] : vector<16xf32>, vector<16xi32> -> vector<16xf32>
        %add3A_1085 = arith.addf %add3A_1074, %gather3A_1084 : vector<16xf32>
        %get3A_1086 = arith.index_cast %rem3A_256 : i32 to index
        %get3A_1087 = arith.index_cast %add3A_1019 : i32 to index
        %get3A_1088 = arith.constant 0 : index
        %get3A_1089 = tpu.vector_load %arg15[%get3A_1086, %get3A_1087, %get3A_1088] {strides = array<i32>} : memref<3x128x32xf32, #tpu.memory_space<vmem>>, vector<1x1x16xf32>,
        %get3A_1090 = vector.shape_cast %get3A_1089 : vector<1x1x16xf32> to vector<16xf32>
        %mul3A_1091 = arith.mulf %add3A_1062, %get3A_1090 : vector<16xf32>
        %swap3A_1092 = arith.index_cast %rem3A_256 : i32 to index
        %swap3A_1093 = arith.index_cast %add3A_1019 : i32 to index
        %swap3A_1094 = arith.constant 0 : index
        %swap3A_1095 = tpu.vector_load %arg15[%swap3A_1092, %swap3A_1093, %swap3A_1094] {strides = array<i32>} : memref<3x128x32xf32, #tpu.memory_space<vmem>>, vector<1x1x16xf32>,
        %swap3A_1096 = vector.shape_cast %swap3A_1095 : vector<1x1x16xf32> to vector<16xf32>
        %swap3A_1097 = vector.shape_cast %mul3A_1091 : vector<16xf32> to vector<1x1x16xf32>
        tpu.vector_store %arg15[%swap3A_1092, %swap3A_1093, %swap3A_1094], %swap3A_1097 {strides = array<i32>} : memref<3x128x32xf32, #tpu.memory_space<vmem>>, vector<1x1x16xf32>,
        %get3A_1098 = arith.index_cast %rem3A_256 : i32 to index
        %get3A_1099 = arith.index_cast %add3A_1019 : i32 to index
        %get3A_1100 = arith.constant 16 : index
        %get3A_1101 = tpu.vector_load %arg15[%get3A_1098, %get3A_1099, %get3A_1100] {strides = array<i32>} : memref<3x128x32xf32, #tpu.memory_space<vmem>>, vector<1x1x16xf32>,
        %get3A_1102 = vector.shape_cast %get3A_1101 : vector<1x1x16xf32> to vector<16xf32>
        %mul3A_1103 = arith.mulf %add3A_1085, %get3A_1102 : vector<16xf32>
        %swap3A_1104 = arith.index_cast %rem3A_256 : i32 to index
        %swap3A_1105 = arith.index_cast %add3A_1019 : i32 to index
        %swap3A_1106 = arith.constant 16 : index
        %swap3A_1107 = tpu.vector_load %arg15[%swap3A_1104, %swap3A_1105, %swap3A_1106] {strides = array<i32>} : memref<3x128x32xf32, #tpu.memory_space<vmem>>, vector<1x1x16xf32>,
        %swap3A_1108 = vector.shape_cast %swap3A_1107 : vector<1x1x16xf32> to vector<16xf32>
        %swap3A_1109 = vector.shape_cast %mul3A_1103 : vector<16xf32> to vector<1x1x16xf32>
        tpu.vector_store %arg15[%swap3A_1104, %swap3A_1105, %swap3A_1106], %swap3A_1109 {strides = array<i32>} : memref<3x128x32xf32, #tpu.memory_space<vmem>>, vector<1x1x16xf32>,
        %mul3A_1110 = arith.constant 16 : i32
        %mul3A_1111 = arith.muli %add3A_356, %mul3A_1110 : i32
        %add3A_1112 = arith.constant 8 : i32
        %add3A_1113 = arith.addi %mul3A_1111, %add3A_1112 : i32
        %slice3A_1114 = vector.extract_strided_slice %get3A_363 {offsets = [8], sizes = [1], strides = [1]} : vector<16xi32> to vector<1xi32>
        %squeeze3A_1115 = vector.extract %slice3A_1114[0] : i32 from vector<1xi32>
        %get3A_1116 = arith.index_cast %rem3A_254 : i32 to index
        %get3A_1117 = arith.index_cast %add3A_1113 : i32 to index
        %get3A_1118 = arith.constant 0 : index
        %get3A_1119 = tpu.vector_load %arg14[%get3A_1116, %get3A_1117, %get3A_1118] {strides = array<i32>} : memref<2x128x32xf32, #tpu.memory_space<vmem>>, vector<1x1x16xf32>,
        %get3A_1120 = vector.shape_cast %get3A_1119 : vector<1x1x16xf32> to vector<16xf32>
        %get3A_1121 = arith.index_cast %rem3A_254 : i32 to index
        %get3A_1122 = arith.index_cast %add3A_1113 : i32 to index
        %get3A_1123 = arith.constant 16 : index
        %get3A_1124 = tpu.vector_load %arg14[%get3A_1121, %get3A_1122, %get3A_1123] {strides = array<i32>} : memref<2x128x32xf32, #tpu.memory_space<vmem>>, vector<1x1x16xf32>,
        %get3A_1125 = vector.shape_cast %get3A_1124 : vector<1x1x16xf32> to vector<16xf32>
        %get3A_1126 = arith.index_cast %squeeze3A_1115 : i32 to index
        %get3A_1127 = arith.constant 0 : index
        %get3A_1128 = tpu.vector_load %arg16[%get3A_1126, %get3A_1127] {strides = array<i32>} : memref<125x32xf32, #tpu.memory_space<vmem>>, vector<1x16xf32>,
        %get3A_1129 = vector.shape_cast %get3A_1128 : vector<1x16xf32> to vector<16xf32>
        %get3A_1130 = arith.index_cast %squeeze3A_1115 : i32 to index
        %get3A_1131 = arith.constant 16 : index
        %get3A_1132 = tpu.vector_load %arg16[%get3A_1130, %get3A_1131] {strides = array<i32>} : memref<125x32xf32, #tpu.memory_space<vmem>>, vector<1x16xf32>,
        %get3A_1133 = vector.shape_cast %get3A_1132 : vector<1x16xf32> to vector<16xf32>
        %mul3A_1134 = arith.mulf %get3A_1120, %get3A_1129 : vector<16xf32>
        %lt3A_1135 = arith.constant 0 : i32
        %lt3A_1136 = vector.broadcast %lt3A_1135 : i32 to vector<16xi32>
        %lt3A_1137 = arith.cmpi slt, %xor3A_4, %lt3A_1136 : vector<16xi32>
        %add3A_1138 = arith.constant 16 : i32
        %add3A_1139 = vector.broadcast %add3A_1138 : i32 to vector<16xi32>
        %add3A_1140 = arith.addi %xor3A_4, %add3A_1139 : vector<16xi32>
        %select_n3A_1141 = arith.select %lt3A_1137, %add3A_1140, %xor3A_4 : vector<16xi1>, vector<16xi32>
        %broadcast_in_dim3A_1142 = vector.shape_cast %select_n3A_1141 : vector<16xi32> to vector<16x1xi32>
        %gather3A_1143 = vector.shape_cast %broadcast_in_dim3A_1142 : vector<16x1xi32> to vector<16xi32>
        %gather3A_1144 = tpu.dynamic_gather %mul3A_1134[%gather3A_1143] in [0] : vector<16xf32>, vector<16xi32> -> vector<16xf32>
        %add3A_1145 = arith.addf %mul3A_1134, %gather3A_1144 : vector<16xf32>
        %lt3A_1146 = arith.constant 0 : i32
        %lt3A_1147 = vector.broadcast %lt3A_1146 : i32 to vector<16xi32>
        %lt3A_1148 = arith.cmpi slt, %xor3A_7, %lt3A_1147 : vector<16xi32>
        %add3A_1149 = arith.constant 16 : i32
        %add3A_1150 = vector.broadcast %add3A_1149 : i32 to vector<16xi32>
        %add3A_1151 = arith.addi %xor3A_7, %add3A_1150 : vector<16xi32>
        %select_n3A_1152 = arith.select %lt3A_1148, %add3A_1151, %xor3A_7 : vector<16xi1>, vector<16xi32>
        %broadcast_in_dim3A_1153 = vector.shape_cast %select_n3A_1152 : vector<16xi32> to vector<16x1xi32>
        %gather3A_1154 = vector.shape_cast %broadcast_in_dim3A_1153 : vector<16x1xi32> to vector<16xi32>
        %gather3A_1155 = tpu.dynamic_gather %add3A_1145[%gather3A_1154] in [0] : vector<16xf32>, vector<16xi32> -> vector<16xf32>
        %add3A_1156 = arith.addf %add3A_1145, %gather3A_1155 : vector<16xf32>
        %mul3A_1157 = arith.mulf %get3A_1125, %get3A_1133 : vector<16xf32>
        %lt3A_1158 = arith.constant 0 : i32
        %lt3A_1159 = vector.broadcast %lt3A_1158 : i32 to vector<16xi32>
        %lt3A_1160 = arith.cmpi slt, %xor3A_4, %lt3A_1159 : vector<16xi32>
        %add3A_1161 = arith.constant 16 : i32
        %add3A_1162 = vector.broadcast %add3A_1161 : i32 to vector<16xi32>
        %add3A_1163 = arith.addi %xor3A_4, %add3A_1162 : vector<16xi32>
        %select_n3A_1164 = arith.select %lt3A_1160, %add3A_1163, %xor3A_4 : vector<16xi1>, vector<16xi32>
        %broadcast_in_dim3A_1165 = vector.shape_cast %select_n3A_1164 : vector<16xi32> to vector<16x1xi32>
        %gather3A_1166 = vector.shape_cast %broadcast_in_dim3A_1165 : vector<16x1xi32> to vector<16xi32>
        %gather3A_1167 = tpu.dynamic_gather %mul3A_1157[%gather3A_1166] in [0] : vector<16xf32>, vector<16xi32> -> vector<16xf32>
        %add3A_1168 = arith.addf %mul3A_1157, %gather3A_1167 : vector<16xf32>
        %lt3A_1169 = arith.constant 0 : i32
        %lt3A_1170 = vector.broadcast %lt3A_1169 : i32 to vector<16xi32>
        %lt3A_1171 = arith.cmpi slt, %xor3A_7, %lt3A_1170 : vector<16xi32>
        %add3A_1172 = arith.constant 16 : i32
        %add3A_1173 = vector.broadcast %add3A_1172 : i32 to vector<16xi32>
        %add3A_1174 = arith.addi %xor3A_7, %add3A_1173 : vector<16xi32>
        %select_n3A_1175 = arith.select %lt3A_1171, %add3A_1174, %xor3A_7 : vector<16xi1>, vector<16xi32>
        %broadcast_in_dim3A_1176 = vector.shape_cast %select_n3A_1175 : vector<16xi32> to vector<16x1xi32>
        %gather3A_1177 = vector.shape_cast %broadcast_in_dim3A_1176 : vector<16x1xi32> to vector<16xi32>
        %gather3A_1178 = tpu.dynamic_gather %add3A_1168[%gather3A_1177] in [0] : vector<16xf32>, vector<16xi32> -> vector<16xf32>
        %add3A_1179 = arith.addf %add3A_1168, %gather3A_1178 : vector<16xf32>
        %get3A_1180 = arith.index_cast %rem3A_256 : i32 to index
        %get3A_1181 = arith.index_cast %add3A_1113 : i32 to index
        %get3A_1182 = arith.constant 0 : index
        %get3A_1183 = tpu.vector_load %arg15[%get3A_1180, %get3A_1181, %get3A_1182] {strides = array<i32>} : memref<3x128x32xf32, #tpu.memory_space<vmem>>, vector<1x1x16xf32>,
        %get3A_1184 = vector.shape_cast %get3A_1183 : vector<1x1x16xf32> to vector<16xf32>
        %mul3A_1185 = arith.mulf %add3A_1156, %get3A_1184 : vector<16xf32>
        %swap3A_1186 = arith.index_cast %rem3A_256 : i32 to index
        %swap3A_1187 = arith.index_cast %add3A_1113 : i32 to index
        %swap3A_1188 = arith.constant 0 : index
        %swap3A_1189 = tpu.vector_load %arg15[%swap3A_1186, %swap3A_1187, %swap3A_1188] {strides = array<i32>} : memref<3x128x32xf32, #tpu.memory_space<vmem>>, vector<1x1x16xf32>,
        %swap3A_1190 = vector.shape_cast %swap3A_1189 : vector<1x1x16xf32> to vector<16xf32>
        %swap3A_1191 = vector.shape_cast %mul3A_1185 : vector<16xf32> to vector<1x1x16xf32>
        tpu.vector_store %arg15[%swap3A_1186, %swap3A_1187, %swap3A_1188], %swap3A_1191 {strides = array<i32>} : memref<3x128x32xf32, #tpu.memory_space<vmem>>, vector<1x1x16xf32>,
        %get3A_1192 = arith.index_cast %rem3A_256 : i32 to index
        %get3A_1193 = arith.index_cast %add3A_1113 : i32 to index
        %get3A_1194 = arith.constant 16 : index
        %get3A_1195 = tpu.vector_load %arg15[%get3A_1192, %get3A_1193, %get3A_1194] {strides = array<i32>} : memref<3x128x32xf32, #tpu.memory_space<vmem>>, vector<1x1x16xf32>,
        %get3A_1196 = vector.shape_cast %get3A_1195 : vector<1x1x16xf32> to vector<16xf32>
        %mul3A_1197 = arith.mulf %add3A_1179, %get3A_1196 : vector<16xf32>
        %swap3A_1198 = arith.index_cast %rem3A_256 : i32 to index
        %swap3A_1199 = arith.index_cast %add3A_1113 : i32 to index
        %swap3A_1200 = arith.constant 16 : index
        %swap3A_1201 = tpu.vector_load %arg15[%swap3A_1198, %swap3A_1199, %swap3A_1200] {strides = array<i32>} : memref<3x128x32xf32, #tpu.memory_space<vmem>>, vector<1x1x16xf32>,
        %swap3A_1202 = vector.shape_cast %swap3A_1201 : vector<1x1x16xf32> to vector<16xf32>
        %swap3A_1203 = vector.shape_cast %mul3A_1197 : vector<16xf32> to vector<1x1x16xf32>
        tpu.vector_store %arg15[%swap3A_1198, %swap3A_1199, %swap3A_1200], %swap3A_1203 {strides = array<i32>} : memref<3x128x32xf32, #tpu.memory_space<vmem>>, vector<1x1x16xf32>,
        %mul3A_1204 = arith.constant 16 : i32
        %mul3A_1205 = arith.muli %add3A_356, %mul3A_1204 : i32
        %add3A_1206 = arith.constant 9 : i32
        %add3A_1207 = arith.addi %mul3A_1205, %add3A_1206 : i32
        %slice3A_1208 = vector.extract_strided_slice %get3A_363 {offsets = [9], sizes = [1], strides = [1]} : vector<16xi32> to vector<1xi32>
        %squeeze3A_1209 = vector.extract %slice3A_1208[0] : i32 from vector<1xi32>
        %get3A_1210 = arith.index_cast %rem3A_254 : i32 to index
        %get3A_1211 = arith.index_cast %add3A_1207 : i32 to index
        %get3A_1212 = arith.constant 0 : index
        %get3A_1213 = tpu.vector_load %arg14[%get3A_1210, %get3A_1211, %get3A_1212] {strides = array<i32>} : memref<2x128x32xf32, #tpu.memory_space<vmem>>, vector<1x1x16xf32>,
        %get3A_1214 = vector.shape_cast %get3A_1213 : vector<1x1x16xf32> to vector<16xf32>
        %get3A_1215 = arith.index_cast %rem3A_254 : i32 to index
        %get3A_1216 = arith.index_cast %add3A_1207 : i32 to index
        %get3A_1217 = arith.constant 16 : index
        %get3A_1218 = tpu.vector_load %arg14[%get3A_1215, %get3A_1216, %get3A_1217] {strides = array<i32>} : memref<2x128x32xf32, #tpu.memory_space<vmem>>, vector<1x1x16xf32>,
        %get3A_1219 = vector.shape_cast %get3A_1218 : vector<1x1x16xf32> to vector<16xf32>
        %get3A_1220 = arith.index_cast %squeeze3A_1209 : i32 to index
        %get3A_1221 = arith.constant 0 : index
        %get3A_1222 = tpu.vector_load %arg16[%get3A_1220, %get3A_1221] {strides = array<i32>} : memref<125x32xf32, #tpu.memory_space<vmem>>, vector<1x16xf32>,
        %get3A_1223 = vector.shape_cast %get3A_1222 : vector<1x16xf32> to vector<16xf32>
        %get3A_1224 = arith.index_cast %squeeze3A_1209 : i32 to index
        %get3A_1225 = arith.constant 16 : index
        %get3A_1226 = tpu.vector_load %arg16[%get3A_1224, %get3A_1225] {strides = array<i32>} : memref<125x32xf32, #tpu.memory_space<vmem>>, vector<1x16xf32>,
        %get3A_1227 = vector.shape_cast %get3A_1226 : vector<1x16xf32> to vector<16xf32>
        %mul3A_1228 = arith.mulf %get3A_1214, %get3A_1223 : vector<16xf32>
        %lt3A_1229 = arith.constant 0 : i32
        %lt3A_1230 = vector.broadcast %lt3A_1229 : i32 to vector<16xi32>
        %lt3A_1231 = arith.cmpi slt, %xor3A_4, %lt3A_1230 : vector<16xi32>
        %add3A_1232 = arith.constant 16 : i32
        %add3A_1233 = vector.broadcast %add3A_1232 : i32 to vector<16xi32>
        %add3A_1234 = arith.addi %xor3A_4, %add3A_1233 : vector<16xi32>
        %select_n3A_1235 = arith.select %lt3A_1231, %add3A_1234, %xor3A_4 : vector<16xi1>, vector<16xi32>
        %broadcast_in_dim3A_1236 = vector.shape_cast %select_n3A_1235 : vector<16xi32> to vector<16x1xi32>
        %gather3A_1237 = vector.shape_cast %broadcast_in_dim3A_1236 : vector<16x1xi32> to vector<16xi32>
        %gather3A_1238 = tpu.dynamic_gather %mul3A_1228[%gather3A_1237] in [0] : vector<16xf32>, vector<16xi32> -> vector<16xf32>
        %add3A_1239 = arith.addf %mul3A_1228, %gather3A_1238 : vector<16xf32>
        %lt3A_1240 = arith.constant 0 : i32
        %lt3A_1241 = vector.broadcast %lt3A_1240 : i32 to vector<16xi32>
        %lt3A_1242 = arith.cmpi slt, %xor3A_7, %lt3A_1241 : vector<16xi32>
        %add3A_1243 = arith.constant 16 : i32
        %add3A_1244 = vector.broadcast %add3A_1243 : i32 to vector<16xi32>
        %add3A_1245 = arith.addi %xor3A_7, %add3A_1244 : vector<16xi32>
        %select_n3A_1246 = arith.select %lt3A_1242, %add3A_1245, %xor3A_7 : vector<16xi1>, vector<16xi32>
        %broadcast_in_dim3A_1247 = vector.shape_cast %select_n3A_1246 : vector<16xi32> to vector<16x1xi32>
        %gather3A_1248 = vector.shape_cast %broadcast_in_dim3A_1247 : vector<16x1xi32> to vector<16xi32>
        %gather3A_1249 = tpu.dynamic_gather %add3A_1239[%gather3A_1248] in [0] : vector<16xf32>, vector<16xi32> -> vector<16xf32>
        %add3A_1250 = arith.addf %add3A_1239, %gather3A_1249 : vector<16xf32>
        %mul3A_1251 = arith.mulf %get3A_1219, %get3A_1227 : vector<16xf32>
        %lt3A_1252 = arith.constant 0 : i32
        %lt3A_1253 = vector.broadcast %lt3A_1252 : i32 to vector<16xi32>
        %lt3A_1254 = arith.cmpi slt, %xor3A_4, %lt3A_1253 : vector<16xi32>
        %add3A_1255 = arith.constant 16 : i32
        %add3A_1256 = vector.broadcast %add3A_1255 : i32 to vector<16xi32>
        %add3A_1257 = arith.addi %xor3A_4, %add3A_1256 : vector<16xi32>
        %select_n3A_1258 = arith.select %lt3A_1254, %add3A_1257, %xor3A_4 : vector<16xi1>, vector<16xi32>
        %broadcast_in_dim3A_1259 = vector.shape_cast %select_n3A_1258 : vector<16xi32> to vector<16x1xi32>
        %gather3A_1260 = vector.shape_cast %broadcast_in_dim3A_1259 : vector<16x1xi32> to vector<16xi32>
        %gather3A_1261 = tpu.dynamic_gather %mul3A_1251[%gather3A_1260] in [0] : vector<16xf32>, vector<16xi32> -> vector<16xf32>
        %add3A_1262 = arith.addf %mul3A_1251, %gather3A_1261 : vector<16xf32>
        %lt3A_1263 = arith.constant 0 : i32
        %lt3A_1264 = vector.broadcast %lt3A_1263 : i32 to vector<16xi32>
        %lt3A_1265 = arith.cmpi slt, %xor3A_7, %lt3A_1264 : vector<16xi32>
        %add3A_1266 = arith.constant 16 : i32
        %add3A_1267 = vector.broadcast %add3A_1266 : i32 to vector<16xi32>
        %add3A_1268 = arith.addi %xor3A_7, %add3A_1267 : vector<16xi32>
        %select_n3A_1269 = arith.select %lt3A_1265, %add3A_1268, %xor3A_7 : vector<16xi1>, vector<16xi32>
        %broadcast_in_dim3A_1270 = vector.shape_cast %select_n3A_1269 : vector<16xi32> to vector<16x1xi32>
        %gather3A_1271 = vector.shape_cast %broadcast_in_dim3A_1270 : vector<16x1xi32> to vector<16xi32>
        %gather3A_1272 = tpu.dynamic_gather %add3A_1262[%gather3A_1271] in [0] : vector<16xf32>, vector<16xi32> -> vector<16xf32>
        %add3A_1273 = arith.addf %add3A_1262, %gather3A_1272 : vector<16xf32>
        %get3A_1274 = arith.index_cast %rem3A_256 : i32 to index
        %get3A_1275 = arith.index_cast %add3A_1207 : i32 to index
        %get3A_1276 = arith.constant 0 : index
        %get3A_1277 = tpu.vector_load %arg15[%get3A_1274, %get3A_1275, %get3A_1276] {strides = array<i32>} : memref<3x128x32xf32, #tpu.memory_space<vmem>>, vector<1x1x16xf32>,
        %get3A_1278 = vector.shape_cast %get3A_1277 : vector<1x1x16xf32> to vector<16xf32>
        %mul3A_1279 = arith.mulf %add3A_1250, %get3A_1278 : vector<16xf32>
        %swap3A_1280 = arith.index_cast %rem3A_256 : i32 to index
        %swap3A_1281 = arith.index_cast %add3A_1207 : i32 to index
        %swap3A_1282 = arith.constant 0 : index
        %swap3A_1283 = tpu.vector_load %arg15[%swap3A_1280, %swap3A_1281, %swap3A_1282] {strides = array<i32>} : memref<3x128x32xf32, #tpu.memory_space<vmem>>, vector<1x1x16xf32>,
        %swap3A_1284 = vector.shape_cast %swap3A_1283 : vector<1x1x16xf32> to vector<16xf32>
        %swap3A_1285 = vector.shape_cast %mul3A_1279 : vector<16xf32> to vector<1x1x16xf32>
        tpu.vector_store %arg15[%swap3A_1280, %swap3A_1281, %swap3A_1282], %swap3A_1285 {strides = array<i32>} : memref<3x128x32xf32, #tpu.memory_space<vmem>>, vector<1x1x16xf32>,
        %get3A_1286 = arith.index_cast %rem3A_256 : i32 to index
        %get3A_1287 = arith.index_cast %add3A_1207 : i32 to index
        %get3A_1288 = arith.constant 16 : index
        %get3A_1289 = tpu.vector_load %arg15[%get3A_1286, %get3A_1287, %get3A_1288] {strides = array<i32>} : memref<3x128x32xf32, #tpu.memory_space<vmem>>, vector<1x1x16xf32>,
        %get3A_1290 = vector.shape_cast %get3A_1289 : vector<1x1x16xf32> to vector<16xf32>
        %mul3A_1291 = arith.mulf %add3A_1273, %get3A_1290 : vector<16xf32>
        %swap3A_1292 = arith.index_cast %rem3A_256 : i32 to index
        %swap3A_1293 = arith.index_cast %add3A_1207 : i32 to index
        %swap3A_1294 = arith.constant 16 : index
        %swap3A_1295 = tpu.vector_load %arg15[%swap3A_1292, %swap3A_1293, %swap3A_1294] {strides = array<i32>} : memref<3x128x32xf32, #tpu.memory_space<vmem>>, vector<1x1x16xf32>,
        %swap3A_1296 = vector.shape_cast %swap3A_1295 : vector<1x1x16xf32> to vector<16xf32>
        %swap3A_1297 = vector.shape_cast %mul3A_1291 : vector<16xf32> to vector<1x1x16xf32>
        tpu.vector_store %arg15[%swap3A_1292, %swap3A_1293, %swap3A_1294], %swap3A_1297 {strides = array<i32>} : memref<3x128x32xf32, #tpu.memory_space<vmem>>, vector<1x1x16xf32>,
        %mul3A_1298 = arith.constant 16 : i32
        %mul3A_1299 = arith.muli %add3A_356, %mul3A_1298 : i32
        %add3A_1300 = arith.constant 10 : i32
        %add3A_1301 = arith.addi %mul3A_1299, %add3A_1300 : i32
        %slice3A_1302 = vector.extract_strided_slice %get3A_363 {offsets = [10], sizes = [1], strides = [1]} : vector<16xi32> to vector<1xi32>
        %squeeze3A_1303 = vector.extract %slice3A_1302[0] : i32 from vector<1xi32>
        %get3A_1304 = arith.index_cast %rem3A_254 : i32 to index
        %get3A_1305 = arith.index_cast %add3A_1301 : i32 to index
        %get3A_1306 = arith.constant 0 : index
        %get3A_1307 = tpu.vector_load %arg14[%get3A_1304, %get3A_1305, %get3A_1306] {strides = array<i32>} : memref<2x128x32xf32, #tpu.memory_space<vmem>>, vector<1x1x16xf32>,
        %get3A_1308 = vector.shape_cast %get3A_1307 : vector<1x1x16xf32> to vector<16xf32>
        %get3A_1309 = arith.index_cast %rem3A_254 : i32 to index
        %get3A_1310 = arith.index_cast %add3A_1301 : i32 to index
        %get3A_1311 = arith.constant 16 : index
        %get3A_1312 = tpu.vector_load %arg14[%get3A_1309, %get3A_1310, %get3A_1311] {strides = array<i32>} : memref<2x128x32xf32, #tpu.memory_space<vmem>>, vector<1x1x16xf32>,
        %get3A_1313 = vector.shape_cast %get3A_1312 : vector<1x1x16xf32> to vector<16xf32>
        %get3A_1314 = arith.index_cast %squeeze3A_1303 : i32 to index
        %get3A_1315 = arith.constant 0 : index
        %get3A_1316 = tpu.vector_load %arg16[%get3A_1314, %get3A_1315] {strides = array<i32>} : memref<125x32xf32, #tpu.memory_space<vmem>>, vector<1x16xf32>,
        %get3A_1317 = vector.shape_cast %get3A_1316 : vector<1x16xf32> to vector<16xf32>
        %get3A_1318 = arith.index_cast %squeeze3A_1303 : i32 to index
        %get3A_1319 = arith.constant 16 : index
        %get3A_1320 = tpu.vector_load %arg16[%get3A_1318, %get3A_1319] {strides = array<i32>} : memref<125x32xf32, #tpu.memory_space<vmem>>, vector<1x16xf32>,
        %get3A_1321 = vector.shape_cast %get3A_1320 : vector<1x16xf32> to vector<16xf32>
        %mul3A_1322 = arith.mulf %get3A_1308, %get3A_1317 : vector<16xf32>
        %lt3A_1323 = arith.constant 0 : i32
        %lt3A_1324 = vector.broadcast %lt3A_1323 : i32 to vector<16xi32>
        %lt3A_1325 = arith.cmpi slt, %xor3A_4, %lt3A_1324 : vector<16xi32>
        %add3A_1326 = arith.constant 16 : i32
        %add3A_1327 = vector.broadcast %add3A_1326 : i32 to vector<16xi32>
        %add3A_1328 = arith.addi %xor3A_4, %add3A_1327 : vector<16xi32>
        %select_n3A_1329 = arith.select %lt3A_1325, %add3A_1328, %xor3A_4 : vector<16xi1>, vector<16xi32>
        %broadcast_in_dim3A_1330 = vector.shape_cast %select_n3A_1329 : vector<16xi32> to vector<16x1xi32>
        %gather3A_1331 = vector.shape_cast %broadcast_in_dim3A_1330 : vector<16x1xi32> to vector<16xi32>
        %gather3A_1332 = tpu.dynamic_gather %mul3A_1322[%gather3A_1331] in [0] : vector<16xf32>, vector<16xi32> -> vector<16xf32>
        %add3A_1333 = arith.addf %mul3A_1322, %gather3A_1332 : vector<16xf32>
        %lt3A_1334 = arith.constant 0 : i32
        %lt3A_1335 = vector.broadcast %lt3A_1334 : i32 to vector<16xi32>
        %lt3A_1336 = arith.cmpi slt, %xor3A_7, %lt3A_1335 : vector<16xi32>
        %add3A_1337 = arith.constant 16 : i32
        %add3A_1338 = vector.broadcast %add3A_1337 : i32 to vector<16xi32>
        %add3A_1339 = arith.addi %xor3A_7, %add3A_1338 : vector<16xi32>
        %select_n3A_1340 = arith.select %lt3A_1336, %add3A_1339, %xor3A_7 : vector<16xi1>, vector<16xi32>
        %broadcast_in_dim3A_1341 = vector.shape_cast %select_n3A_1340 : vector<16xi32> to vector<16x1xi32>
        %gather3A_1342 = vector.shape_cast %broadcast_in_dim3A_1341 : vector<16x1xi32> to vector<16xi32>
        %gather3A_1343 = tpu.dynamic_gather %add3A_1333[%gather3A_1342] in [0] : vector<16xf32>, vector<16xi32> -> vector<16xf32>
        %add3A_1344 = arith.addf %add3A_1333, %gather3A_1343 : vector<16xf32>
        %mul3A_1345 = arith.mulf %get3A_1313, %get3A_1321 : vector<16xf32>
        %lt3A_1346 = arith.constant 0 : i32
        %lt3A_1347 = vector.broadcast %lt3A_1346 : i32 to vector<16xi32>
        %lt3A_1348 = arith.cmpi slt, %xor3A_4, %lt3A_1347 : vector<16xi32>
        %add3A_1349 = arith.constant 16 : i32
        %add3A_1350 = vector.broadcast %add3A_1349 : i32 to vector<16xi32>
        %add3A_1351 = arith.addi %xor3A_4, %add3A_1350 : vector<16xi32>
        %select_n3A_1352 = arith.select %lt3A_1348, %add3A_1351, %xor3A_4 : vector<16xi1>, vector<16xi32>
        %broadcast_in_dim3A_1353 = vector.shape_cast %select_n3A_1352 : vector<16xi32> to vector<16x1xi32>
        %gather3A_1354 = vector.shape_cast %broadcast_in_dim3A_1353 : vector<16x1xi32> to vector<16xi32>
        %gather3A_1355 = tpu.dynamic_gather %mul3A_1345[%gather3A_1354] in [0] : vector<16xf32>, vector<16xi32> -> vector<16xf32>
        %add3A_1356 = arith.addf %mul3A_1345, %gather3A_1355 : vector<16xf32>
        %lt3A_1357 = arith.constant 0 : i32
        %lt3A_1358 = vector.broadcast %lt3A_1357 : i32 to vector<16xi32>
        %lt3A_1359 = arith.cmpi slt, %xor3A_7, %lt3A_1358 : vector<16xi32>
        %add3A_1360 = arith.constant 16 : i32
        %add3A_1361 = vector.broadcast %add3A_1360 : i32 to vector<16xi32>
        %add3A_1362 = arith.addi %xor3A_7, %add3A_1361 : vector<16xi32>
        %select_n3A_1363 = arith.select %lt3A_1359, %add3A_1362, %xor3A_7 : vector<16xi1>, vector<16xi32>
        %broadcast_in_dim3A_1364 = vector.shape_cast %select_n3A_1363 : vector<16xi32> to vector<16x1xi32>
        %gather3A_1365 = vector.shape_cast %broadcast_in_dim3A_1364 : vector<16x1xi32> to vector<16xi32>
        %gather3A_1366 = tpu.dynamic_gather %add3A_1356[%gather3A_1365] in [0] : vector<16xf32>, vector<16xi32> -> vector<16xf32>
        %add3A_1367 = arith.addf %add3A_1356, %gather3A_1366 : vector<16xf32>
        %get3A_1368 = arith.index_cast %rem3A_256 : i32 to index
        %get3A_1369 = arith.index_cast %add3A_1301 : i32 to index
        %get3A_1370 = arith.constant 0 : index
        %get3A_1371 = tpu.vector_load %arg15[%get3A_1368, %get3A_1369, %get3A_1370] {strides = array<i32>} : memref<3x128x32xf32, #tpu.memory_space<vmem>>, vector<1x1x16xf32>,
        %get3A_1372 = vector.shape_cast %get3A_1371 : vector<1x1x16xf32> to vector<16xf32>
        %mul3A_1373 = arith.mulf %add3A_1344, %get3A_1372 : vector<16xf32>
        %swap3A_1374 = arith.index_cast %rem3A_256 : i32 to index
        %swap3A_1375 = arith.index_cast %add3A_1301 : i32 to index
        %swap3A_1376 = arith.constant 0 : index
        %swap3A_1377 = tpu.vector_load %arg15[%swap3A_1374, %swap3A_1375, %swap3A_1376] {strides = array<i32>} : memref<3x128x32xf32, #tpu.memory_space<vmem>>, vector<1x1x16xf32>,
        %swap3A_1378 = vector.shape_cast %swap3A_1377 : vector<1x1x16xf32> to vector<16xf32>
        %swap3A_1379 = vector.shape_cast %mul3A_1373 : vector<16xf32> to vector<1x1x16xf32>
        tpu.vector_store %arg15[%swap3A_1374, %swap3A_1375, %swap3A_1376], %swap3A_1379 {strides = array<i32>} : memref<3x128x32xf32, #tpu.memory_space<vmem>>, vector<1x1x16xf32>,
        %get3A_1380 = arith.index_cast %rem3A_256 : i32 to index
        %get3A_1381 = arith.index_cast %add3A_1301 : i32 to index
        %get3A_1382 = arith.constant 16 : index
        %get3A_1383 = tpu.vector_load %arg15[%get3A_1380, %get3A_1381, %get3A_1382] {strides = array<i32>} : memref<3x128x32xf32, #tpu.memory_space<vmem>>, vector<1x1x16xf32>,
        %get3A_1384 = vector.shape_cast %get3A_1383 : vector<1x1x16xf32> to vector<16xf32>
        %mul3A_1385 = arith.mulf %add3A_1367, %get3A_1384 : vector<16xf32>
        %swap3A_1386 = arith.index_cast %rem3A_256 : i32 to index
        %swap3A_1387 = arith.index_cast %add3A_1301 : i32 to index
        %swap3A_1388 = arith.constant 16 : index
        %swap3A_1389 = tpu.vector_load %arg15[%swap3A_1386, %swap3A_1387, %swap3A_1388] {strides = array<i32>} : memref<3x128x32xf32, #tpu.memory_space<vmem>>, vector<1x1x16xf32>,
        %swap3A_1390 = vector.shape_cast %swap3A_1389 : vector<1x1x16xf32> to vector<16xf32>
        %swap3A_1391 = vector.shape_cast %mul3A_1385 : vector<16xf32> to vector<1x1x16xf32>
        tpu.vector_store %arg15[%swap3A_1386, %swap3A_1387, %swap3A_1388], %swap3A_1391 {strides = array<i32>} : memref<3x128x32xf32, #tpu.memory_space<vmem>>, vector<1x1x16xf32>,
        %mul3A_1392 = arith.constant 16 : i32
        %mul3A_1393 = arith.muli %add3A_356, %mul3A_1392 : i32
        %add3A_1394 = arith.constant 11 : i32
        %add3A_1395 = arith.addi %mul3A_1393, %add3A_1394 : i32
        %slice3A_1396 = vector.extract_strided_slice %get3A_363 {offsets = [11], sizes = [1], strides = [1]} : vector<16xi32> to vector<1xi32>
        %squeeze3A_1397 = vector.extract %slice3A_1396[0] : i32 from vector<1xi32>
        %get3A_1398 = arith.index_cast %rem3A_254 : i32 to index
        %get3A_1399 = arith.index_cast %add3A_1395 : i32 to index
        %get3A_1400 = arith.constant 0 : index
        %get3A_1401 = tpu.vector_load %arg14[%get3A_1398, %get3A_1399, %get3A_1400] {strides = array<i32>} : memref<2x128x32xf32, #tpu.memory_space<vmem>>, vector<1x1x16xf32>,
        %get3A_1402 = vector.shape_cast %get3A_1401 : vector<1x1x16xf32> to vector<16xf32>
        %get3A_1403 = arith.index_cast %rem3A_254 : i32 to index
        %get3A_1404 = arith.index_cast %add3A_1395 : i32 to index
        %get3A_1405 = arith.constant 16 : index
        %get3A_1406 = tpu.vector_load %arg14[%get3A_1403, %get3A_1404, %get3A_1405] {strides = array<i32>} : memref<2x128x32xf32, #tpu.memory_space<vmem>>, vector<1x1x16xf32>,
        %get3A_1407 = vector.shape_cast %get3A_1406 : vector<1x1x16xf32> to vector<16xf32>
        %get3A_1408 = arith.index_cast %squeeze3A_1397 : i32 to index
        %get3A_1409 = arith.constant 0 : index
        %get3A_1410 = tpu.vector_load %arg16[%get3A_1408, %get3A_1409] {strides = array<i32>} : memref<125x32xf32, #tpu.memory_space<vmem>>, vector<1x16xf32>,
        %get3A_1411 = vector.shape_cast %get3A_1410 : vector<1x16xf32> to vector<16xf32>
        %get3A_1412 = arith.index_cast %squeeze3A_1397 : i32 to index
        %get3A_1413 = arith.constant 16 : index
        %get3A_1414 = tpu.vector_load %arg16[%get3A_1412, %get3A_1413] {strides = array<i32>} : memref<125x32xf32, #tpu.memory_space<vmem>>, vector<1x16xf32>,
        %get3A_1415 = vector.shape_cast %get3A_1414 : vector<1x16xf32> to vector<16xf32>
        %mul3A_1416 = arith.mulf %get3A_1402, %get3A_1411 : vector<16xf32>
        %lt3A_1417 = arith.constant 0 : i32
        %lt3A_1418 = vector.broadcast %lt3A_1417 : i32 to vector<16xi32>
        %lt3A_1419 = arith.cmpi slt, %xor3A_4, %lt3A_1418 : vector<16xi32>
        %add3A_1420 = arith.constant 16 : i32
        %add3A_1421 = vector.broadcast %add3A_1420 : i32 to vector<16xi32>
        %add3A_1422 = arith.addi %xor3A_4, %add3A_1421 : vector<16xi32>
        %select_n3A_1423 = arith.select %lt3A_1419, %add3A_1422, %xor3A_4 : vector<16xi1>, vector<16xi32>
        %broadcast_in_dim3A_1424 = vector.shape_cast %select_n3A_1423 : vector<16xi32> to vector<16x1xi32>
        %gather3A_1425 = vector.shape_cast %broadcast_in_dim3A_1424 : vector<16x1xi32> to vector<16xi32>
        %gather3A_1426 = tpu.dynamic_gather %mul3A_1416[%gather3A_1425] in [0] : vector<16xf32>, vector<16xi32> -> vector<16xf32>
        %add3A_1427 = arith.addf %mul3A_1416, %gather3A_1426 : vector<16xf32>
        %lt3A_1428 = arith.constant 0 : i32
        %lt3A_1429 = vector.broadcast %lt3A_1428 : i32 to vector<16xi32>
        %lt3A_1430 = arith.cmpi slt, %xor3A_7, %lt3A_1429 : vector<16xi32>
        %add3A_1431 = arith.constant 16 : i32
        %add3A_1432 = vector.broadcast %add3A_1431 : i32 to vector<16xi32>
        %add3A_1433 = arith.addi %xor3A_7, %add3A_1432 : vector<16xi32>
        %select_n3A_1434 = arith.select %lt3A_1430, %add3A_1433, %xor3A_7 : vector<16xi1>, vector<16xi32>
        %broadcast_in_dim3A_1435 = vector.shape_cast %select_n3A_1434 : vector<16xi32> to vector<16x1xi32>
        %gather3A_1436 = vector.shape_cast %broadcast_in_dim3A_1435 : vector<16x1xi32> to vector<16xi32>
        %gather3A_1437 = tpu.dynamic_gather %add3A_1427[%gather3A_1436] in [0] : vector<16xf32>, vector<16xi32> -> vector<16xf32>
        %add3A_1438 = arith.addf %add3A_1427, %gather3A_1437 : vector<16xf32>
        %mul3A_1439 = arith.mulf %get3A_1407, %get3A_1415 : vector<16xf32>
        %lt3A_1440 = arith.constant 0 : i32
        %lt3A_1441 = vector.broadcast %lt3A_1440 : i32 to vector<16xi32>
        %lt3A_1442 = arith.cmpi slt, %xor3A_4, %lt3A_1441 : vector<16xi32>
        %add3A_1443 = arith.constant 16 : i32
        %add3A_1444 = vector.broadcast %add3A_1443 : i32 to vector<16xi32>
        %add3A_1445 = arith.addi %xor3A_4, %add3A_1444 : vector<16xi32>
        %select_n3A_1446 = arith.select %lt3A_1442, %add3A_1445, %xor3A_4 : vector<16xi1>, vector<16xi32>
        %broadcast_in_dim3A_1447 = vector.shape_cast %select_n3A_1446 : vector<16xi32> to vector<16x1xi32>
        %gather3A_1448 = vector.shape_cast %broadcast_in_dim3A_1447 : vector<16x1xi32> to vector<16xi32>
        %gather3A_1449 = tpu.dynamic_gather %mul3A_1439[%gather3A_1448] in [0] : vector<16xf32>, vector<16xi32> -> vector<16xf32>
        %add3A_1450 = arith.addf %mul3A_1439, %gather3A_1449 : vector<16xf32>
        %lt3A_1451 = arith.constant 0 : i32
        %lt3A_1452 = vector.broadcast %lt3A_1451 : i32 to vector<16xi32>
        %lt3A_1453 = arith.cmpi slt, %xor3A_7, %lt3A_1452 : vector<16xi32>
        %add3A_1454 = arith.constant 16 : i32
        %add3A_1455 = vector.broadcast %add3A_1454 : i32 to vector<16xi32>
        %add3A_1456 = arith.addi %xor3A_7, %add3A_1455 : vector<16xi32>
        %select_n3A_1457 = arith.select %lt3A_1453, %add3A_1456, %xor3A_7 : vector<16xi1>, vector<16xi32>
        %broadcast_in_dim3A_1458 = vector.shape_cast %select_n3A_1457 : vector<16xi32> to vector<16x1xi32>
        %gather3A_1459 = vector.shape_cast %broadcast_in_dim3A_1458 : vector<16x1xi32> to vector<16xi32>
        %gather3A_1460 = tpu.dynamic_gather %add3A_1450[%gather3A_1459] in [0] : vector<16xf32>, vector<16xi32> -> vector<16xf32>
        %add3A_1461 = arith.addf %add3A_1450, %gather3A_1460 : vector<16xf32>
        %get3A_1462 = arith.index_cast %rem3A_256 : i32 to index
        %get3A_1463 = arith.index_cast %add3A_1395 : i32 to index
        %get3A_1464 = arith.constant 0 : index
        %get3A_1465 = tpu.vector_load %arg15[%get3A_1462, %get3A_1463, %get3A_1464] {strides = array<i32>} : memref<3x128x32xf32, #tpu.memory_space<vmem>>, vector<1x1x16xf32>,
        %get3A_1466 = vector.shape_cast %get3A_1465 : vector<1x1x16xf32> to vector<16xf32>
        %mul3A_1467 = arith.mulf %add3A_1438, %get3A_1466 : vector<16xf32>
        %swap3A_1468 = arith.index_cast %rem3A_256 : i32 to index
        %swap3A_1469 = arith.index_cast %add3A_1395 : i32 to index
        %swap3A_1470 = arith.constant 0 : index
        %swap3A_1471 = tpu.vector_load %arg15[%swap3A_1468, %swap3A_1469, %swap3A_1470] {strides = array<i32>} : memref<3x128x32xf32, #tpu.memory_space<vmem>>, vector<1x1x16xf32>,
        %swap3A_1472 = vector.shape_cast %swap3A_1471 : vector<1x1x16xf32> to vector<16xf32>
        %swap3A_1473 = vector.shape_cast %mul3A_1467 : vector<16xf32> to vector<1x1x16xf32>
        tpu.vector_store %arg15[%swap3A_1468, %swap3A_1469, %swap3A_1470], %swap3A_1473 {strides = array<i32>} : memref<3x128x32xf32, #tpu.memory_space<vmem>>, vector<1x1x16xf32>,
        %get3A_1474 = arith.index_cast %rem3A_256 : i32 to index
        %get3A_1475 = arith.index_cast %add3A_1395 : i32 to index
        %get3A_1476 = arith.constant 16 : index
        %get3A_1477 = tpu.vector_load %arg15[%get3A_1474, %get3A_1475, %get3A_1476] {strides = array<i32>} : memref<3x128x32xf32, #tpu.memory_space<vmem>>, vector<1x1x16xf32>,
        %get3A_1478 = vector.shape_cast %get3A_1477 : vector<1x1x16xf32> to vector<16xf32>
        %mul3A_1479 = arith.mulf %add3A_1461, %get3A_1478 : vector<16xf32>
        %swap3A_1480 = arith.index_cast %rem3A_256 : i32 to index
        %swap3A_1481 = arith.index_cast %add3A_1395 : i32 to index
        %swap3A_1482 = arith.constant 16 : index
        %swap3A_1483 = tpu.vector_load %arg15[%swap3A_1480, %swap3A_1481, %swap3A_1482] {strides = array<i32>} : memref<3x128x32xf32, #tpu.memory_space<vmem>>, vector<1x1x16xf32>,
        %swap3A_1484 = vector.shape_cast %swap3A_1483 : vector<1x1x16xf32> to vector<16xf32>
        %swap3A_1485 = vector.shape_cast %mul3A_1479 : vector<16xf32> to vector<1x1x16xf32>
        tpu.vector_store %arg15[%swap3A_1480, %swap3A_1481, %swap3A_1482], %swap3A_1485 {strides = array<i32>} : memref<3x128x32xf32, #tpu.memory_space<vmem>>, vector<1x1x16xf32>,
        %mul3A_1486 = arith.constant 16 : i32
        %mul3A_1487 = arith.muli %add3A_356, %mul3A_1486 : i32
        %add3A_1488 = arith.constant 12 : i32
        %add3A_1489 = arith.addi %mul3A_1487, %add3A_1488 : i32
        %slice3A_1490 = vector.extract_strided_slice %get3A_363 {offsets = [12], sizes = [1], strides = [1]} : vector<16xi32> to vector<1xi32>
        %squeeze3A_1491 = vector.extract %slice3A_1490[0] : i32 from vector<1xi32>
        %get3A_1492 = arith.index_cast %rem3A_254 : i32 to index
        %get3A_1493 = arith.index_cast %add3A_1489 : i32 to index
        %get3A_1494 = arith.constant 0 : index
        %get3A_1495 = tpu.vector_load %arg14[%get3A_1492, %get3A_1493, %get3A_1494] {strides = array<i32>} : memref<2x128x32xf32, #tpu.memory_space<vmem>>, vector<1x1x16xf32>,
        %get3A_1496 = vector.shape_cast %get3A_1495 : vector<1x1x16xf32> to vector<16xf32>
        %get3A_1497 = arith.index_cast %rem3A_254 : i32 to index
        %get3A_1498 = arith.index_cast %add3A_1489 : i32 to index
        %get3A_1499 = arith.constant 16 : index
        %get3A_1500 = tpu.vector_load %arg14[%get3A_1497, %get3A_1498, %get3A_1499] {strides = array<i32>} : memref<2x128x32xf32, #tpu.memory_space<vmem>>, vector<1x1x16xf32>,
        %get3A_1501 = vector.shape_cast %get3A_1500 : vector<1x1x16xf32> to vector<16xf32>
        %get3A_1502 = arith.index_cast %squeeze3A_1491 : i32 to index
        %get3A_1503 = arith.constant 0 : index
        %get3A_1504 = tpu.vector_load %arg16[%get3A_1502, %get3A_1503] {strides = array<i32>} : memref<125x32xf32, #tpu.memory_space<vmem>>, vector<1x16xf32>,
        %get3A_1505 = vector.shape_cast %get3A_1504 : vector<1x16xf32> to vector<16xf32>
        %get3A_1506 = arith.index_cast %squeeze3A_1491 : i32 to index
        %get3A_1507 = arith.constant 16 : index
        %get3A_1508 = tpu.vector_load %arg16[%get3A_1506, %get3A_1507] {strides = array<i32>} : memref<125x32xf32, #tpu.memory_space<vmem>>, vector<1x16xf32>,
        %get3A_1509 = vector.shape_cast %get3A_1508 : vector<1x16xf32> to vector<16xf32>
        %mul3A_1510 = arith.mulf %get3A_1496, %get3A_1505 : vector<16xf32>
        %lt3A_1511 = arith.constant 0 : i32
        %lt3A_1512 = vector.broadcast %lt3A_1511 : i32 to vector<16xi32>
        %lt3A_1513 = arith.cmpi slt, %xor3A_4, %lt3A_1512 : vector<16xi32>
        %add3A_1514 = arith.constant 16 : i32
        %add3A_1515 = vector.broadcast %add3A_1514 : i32 to vector<16xi32>
        %add3A_1516 = arith.addi %xor3A_4, %add3A_1515 : vector<16xi32>
        %select_n3A_1517 = arith.select %lt3A_1513, %add3A_1516, %xor3A_4 : vector<16xi1>, vector<16xi32>
        %broadcast_in_dim3A_1518 = vector.shape_cast %select_n3A_1517 : vector<16xi32> to vector<16x1xi32>
        %gather3A_1519 = vector.shape_cast %broadcast_in_dim3A_1518 : vector<16x1xi32> to vector<16xi32>
        %gather3A_1520 = tpu.dynamic_gather %mul3A_1510[%gather3A_1519] in [0] : vector<16xf32>, vector<16xi32> -> vector<16xf32>
        %add3A_1521 = arith.addf %mul3A_1510, %gather3A_1520 : vector<16xf32>
        %lt3A_1522 = arith.constant 0 : i32
        %lt3A_1523 = vector.broadcast %lt3A_1522 : i32 to vector<16xi32>
        %lt3A_1524 = arith.cmpi slt, %xor3A_7, %lt3A_1523 : vector<16xi32>
        %add3A_1525 = arith.constant 16 : i32
        %add3A_1526 = vector.broadcast %add3A_1525 : i32 to vector<16xi32>
        %add3A_1527 = arith.addi %xor3A_7, %add3A_1526 : vector<16xi32>
        %select_n3A_1528 = arith.select %lt3A_1524, %add3A_1527, %xor3A_7 : vector<16xi1>, vector<16xi32>
        %broadcast_in_dim3A_1529 = vector.shape_cast %select_n3A_1528 : vector<16xi32> to vector<16x1xi32>
        %gather3A_1530 = vector.shape_cast %broadcast_in_dim3A_1529 : vector<16x1xi32> to vector<16xi32>
        %gather3A_1531 = tpu.dynamic_gather %add3A_1521[%gather3A_1530] in [0] : vector<16xf32>, vector<16xi32> -> vector<16xf32>
        %add3A_1532 = arith.addf %add3A_1521, %gather3A_1531 : vector<16xf32>
        %mul3A_1533 = arith.mulf %get3A_1501, %get3A_1509 : vector<16xf32>
        %lt3A_1534 = arith.constant 0 : i32
        %lt3A_1535 = vector.broadcast %lt3A_1534 : i32 to vector<16xi32>
        %lt3A_1536 = arith.cmpi slt, %xor3A_4, %lt3A_1535 : vector<16xi32>
        %add3A_1537 = arith.constant 16 : i32
        %add3A_1538 = vector.broadcast %add3A_1537 : i32 to vector<16xi32>
        %add3A_1539 = arith.addi %xor3A_4, %add3A_1538 : vector<16xi32>
        %select_n3A_1540 = arith.select %lt3A_1536, %add3A_1539, %xor3A_4 : vector<16xi1>, vector<16xi32>
        %broadcast_in_dim3A_1541 = vector.shape_cast %select_n3A_1540 : vector<16xi32> to vector<16x1xi32>
        %gather3A_1542 = vector.shape_cast %broadcast_in_dim3A_1541 : vector<16x1xi32> to vector<16xi32>
        %gather3A_1543 = tpu.dynamic_gather %mul3A_1533[%gather3A_1542] in [0] : vector<16xf32>, vector<16xi32> -> vector<16xf32>
        %add3A_1544 = arith.addf %mul3A_1533, %gather3A_1543 : vector<16xf32>
        %lt3A_1545 = arith.constant 0 : i32
        %lt3A_1546 = vector.broadcast %lt3A_1545 : i32 to vector<16xi32>
        %lt3A_1547 = arith.cmpi slt, %xor3A_7, %lt3A_1546 : vector<16xi32>
        %add3A_1548 = arith.constant 16 : i32
        %add3A_1549 = vector.broadcast %add3A_1548 : i32 to vector<16xi32>
        %add3A_1550 = arith.addi %xor3A_7, %add3A_1549 : vector<16xi32>
        %select_n3A_1551 = arith.select %lt3A_1547, %add3A_1550, %xor3A_7 : vector<16xi1>, vector<16xi32>
        %broadcast_in_dim3A_1552 = vector.shape_cast %select_n3A_1551 : vector<16xi32> to vector<16x1xi32>
        %gather3A_1553 = vector.shape_cast %broadcast_in_dim3A_1552 : vector<16x1xi32> to vector<16xi32>
        %gather3A_1554 = tpu.dynamic_gather %add3A_1544[%gather3A_1553] in [0] : vector<16xf32>, vector<16xi32> -> vector<16xf32>
        %add3A_1555 = arith.addf %add3A_1544, %gather3A_1554 : vector<16xf32>
        %get3A_1556 = arith.index_cast %rem3A_256 : i32 to index
        %get3A_1557 = arith.index_cast %add3A_1489 : i32 to index
        %get3A_1558 = arith.constant 0 : index
        %get3A_1559 = tpu.vector_load %arg15[%get3A_1556, %get3A_1557, %get3A_1558] {strides = array<i32>} : memref<3x128x32xf32, #tpu.memory_space<vmem>>, vector<1x1x16xf32>,
        %get3A_1560 = vector.shape_cast %get3A_1559 : vector<1x1x16xf32> to vector<16xf32>
        %mul3A_1561 = arith.mulf %add3A_1532, %get3A_1560 : vector<16xf32>
        %swap3A_1562 = arith.index_cast %rem3A_256 : i32 to index
        %swap3A_1563 = arith.index_cast %add3A_1489 : i32 to index
        %swap3A_1564 = arith.constant 0 : index
        %swap3A_1565 = tpu.vector_load %arg15[%swap3A_1562, %swap3A_1563, %swap3A_1564] {strides = array<i32>} : memref<3x128x32xf32, #tpu.memory_space<vmem>>, vector<1x1x16xf32>,
        %swap3A_1566 = vector.shape_cast %swap3A_1565 : vector<1x1x16xf32> to vector<16xf32>
        %swap3A_1567 = vector.shape_cast %mul3A_1561 : vector<16xf32> to vector<1x1x16xf32>
        tpu.vector_store %arg15[%swap3A_1562, %swap3A_1563, %swap3A_1564], %swap3A_1567 {strides = array<i32>} : memref<3x128x32xf32, #tpu.memory_space<vmem>>, vector<1x1x16xf32>,
        %get3A_1568 = arith.index_cast %rem3A_256 : i32 to index
        %get3A_1569 = arith.index_cast %add3A_1489 : i32 to index
        %get3A_1570 = arith.constant 16 : index
        %get3A_1571 = tpu.vector_load %arg15[%get3A_1568, %get3A_1569, %get3A_1570] {strides = array<i32>} : memref<3x128x32xf32, #tpu.memory_space<vmem>>, vector<1x1x16xf32>,
        %get3A_1572 = vector.shape_cast %get3A_1571 : vector<1x1x16xf32> to vector<16xf32>
        %mul3A_1573 = arith.mulf %add3A_1555, %get3A_1572 : vector<16xf32>
        %swap3A_1574 = arith.index_cast %rem3A_256 : i32 to index
        %swap3A_1575 = arith.index_cast %add3A_1489 : i32 to index
        %swap3A_1576 = arith.constant 16 : index
        %swap3A_1577 = tpu.vector_load %arg15[%swap3A_1574, %swap3A_1575, %swap3A_1576] {strides = array<i32>} : memref<3x128x32xf32, #tpu.memory_space<vmem>>, vector<1x1x16xf32>,
        %swap3A_1578 = vector.shape_cast %swap3A_1577 : vector<1x1x16xf32> to vector<16xf32>
        %swap3A_1579 = vector.shape_cast %mul3A_1573 : vector<16xf32> to vector<1x1x16xf32>
        tpu.vector_store %arg15[%swap3A_1574, %swap3A_1575, %swap3A_1576], %swap3A_1579 {strides = array<i32>} : memref<3x128x32xf32, #tpu.memory_space<vmem>>, vector<1x1x16xf32>,
        %mul3A_1580 = arith.constant 16 : i32
        %mul3A_1581 = arith.muli %add3A_356, %mul3A_1580 : i32
        %add3A_1582 = arith.constant 13 : i32
        %add3A_1583 = arith.addi %mul3A_1581, %add3A_1582 : i32
        %slice3A_1584 = vector.extract_strided_slice %get3A_363 {offsets = [13], sizes = [1], strides = [1]} : vector<16xi32> to vector<1xi32>
        %squeeze3A_1585 = vector.extract %slice3A_1584[0] : i32 from vector<1xi32>
        %get3A_1586 = arith.index_cast %rem3A_254 : i32 to index
        %get3A_1587 = arith.index_cast %add3A_1583 : i32 to index
        %get3A_1588 = arith.constant 0 : index
        %get3A_1589 = tpu.vector_load %arg14[%get3A_1586, %get3A_1587, %get3A_1588] {strides = array<i32>} : memref<2x128x32xf32, #tpu.memory_space<vmem>>, vector<1x1x16xf32>,
        %get3A_1590 = vector.shape_cast %get3A_1589 : vector<1x1x16xf32> to vector<16xf32>
        %get3A_1591 = arith.index_cast %rem3A_254 : i32 to index
        %get3A_1592 = arith.index_cast %add3A_1583 : i32 to index
        %get3A_1593 = arith.constant 16 : index
        %get3A_1594 = tpu.vector_load %arg14[%get3A_1591, %get3A_1592, %get3A_1593] {strides = array<i32>} : memref<2x128x32xf32, #tpu.memory_space<vmem>>, vector<1x1x16xf32>,
        %get3A_1595 = vector.shape_cast %get3A_1594 : vector<1x1x16xf32> to vector<16xf32>
        %get3A_1596 = arith.index_cast %squeeze3A_1585 : i32 to index
        %get3A_1597 = arith.constant 0 : index
        %get3A_1598 = tpu.vector_load %arg16[%get3A_1596, %get3A_1597] {strides = array<i32>} : memref<125x32xf32, #tpu.memory_space<vmem>>, vector<1x16xf32>,
        %get3A_1599 = vector.shape_cast %get3A_1598 : vector<1x16xf32> to vector<16xf32>
        %get3A_1600 = arith.index_cast %squeeze3A_1585 : i32 to index
        %get3A_1601 = arith.constant 16 : index
        %get3A_1602 = tpu.vector_load %arg16[%get3A_1600, %get3A_1601] {strides = array<i32>} : memref<125x32xf32, #tpu.memory_space<vmem>>, vector<1x16xf32>,
        %get3A_1603 = vector.shape_cast %get3A_1602 : vector<1x16xf32> to vector<16xf32>
        %mul3A_1604 = arith.mulf %get3A_1590, %get3A_1599 : vector<16xf32>
        %lt3A_1605 = arith.constant 0 : i32
        %lt3A_1606 = vector.broadcast %lt3A_1605 : i32 to vector<16xi32>
        %lt3A_1607 = arith.cmpi slt, %xor3A_4, %lt3A_1606 : vector<16xi32>
        %add3A_1608 = arith.constant 16 : i32
        %add3A_1609 = vector.broadcast %add3A_1608 : i32 to vector<16xi32>
        %add3A_1610 = arith.addi %xor3A_4, %add3A_1609 : vector<16xi32>
        %select_n3A_1611 = arith.select %lt3A_1607, %add3A_1610, %xor3A_4 : vector<16xi1>, vector<16xi32>
        %broadcast_in_dim3A_1612 = vector.shape_cast %select_n3A_1611 : vector<16xi32> to vector<16x1xi32>
        %gather3A_1613 = vector.shape_cast %broadcast_in_dim3A_1612 : vector<16x1xi32> to vector<16xi32>
        %gather3A_1614 = tpu.dynamic_gather %mul3A_1604[%gather3A_1613] in [0] : vector<16xf32>, vector<16xi32> -> vector<16xf32>
        %add3A_1615 = arith.addf %mul3A_1604, %gather3A_1614 : vector<16xf32>
        %lt3A_1616 = arith.constant 0 : i32
        %lt3A_1617 = vector.broadcast %lt3A_1616 : i32 to vector<16xi32>
        %lt3A_1618 = arith.cmpi slt, %xor3A_7, %lt3A_1617 : vector<16xi32>
        %add3A_1619 = arith.constant 16 : i32
        %add3A_1620 = vector.broadcast %add3A_1619 : i32 to vector<16xi32>
        %add3A_1621 = arith.addi %xor3A_7, %add3A_1620 : vector<16xi32>
        %select_n3A_1622 = arith.select %lt3A_1618, %add3A_1621, %xor3A_7 : vector<16xi1>, vector<16xi32>
        %broadcast_in_dim3A_1623 = vector.shape_cast %select_n3A_1622 : vector<16xi32> to vector<16x1xi32>
        %gather3A_1624 = vector.shape_cast %broadcast_in_dim3A_1623 : vector<16x1xi32> to vector<16xi32>
        %gather3A_1625 = tpu.dynamic_gather %add3A_1615[%gather3A_1624] in [0] : vector<16xf32>, vector<16xi32> -> vector<16xf32>
        %add3A_1626 = arith.addf %add3A_1615, %gather3A_1625 : vector<16xf32>
        %mul3A_1627 = arith.mulf %get3A_1595, %get3A_1603 : vector<16xf32>
        %lt3A_1628 = arith.constant 0 : i32
        %lt3A_1629 = vector.broadcast %lt3A_1628 : i32 to vector<16xi32>
        %lt3A_1630 = arith.cmpi slt, %xor3A_4, %lt3A_1629 : vector<16xi32>
        %add3A_1631 = arith.constant 16 : i32
        %add3A_1632 = vector.broadcast %add3A_1631 : i32 to vector<16xi32>
        %add3A_1633 = arith.addi %xor3A_4, %add3A_1632 : vector<16xi32>
        %select_n3A_1634 = arith.select %lt3A_1630, %add3A_1633, %xor3A_4 : vector<16xi1>, vector<16xi32>
        %broadcast_in_dim3A_1635 = vector.shape_cast %select_n3A_1634 : vector<16xi32> to vector<16x1xi32>
        %gather3A_1636 = vector.shape_cast %broadcast_in_dim3A_1635 : vector<16x1xi32> to vector<16xi32>
        %gather3A_1637 = tpu.dynamic_gather %mul3A_1627[%gather3A_1636] in [0] : vector<16xf32>, vector<16xi32> -> vector<16xf32>
        %add3A_1638 = arith.addf %mul3A_1627, %gather3A_1637 : vector<16xf32>
        %lt3A_1639 = arith.constant 0 : i32
        %lt3A_1640 = vector.broadcast %lt3A_1639 : i32 to vector<16xi32>
        %lt3A_1641 = arith.cmpi slt, %xor3A_7, %lt3A_1640 : vector<16xi32>
        %add3A_1642 = arith.constant 16 : i32
        %add3A_1643 = vector.broadcast %add3A_1642 : i32 to vector<16xi32>
        %add3A_1644 = arith.addi %xor3A_7, %add3A_1643 : vector<16xi32>
        %select_n3A_1645 = arith.select %lt3A_1641, %add3A_1644, %xor3A_7 : vector<16xi1>, vector<16xi32>
        %broadcast_in_dim3A_1646 = vector.shape_cast %select_n3A_1645 : vector<16xi32> to vector<16x1xi32>
        %gather3A_1647 = vector.shape_cast %broadcast_in_dim3A_1646 : vector<16x1xi32> to vector<16xi32>
        %gather3A_1648 = tpu.dynamic_gather %add3A_1638[%gather3A_1647] in [0] : vector<16xf32>, vector<16xi32> -> vector<16xf32>
        %add3A_1649 = arith.addf %add3A_1638, %gather3A_1648 : vector<16xf32>
        %get3A_1650 = arith.index_cast %rem3A_256 : i32 to index
        %get3A_1651 = arith.index_cast %add3A_1583 : i32 to index
        %get3A_1652 = arith.constant 0 : index
        %get3A_1653 = tpu.vector_load %arg15[%get3A_1650, %get3A_1651, %get3A_1652] {strides = array<i32>} : memref<3x128x32xf32, #tpu.memory_space<vmem>>, vector<1x1x16xf32>,
        %get3A_1654 = vector.shape_cast %get3A_1653 : vector<1x1x16xf32> to vector<16xf32>
        %mul3A_1655 = arith.mulf %add3A_1626, %get3A_1654 : vector<16xf32>
        %swap3A_1656 = arith.index_cast %rem3A_256 : i32 to index
        %swap3A_1657 = arith.index_cast %add3A_1583 : i32 to index
        %swap3A_1658 = arith.constant 0 : index
        %swap3A_1659 = tpu.vector_load %arg15[%swap3A_1656, %swap3A_1657, %swap3A_1658] {strides = array<i32>} : memref<3x128x32xf32, #tpu.memory_space<vmem>>, vector<1x1x16xf32>,
        %swap3A_1660 = vector.shape_cast %swap3A_1659 : vector<1x1x16xf32> to vector<16xf32>
        %swap3A_1661 = vector.shape_cast %mul3A_1655 : vector<16xf32> to vector<1x1x16xf32>
        tpu.vector_store %arg15[%swap3A_1656, %swap3A_1657, %swap3A_1658], %swap3A_1661 {strides = array<i32>} : memref<3x128x32xf32, #tpu.memory_space<vmem>>, vector<1x1x16xf32>,
        %get3A_1662 = arith.index_cast %rem3A_256 : i32 to index
        %get3A_1663 = arith.index_cast %add3A_1583 : i32 to index
        %get3A_1664 = arith.constant 16 : index
        %get3A_1665 = tpu.vector_load %arg15[%get3A_1662, %get3A_1663, %get3A_1664] {strides = array<i32>} : memref<3x128x32xf32, #tpu.memory_space<vmem>>, vector<1x1x16xf32>,
        %get3A_1666 = vector.shape_cast %get3A_1665 : vector<1x1x16xf32> to vector<16xf32>
        %mul3A_1667 = arith.mulf %add3A_1649, %get3A_1666 : vector<16xf32>
        %swap3A_1668 = arith.index_cast %rem3A_256 : i32 to index
        %swap3A_1669 = arith.index_cast %add3A_1583 : i32 to index
        %swap3A_1670 = arith.constant 16 : index
        %swap3A_1671 = tpu.vector_load %arg15[%swap3A_1668, %swap3A_1669, %swap3A_1670] {strides = array<i32>} : memref<3x128x32xf32, #tpu.memory_space<vmem>>, vector<1x1x16xf32>,
        %swap3A_1672 = vector.shape_cast %swap3A_1671 : vector<1x1x16xf32> to vector<16xf32>
        %swap3A_1673 = vector.shape_cast %mul3A_1667 : vector<16xf32> to vector<1x1x16xf32>
        tpu.vector_store %arg15[%swap3A_1668, %swap3A_1669, %swap3A_1670], %swap3A_1673 {strides = array<i32>} : memref<3x128x32xf32, #tpu.memory_space<vmem>>, vector<1x1x16xf32>,
        %mul3A_1674 = arith.constant 16 : i32
        %mul3A_1675 = arith.muli %add3A_356, %mul3A_1674 : i32
        %add3A_1676 = arith.constant 14 : i32
        %add3A_1677 = arith.addi %mul3A_1675, %add3A_1676 : i32
        %slice3A_1678 = vector.extract_strided_slice %get3A_363 {offsets = [14], sizes = [1], strides = [1]} : vector<16xi32> to vector<1xi32>
        %squeeze3A_1679 = vector.extract %slice3A_1678[0] : i32 from vector<1xi32>
        %get3A_1680 = arith.index_cast %rem3A_254 : i32 to index
        %get3A_1681 = arith.index_cast %add3A_1677 : i32 to index
        %get3A_1682 = arith.constant 0 : index
        %get3A_1683 = tpu.vector_load %arg14[%get3A_1680, %get3A_1681, %get3A_1682] {strides = array<i32>} : memref<2x128x32xf32, #tpu.memory_space<vmem>>, vector<1x1x16xf32>,
        %get3A_1684 = vector.shape_cast %get3A_1683 : vector<1x1x16xf32> to vector<16xf32>
        %get3A_1685 = arith.index_cast %rem3A_254 : i32 to index
        %get3A_1686 = arith.index_cast %add3A_1677 : i32 to index
        %get3A_1687 = arith.constant 16 : index
        %get3A_1688 = tpu.vector_load %arg14[%get3A_1685, %get3A_1686, %get3A_1687] {strides = array<i32>} : memref<2x128x32xf32, #tpu.memory_space<vmem>>, vector<1x1x16xf32>,
        %get3A_1689 = vector.shape_cast %get3A_1688 : vector<1x1x16xf32> to vector<16xf32>
        %get3A_1690 = arith.index_cast %squeeze3A_1679 : i32 to index
        %get3A_1691 = arith.constant 0 : index
        %get3A_1692 = tpu.vector_load %arg16[%get3A_1690, %get3A_1691] {strides = array<i32>} : memref<125x32xf32, #tpu.memory_space<vmem>>, vector<1x16xf32>,
        %get3A_1693 = vector.shape_cast %get3A_1692 : vector<1x16xf32> to vector<16xf32>
        %get3A_1694 = arith.index_cast %squeeze3A_1679 : i32 to index
        %get3A_1695 = arith.constant 16 : index
        %get3A_1696 = tpu.vector_load %arg16[%get3A_1694, %get3A_1695] {strides = array<i32>} : memref<125x32xf32, #tpu.memory_space<vmem>>, vector<1x16xf32>,
        %get3A_1697 = vector.shape_cast %get3A_1696 : vector<1x16xf32> to vector<16xf32>
        %mul3A_1698 = arith.mulf %get3A_1684, %get3A_1693 : vector<16xf32>
        %lt3A_1699 = arith.constant 0 : i32
        %lt3A_1700 = vector.broadcast %lt3A_1699 : i32 to vector<16xi32>
        %lt3A_1701 = arith.cmpi slt, %xor3A_4, %lt3A_1700 : vector<16xi32>
        %add3A_1702 = arith.constant 16 : i32
        %add3A_1703 = vector.broadcast %add3A_1702 : i32 to vector<16xi32>
        %add3A_1704 = arith.addi %xor3A_4, %add3A_1703 : vector<16xi32>
        %select_n3A_1705 = arith.select %lt3A_1701, %add3A_1704, %xor3A_4 : vector<16xi1>, vector<16xi32>
        %broadcast_in_dim3A_1706 = vector.shape_cast %select_n3A_1705 : vector<16xi32> to vector<16x1xi32>
        %gather3A_1707 = vector.shape_cast %broadcast_in_dim3A_1706 : vector<16x1xi32> to vector<16xi32>
        %gather3A_1708 = tpu.dynamic_gather %mul3A_1698[%gather3A_1707] in [0] : vector<16xf32>, vector<16xi32> -> vector<16xf32>
        %add3A_1709 = arith.addf %mul3A_1698, %gather3A_1708 : vector<16xf32>
        %lt3A_1710 = arith.constant 0 : i32
        %lt3A_1711 = vector.broadcast %lt3A_1710 : i32 to vector<16xi32>
        %lt3A_1712 = arith.cmpi slt, %xor3A_7, %lt3A_1711 : vector<16xi32>
        %add3A_1713 = arith.constant 16 : i32
        %add3A_1714 = vector.broadcast %add3A_1713 : i32 to vector<16xi32>
        %add3A_1715 = arith.addi %xor3A_7, %add3A_1714 : vector<16xi32>
        %select_n3A_1716 = arith.select %lt3A_1712, %add3A_1715, %xor3A_7 : vector<16xi1>, vector<16xi32>
        %broadcast_in_dim3A_1717 = vector.shape_cast %select_n3A_1716 : vector<16xi32> to vector<16x1xi32>
        %gather3A_1718 = vector.shape_cast %broadcast_in_dim3A_1717 : vector<16x1xi32> to vector<16xi32>
        %gather3A_1719 = tpu.dynamic_gather %add3A_1709[%gather3A_1718] in [0] : vector<16xf32>, vector<16xi32> -> vector<16xf32>
        %add3A_1720 = arith.addf %add3A_1709, %gather3A_1719 : vector<16xf32>
        %mul3A_1721 = arith.mulf %get3A_1689, %get3A_1697 : vector<16xf32>
        %lt3A_1722 = arith.constant 0 : i32
        %lt3A_1723 = vector.broadcast %lt3A_1722 : i32 to vector<16xi32>
        %lt3A_1724 = arith.cmpi slt, %xor3A_4, %lt3A_1723 : vector<16xi32>
        %add3A_1725 = arith.constant 16 : i32
        %add3A_1726 = vector.broadcast %add3A_1725 : i32 to vector<16xi32>
        %add3A_1727 = arith.addi %xor3A_4, %add3A_1726 : vector<16xi32>
        %select_n3A_1728 = arith.select %lt3A_1724, %add3A_1727, %xor3A_4 : vector<16xi1>, vector<16xi32>
        %broadcast_in_dim3A_1729 = vector.shape_cast %select_n3A_1728 : vector<16xi32> to vector<16x1xi32>
        %gather3A_1730 = vector.shape_cast %broadcast_in_dim3A_1729 : vector<16x1xi32> to vector<16xi32>
        %gather3A_1731 = tpu.dynamic_gather %mul3A_1721[%gather3A_1730] in [0] : vector<16xf32>, vector<16xi32> -> vector<16xf32>
        %add3A_1732 = arith.addf %mul3A_1721, %gather3A_1731 : vector<16xf32>
        %lt3A_1733 = arith.constant 0 : i32
        %lt3A_1734 = vector.broadcast %lt3A_1733 : i32 to vector<16xi32>
        %lt3A_1735 = arith.cmpi slt, %xor3A_7, %lt3A_1734 : vector<16xi32>
        %add3A_1736 = arith.constant 16 : i32
        %add3A_1737 = vector.broadcast %add3A_1736 : i32 to vector<16xi32>
        %add3A_1738 = arith.addi %xor3A_7, %add3A_1737 : vector<16xi32>
        %select_n3A_1739 = arith.select %lt3A_1735, %add3A_1738, %xor3A_7 : vector<16xi1>, vector<16xi32>
        %broadcast_in_dim3A_1740 = vector.shape_cast %select_n3A_1739 : vector<16xi32> to vector<16x1xi32>
        %gather3A_1741 = vector.shape_cast %broadcast_in_dim3A_1740 : vector<16x1xi32> to vector<16xi32>
        %gather3A_1742 = tpu.dynamic_gather %add3A_1732[%gather3A_1741] in [0] : vector<16xf32>, vector<16xi32> -> vector<16xf32>
        %add3A_1743 = arith.addf %add3A_1732, %gather3A_1742 : vector<16xf32>
        %get3A_1744 = arith.index_cast %rem3A_256 : i32 to index
        %get3A_1745 = arith.index_cast %add3A_1677 : i32 to index
        %get3A_1746 = arith.constant 0 : index
        %get3A_1747 = tpu.vector_load %arg15[%get3A_1744, %get3A_1745, %get3A_1746] {strides = array<i32>} : memref<3x128x32xf32, #tpu.memory_space<vmem>>, vector<1x1x16xf32>,
        %get3A_1748 = vector.shape_cast %get3A_1747 : vector<1x1x16xf32> to vector<16xf32>
        %mul3A_1749 = arith.mulf %add3A_1720, %get3A_1748 : vector<16xf32>
        %swap3A_1750 = arith.index_cast %rem3A_256 : i32 to index
        %swap3A_1751 = arith.index_cast %add3A_1677 : i32 to index
        %swap3A_1752 = arith.constant 0 : index
        %swap3A_1753 = tpu.vector_load %arg15[%swap3A_1750, %swap3A_1751, %swap3A_1752] {strides = array<i32>} : memref<3x128x32xf32, #tpu.memory_space<vmem>>, vector<1x1x16xf32>,
        %swap3A_1754 = vector.shape_cast %swap3A_1753 : vector<1x1x16xf32> to vector<16xf32>
        %swap3A_1755 = vector.shape_cast %mul3A_1749 : vector<16xf32> to vector<1x1x16xf32>
        tpu.vector_store %arg15[%swap3A_1750, %swap3A_1751, %swap3A_1752], %swap3A_1755 {strides = array<i32>} : memref<3x128x32xf32, #tpu.memory_space<vmem>>, vector<1x1x16xf32>,
        %get3A_1756 = arith.index_cast %rem3A_256 : i32 to index
        %get3A_1757 = arith.index_cast %add3A_1677 : i32 to index
        %get3A_1758 = arith.constant 16 : index
        %get3A_1759 = tpu.vector_load %arg15[%get3A_1756, %get3A_1757, %get3A_1758] {strides = array<i32>} : memref<3x128x32xf32, #tpu.memory_space<vmem>>, vector<1x1x16xf32>,
        %get3A_1760 = vector.shape_cast %get3A_1759 : vector<1x1x16xf32> to vector<16xf32>
        %mul3A_1761 = arith.mulf %add3A_1743, %get3A_1760 : vector<16xf32>
        %swap3A_1762 = arith.index_cast %rem3A_256 : i32 to index
        %swap3A_1763 = arith.index_cast %add3A_1677 : i32 to index
        %swap3A_1764 = arith.constant 16 : index
        %swap3A_1765 = tpu.vector_load %arg15[%swap3A_1762, %swap3A_1763, %swap3A_1764] {strides = array<i32>} : memref<3x128x32xf32, #tpu.memory_space<vmem>>, vector<1x1x16xf32>,
        %swap3A_1766 = vector.shape_cast %swap3A_1765 : vector<1x1x16xf32> to vector<16xf32>
        %swap3A_1767 = vector.shape_cast %mul3A_1761 : vector<16xf32> to vector<1x1x16xf32>
        tpu.vector_store %arg15[%swap3A_1762, %swap3A_1763, %swap3A_1764], %swap3A_1767 {strides = array<i32>} : memref<3x128x32xf32, #tpu.memory_space<vmem>>, vector<1x1x16xf32>,
        %mul3A_1768 = arith.constant 16 : i32
        %mul3A_1769 = arith.muli %add3A_356, %mul3A_1768 : i32
        %add3A_1770 = arith.constant 15 : i32
        %add3A_1771 = arith.addi %mul3A_1769, %add3A_1770 : i32
        %slice3A_1772 = vector.extract_strided_slice %get3A_363 {offsets = [15], sizes = [1], strides = [1]} : vector<16xi32> to vector<1xi32>
        %squeeze3A_1773 = vector.extract %slice3A_1772[0] : i32 from vector<1xi32>
        %get3A_1774 = arith.index_cast %rem3A_254 : i32 to index
        %get3A_1775 = arith.index_cast %add3A_1771 : i32 to index
        %get3A_1776 = arith.constant 0 : index
        %get3A_1777 = tpu.vector_load %arg14[%get3A_1774, %get3A_1775, %get3A_1776] {strides = array<i32>} : memref<2x128x32xf32, #tpu.memory_space<vmem>>, vector<1x1x16xf32>,
        %get3A_1778 = vector.shape_cast %get3A_1777 : vector<1x1x16xf32> to vector<16xf32>
        %get3A_1779 = arith.index_cast %rem3A_254 : i32 to index
        %get3A_1780 = arith.index_cast %add3A_1771 : i32 to index
        %get3A_1781 = arith.constant 16 : index
        %get3A_1782 = tpu.vector_load %arg14[%get3A_1779, %get3A_1780, %get3A_1781] {strides = array<i32>} : memref<2x128x32xf32, #tpu.memory_space<vmem>>, vector<1x1x16xf32>,
        %get3A_1783 = vector.shape_cast %get3A_1782 : vector<1x1x16xf32> to vector<16xf32>
        %get3A_1784 = arith.index_cast %squeeze3A_1773 : i32 to index
        %get3A_1785 = arith.constant 0 : index
        %get3A_1786 = tpu.vector_load %arg16[%get3A_1784, %get3A_1785] {strides = array<i32>} : memref<125x32xf32, #tpu.memory_space<vmem>>, vector<1x16xf32>,
        %get3A_1787 = vector.shape_cast %get3A_1786 : vector<1x16xf32> to vector<16xf32>
        %get3A_1788 = arith.index_cast %squeeze3A_1773 : i32 to index
        %get3A_1789 = arith.constant 16 : index
        %get3A_1790 = tpu.vector_load %arg16[%get3A_1788, %get3A_1789] {strides = array<i32>} : memref<125x32xf32, #tpu.memory_space<vmem>>, vector<1x16xf32>,
        %get3A_1791 = vector.shape_cast %get3A_1790 : vector<1x16xf32> to vector<16xf32>
        %mul3A_1792 = arith.mulf %get3A_1778, %get3A_1787 : vector<16xf32>
        %lt3A_1793 = arith.constant 0 : i32
        %lt3A_1794 = vector.broadcast %lt3A_1793 : i32 to vector<16xi32>
        %lt3A_1795 = arith.cmpi slt, %xor3A_4, %lt3A_1794 : vector<16xi32>
        %add3A_1796 = arith.constant 16 : i32
        %add3A_1797 = vector.broadcast %add3A_1796 : i32 to vector<16xi32>
        %add3A_1798 = arith.addi %xor3A_4, %add3A_1797 : vector<16xi32>
        %select_n3A_1799 = arith.select %lt3A_1795, %add3A_1798, %xor3A_4 : vector<16xi1>, vector<16xi32>
        %broadcast_in_dim3A_1800 = vector.shape_cast %select_n3A_1799 : vector<16xi32> to vector<16x1xi32>
        %gather3A_1801 = vector.shape_cast %broadcast_in_dim3A_1800 : vector<16x1xi32> to vector<16xi32>
        %gather3A_1802 = tpu.dynamic_gather %mul3A_1792[%gather3A_1801] in [0] : vector<16xf32>, vector<16xi32> -> vector<16xf32>
        %add3A_1803 = arith.addf %mul3A_1792, %gather3A_1802 : vector<16xf32>
        %lt3A_1804 = arith.constant 0 : i32
        %lt3A_1805 = vector.broadcast %lt3A_1804 : i32 to vector<16xi32>
        %lt3A_1806 = arith.cmpi slt, %xor3A_7, %lt3A_1805 : vector<16xi32>
        %add3A_1807 = arith.constant 16 : i32
        %add3A_1808 = vector.broadcast %add3A_1807 : i32 to vector<16xi32>
        %add3A_1809 = arith.addi %xor3A_7, %add3A_1808 : vector<16xi32>
        %select_n3A_1810 = arith.select %lt3A_1806, %add3A_1809, %xor3A_7 : vector<16xi1>, vector<16xi32>
        %broadcast_in_dim3A_1811 = vector.shape_cast %select_n3A_1810 : vector<16xi32> to vector<16x1xi32>
        %gather3A_1812 = vector.shape_cast %broadcast_in_dim3A_1811 : vector<16x1xi32> to vector<16xi32>
        %gather3A_1813 = tpu.dynamic_gather %add3A_1803[%gather3A_1812] in [0] : vector<16xf32>, vector<16xi32> -> vector<16xf32>
        %add3A_1814 = arith.addf %add3A_1803, %gather3A_1813 : vector<16xf32>
        %mul3A_1815 = arith.mulf %get3A_1783, %get3A_1791 : vector<16xf32>
        %lt3A_1816 = arith.constant 0 : i32
        %lt3A_1817 = vector.broadcast %lt3A_1816 : i32 to vector<16xi32>
        %lt3A_1818 = arith.cmpi slt, %xor3A_4, %lt3A_1817 : vector<16xi32>
        %add3A_1819 = arith.constant 16 : i32
        %add3A_1820 = vector.broadcast %add3A_1819 : i32 to vector<16xi32>
        %add3A_1821 = arith.addi %xor3A_4, %add3A_1820 : vector<16xi32>
        %select_n3A_1822 = arith.select %lt3A_1818, %add3A_1821, %xor3A_4 : vector<16xi1>, vector<16xi32>
        %broadcast_in_dim3A_1823 = vector.shape_cast %select_n3A_1822 : vector<16xi32> to vector<16x1xi32>
        %gather3A_1824 = vector.shape_cast %broadcast_in_dim3A_1823 : vector<16x1xi32> to vector<16xi32>
        %gather3A_1825 = tpu.dynamic_gather %mul3A_1815[%gather3A_1824] in [0] : vector<16xf32>, vector<16xi32> -> vector<16xf32>
        %add3A_1826 = arith.addf %mul3A_1815, %gather3A_1825 : vector<16xf32>
        %lt3A_1827 = arith.constant 0 : i32
        %lt3A_1828 = vector.broadcast %lt3A_1827 : i32 to vector<16xi32>
        %lt3A_1829 = arith.cmpi slt, %xor3A_7, %lt3A_1828 : vector<16xi32>
        %add3A_1830 = arith.constant 16 : i32
        %add3A_1831 = vector.broadcast %add3A_1830 : i32 to vector<16xi32>
        %add3A_1832 = arith.addi %xor3A_7, %add3A_1831 : vector<16xi32>
        %select_n3A_1833 = arith.select %lt3A_1829, %add3A_1832, %xor3A_7 : vector<16xi1>, vector<16xi32>
        %broadcast_in_dim3A_1834 = vector.shape_cast %select_n3A_1833 : vector<16xi32> to vector<16x1xi32>
        %gather3A_1835 = vector.shape_cast %broadcast_in_dim3A_1834 : vector<16x1xi32> to vector<16xi32>
        %gather3A_1836 = tpu.dynamic_gather %add3A_1826[%gather3A_1835] in [0] : vector<16xf32>, vector<16xi32> -> vector<16xf32>
        %add3A_1837 = arith.addf %add3A_1826, %gather3A_1836 : vector<16xf32>
        %get3A_1838 = arith.index_cast %rem3A_256 : i32 to index
        %get3A_1839 = arith.index_cast %add3A_1771 : i32 to index
        %get3A_1840 = arith.constant 0 : index
        %get3A_1841 = tpu.vector_load %arg15[%get3A_1838, %get3A_1839, %get3A_1840] {strides = array<i32>} : memref<3x128x32xf32, #tpu.memory_space<vmem>>, vector<1x1x16xf32>,
        %get3A_1842 = vector.shape_cast %get3A_1841 : vector<1x1x16xf32> to vector<16xf32>
        %mul3A_1843 = arith.mulf %add3A_1814, %get3A_1842 : vector<16xf32>
        %swap3A_1844 = arith.index_cast %rem3A_256 : i32 to index
        %swap3A_1845 = arith.index_cast %add3A_1771 : i32 to index
        %swap3A_1846 = arith.constant 0 : index
        %swap3A_1847 = tpu.vector_load %arg15[%swap3A_1844, %swap3A_1845, %swap3A_1846] {strides = array<i32>} : memref<3x128x32xf32, #tpu.memory_space<vmem>>, vector<1x1x16xf32>,
        %swap3A_1848 = vector.shape_cast %swap3A_1847 : vector<1x1x16xf32> to vector<16xf32>
        %swap3A_1849 = vector.shape_cast %mul3A_1843 : vector<16xf32> to vector<1x1x16xf32>
        tpu.vector_store %arg15[%swap3A_1844, %swap3A_1845, %swap3A_1846], %swap3A_1849 {strides = array<i32>} : memref<3x128x32xf32, #tpu.memory_space<vmem>>, vector<1x1x16xf32>,
        %get3A_1850 = arith.index_cast %rem3A_256 : i32 to index
        %get3A_1851 = arith.index_cast %add3A_1771 : i32 to index
        %get3A_1852 = arith.constant 16 : index
        %get3A_1853 = tpu.vector_load %arg15[%get3A_1850, %get3A_1851, %get3A_1852] {strides = array<i32>} : memref<3x128x32xf32, #tpu.memory_space<vmem>>, vector<1x1x16xf32>,
        %get3A_1854 = vector.shape_cast %get3A_1853 : vector<1x1x16xf32> to vector<16xf32>
        %mul3A_1855 = arith.mulf %add3A_1837, %get3A_1854 : vector<16xf32>
        %swap3A_1856 = arith.index_cast %rem3A_256 : i32 to index
        %swap3A_1857 = arith.index_cast %add3A_1771 : i32 to index
        %swap3A_1858 = arith.constant 16 : index
        %swap3A_1859 = tpu.vector_load %arg15[%swap3A_1856, %swap3A_1857, %swap3A_1858] {strides = array<i32>} : memref<3x128x32xf32, #tpu.memory_space<vmem>>, vector<1x1x16xf32>,
        %swap3A_1860 = vector.shape_cast %swap3A_1859 : vector<1x1x16xf32> to vector<16xf32>
        %swap3A_1861 = vector.shape_cast %mul3A_1855 : vector<16xf32> to vector<1x1x16xf32>
        tpu.vector_store %arg15[%swap3A_1856, %swap3A_1857, %swap3A_1858], %swap3A_1861 {strides = array<i32>} : memref<3x128x32xf32, #tpu.memory_space<vmem>>, vector<1x1x16xf32>,
      }
      %scan3A_263 = arith.constant 8 : i32
      %rem3A_264 = arith.constant 4 : i32
      %rem3A_265 = arith.remsi %add3A_210, %rem3A_264 : i32
      %rem3A_266 = arith.constant 3 : i32
      %rem3A_267 = arith.remsi %add3A_210, %rem3A_266 : i32
      %dma_start3A_268 = arith.constant 0 : i32
      %dma_start3A_269 = arith.constant 0 : i32
      %dma_start3A_270 = arith.constant 0 : i32
      %dma_start3A_271 = tpu.memref_slice %arg15[%rem3A_267, %dma_start3A_269, %dma_start3A_270] : memref<3x128x32xf32, #tpu.memory_space<vmem>> -> memref<1x128x32xf32, #tpu.memory_space<vmem>>
      %dma_start3A_272 = tpu.memref_squeeze %dma_start3A_271 : memref<1x128x32xf32, #tpu.memory_space<vmem>> -> memref<128x32xf32, #tpu.memory_space<vmem>>
      %dma_start3A_273 = arith.constant 0 : i32
      %dma_start3A_274 = tpu.memref_slice %arg10[%rem3A_265, %dma_start3A_268, %dma_start3A_273] : memref<4x1x128xi32, #tpu.memory_space<vmem>> -> memref<1x1x128xi32, #tpu.memory_space<vmem>>
      %dma_start3A_275 = tpu.memref_squeeze %dma_start3A_274 : memref<1x1x128xi32, #tpu.memory_space<vmem>> -> memref<128xi32, #tpu.memory_space<vmem>>
      %dma_start3A_276 = arith.constant 0 : i32
      %dma_start3A_277 = arith.constant 0 : i32
      %dma_start3A_278 = tpu.memref_slice %arg17[%dma_start3A_276, %dma_start3A_277] : memref<50176x32xf32, #tpu.memory_space<vmem_shared>> -> memref<50176x32xf32, #tpu.memory_space<vmem_shared>>
      tpu.enqueue_indirect_dma source(%dma_start3A_272 : memref<128x32xf32, #tpu.memory_space<vmem>>) target(%dma_start3A_278 : memref<50176x32xf32, #tpu.memory_space<vmem_shared>>) offsets(%dma_start3A_275 : memref<128xi32, #tpu.memory_space<vmem>>) semaphore(%arg22 : memref<!tpu.dma_semaphore, #tpu.memory_space<semaphore_mem>>) {add = true}
      %add3A_279 = arith.constant 1 : i32
      %add3A_280 = arith.addi %add3A_210, %add3A_279 : i32
      %ge3A_281 = arith.constant 2 : i32
      %ge3A_282 = arith.cmpi sge, %add3A_280, %ge3A_281 : i32
      %convert_element_type3A_283 = arith.extui %ge3A_282 : i1 to i32
      %cond3A_284 = arith.constant 0 : i32
      %cond3A_285 = arith.cmpi ne, %convert_element_type3A_283, %cond3A_284 : i32
      scf.if %cond3A_285 {
        %sub3A = arith.constant 2 : i32
        %sub3A_352 = arith.subi %add3A_280, %sub3A : i32
        %rem3A_353 = arith.constant 4 : i32
        %rem3A_354 = arith.remsi %sub3A_352, %rem3A_353 : i32
        %rem3A_355 = arith.constant 3 : i32
        %rem3A_356 = arith.remsi %sub3A_352, %rem3A_355 : i32
        %dma_wait3A_357 = arith.constant 0 : i32
        %dma_wait3A_358 = arith.constant 0 : i32
        %dma_wait3A_359 = arith.constant 0 : i32
        %dma_wait3A_360 = tpu.memref_slice %arg15[%rem3A_356, %dma_wait3A_358, %dma_wait3A_359] : memref<3x128x32xf32, #tpu.memory_space<vmem>> -> memref<1x128x32xf32, #tpu.memory_space<vmem>>
        %dma_wait3A_361 = tpu.memref_squeeze %dma_wait3A_360 : memref<1x128x32xf32, #tpu.memory_space<vmem>> -> memref<128x32xf32, #tpu.memory_space<vmem>>
        %dma_wait3A_362 = arith.constant 0 : i32
        %dma_wait3A_363 = tpu.memref_slice %arg10[%rem3A_354, %dma_wait3A_357, %dma_wait3A_362] : memref<4x1x128xi32, #tpu.memory_space<vmem>> -> memref<1x1x128xi32, #tpu.memory_space<vmem>>
        %dma_wait3A_364 = tpu.memref_squeeze %dma_wait3A_363 : memref<1x1x128xi32, #tpu.memory_space<vmem>> -> memref<128xi32, #tpu.memory_space<vmem>>
        %dma_wait3A_365 = arith.constant 0 : i32
        %dma_wait3A_366 = arith.constant 0 : i32
        %dma_wait3A_367 = tpu.memref_slice %arg17[%dma_wait3A_365, %dma_wait3A_366] : memref<50176x32xf32, #tpu.memory_space<vmem_shared>> -> memref<50176x32xf32, #tpu.memory_space<vmem_shared>>
        tpu.wait_indirect_dma semaphore(%arg23 : memref<!tpu.dma_semaphore, #tpu.memory_space<semaphore_mem>>) src(%dma_wait3A_361 : memref<128x32xf32, #tpu.memory_space<vmem>>) dst(%dma_wait3A_367 : memref<50176x32xf32, #tpu.memory_space<vmem_shared>>)
      } else {
      }
      %lt3A_286 = arith.constant 97 : i32
      %lt3A_287 = arith.cmpi slt, %div3A_211, %lt3A_286 : i32
      %convert_element_type3A_288 = arith.extui %lt3A_287 : i1 to i32
      %cond3A_289 = arith.constant 0 : i32
      %cond3A_290 = arith.cmpi ne, %convert_element_type3A_288, %cond3A_289 : i32
      scf.if %cond3A_290 {
        %add3A_352 = arith.constant 2 : i32
        %add3A_353 = arith.addi %add3A_280, %add3A_352 : i32
        %rem3A_354 = arith.constant 4 : i32
        %rem3A_355 = arith.remsi %add3A_353, %rem3A_354 : i32
        %mul3A_356 = arith.constant 1 : i32
        %mul3A_357 = arith.muli %add3A_353, %mul3A_356 : i32
        %add3A_358 = arith.addi %mul3A_2, %mul3A_357 : i32
        %dma_start3A_359 = arith.constant 0 : i32
        %dma_start3A_360 = arith.constant 0 : i32
        %dma_start3A_361 = tpu.memref_slice %arg10[%rem3A_355, %dma_start3A_359, %dma_start3A_360] : memref<4x1x128xi32, #tpu.memory_space<vmem>> -> memref<1x1x128xi32, #tpu.memory_space<vmem>>
        %dma_start3A_362 = tpu.memref_squeeze %dma_start3A_361 : memref<1x1x128xi32, #tpu.memory_space<vmem>> -> memref<1x128xi32, #tpu.memory_space<vmem>>
        %dma_start3A_363 = arith.constant 0 : i32
        %dma_start3A_364 = tpu.memref_slice %arg5[%add3A_358, %dma_start3A_363] : memref<6272x128xi32, #tpu.memory_space<hbm>> -> memref<1x128xi32, #tpu.memory_space<hbm>>
        %dma_start3A_365 = arith.constant 0 : i32
        %dma_start3A_366 = arith.constant 0 : i32
        %dma_start3A_367 = tpu.memref_slice %arg10[%rem3A_355, %dma_start3A_365, %dma_start3A_366] : memref<4x1x128xi32, #tpu.memory_space<vmem>> -> memref<1x1x128xi32, #tpu.memory_space<vmem>>
        %dma_start3A_368 = tpu.memref_squeeze %dma_start3A_367 : memref<1x1x128xi32, #tpu.memory_space<vmem>> -> memref<1x128xi32, #tpu.memory_space<vmem>>
        %dma_start3A_369 = arith.constant 0 : i32
        %dma_start3A_370 = tpu.memref_slice %arg5[%add3A_358, %dma_start3A_369] : memref<6272x128xi32, #tpu.memory_space<hbm>> -> memref<1x128xi32, #tpu.memory_space<hbm>>
        tpu.enqueue_dma source(%dma_start3A_370 : memref<1x128xi32, #tpu.memory_space<hbm>>) target(%dma_start3A_368 : memref<1x128xi32, #tpu.memory_space<vmem>>) target_semaphore(%arg19 : memref<!tpu.dma_semaphore, #tpu.memory_space<semaphore_mem>>)
        %dma_start3A_371 = arith.constant 0 : i32
        %dma_start3A_372 = arith.constant 0 : i32
        %dma_start3A_373 = tpu.memref_slice %arg11[%rem3A_355, %dma_start3A_371, %dma_start3A_372] : memref<4x1x128xi32, #tpu.memory_space<vmem>> -> memref<1x1x128xi32, #tpu.memory_space<vmem>>
        %dma_start3A_374 = tpu.memref_squeeze %dma_start3A_373 : memref<1x1x128xi32, #tpu.memory_space<vmem>> -> memref<1x128xi32, #tpu.memory_space<vmem>>
        %dma_start3A_375 = arith.constant 0 : i32
        %dma_start3A_376 = tpu.memref_slice %arg6[%add3A_358, %dma_start3A_375] : memref<6272x128xi32, #tpu.memory_space<hbm>> -> memref<1x128xi32, #tpu.memory_space<hbm>>
        %dma_start3A_377 = arith.constant 0 : i32
        %dma_start3A_378 = arith.constant 0 : i32
        %dma_start3A_379 = tpu.memref_slice %arg11[%rem3A_355, %dma_start3A_377, %dma_start3A_378] : memref<4x1x128xi32, #tpu.memory_space<vmem>> -> memref<1x1x128xi32, #tpu.memory_space<vmem>>
        %dma_start3A_380 = tpu.memref_squeeze %dma_start3A_379 : memref<1x1x128xi32, #tpu.memory_space<vmem>> -> memref<1x128xi32, #tpu.memory_space<vmem>>
        %dma_start3A_381 = arith.constant 0 : i32
        %dma_start3A_382 = tpu.memref_slice %arg6[%add3A_358, %dma_start3A_381] : memref<6272x128xi32, #tpu.memory_space<hbm>> -> memref<1x128xi32, #tpu.memory_space<hbm>>
        tpu.enqueue_dma source(%dma_start3A_382 : memref<1x128xi32, #tpu.memory_space<hbm>>) target(%dma_start3A_380 : memref<1x128xi32, #tpu.memory_space<vmem>>) target_semaphore(%arg19 : memref<!tpu.dma_semaphore, #tpu.memory_space<semaphore_mem>>)
        %dma_start3A_383 = arith.constant 0 : i32
        %dma_start3A_384 = arith.constant 0 : i32
        %dma_start3A_385 = tpu.memref_slice %arg12[%rem3A_355, %dma_start3A_383, %dma_start3A_384] : memref<4x1x128xi32, #tpu.memory_space<vmem>> -> memref<1x1x128xi32, #tpu.memory_space<vmem>>
        %dma_start3A_386 = tpu.memref_squeeze %dma_start3A_385 : memref<1x1x128xi32, #tpu.memory_space<vmem>> -> memref<1x128xi32, #tpu.memory_space<vmem>>
        %dma_start3A_387 = arith.constant 0 : i32
        %dma_start3A_388 = tpu.memref_slice %arg7[%add3A_358, %dma_start3A_387] : memref<6272x128xi32, #tpu.memory_space<hbm>> -> memref<1x128xi32, #tpu.memory_space<hbm>>
        %dma_start3A_389 = arith.constant 0 : i32
        %dma_start3A_390 = arith.constant 0 : i32
        %dma_start3A_391 = tpu.memref_slice %arg12[%rem3A_355, %dma_start3A_389, %dma_start3A_390] : memref<4x1x128xi32, #tpu.memory_space<vmem>> -> memref<1x1x128xi32, #tpu.memory_space<vmem>>
        %dma_start3A_392 = tpu.memref_squeeze %dma_start3A_391 : memref<1x1x128xi32, #tpu.memory_space<vmem>> -> memref<1x128xi32, #tpu.memory_space<vmem>>
        %dma_start3A_393 = arith.constant 0 : i32
        %dma_start3A_394 = tpu.memref_slice %arg7[%add3A_358, %dma_start3A_393] : memref<6272x128xi32, #tpu.memory_space<hbm>> -> memref<1x128xi32, #tpu.memory_space<hbm>>
        tpu.enqueue_dma source(%dma_start3A_394 : memref<1x128xi32, #tpu.memory_space<hbm>>) target(%dma_start3A_392 : memref<1x128xi32, #tpu.memory_space<vmem>>) target_semaphore(%arg19 : memref<!tpu.dma_semaphore, #tpu.memory_space<semaphore_mem>>)
      } else {
      }
      %add3A_291 = arith.constant 1 : i32
      %add3A_292 = arith.addi %add3A_280, %add3A_291 : i32
      %lt3A_293 = arith.constant 196 : i32
      %lt3A_294 = arith.cmpi slt, %add3A_292, %lt3A_293 : i32
      %convert_element_type3A_295 = arith.extui %lt3A_294 : i1 to i32
      %cond3A_296 = arith.constant 0 : i32
      %cond3A_297 = arith.cmpi ne, %convert_element_type3A_295, %cond3A_296 : i32
      scf.if %cond3A_297 {
        %add3A_352 = arith.constant 1 : i32
        %add3A_353 = arith.addi %add3A_280, %add3A_352 : i32
        %rem3A_354 = arith.constant 4 : i32
        %rem3A_355 = arith.remsi %add3A_353, %rem3A_354 : i32
        %mul3A_356 = arith.constant 1 : i32
        %mul3A_357 = arith.muli %add3A_353, %mul3A_356 : i32
        %add3A_358 = arith.addi %mul3A_2, %mul3A_357 : i32
        %dma_wait3A_359 = arith.constant 0 : i32
        %dma_wait3A_360 = arith.constant 0 : i32
        %dma_wait3A_361 = tpu.memref_slice %arg10[%rem3A_355, %dma_wait3A_359, %dma_wait3A_360] : memref<4x1x128xi32, #tpu.memory_space<vmem>> -> memref<1x1x128xi32, #tpu.memory_space<vmem>>
        %dma_wait3A_362 = tpu.memref_squeeze %dma_wait3A_361 : memref<1x1x128xi32, #tpu.memory_space<vmem>> -> memref<1x128xi32, #tpu.memory_space<vmem>>
        %dma_wait3A_363 = arith.constant 0 : i32
        %dma_wait3A_364 = tpu.memref_slice %arg5[%add3A_358, %dma_wait3A_363] : memref<6272x128xi32, #tpu.memory_space<hbm>> -> memref<1x128xi32, #tpu.memory_space<hbm>>
        %dma_wait3A_365 = arith.constant 0 : i32
        %dma_wait3A_366 = arith.constant 0 : i32
        %dma_wait3A_367 = tpu.memref_slice %arg10[%rem3A_355, %dma_wait3A_365, %dma_wait3A_366] : memref<4x1x128xi32, #tpu.memory_space<vmem>> -> memref<1x1x128xi32, #tpu.memory_space<vmem>>
        %dma_wait3A_368 = tpu.memref_squeeze %dma_wait3A_367 : memref<1x1x128xi32, #tpu.memory_space<vmem>> -> memref<1x128xi32, #tpu.memory_space<vmem>>
        %dma_wait3A_369 = arith.constant 0 : i32
        %dma_wait3A_370 = tpu.memref_slice %arg5[%add3A_358, %dma_wait3A_369] : memref<6272x128xi32, #tpu.memory_space<hbm>> -> memref<1x128xi32, #tpu.memory_space<hbm>>
        tpu.wait_dma2 semaphore(%arg18 : memref<!tpu.dma_semaphore, #tpu.memory_space<semaphore_mem>>) src(%dma_wait3A_370 : memref<1x128xi32, #tpu.memory_space<hbm>>) dst(%dma_wait3A_368 : memref<1x128xi32, #tpu.memory_space<vmem>>)
        %dma_wait3A_371 = arith.constant 0 : i32
        %dma_wait3A_372 = arith.constant 0 : i32
        %dma_wait3A_373 = tpu.memref_slice %arg11[%rem3A_355, %dma_wait3A_371, %dma_wait3A_372] : memref<4x1x128xi32, #tpu.memory_space<vmem>> -> memref<1x1x128xi32, #tpu.memory_space<vmem>>
        %dma_wait3A_374 = tpu.memref_squeeze %dma_wait3A_373 : memref<1x1x128xi32, #tpu.memory_space<vmem>> -> memref<1x128xi32, #tpu.memory_space<vmem>>
        %dma_wait3A_375 = arith.constant 0 : i32
        %dma_wait3A_376 = tpu.memref_slice %arg6[%add3A_358, %dma_wait3A_375] : memref<6272x128xi32, #tpu.memory_space<hbm>> -> memref<1x128xi32, #tpu.memory_space<hbm>>
        %dma_wait3A_377 = arith.constant 0 : i32
        %dma_wait3A_378 = arith.constant 0 : i32
        %dma_wait3A_379 = tpu.memref_slice %arg11[%rem3A_355, %dma_wait3A_377, %dma_wait3A_378] : memref<4x1x128xi32, #tpu.memory_space<vmem>> -> memref<1x1x128xi32, #tpu.memory_space<vmem>>
        %dma_wait3A_380 = tpu.memref_squeeze %dma_wait3A_379 : memref<1x1x128xi32, #tpu.memory_space<vmem>> -> memref<1x128xi32, #tpu.memory_space<vmem>>
        %dma_wait3A_381 = arith.constant 0 : i32
        %dma_wait3A_382 = tpu.memref_slice %arg6[%add3A_358, %dma_wait3A_381] : memref<6272x128xi32, #tpu.memory_space<hbm>> -> memref<1x128xi32, #tpu.memory_space<hbm>>
        tpu.wait_dma2 semaphore(%arg18 : memref<!tpu.dma_semaphore, #tpu.memory_space<semaphore_mem>>) src(%dma_wait3A_382 : memref<1x128xi32, #tpu.memory_space<hbm>>) dst(%dma_wait3A_380 : memref<1x128xi32, #tpu.memory_space<vmem>>)
        %dma_wait3A_383 = arith.constant 0 : i32
        %dma_wait3A_384 = arith.constant 0 : i32
        %dma_wait3A_385 = tpu.memref_slice %arg12[%rem3A_355, %dma_wait3A_383, %dma_wait3A_384] : memref<4x1x128xi32, #tpu.memory_space<vmem>> -> memref<1x1x128xi32, #tpu.memory_space<vmem>>
        %dma_wait3A_386 = tpu.memref_squeeze %dma_wait3A_385 : memref<1x1x128xi32, #tpu.memory_space<vmem>> -> memref<1x128xi32, #tpu.memory_space<vmem>>
        %dma_wait3A_387 = arith.constant 0 : i32
        %dma_wait3A_388 = tpu.memref_slice %arg7[%add3A_358, %dma_wait3A_387] : memref<6272x128xi32, #tpu.memory_space<hbm>> -> memref<1x128xi32, #tpu.memory_space<hbm>>
        %dma_wait3A_389 = arith.constant 0 : i32
        %dma_wait3A_390 = arith.constant 0 : i32
        %dma_wait3A_391 = tpu.memref_slice %arg12[%rem3A_355, %dma_wait3A_389, %dma_wait3A_390] : memref<4x1x128xi32, #tpu.memory_space<vmem>> -> memref<1x1x128xi32, #tpu.memory_space<vmem>>
        %dma_wait3A_392 = tpu.memref_squeeze %dma_wait3A_391 : memref<1x1x128xi32, #tpu.memory_space<vmem>> -> memref<1x128xi32, #tpu.memory_space<vmem>>
        %dma_wait3A_393 = arith.constant 0 : i32
        %dma_wait3A_394 = tpu.memref_slice %arg7[%add3A_358, %dma_wait3A_393] : memref<6272x128xi32, #tpu.memory_space<hbm>> -> memref<1x128xi32, #tpu.memory_space<hbm>>
        tpu.wait_dma2 semaphore(%arg18 : memref<!tpu.dma_semaphore, #tpu.memory_space<semaphore_mem>>) src(%dma_wait3A_394 : memref<1x128xi32, #tpu.memory_space<hbm>>) dst(%dma_wait3A_392 : memref<1x128xi32, #tpu.memory_space<vmem>>)
        %add3A_395 = arith.constant 1 : i32
        %add3A_396 = arith.addi %add3A_280, %add3A_395 : i32
        %rem3A_397 = arith.constant 4 : i32
        %rem3A_398 = arith.remsi %add3A_396, %rem3A_397 : i32
        %rem3A_399 = arith.constant 2 : i32
        %rem3A_400 = arith.remsi %add3A_396, %rem3A_399 : i32
        %rem3A_401 = arith.constant 3 : i32
        %rem3A_402 = arith.remsi %add3A_396, %rem3A_401 : i32
        %dma_start3A_403 = arith.constant 0 : i32
        %dma_start3A_404 = arith.constant 0 : i32
        %dma_start3A_405 = arith.constant 0 : i32
        %dma_start3A_406 = tpu.memref_slice %arg14[%rem3A_400, %dma_start3A_404, %dma_start3A_405] : memref<2x128x32xf32, #tpu.memory_space<vmem>> -> memref<1x128x32xf32, #tpu.memory_space<vmem>>
        %dma_start3A_407 = tpu.memref_squeeze %dma_start3A_406 : memref<1x128x32xf32, #tpu.memory_space<vmem>> -> memref<128x32xf32, #tpu.memory_space<vmem>>
        %dma_start3A_408 = arith.constant 0 : i32
        %dma_start3A_409 = tpu.memref_slice %arg10[%rem3A_398, %dma_start3A_403, %dma_start3A_408] : memref<4x1x128xi32, #tpu.memory_space<vmem>> -> memref<1x1x128xi32, #tpu.memory_space<vmem>>
        %dma_start3A_410 = tpu.memref_squeeze %dma_start3A_409 : memref<1x1x128xi32, #tpu.memory_space<vmem>> -> memref<128xi32, #tpu.memory_space<vmem>>
        %dma_start3A_411 = arith.constant 0 : i32
        %dma_start3A_412 = arith.constant 0 : i32
        %dma_start3A_413 = tpu.memref_slice %arg2[%dma_start3A_411, %dma_start3A_412] : memref<50008x32xf32, #tpu.memory_space<hbm>> -> memref<50008x32xf32, #tpu.memory_space<hbm>>
        tpu.enqueue_indirect_dma source(%dma_start3A_413 : memref<50008x32xf32, #tpu.memory_space<hbm>>) target(%dma_start3A_407 : memref<128x32xf32, #tpu.memory_space<vmem>>) offsets(%dma_start3A_410 : memref<128xi32, #tpu.memory_space<vmem>>) semaphore(%arg20 : memref<!tpu.dma_semaphore, #tpu.memory_space<semaphore_mem>>)
        %dma_start3A_414 = arith.constant 0 : i32
        %dma_start3A_415 = arith.constant 0 : i32
        %dma_start3A_416 = arith.constant 0 : i32
        %dma_start3A_417 = tpu.memref_slice %arg15[%rem3A_402, %dma_start3A_415, %dma_start3A_416] : memref<3x128x32xf32, #tpu.memory_space<vmem>> -> memref<1x128x32xf32, #tpu.memory_space<vmem>>
        %dma_start3A_418 = tpu.memref_squeeze %dma_start3A_417 : memref<1x128x32xf32, #tpu.memory_space<vmem>> -> memref<128x32xf32, #tpu.memory_space<vmem>>
        %dma_start3A_419 = arith.constant 0 : i32
        %dma_start3A_420 = tpu.memref_slice %arg11[%rem3A_398, %dma_start3A_414, %dma_start3A_419] : memref<4x1x128xi32, #tpu.memory_space<vmem>> -> memref<1x1x128xi32, #tpu.memory_space<vmem>>
        %dma_start3A_421 = tpu.memref_squeeze %dma_start3A_420 : memref<1x1x128xi32, #tpu.memory_space<vmem>> -> memref<128xi32, #tpu.memory_space<vmem>>
        %dma_start3A_422 = arith.constant 0 : i32
        %dma_start3A_423 = arith.constant 0 : i32
        %dma_start3A_424 = tpu.memref_slice %arg3[%dma_start3A_422, %dma_start3A_423] : memref<50000x32xf32, #tpu.memory_space<hbm>> -> memref<50000x32xf32, #tpu.memory_space<hbm>>
        tpu.enqueue_indirect_dma source(%dma_start3A_424 : memref<50000x32xf32, #tpu.memory_space<hbm>>) target(%dma_start3A_418 : memref<128x32xf32, #tpu.memory_space<vmem>>) offsets(%dma_start3A_421 : memref<128xi32, #tpu.memory_space<vmem>>) semaphore(%arg20 : memref<!tpu.dma_semaphore, #tpu.memory_space<semaphore_mem>>)
      } else {
      }
      %rem3A_298 = arith.constant 4 : i32
      %rem3A_299 = arith.remsi %add3A_280, %rem3A_298 : i32
      %rem3A_300 = arith.constant 2 : i32
      %rem3A_301 = arith.remsi %add3A_280, %rem3A_300 : i32
      %rem3A_302 = arith.constant 3 : i32
      %rem3A_303 = arith.remsi %add3A_280, %rem3A_302 : i32
      %dma_wait3A_304 = arith.constant 0 : i32
      %dma_wait3A_305 = arith.constant 0 : i32
      %dma_wait3A_306 = arith.constant 0 : i32
      %dma_wait3A_307 = tpu.memref_slice %arg14[%rem3A_301, %dma_wait3A_305, %dma_wait3A_306] : memref<2x128x32xf32, #tpu.memory_space<vmem>> -> memref<1x128x32xf32, #tpu.memory_space<vmem>>
      %dma_wait3A_308 = tpu.memref_squeeze %dma_wait3A_307 : memref<1x128x32xf32, #tpu.memory_space<vmem>> -> memref<128x32xf32, #tpu.memory_space<vmem>>
      %dma_wait3A_309 = arith.constant 0 : i32
      %dma_wait3A_310 = tpu.memref_slice %arg10[%rem3A_299, %dma_wait3A_304, %dma_wait3A_309] : memref<4x1x128xi32, #tpu.memory_space<vmem>> -> memref<1x1x128xi32, #tpu.memory_space<vmem>>
      %dma_wait3A_311 = tpu.memref_squeeze %dma_wait3A_310 : memref<1x1x128xi32, #tpu.memory_space<vmem>> -> memref<128xi32, #tpu.memory_space<vmem>>
      %dma_wait3A_312 = arith.constant 0 : i32
      %dma_wait3A_313 = arith.constant 0 : i32
      %dma_wait3A_314 = tpu.memref_slice %arg2[%dma_wait3A_312, %dma_wait3A_313] : memref<50008x32xf32, #tpu.memory_space<hbm>> -> memref<50008x32xf32, #tpu.memory_space<hbm>>
      tpu.wait_indirect_dma semaphore(%arg21 : memref<!tpu.dma_semaphore, #tpu.memory_space<semaphore_mem>>) src(%dma_wait3A_314 : memref<50008x32xf32, #tpu.memory_space<hbm>>) dst(%dma_wait3A_308 : memref<128x32xf32, #tpu.memory_space<vmem>>)
      %dma_wait3A_315 = arith.constant 0 : i32
      %dma_wait3A_316 = arith.constant 0 : i32
      %dma_wait3A_317 = arith.constant 0 : i32
      %dma_wait3A_318 = tpu.memref_slice %arg15[%rem3A_303, %dma_wait3A_316, %dma_wait3A_317] : memref<3x128x32xf32, #tpu.memory_space<vmem>> -> memref<1x128x32xf32, #tpu.memory_space<vmem>>
      %dma_wait3A_319 = tpu.memref_squeeze %dma_wait3A_318 : memref<1x128x32xf32, #tpu.memory_space<vmem>> -> memref<128x32xf32, #tpu.memory_space<vmem>>
      %dma_wait3A_320 = arith.constant 0 : i32
      %dma_wait3A_321 = tpu.memref_slice %arg11[%rem3A_299, %dma_wait3A_315, %dma_wait3A_320] : memref<4x1x128xi32, #tpu.memory_space<vmem>> -> memref<1x1x128xi32, #tpu.memory_space<vmem>>
      %dma_wait3A_322 = tpu.memref_squeeze %dma_wait3A_321 : memref<1x1x128xi32, #tpu.memory_space<vmem>> -> memref<128xi32, #tpu.memory_space<vmem>>
      %dma_wait3A_323 = arith.constant 0 : i32
      %dma_wait3A_324 = arith.constant 0 : i32
      %dma_wait3A_325 = tpu.memref_slice %arg3[%dma_wait3A_323, %dma_wait3A_324] : memref<50000x32xf32, #tpu.memory_space<hbm>> -> memref<50000x32xf32, #tpu.memory_space<hbm>>
      tpu.wait_indirect_dma semaphore(%arg21 : memref<!tpu.dma_semaphore, #tpu.memory_space<semaphore_mem>>) src(%dma_wait3A_325 : memref<50000x32xf32, #tpu.memory_space<hbm>>) dst(%dma_wait3A_319 : memref<128x32xf32, #tpu.memory_space<vmem>>)
      %rem3A_326 = arith.constant 2 : i32
      %rem3A_327 = arith.remsi %add3A_280, %rem3A_326 : i32
      %rem3A_328 = arith.constant 3 : i32
      %rem3A_329 = arith.remsi %add3A_280, %rem3A_328 : i32
      %rem3A_330 = arith.constant 4 : i32
      %rem3A_331 = arith.remsi %add3A_280, %rem3A_330 : i32
      %scan3A_332 = arith.constant 0 : i32
      %scan3A_333 = arith.constant 8 : i32
      %scan3A_334 = arith.addi %scan3A_332, %scan3A_333 : i32
      %scan3A_335 = arith.constant 1 : i32
      scf.for %scan3A_352 = %scan3A_332 to %scan3A_334 step %scan3A_335  : i32 {
        %mul3A_353 = arith.constant 1 : i32
        %mul3A_354 = arith.muli %scan3A_352, %mul3A_353 : i32
        %add3A_355 = arith.constant 0 : i32
        %add3A_356 = arith.addi %add3A_355, %mul3A_354 : i32
        %mul3A_357 = arith.constant 16 : i32
        %mul3A_358 = arith.muli %add3A_356, %mul3A_357 : i32
        %get3A = arith.constant 0 : i32
        %get3A_359 = arith.index_cast %rem3A_331 : i32 to index
        %get3A_360 = arith.index_cast %get3A : i32 to index
        %get3A_361 = arith.index_cast %mul3A_358 : i32 to index
        %get3A_362 = tpu.vector_load %arg12[%get3A_359, %get3A_360, %get3A_361] {strides = array<i32>} : memref<4x1x128xi32, #tpu.memory_space<vmem>>, vector<1x1x16xi32>,
        %get3A_363 = vector.shape_cast %get3A_362 : vector<1x1x16xi32> to vector<16xi32>
        %mul3A_364 = arith.constant 16 : i32
        %mul3A_365 = arith.muli %add3A_356, %mul3A_364 : i32
        %add3A_366 = arith.constant 0 : i32
        %add3A_367 = arith.addi %mul3A_365, %add3A_366 : i32
        %slice3A = vector.extract_strided_slice %get3A_363 {offsets = [0], sizes = [1], strides = [1]} : vector<16xi32> to vector<1xi32>
        %squeeze3A = vector.extract %slice3A[0] : i32 from vector<1xi32>
        %get3A_368 = arith.index_cast %rem3A_327 : i32 to index
        %get3A_369 = arith.index_cast %add3A_367 : i32 to index
        %get3A_370 = arith.constant 0 : index
        %get3A_371 = tpu.vector_load %arg14[%get3A_368, %get3A_369, %get3A_370] {strides = array<i32>} : memref<2x128x32xf32, #tpu.memory_space<vmem>>, vector<1x1x16xf32>,
        %get3A_372 = vector.shape_cast %get3A_371 : vector<1x1x16xf32> to vector<16xf32>
        %get3A_373 = arith.index_cast %rem3A_327 : i32 to index
        %get3A_374 = arith.index_cast %add3A_367 : i32 to index
        %get3A_375 = arith.constant 16 : index
        %get3A_376 = tpu.vector_load %arg14[%get3A_373, %get3A_374, %get3A_375] {strides = array<i32>} : memref<2x128x32xf32, #tpu.memory_space<vmem>>, vector<1x1x16xf32>,
        %get3A_377 = vector.shape_cast %get3A_376 : vector<1x1x16xf32> to vector<16xf32>
        %get3A_378 = arith.index_cast %squeeze3A : i32 to index
        %get3A_379 = arith.constant 0 : index
        %get3A_380 = tpu.vector_load %arg16[%get3A_378, %get3A_379] {strides = array<i32>} : memref<125x32xf32, #tpu.memory_space<vmem>>, vector<1x16xf32>,
        %get3A_381 = vector.shape_cast %get3A_380 : vector<1x16xf32> to vector<16xf32>
        %get3A_382 = arith.index_cast %squeeze3A : i32 to index
        %get3A_383 = arith.constant 16 : index
        %get3A_384 = tpu.vector_load %arg16[%get3A_382, %get3A_383] {strides = array<i32>} : memref<125x32xf32, #tpu.memory_space<vmem>>, vector<1x16xf32>,
        %get3A_385 = vector.shape_cast %get3A_384 : vector<1x16xf32> to vector<16xf32>
        %mul3A_386 = arith.mulf %get3A_372, %get3A_381 : vector<16xf32>
        %lt3A_387 = arith.constant 0 : i32
        %lt3A_388 = vector.broadcast %lt3A_387 : i32 to vector<16xi32>
        %lt3A_389 = arith.cmpi slt, %xor3A_4, %lt3A_388 : vector<16xi32>
        %add3A_390 = arith.constant 16 : i32
        %add3A_391 = vector.broadcast %add3A_390 : i32 to vector<16xi32>
        %add3A_392 = arith.addi %xor3A_4, %add3A_391 : vector<16xi32>
        %select_n3A = arith.select %lt3A_389, %add3A_392, %xor3A_4 : vector<16xi1>, vector<16xi32>
        %broadcast_in_dim3A = vector.shape_cast %select_n3A : vector<16xi32> to vector<16x1xi32>
        %gather3A = vector.shape_cast %broadcast_in_dim3A : vector<16x1xi32> to vector<16xi32>
        %gather3A_393 = tpu.dynamic_gather %mul3A_386[%gather3A] in [0] : vector<16xf32>, vector<16xi32> -> vector<16xf32>
        %add3A_394 = arith.addf %mul3A_386, %gather3A_393 : vector<16xf32>
        %lt3A_395 = arith.constant 0 : i32
        %lt3A_396 = vector.broadcast %lt3A_395 : i32 to vector<16xi32>
        %lt3A_397 = arith.cmpi slt, %xor3A_7, %lt3A_396 : vector<16xi32>
        %add3A_398 = arith.constant 16 : i32
        %add3A_399 = vector.broadcast %add3A_398 : i32 to vector<16xi32>
        %add3A_400 = arith.addi %xor3A_7, %add3A_399 : vector<16xi32>
        %select_n3A_401 = arith.select %lt3A_397, %add3A_400, %xor3A_7 : vector<16xi1>, vector<16xi32>
        %broadcast_in_dim3A_402 = vector.shape_cast %select_n3A_401 : vector<16xi32> to vector<16x1xi32>
        %gather3A_403 = vector.shape_cast %broadcast_in_dim3A_402 : vector<16x1xi32> to vector<16xi32>
        %gather3A_404 = tpu.dynamic_gather %add3A_394[%gather3A_403] in [0] : vector<16xf32>, vector<16xi32> -> vector<16xf32>
        %add3A_405 = arith.addf %add3A_394, %gather3A_404 : vector<16xf32>
        %mul3A_406 = arith.mulf %get3A_377, %get3A_385 : vector<16xf32>
        %lt3A_407 = arith.constant 0 : i32
        %lt3A_408 = vector.broadcast %lt3A_407 : i32 to vector<16xi32>
        %lt3A_409 = arith.cmpi slt, %xor3A_4, %lt3A_408 : vector<16xi32>
        %add3A_410 = arith.constant 16 : i32
        %add3A_411 = vector.broadcast %add3A_410 : i32 to vector<16xi32>
        %add3A_412 = arith.addi %xor3A_4, %add3A_411 : vector<16xi32>
        %select_n3A_413 = arith.select %lt3A_409, %add3A_412, %xor3A_4 : vector<16xi1>, vector<16xi32>
        %broadcast_in_dim3A_414 = vector.shape_cast %select_n3A_413 : vector<16xi32> to vector<16x1xi32>
        %gather3A_415 = vector.shape_cast %broadcast_in_dim3A_414 : vector<16x1xi32> to vector<16xi32>
        %gather3A_416 = tpu.dynamic_gather %mul3A_406[%gather3A_415] in [0] : vector<16xf32>, vector<16xi32> -> vector<16xf32>
        %add3A_417 = arith.addf %mul3A_406, %gather3A_416 : vector<16xf32>
        %lt3A_418 = arith.constant 0 : i32
        %lt3A_419 = vector.broadcast %lt3A_418 : i32 to vector<16xi32>
        %lt3A_420 = arith.cmpi slt, %xor3A_7, %lt3A_419 : vector<16xi32>
        %add3A_421 = arith.constant 16 : i32
        %add3A_422 = vector.broadcast %add3A_421 : i32 to vector<16xi32>
        %add3A_423 = arith.addi %xor3A_7, %add3A_422 : vector<16xi32>
        %select_n3A_424 = arith.select %lt3A_420, %add3A_423, %xor3A_7 : vector<16xi1>, vector<16xi32>
        %broadcast_in_dim3A_425 = vector.shape_cast %select_n3A_424 : vector<16xi32> to vector<16x1xi32>
        %gather3A_426 = vector.shape_cast %broadcast_in_dim3A_425 : vector<16x1xi32> to vector<16xi32>
        %gather3A_427 = tpu.dynamic_gather %add3A_417[%gather3A_426] in [0] : vector<16xf32>, vector<16xi32> -> vector<16xf32>
        %add3A_428 = arith.addf %add3A_417, %gather3A_427 : vector<16xf32>
        %get3A_429 = arith.index_cast %rem3A_329 : i32 to index
        %get3A_430 = arith.index_cast %add3A_367 : i32 to index
        %get3A_431 = arith.constant 0 : index
        %get3A_432 = tpu.vector_load %arg15[%get3A_429, %get3A_430, %get3A_431] {strides = array<i32>} : memref<3x128x32xf32, #tpu.memory_space<vmem>>, vector<1x1x16xf32>,
        %get3A_433 = vector.shape_cast %get3A_432 : vector<1x1x16xf32> to vector<16xf32>
        %mul3A_434 = arith.mulf %add3A_405, %get3A_433 : vector<16xf32>
        %swap3A = arith.index_cast %rem3A_329 : i32 to index
        %swap3A_435 = arith.index_cast %add3A_367 : i32 to index
        %swap3A_436 = arith.constant 0 : index
        %swap3A_437 = tpu.vector_load %arg15[%swap3A, %swap3A_435, %swap3A_436] {strides = array<i32>} : memref<3x128x32xf32, #tpu.memory_space<vmem>>, vector<1x1x16xf32>,
        %swap3A_438 = vector.shape_cast %swap3A_437 : vector<1x1x16xf32> to vector<16xf32>
        %swap3A_439 = vector.shape_cast %mul3A_434 : vector<16xf32> to vector<1x1x16xf32>
        tpu.vector_store %arg15[%swap3A, %swap3A_435, %swap3A_436], %swap3A_439 {strides = array<i32>} : memref<3x128x32xf32, #tpu.memory_space<vmem>>, vector<1x1x16xf32>,
        %get3A_440 = arith.index_cast %rem3A_329 : i32 to index
        %get3A_441 = arith.index_cast %add3A_367 : i32 to index
        %get3A_442 = arith.constant 16 : index
        %get3A_443 = tpu.vector_load %arg15[%get3A_440, %get3A_441, %get3A_442] {strides = array<i32>} : memref<3x128x32xf32, #tpu.memory_space<vmem>>, vector<1x1x16xf32>,
        %get3A_444 = vector.shape_cast %get3A_443 : vector<1x1x16xf32> to vector<16xf32>
        %mul3A_445 = arith.mulf %add3A_428, %get3A_444 : vector<16xf32>
        %swap3A_446 = arith.index_cast %rem3A_329 : i32 to index
        %swap3A_447 = arith.index_cast %add3A_367 : i32 to index
        %swap3A_448 = arith.constant 16 : index
        %swap3A_449 = tpu.vector_load %arg15[%swap3A_446, %swap3A_447, %swap3A_448] {strides = array<i32>} : memref<3x128x32xf32, #tpu.memory_space<vmem>>, vector<1x1x16xf32>,
        %swap3A_450 = vector.shape_cast %swap3A_449 : vector<1x1x16xf32> to vector<16xf32>
        %swap3A_451 = vector.shape_cast %mul3A_445 : vector<16xf32> to vector<1x1x16xf32>
        tpu.vector_store %arg15[%swap3A_446, %swap3A_447, %swap3A_448], %swap3A_451 {strides = array<i32>} : memref<3x128x32xf32, #tpu.memory_space<vmem>>, vector<1x1x16xf32>,
        %mul3A_452 = arith.constant 16 : i32
        %mul3A_453 = arith.muli %add3A_356, %mul3A_452 : i32
        %add3A_454 = arith.constant 1 : i32
        %add3A_455 = arith.addi %mul3A_453, %add3A_454 : i32
        %slice3A_456 = vector.extract_strided_slice %get3A_363 {offsets = [1], sizes = [1], strides = [1]} : vector<16xi32> to vector<1xi32>
        %squeeze3A_457 = vector.extract %slice3A_456[0] : i32 from vector<1xi32>
        %get3A_458 = arith.index_cast %rem3A_327 : i32 to index
        %get3A_459 = arith.index_cast %add3A_455 : i32 to index
        %get3A_460 = arith.constant 0 : index
        %get3A_461 = tpu.vector_load %arg14[%get3A_458, %get3A_459, %get3A_460] {strides = array<i32>} : memref<2x128x32xf32, #tpu.memory_space<vmem>>, vector<1x1x16xf32>,
        %get3A_462 = vector.shape_cast %get3A_461 : vector<1x1x16xf32> to vector<16xf32>
        %get3A_463 = arith.index_cast %rem3A_327 : i32 to index
        %get3A_464 = arith.index_cast %add3A_455 : i32 to index
        %get3A_465 = arith.constant 16 : index
        %get3A_466 = tpu.vector_load %arg14[%get3A_463, %get3A_464, %get3A_465] {strides = array<i32>} : memref<2x128x32xf32, #tpu.memory_space<vmem>>, vector<1x1x16xf32>,
        %get3A_467 = vector.shape_cast %get3A_466 : vector<1x1x16xf32> to vector<16xf32>
        %get3A_468 = arith.index_cast %squeeze3A_457 : i32 to index
        %get3A_469 = arith.constant 0 : index
        %get3A_470 = tpu.vector_load %arg16[%get3A_468, %get3A_469] {strides = array<i32>} : memref<125x32xf32, #tpu.memory_space<vmem>>, vector<1x16xf32>,
        %get3A_471 = vector.shape_cast %get3A_470 : vector<1x16xf32> to vector<16xf32>
        %get3A_472 = arith.index_cast %squeeze3A_457 : i32 to index
        %get3A_473 = arith.constant 16 : index
        %get3A_474 = tpu.vector_load %arg16[%get3A_472, %get3A_473] {strides = array<i32>} : memref<125x32xf32, #tpu.memory_space<vmem>>, vector<1x16xf32>,
        %get3A_475 = vector.shape_cast %get3A_474 : vector<1x16xf32> to vector<16xf32>
        %mul3A_476 = arith.mulf %get3A_462, %get3A_471 : vector<16xf32>
        %lt3A_477 = arith.constant 0 : i32
        %lt3A_478 = vector.broadcast %lt3A_477 : i32 to vector<16xi32>
        %lt3A_479 = arith.cmpi slt, %xor3A_4, %lt3A_478 : vector<16xi32>
        %add3A_480 = arith.constant 16 : i32
        %add3A_481 = vector.broadcast %add3A_480 : i32 to vector<16xi32>
        %add3A_482 = arith.addi %xor3A_4, %add3A_481 : vector<16xi32>
        %select_n3A_483 = arith.select %lt3A_479, %add3A_482, %xor3A_4 : vector<16xi1>, vector<16xi32>
        %broadcast_in_dim3A_484 = vector.shape_cast %select_n3A_483 : vector<16xi32> to vector<16x1xi32>
        %gather3A_485 = vector.shape_cast %broadcast_in_dim3A_484 : vector<16x1xi32> to vector<16xi32>
        %gather3A_486 = tpu.dynamic_gather %mul3A_476[%gather3A_485] in [0] : vector<16xf32>, vector<16xi32> -> vector<16xf32>
        %add3A_487 = arith.addf %mul3A_476, %gather3A_486 : vector<16xf32>
        %lt3A_488 = arith.constant 0 : i32
        %lt3A_489 = vector.broadcast %lt3A_488 : i32 to vector<16xi32>
        %lt3A_490 = arith.cmpi slt, %xor3A_7, %lt3A_489 : vector<16xi32>
        %add3A_491 = arith.constant 16 : i32
        %add3A_492 = vector.broadcast %add3A_491 : i32 to vector<16xi32>
        %add3A_493 = arith.addi %xor3A_7, %add3A_492 : vector<16xi32>
        %select_n3A_494 = arith.select %lt3A_490, %add3A_493, %xor3A_7 : vector<16xi1>, vector<16xi32>
        %broadcast_in_dim3A_495 = vector.shape_cast %select_n3A_494 : vector<16xi32> to vector<16x1xi32>
        %gather3A_496 = vector.shape_cast %broadcast_in_dim3A_495 : vector<16x1xi32> to vector<16xi32>
        %gather3A_497 = tpu.dynamic_gather %add3A_487[%gather3A_496] in [0] : vector<16xf32>, vector<16xi32> -> vector<16xf32>
        %add3A_498 = arith.addf %add3A_487, %gather3A_497 : vector<16xf32>
        %mul3A_499 = arith.mulf %get3A_467, %get3A_475 : vector<16xf32>
        %lt3A_500 = arith.constant 0 : i32
        %lt3A_501 = vector.broadcast %lt3A_500 : i32 to vector<16xi32>
        %lt3A_502 = arith.cmpi slt, %xor3A_4, %lt3A_501 : vector<16xi32>
        %add3A_503 = arith.constant 16 : i32
        %add3A_504 = vector.broadcast %add3A_503 : i32 to vector<16xi32>
        %add3A_505 = arith.addi %xor3A_4, %add3A_504 : vector<16xi32>
        %select_n3A_506 = arith.select %lt3A_502, %add3A_505, %xor3A_4 : vector<16xi1>, vector<16xi32>
        %broadcast_in_dim3A_507 = vector.shape_cast %select_n3A_506 : vector<16xi32> to vector<16x1xi32>
        %gather3A_508 = vector.shape_cast %broadcast_in_dim3A_507 : vector<16x1xi32> to vector<16xi32>
        %gather3A_509 = tpu.dynamic_gather %mul3A_499[%gather3A_508] in [0] : vector<16xf32>, vector<16xi32> -> vector<16xf32>
        %add3A_510 = arith.addf %mul3A_499, %gather3A_509 : vector<16xf32>
        %lt3A_511 = arith.constant 0 : i32
        %lt3A_512 = vector.broadcast %lt3A_511 : i32 to vector<16xi32>
        %lt3A_513 = arith.cmpi slt, %xor3A_7, %lt3A_512 : vector<16xi32>
        %add3A_514 = arith.constant 16 : i32
        %add3A_515 = vector.broadcast %add3A_514 : i32 to vector<16xi32>
        %add3A_516 = arith.addi %xor3A_7, %add3A_515 : vector<16xi32>
        %select_n3A_517 = arith.select %lt3A_513, %add3A_516, %xor3A_7 : vector<16xi1>, vector<16xi32>
        %broadcast_in_dim3A_518 = vector.shape_cast %select_n3A_517 : vector<16xi32> to vector<16x1xi32>
        %gather3A_519 = vector.shape_cast %broadcast_in_dim3A_518 : vector<16x1xi32> to vector<16xi32>
        %gather3A_520 = tpu.dynamic_gather %add3A_510[%gather3A_519] in [0] : vector<16xf32>, vector<16xi32> -> vector<16xf32>
        %add3A_521 = arith.addf %add3A_510, %gather3A_520 : vector<16xf32>
        %get3A_522 = arith.index_cast %rem3A_329 : i32 to index
        %get3A_523 = arith.index_cast %add3A_455 : i32 to index
        %get3A_524 = arith.constant 0 : index
        %get3A_525 = tpu.vector_load %arg15[%get3A_522, %get3A_523, %get3A_524] {strides = array<i32>} : memref<3x128x32xf32, #tpu.memory_space<vmem>>, vector<1x1x16xf32>,
        %get3A_526 = vector.shape_cast %get3A_525 : vector<1x1x16xf32> to vector<16xf32>
        %mul3A_527 = arith.mulf %add3A_498, %get3A_526 : vector<16xf32>
        %swap3A_528 = arith.index_cast %rem3A_329 : i32 to index
        %swap3A_529 = arith.index_cast %add3A_455 : i32 to index
        %swap3A_530 = arith.constant 0 : index
        %swap3A_531 = tpu.vector_load %arg15[%swap3A_528, %swap3A_529, %swap3A_530] {strides = array<i32>} : memref<3x128x32xf32, #tpu.memory_space<vmem>>, vector<1x1x16xf32>,
        %swap3A_532 = vector.shape_cast %swap3A_531 : vector<1x1x16xf32> to vector<16xf32>
        %swap3A_533 = vector.shape_cast %mul3A_527 : vector<16xf32> to vector<1x1x16xf32>
        tpu.vector_store %arg15[%swap3A_528, %swap3A_529, %swap3A_530], %swap3A_533 {strides = array<i32>} : memref<3x128x32xf32, #tpu.memory_space<vmem>>, vector<1x1x16xf32>,
        %get3A_534 = arith.index_cast %rem3A_329 : i32 to index
        %get3A_535 = arith.index_cast %add3A_455 : i32 to index
        %get3A_536 = arith.constant 16 : index
        %get3A_537 = tpu.vector_load %arg15[%get3A_534, %get3A_535, %get3A_536] {strides = array<i32>} : memref<3x128x32xf32, #tpu.memory_space<vmem>>, vector<1x1x16xf32>,
        %get3A_538 = vector.shape_cast %get3A_537 : vector<1x1x16xf32> to vector<16xf32>
        %mul3A_539 = arith.mulf %add3A_521, %get3A_538 : vector<16xf32>
        %swap3A_540 = arith.index_cast %rem3A_329 : i32 to index
        %swap3A_541 = arith.index_cast %add3A_455 : i32 to index
        %swap3A_542 = arith.constant 16 : index
        %swap3A_543 = tpu.vector_load %arg15[%swap3A_540, %swap3A_541, %swap3A_542] {strides = array<i32>} : memref<3x128x32xf32, #tpu.memory_space<vmem>>, vector<1x1x16xf32>,
        %swap3A_544 = vector.shape_cast %swap3A_543 : vector<1x1x16xf32> to vector<16xf32>
        %swap3A_545 = vector.shape_cast %mul3A_539 : vector<16xf32> to vector<1x1x16xf32>
        tpu.vector_store %arg15[%swap3A_540, %swap3A_541, %swap3A_542], %swap3A_545 {strides = array<i32>} : memref<3x128x32xf32, #tpu.memory_space<vmem>>, vector<1x1x16xf32>,
        %mul3A_546 = arith.constant 16 : i32
        %mul3A_547 = arith.muli %add3A_356, %mul3A_546 : i32
        %add3A_548 = arith.constant 2 : i32
        %add3A_549 = arith.addi %mul3A_547, %add3A_548 : i32
        %slice3A_550 = vector.extract_strided_slice %get3A_363 {offsets = [2], sizes = [1], strides = [1]} : vector<16xi32> to vector<1xi32>
        %squeeze3A_551 = vector.extract %slice3A_550[0] : i32 from vector<1xi32>
        %get3A_552 = arith.index_cast %rem3A_327 : i32 to index
        %get3A_553 = arith.index_cast %add3A_549 : i32 to index
        %get3A_554 = arith.constant 0 : index
        %get3A_555 = tpu.vector_load %arg14[%get3A_552, %get3A_553, %get3A_554] {strides = array<i32>} : memref<2x128x32xf32, #tpu.memory_space<vmem>>, vector<1x1x16xf32>,
        %get3A_556 = vector.shape_cast %get3A_555 : vector<1x1x16xf32> to vector<16xf32>
        %get3A_557 = arith.index_cast %rem3A_327 : i32 to index
        %get3A_558 = arith.index_cast %add3A_549 : i32 to index
        %get3A_559 = arith.constant 16 : index
        %get3A_560 = tpu.vector_load %arg14[%get3A_557, %get3A_558, %get3A_559] {strides = array<i32>} : memref<2x128x32xf32, #tpu.memory_space<vmem>>, vector<1x1x16xf32>,
        %get3A_561 = vector.shape_cast %get3A_560 : vector<1x1x16xf32> to vector<16xf32>
        %get3A_562 = arith.index_cast %squeeze3A_551 : i32 to index
        %get3A_563 = arith.constant 0 : index
        %get3A_564 = tpu.vector_load %arg16[%get3A_562, %get3A_563] {strides = array<i32>} : memref<125x32xf32, #tpu.memory_space<vmem>>, vector<1x16xf32>,
        %get3A_565 = vector.shape_cast %get3A_564 : vector<1x16xf32> to vector<16xf32>
        %get3A_566 = arith.index_cast %squeeze3A_551 : i32 to index
        %get3A_567 = arith.constant 16 : index
        %get3A_568 = tpu.vector_load %arg16[%get3A_566, %get3A_567] {strides = array<i32>} : memref<125x32xf32, #tpu.memory_space<vmem>>, vector<1x16xf32>,
        %get3A_569 = vector.shape_cast %get3A_568 : vector<1x16xf32> to vector<16xf32>
        %mul3A_570 = arith.mulf %get3A_556, %get3A_565 : vector<16xf32>
        %lt3A_571 = arith.constant 0 : i32
        %lt3A_572 = vector.broadcast %lt3A_571 : i32 to vector<16xi32>
        %lt3A_573 = arith.cmpi slt, %xor3A_4, %lt3A_572 : vector<16xi32>
        %add3A_574 = arith.constant 16 : i32
        %add3A_575 = vector.broadcast %add3A_574 : i32 to vector<16xi32>
        %add3A_576 = arith.addi %xor3A_4, %add3A_575 : vector<16xi32>
        %select_n3A_577 = arith.select %lt3A_573, %add3A_576, %xor3A_4 : vector<16xi1>, vector<16xi32>
        %broadcast_in_dim3A_578 = vector.shape_cast %select_n3A_577 : vector<16xi32> to vector<16x1xi32>
        %gather3A_579 = vector.shape_cast %broadcast_in_dim3A_578 : vector<16x1xi32> to vector<16xi32>
        %gather3A_580 = tpu.dynamic_gather %mul3A_570[%gather3A_579] in [0] : vector<16xf32>, vector<16xi32> -> vector<16xf32>
        %add3A_581 = arith.addf %mul3A_570, %gather3A_580 : vector<16xf32>
        %lt3A_582 = arith.constant 0 : i32
        %lt3A_583 = vector.broadcast %lt3A_582 : i32 to vector<16xi32>
        %lt3A_584 = arith.cmpi slt, %xor3A_7, %lt3A_583 : vector<16xi32>
        %add3A_585 = arith.constant 16 : i32
        %add3A_586 = vector.broadcast %add3A_585 : i32 to vector<16xi32>
        %add3A_587 = arith.addi %xor3A_7, %add3A_586 : vector<16xi32>
        %select_n3A_588 = arith.select %lt3A_584, %add3A_587, %xor3A_7 : vector<16xi1>, vector<16xi32>
        %broadcast_in_dim3A_589 = vector.shape_cast %select_n3A_588 : vector<16xi32> to vector<16x1xi32>
        %gather3A_590 = vector.shape_cast %broadcast_in_dim3A_589 : vector<16x1xi32> to vector<16xi32>
        %gather3A_591 = tpu.dynamic_gather %add3A_581[%gather3A_590] in [0] : vector<16xf32>, vector<16xi32> -> vector<16xf32>
        %add3A_592 = arith.addf %add3A_581, %gather3A_591 : vector<16xf32>
        %mul3A_593 = arith.mulf %get3A_561, %get3A_569 : vector<16xf32>
        %lt3A_594 = arith.constant 0 : i32
        %lt3A_595 = vector.broadcast %lt3A_594 : i32 to vector<16xi32>
        %lt3A_596 = arith.cmpi slt, %xor3A_4, %lt3A_595 : vector<16xi32>
        %add3A_597 = arith.constant 16 : i32
        %add3A_598 = vector.broadcast %add3A_597 : i32 to vector<16xi32>
        %add3A_599 = arith.addi %xor3A_4, %add3A_598 : vector<16xi32>
        %select_n3A_600 = arith.select %lt3A_596, %add3A_599, %xor3A_4 : vector<16xi1>, vector<16xi32>
        %broadcast_in_dim3A_601 = vector.shape_cast %select_n3A_600 : vector<16xi32> to vector<16x1xi32>
        %gather3A_602 = vector.shape_cast %broadcast_in_dim3A_601 : vector<16x1xi32> to vector<16xi32>
        %gather3A_603 = tpu.dynamic_gather %mul3A_593[%gather3A_602] in [0] : vector<16xf32>, vector<16xi32> -> vector<16xf32>
        %add3A_604 = arith.addf %mul3A_593, %gather3A_603 : vector<16xf32>
        %lt3A_605 = arith.constant 0 : i32
        %lt3A_606 = vector.broadcast %lt3A_605 : i32 to vector<16xi32>
        %lt3A_607 = arith.cmpi slt, %xor3A_7, %lt3A_606 : vector<16xi32>
        %add3A_608 = arith.constant 16 : i32
        %add3A_609 = vector.broadcast %add3A_608 : i32 to vector<16xi32>
        %add3A_610 = arith.addi %xor3A_7, %add3A_609 : vector<16xi32>
        %select_n3A_611 = arith.select %lt3A_607, %add3A_610, %xor3A_7 : vector<16xi1>, vector<16xi32>
        %broadcast_in_dim3A_612 = vector.shape_cast %select_n3A_611 : vector<16xi32> to vector<16x1xi32>
        %gather3A_613 = vector.shape_cast %broadcast_in_dim3A_612 : vector<16x1xi32> to vector<16xi32>
        %gather3A_614 = tpu.dynamic_gather %add3A_604[%gather3A_613] in [0] : vector<16xf32>, vector<16xi32> -> vector<16xf32>
        %add3A_615 = arith.addf %add3A_604, %gather3A_614 : vector<16xf32>
        %get3A_616 = arith.index_cast %rem3A_329 : i32 to index
        %get3A_617 = arith.index_cast %add3A_549 : i32 to index
        %get3A_618 = arith.constant 0 : index
        %get3A_619 = tpu.vector_load %arg15[%get3A_616, %get3A_617, %get3A_618] {strides = array<i32>} : memref<3x128x32xf32, #tpu.memory_space<vmem>>, vector<1x1x16xf32>,
        %get3A_620 = vector.shape_cast %get3A_619 : vector<1x1x16xf32> to vector<16xf32>
        %mul3A_621 = arith.mulf %add3A_592, %get3A_620 : vector<16xf32>
        %swap3A_622 = arith.index_cast %rem3A_329 : i32 to index
        %swap3A_623 = arith.index_cast %add3A_549 : i32 to index
        %swap3A_624 = arith.constant 0 : index
        %swap3A_625 = tpu.vector_load %arg15[%swap3A_622, %swap3A_623, %swap3A_624] {strides = array<i32>} : memref<3x128x32xf32, #tpu.memory_space<vmem>>, vector<1x1x16xf32>,
        %swap3A_626 = vector.shape_cast %swap3A_625 : vector<1x1x16xf32> to vector<16xf32>
        %swap3A_627 = vector.shape_cast %mul3A_621 : vector<16xf32> to vector<1x1x16xf32>
        tpu.vector_store %arg15[%swap3A_622, %swap3A_623, %swap3A_624], %swap3A_627 {strides = array<i32>} : memref<3x128x32xf32, #tpu.memory_space<vmem>>, vector<1x1x16xf32>,
        %get3A_628 = arith.index_cast %rem3A_329 : i32 to index
        %get3A_629 = arith.index_cast %add3A_549 : i32 to index
        %get3A_630 = arith.constant 16 : index
        %get3A_631 = tpu.vector_load %arg15[%get3A_628, %get3A_629, %get3A_630] {strides = array<i32>} : memref<3x128x32xf32, #tpu.memory_space<vmem>>, vector<1x1x16xf32>,
        %get3A_632 = vector.shape_cast %get3A_631 : vector<1x1x16xf32> to vector<16xf32>
        %mul3A_633 = arith.mulf %add3A_615, %get3A_632 : vector<16xf32>
        %swap3A_634 = arith.index_cast %rem3A_329 : i32 to index
        %swap3A_635 = arith.index_cast %add3A_549 : i32 to index
        %swap3A_636 = arith.constant 16 : index
        %swap3A_637 = tpu.vector_load %arg15[%swap3A_634, %swap3A_635, %swap3A_636] {strides = array<i32>} : memref<3x128x32xf32, #tpu.memory_space<vmem>>, vector<1x1x16xf32>,
        %swap3A_638 = vector.shape_cast %swap3A_637 : vector<1x1x16xf32> to vector<16xf32>
        %swap3A_639 = vector.shape_cast %mul3A_633 : vector<16xf32> to vector<1x1x16xf32>
        tpu.vector_store %arg15[%swap3A_634, %swap3A_635, %swap3A_636], %swap3A_639 {strides = array<i32>} : memref<3x128x32xf32, #tpu.memory_space<vmem>>, vector<1x1x16xf32>,
        %mul3A_640 = arith.constant 16 : i32
        %mul3A_641 = arith.muli %add3A_356, %mul3A_640 : i32
        %add3A_642 = arith.constant 3 : i32
        %add3A_643 = arith.addi %mul3A_641, %add3A_642 : i32
        %slice3A_644 = vector.extract_strided_slice %get3A_363 {offsets = [3], sizes = [1], strides = [1]} : vector<16xi32> to vector<1xi32>
        %squeeze3A_645 = vector.extract %slice3A_644[0] : i32 from vector<1xi32>
        %get3A_646 = arith.index_cast %rem3A_327 : i32 to index
        %get3A_647 = arith.index_cast %add3A_643 : i32 to index
        %get3A_648 = arith.constant 0 : index
        %get3A_649 = tpu.vector_load %arg14[%get3A_646, %get3A_647, %get3A_648] {strides = array<i32>} : memref<2x128x32xf32, #tpu.memory_space<vmem>>, vector<1x1x16xf32>,
        %get3A_650 = vector.shape_cast %get3A_649 : vector<1x1x16xf32> to vector<16xf32>
        %get3A_651 = arith.index_cast %rem3A_327 : i32 to index
        %get3A_652 = arith.index_cast %add3A_643 : i32 to index
        %get3A_653 = arith.constant 16 : index
        %get3A_654 = tpu.vector_load %arg14[%get3A_651, %get3A_652, %get3A_653] {strides = array<i32>} : memref<2x128x32xf32, #tpu.memory_space<vmem>>, vector<1x1x16xf32>,
        %get3A_655 = vector.shape_cast %get3A_654 : vector<1x1x16xf32> to vector<16xf32>
        %get3A_656 = arith.index_cast %squeeze3A_645 : i32 to index
        %get3A_657 = arith.constant 0 : index
        %get3A_658 = tpu.vector_load %arg16[%get3A_656, %get3A_657] {strides = array<i32>} : memref<125x32xf32, #tpu.memory_space<vmem>>, vector<1x16xf32>,
        %get3A_659 = vector.shape_cast %get3A_658 : vector<1x16xf32> to vector<16xf32>
        %get3A_660 = arith.index_cast %squeeze3A_645 : i32 to index
        %get3A_661 = arith.constant 16 : index
        %get3A_662 = tpu.vector_load %arg16[%get3A_660, %get3A_661] {strides = array<i32>} : memref<125x32xf32, #tpu.memory_space<vmem>>, vector<1x16xf32>,
        %get3A_663 = vector.shape_cast %get3A_662 : vector<1x16xf32> to vector<16xf32>
        %mul3A_664 = arith.mulf %get3A_650, %get3A_659 : vector<16xf32>
        %lt3A_665 = arith.constant 0 : i32
        %lt3A_666 = vector.broadcast %lt3A_665 : i32 to vector<16xi32>
        %lt3A_667 = arith.cmpi slt, %xor3A_4, %lt3A_666 : vector<16xi32>
        %add3A_668 = arith.constant 16 : i32
        %add3A_669 = vector.broadcast %add3A_668 : i32 to vector<16xi32>
        %add3A_670 = arith.addi %xor3A_4, %add3A_669 : vector<16xi32>
        %select_n3A_671 = arith.select %lt3A_667, %add3A_670, %xor3A_4 : vector<16xi1>, vector<16xi32>
        %broadcast_in_dim3A_672 = vector.shape_cast %select_n3A_671 : vector<16xi32> to vector<16x1xi32>
        %gather3A_673 = vector.shape_cast %broadcast_in_dim3A_672 : vector<16x1xi32> to vector<16xi32>
        %gather3A_674 = tpu.dynamic_gather %mul3A_664[%gather3A_673] in [0] : vector<16xf32>, vector<16xi32> -> vector<16xf32>
        %add3A_675 = arith.addf %mul3A_664, %gather3A_674 : vector<16xf32>
        %lt3A_676 = arith.constant 0 : i32
        %lt3A_677 = vector.broadcast %lt3A_676 : i32 to vector<16xi32>
        %lt3A_678 = arith.cmpi slt, %xor3A_7, %lt3A_677 : vector<16xi32>
        %add3A_679 = arith.constant 16 : i32
        %add3A_680 = vector.broadcast %add3A_679 : i32 to vector<16xi32>
        %add3A_681 = arith.addi %xor3A_7, %add3A_680 : vector<16xi32>
        %select_n3A_682 = arith.select %lt3A_678, %add3A_681, %xor3A_7 : vector<16xi1>, vector<16xi32>
        %broadcast_in_dim3A_683 = vector.shape_cast %select_n3A_682 : vector<16xi32> to vector<16x1xi32>
        %gather3A_684 = vector.shape_cast %broadcast_in_dim3A_683 : vector<16x1xi32> to vector<16xi32>
        %gather3A_685 = tpu.dynamic_gather %add3A_675[%gather3A_684] in [0] : vector<16xf32>, vector<16xi32> -> vector<16xf32>
        %add3A_686 = arith.addf %add3A_675, %gather3A_685 : vector<16xf32>
        %mul3A_687 = arith.mulf %get3A_655, %get3A_663 : vector<16xf32>
        %lt3A_688 = arith.constant 0 : i32
        %lt3A_689 = vector.broadcast %lt3A_688 : i32 to vector<16xi32>
        %lt3A_690 = arith.cmpi slt, %xor3A_4, %lt3A_689 : vector<16xi32>
        %add3A_691 = arith.constant 16 : i32
        %add3A_692 = vector.broadcast %add3A_691 : i32 to vector<16xi32>
        %add3A_693 = arith.addi %xor3A_4, %add3A_692 : vector<16xi32>
        %select_n3A_694 = arith.select %lt3A_690, %add3A_693, %xor3A_4 : vector<16xi1>, vector<16xi32>
        %broadcast_in_dim3A_695 = vector.shape_cast %select_n3A_694 : vector<16xi32> to vector<16x1xi32>
        %gather3A_696 = vector.shape_cast %broadcast_in_dim3A_695 : vector<16x1xi32> to vector<16xi32>
        %gather3A_697 = tpu.dynamic_gather %mul3A_687[%gather3A_696] in [0] : vector<16xf32>, vector<16xi32> -> vector<16xf32>
        %add3A_698 = arith.addf %mul3A_687, %gather3A_697 : vector<16xf32>
        %lt3A_699 = arith.constant 0 : i32
        %lt3A_700 = vector.broadcast %lt3A_699 : i32 to vector<16xi32>
        %lt3A_701 = arith.cmpi slt, %xor3A_7, %lt3A_700 : vector<16xi32>
        %add3A_702 = arith.constant 16 : i32
        %add3A_703 = vector.broadcast %add3A_702 : i32 to vector<16xi32>
        %add3A_704 = arith.addi %xor3A_7, %add3A_703 : vector<16xi32>
        %select_n3A_705 = arith.select %lt3A_701, %add3A_704, %xor3A_7 : vector<16xi1>, vector<16xi32>
        %broadcast_in_dim3A_706 = vector.shape_cast %select_n3A_705 : vector<16xi32> to vector<16x1xi32>
        %gather3A_707 = vector.shape_cast %broadcast_in_dim3A_706 : vector<16x1xi32> to vector<16xi32>
        %gather3A_708 = tpu.dynamic_gather %add3A_698[%gather3A_707] in [0] : vector<16xf32>, vector<16xi32> -> vector<16xf32>
        %add3A_709 = arith.addf %add3A_698, %gather3A_708 : vector<16xf32>
        %get3A_710 = arith.index_cast %rem3A_329 : i32 to index
        %get3A_711 = arith.index_cast %add3A_643 : i32 to index
        %get3A_712 = arith.constant 0 : index
        %get3A_713 = tpu.vector_load %arg15[%get3A_710, %get3A_711, %get3A_712] {strides = array<i32>} : memref<3x128x32xf32, #tpu.memory_space<vmem>>, vector<1x1x16xf32>,
        %get3A_714 = vector.shape_cast %get3A_713 : vector<1x1x16xf32> to vector<16xf32>
        %mul3A_715 = arith.mulf %add3A_686, %get3A_714 : vector<16xf32>
        %swap3A_716 = arith.index_cast %rem3A_329 : i32 to index
        %swap3A_717 = arith.index_cast %add3A_643 : i32 to index
        %swap3A_718 = arith.constant 0 : index
        %swap3A_719 = tpu.vector_load %arg15[%swap3A_716, %swap3A_717, %swap3A_718] {strides = array<i32>} : memref<3x128x32xf32, #tpu.memory_space<vmem>>, vector<1x1x16xf32>,
        %swap3A_720 = vector.shape_cast %swap3A_719 : vector<1x1x16xf32> to vector<16xf32>
        %swap3A_721 = vector.shape_cast %mul3A_715 : vector<16xf32> to vector<1x1x16xf32>
        tpu.vector_store %arg15[%swap3A_716, %swap3A_717, %swap3A_718], %swap3A_721 {strides = array<i32>} : memref<3x128x32xf32, #tpu.memory_space<vmem>>, vector<1x1x16xf32>,
        %get3A_722 = arith.index_cast %rem3A_329 : i32 to index
        %get3A_723 = arith.index_cast %add3A_643 : i32 to index
        %get3A_724 = arith.constant 16 : index
        %get3A_725 = tpu.vector_load %arg15[%get3A_722, %get3A_723, %get3A_724] {strides = array<i32>} : memref<3x128x32xf32, #tpu.memory_space<vmem>>, vector<1x1x16xf32>,
        %get3A_726 = vector.shape_cast %get3A_725 : vector<1x1x16xf32> to vector<16xf32>
        %mul3A_727 = arith.mulf %add3A_709, %get3A_726 : vector<16xf32>
        %swap3A_728 = arith.index_cast %rem3A_329 : i32 to index
        %swap3A_729 = arith.index_cast %add3A_643 : i32 to index
        %swap3A_730 = arith.constant 16 : index
        %swap3A_731 = tpu.vector_load %arg15[%swap3A_728, %swap3A_729, %swap3A_730] {strides = array<i32>} : memref<3x128x32xf32, #tpu.memory_space<vmem>>, vector<1x1x16xf32>,
        %swap3A_732 = vector.shape_cast %swap3A_731 : vector<1x1x16xf32> to vector<16xf32>
        %swap3A_733 = vector.shape_cast %mul3A_727 : vector<16xf32> to vector<1x1x16xf32>
        tpu.vector_store %arg15[%swap3A_728, %swap3A_729, %swap3A_730], %swap3A_733 {strides = array<i32>} : memref<3x128x32xf32, #tpu.memory_space<vmem>>, vector<1x1x16xf32>,
        %mul3A_734 = arith.constant 16 : i32
        %mul3A_735 = arith.muli %add3A_356, %mul3A_734 : i32
        %add3A_736 = arith.constant 4 : i32
        %add3A_737 = arith.addi %mul3A_735, %add3A_736 : i32
        %slice3A_738 = vector.extract_strided_slice %get3A_363 {offsets = [4], sizes = [1], strides = [1]} : vector<16xi32> to vector<1xi32>
        %squeeze3A_739 = vector.extract %slice3A_738[0] : i32 from vector<1xi32>
        %get3A_740 = arith.index_cast %rem3A_327 : i32 to index
        %get3A_741 = arith.index_cast %add3A_737 : i32 to index
        %get3A_742 = arith.constant 0 : index
        %get3A_743 = tpu.vector_load %arg14[%get3A_740, %get3A_741, %get3A_742] {strides = array<i32>} : memref<2x128x32xf32, #tpu.memory_space<vmem>>, vector<1x1x16xf32>,
        %get3A_744 = vector.shape_cast %get3A_743 : vector<1x1x16xf32> to vector<16xf32>
        %get3A_745 = arith.index_cast %rem3A_327 : i32 to index
        %get3A_746 = arith.index_cast %add3A_737 : i32 to index
        %get3A_747 = arith.constant 16 : index
        %get3A_748 = tpu.vector_load %arg14[%get3A_745, %get3A_746, %get3A_747] {strides = array<i32>} : memref<2x128x32xf32, #tpu.memory_space<vmem>>, vector<1x1x16xf32>,
        %get3A_749 = vector.shape_cast %get3A_748 : vector<1x1x16xf32> to vector<16xf32>
        %get3A_750 = arith.index_cast %squeeze3A_739 : i32 to index
        %get3A_751 = arith.constant 0 : index
        %get3A_752 = tpu.vector_load %arg16[%get3A_750, %get3A_751] {strides = array<i32>} : memref<125x32xf32, #tpu.memory_space<vmem>>, vector<1x16xf32>,
        %get3A_753 = vector.shape_cast %get3A_752 : vector<1x16xf32> to vector<16xf32>
        %get3A_754 = arith.index_cast %squeeze3A_739 : i32 to index
        %get3A_755 = arith.constant 16 : index
        %get3A_756 = tpu.vector_load %arg16[%get3A_754, %get3A_755] {strides = array<i32>} : memref<125x32xf32, #tpu.memory_space<vmem>>, vector<1x16xf32>,
        %get3A_757 = vector.shape_cast %get3A_756 : vector<1x16xf32> to vector<16xf32>
        %mul3A_758 = arith.mulf %get3A_744, %get3A_753 : vector<16xf32>
        %lt3A_759 = arith.constant 0 : i32
        %lt3A_760 = vector.broadcast %lt3A_759 : i32 to vector<16xi32>
        %lt3A_761 = arith.cmpi slt, %xor3A_4, %lt3A_760 : vector<16xi32>
        %add3A_762 = arith.constant 16 : i32
        %add3A_763 = vector.broadcast %add3A_762 : i32 to vector<16xi32>
        %add3A_764 = arith.addi %xor3A_4, %add3A_763 : vector<16xi32>
        %select_n3A_765 = arith.select %lt3A_761, %add3A_764, %xor3A_4 : vector<16xi1>, vector<16xi32>
        %broadcast_in_dim3A_766 = vector.shape_cast %select_n3A_765 : vector<16xi32> to vector<16x1xi32>
        %gather3A_767 = vector.shape_cast %broadcast_in_dim3A_766 : vector<16x1xi32> to vector<16xi32>
        %gather3A_768 = tpu.dynamic_gather %mul3A_758[%gather3A_767] in [0] : vector<16xf32>, vector<16xi32> -> vector<16xf32>
        %add3A_769 = arith.addf %mul3A_758, %gather3A_768 : vector<16xf32>
        %lt3A_770 = arith.constant 0 : i32
        %lt3A_771 = vector.broadcast %lt3A_770 : i32 to vector<16xi32>
        %lt3A_772 = arith.cmpi slt, %xor3A_7, %lt3A_771 : vector<16xi32>
        %add3A_773 = arith.constant 16 : i32
        %add3A_774 = vector.broadcast %add3A_773 : i32 to vector<16xi32>
        %add3A_775 = arith.addi %xor3A_7, %add3A_774 : vector<16xi32>
        %select_n3A_776 = arith.select %lt3A_772, %add3A_775, %xor3A_7 : vector<16xi1>, vector<16xi32>
        %broadcast_in_dim3A_777 = vector.shape_cast %select_n3A_776 : vector<16xi32> to vector<16x1xi32>
        %gather3A_778 = vector.shape_cast %broadcast_in_dim3A_777 : vector<16x1xi32> to vector<16xi32>
        %gather3A_779 = tpu.dynamic_gather %add3A_769[%gather3A_778] in [0] : vector<16xf32>, vector<16xi32> -> vector<16xf32>
        %add3A_780 = arith.addf %add3A_769, %gather3A_779 : vector<16xf32>
        %mul3A_781 = arith.mulf %get3A_749, %get3A_757 : vector<16xf32>
        %lt3A_782 = arith.constant 0 : i32
        %lt3A_783 = vector.broadcast %lt3A_782 : i32 to vector<16xi32>
        %lt3A_784 = arith.cmpi slt, %xor3A_4, %lt3A_783 : vector<16xi32>
        %add3A_785 = arith.constant 16 : i32
        %add3A_786 = vector.broadcast %add3A_785 : i32 to vector<16xi32>
        %add3A_787 = arith.addi %xor3A_4, %add3A_786 : vector<16xi32>
        %select_n3A_788 = arith.select %lt3A_784, %add3A_787, %xor3A_4 : vector<16xi1>, vector<16xi32>
        %broadcast_in_dim3A_789 = vector.shape_cast %select_n3A_788 : vector<16xi32> to vector<16x1xi32>
        %gather3A_790 = vector.shape_cast %broadcast_in_dim3A_789 : vector<16x1xi32> to vector<16xi32>
        %gather3A_791 = tpu.dynamic_gather %mul3A_781[%gather3A_790] in [0] : vector<16xf32>, vector<16xi32> -> vector<16xf32>
        %add3A_792 = arith.addf %mul3A_781, %gather3A_791 : vector<16xf32>
        %lt3A_793 = arith.constant 0 : i32
        %lt3A_794 = vector.broadcast %lt3A_793 : i32 to vector<16xi32>
        %lt3A_795 = arith.cmpi slt, %xor3A_7, %lt3A_794 : vector<16xi32>
        %add3A_796 = arith.constant 16 : i32
        %add3A_797 = vector.broadcast %add3A_796 : i32 to vector<16xi32>
        %add3A_798 = arith.addi %xor3A_7, %add3A_797 : vector<16xi32>
        %select_n3A_799 = arith.select %lt3A_795, %add3A_798, %xor3A_7 : vector<16xi1>, vector<16xi32>
        %broadcast_in_dim3A_800 = vector.shape_cast %select_n3A_799 : vector<16xi32> to vector<16x1xi32>
        %gather3A_801 = vector.shape_cast %broadcast_in_dim3A_800 : vector<16x1xi32> to vector<16xi32>
        %gather3A_802 = tpu.dynamic_gather %add3A_792[%gather3A_801] in [0] : vector<16xf32>, vector<16xi32> -> vector<16xf32>
        %add3A_803 = arith.addf %add3A_792, %gather3A_802 : vector<16xf32>
        %get3A_804 = arith.index_cast %rem3A_329 : i32 to index
        %get3A_805 = arith.index_cast %add3A_737 : i32 to index
        %get3A_806 = arith.constant 0 : index
        %get3A_807 = tpu.vector_load %arg15[%get3A_804, %get3A_805, %get3A_806] {strides = array<i32>} : memref<3x128x32xf32, #tpu.memory_space<vmem>>, vector<1x1x16xf32>,
        %get3A_808 = vector.shape_cast %get3A_807 : vector<1x1x16xf32> to vector<16xf32>
        %mul3A_809 = arith.mulf %add3A_780, %get3A_808 : vector<16xf32>
        %swap3A_810 = arith.index_cast %rem3A_329 : i32 to index
        %swap3A_811 = arith.index_cast %add3A_737 : i32 to index
        %swap3A_812 = arith.constant 0 : index
        %swap3A_813 = tpu.vector_load %arg15[%swap3A_810, %swap3A_811, %swap3A_812] {strides = array<i32>} : memref<3x128x32xf32, #tpu.memory_space<vmem>>, vector<1x1x16xf32>,
        %swap3A_814 = vector.shape_cast %swap3A_813 : vector<1x1x16xf32> to vector<16xf32>
        %swap3A_815 = vector.shape_cast %mul3A_809 : vector<16xf32> to vector<1x1x16xf32>
        tpu.vector_store %arg15[%swap3A_810, %swap3A_811, %swap3A_812], %swap3A_815 {strides = array<i32>} : memref<3x128x32xf32, #tpu.memory_space<vmem>>, vector<1x1x16xf32>,
        %get3A_816 = arith.index_cast %rem3A_329 : i32 to index
        %get3A_817 = arith.index_cast %add3A_737 : i32 to index
        %get3A_818 = arith.constant 16 : index
        %get3A_819 = tpu.vector_load %arg15[%get3A_816, %get3A_817, %get3A_818] {strides = array<i32>} : memref<3x128x32xf32, #tpu.memory_space<vmem>>, vector<1x1x16xf32>,
        %get3A_820 = vector.shape_cast %get3A_819 : vector<1x1x16xf32> to vector<16xf32>
        %mul3A_821 = arith.mulf %add3A_803, %get3A_820 : vector<16xf32>
        %swap3A_822 = arith.index_cast %rem3A_329 : i32 to index
        %swap3A_823 = arith.index_cast %add3A_737 : i32 to index
        %swap3A_824 = arith.constant 16 : index
        %swap3A_825 = tpu.vector_load %arg15[%swap3A_822, %swap3A_823, %swap3A_824] {strides = array<i32>} : memref<3x128x32xf32, #tpu.memory_space<vmem>>, vector<1x1x16xf32>,
        %swap3A_826 = vector.shape_cast %swap3A_825 : vector<1x1x16xf32> to vector<16xf32>
        %swap3A_827 = vector.shape_cast %mul3A_821 : vector<16xf32> to vector<1x1x16xf32>
        tpu.vector_store %arg15[%swap3A_822, %swap3A_823, %swap3A_824], %swap3A_827 {strides = array<i32>} : memref<3x128x32xf32, #tpu.memory_space<vmem>>, vector<1x1x16xf32>,
        %mul3A_828 = arith.constant 16 : i32
        %mul3A_829 = arith.muli %add3A_356, %mul3A_828 : i32
        %add3A_830 = arith.constant 5 : i32
        %add3A_831 = arith.addi %mul3A_829, %add3A_830 : i32
        %slice3A_832 = vector.extract_strided_slice %get3A_363 {offsets = [5], sizes = [1], strides = [1]} : vector<16xi32> to vector<1xi32>
        %squeeze3A_833 = vector.extract %slice3A_832[0] : i32 from vector<1xi32>
        %get3A_834 = arith.index_cast %rem3A_327 : i32 to index
        %get3A_835 = arith.index_cast %add3A_831 : i32 to index
        %get3A_836 = arith.constant 0 : index
        %get3A_837 = tpu.vector_load %arg14[%get3A_834, %get3A_835, %get3A_836] {strides = array<i32>} : memref<2x128x32xf32, #tpu.memory_space<vmem>>, vector<1x1x16xf32>,
        %get3A_838 = vector.shape_cast %get3A_837 : vector<1x1x16xf32> to vector<16xf32>
        %get3A_839 = arith.index_cast %rem3A_327 : i32 to index
        %get3A_840 = arith.index_cast %add3A_831 : i32 to index
        %get3A_841 = arith.constant 16 : index
        %get3A_842 = tpu.vector_load %arg14[%get3A_839, %get3A_840, %get3A_841] {strides = array<i32>} : memref<2x128x32xf32, #tpu.memory_space<vmem>>, vector<1x1x16xf32>,
        %get3A_843 = vector.shape_cast %get3A_842 : vector<1x1x16xf32> to vector<16xf32>
        %get3A_844 = arith.index_cast %squeeze3A_833 : i32 to index
        %get3A_845 = arith.constant 0 : index
        %get3A_846 = tpu.vector_load %arg16[%get3A_844, %get3A_845] {strides = array<i32>} : memref<125x32xf32, #tpu.memory_space<vmem>>, vector<1x16xf32>,
        %get3A_847 = vector.shape_cast %get3A_846 : vector<1x16xf32> to vector<16xf32>
        %get3A_848 = arith.index_cast %squeeze3A_833 : i32 to index
        %get3A_849 = arith.constant 16 : index
        %get3A_850 = tpu.vector_load %arg16[%get3A_848, %get3A_849] {strides = array<i32>} : memref<125x32xf32, #tpu.memory_space<vmem>>, vector<1x16xf32>,
        %get3A_851 = vector.shape_cast %get3A_850 : vector<1x16xf32> to vector<16xf32>
        %mul3A_852 = arith.mulf %get3A_838, %get3A_847 : vector<16xf32>
        %lt3A_853 = arith.constant 0 : i32
        %lt3A_854 = vector.broadcast %lt3A_853 : i32 to vector<16xi32>
        %lt3A_855 = arith.cmpi slt, %xor3A_4, %lt3A_854 : vector<16xi32>
        %add3A_856 = arith.constant 16 : i32
        %add3A_857 = vector.broadcast %add3A_856 : i32 to vector<16xi32>
        %add3A_858 = arith.addi %xor3A_4, %add3A_857 : vector<16xi32>
        %select_n3A_859 = arith.select %lt3A_855, %add3A_858, %xor3A_4 : vector<16xi1>, vector<16xi32>
        %broadcast_in_dim3A_860 = vector.shape_cast %select_n3A_859 : vector<16xi32> to vector<16x1xi32>
        %gather3A_861 = vector.shape_cast %broadcast_in_dim3A_860 : vector<16x1xi32> to vector<16xi32>
        %gather3A_862 = tpu.dynamic_gather %mul3A_852[%gather3A_861] in [0] : vector<16xf32>, vector<16xi32> -> vector<16xf32>
        %add3A_863 = arith.addf %mul3A_852, %gather3A_862 : vector<16xf32>
        %lt3A_864 = arith.constant 0 : i32
        %lt3A_865 = vector.broadcast %lt3A_864 : i32 to vector<16xi32>
        %lt3A_866 = arith.cmpi slt, %xor3A_7, %lt3A_865 : vector<16xi32>
        %add3A_867 = arith.constant 16 : i32
        %add3A_868 = vector.broadcast %add3A_867 : i32 to vector<16xi32>
        %add3A_869 = arith.addi %xor3A_7, %add3A_868 : vector<16xi32>
        %select_n3A_870 = arith.select %lt3A_866, %add3A_869, %xor3A_7 : vector<16xi1>, vector<16xi32>
        %broadcast_in_dim3A_871 = vector.shape_cast %select_n3A_870 : vector<16xi32> to vector<16x1xi32>
        %gather3A_872 = vector.shape_cast %broadcast_in_dim3A_871 : vector<16x1xi32> to vector<16xi32>
        %gather3A_873 = tpu.dynamic_gather %add3A_863[%gather3A_872] in [0] : vector<16xf32>, vector<16xi32> -> vector<16xf32>
        %add3A_874 = arith.addf %add3A_863, %gather3A_873 : vector<16xf32>
        %mul3A_875 = arith.mulf %get3A_843, %get3A_851 : vector<16xf32>
        %lt3A_876 = arith.constant 0 : i32
        %lt3A_877 = vector.broadcast %lt3A_876 : i32 to vector<16xi32>
        %lt3A_878 = arith.cmpi slt, %xor3A_4, %lt3A_877 : vector<16xi32>
        %add3A_879 = arith.constant 16 : i32
        %add3A_880 = vector.broadcast %add3A_879 : i32 to vector<16xi32>
        %add3A_881 = arith.addi %xor3A_4, %add3A_880 : vector<16xi32>
        %select_n3A_882 = arith.select %lt3A_878, %add3A_881, %xor3A_4 : vector<16xi1>, vector<16xi32>
        %broadcast_in_dim3A_883 = vector.shape_cast %select_n3A_882 : vector<16xi32> to vector<16x1xi32>
        %gather3A_884 = vector.shape_cast %broadcast_in_dim3A_883 : vector<16x1xi32> to vector<16xi32>
        %gather3A_885 = tpu.dynamic_gather %mul3A_875[%gather3A_884] in [0] : vector<16xf32>, vector<16xi32> -> vector<16xf32>
        %add3A_886 = arith.addf %mul3A_875, %gather3A_885 : vector<16xf32>
        %lt3A_887 = arith.constant 0 : i32
        %lt3A_888 = vector.broadcast %lt3A_887 : i32 to vector<16xi32>
        %lt3A_889 = arith.cmpi slt, %xor3A_7, %lt3A_888 : vector<16xi32>
        %add3A_890 = arith.constant 16 : i32
        %add3A_891 = vector.broadcast %add3A_890 : i32 to vector<16xi32>
        %add3A_892 = arith.addi %xor3A_7, %add3A_891 : vector<16xi32>
        %select_n3A_893 = arith.select %lt3A_889, %add3A_892, %xor3A_7 : vector<16xi1>, vector<16xi32>
        %broadcast_in_dim3A_894 = vector.shape_cast %select_n3A_893 : vector<16xi32> to vector<16x1xi32>
        %gather3A_895 = vector.shape_cast %broadcast_in_dim3A_894 : vector<16x1xi32> to vector<16xi32>
        %gather3A_896 = tpu.dynamic_gather %add3A_886[%gather3A_895] in [0] : vector<16xf32>, vector<16xi32> -> vector<16xf32>
        %add3A_897 = arith.addf %add3A_886, %gather3A_896 : vector<16xf32>
        %get3A_898 = arith.index_cast %rem3A_329 : i32 to index
        %get3A_899 = arith.index_cast %add3A_831 : i32 to index
        %get3A_900 = arith.constant 0 : index
        %get3A_901 = tpu.vector_load %arg15[%get3A_898, %get3A_899, %get3A_900] {strides = array<i32>} : memref<3x128x32xf32, #tpu.memory_space<vmem>>, vector<1x1x16xf32>,
        %get3A_902 = vector.shape_cast %get3A_901 : vector<1x1x16xf32> to vector<16xf32>
        %mul3A_903 = arith.mulf %add3A_874, %get3A_902 : vector<16xf32>
        %swap3A_904 = arith.index_cast %rem3A_329 : i32 to index
        %swap3A_905 = arith.index_cast %add3A_831 : i32 to index
        %swap3A_906 = arith.constant 0 : index
        %swap3A_907 = tpu.vector_load %arg15[%swap3A_904, %swap3A_905, %swap3A_906] {strides = array<i32>} : memref<3x128x32xf32, #tpu.memory_space<vmem>>, vector<1x1x16xf32>,
        %swap3A_908 = vector.shape_cast %swap3A_907 : vector<1x1x16xf32> to vector<16xf32>
        %swap3A_909 = vector.shape_cast %mul3A_903 : vector<16xf32> to vector<1x1x16xf32>
        tpu.vector_store %arg15[%swap3A_904, %swap3A_905, %swap3A_906], %swap3A_909 {strides = array<i32>} : memref<3x128x32xf32, #tpu.memory_space<vmem>>, vector<1x1x16xf32>,
        %get3A_910 = arith.index_cast %rem3A_329 : i32 to index
        %get3A_911 = arith.index_cast %add3A_831 : i32 to index
        %get3A_912 = arith.constant 16 : index
        %get3A_913 = tpu.vector_load %arg15[%get3A_910, %get3A_911, %get3A_912] {strides = array<i32>} : memref<3x128x32xf32, #tpu.memory_space<vmem>>, vector<1x1x16xf32>,
        %get3A_914 = vector.shape_cast %get3A_913 : vector<1x1x16xf32> to vector<16xf32>
        %mul3A_915 = arith.mulf %add3A_897, %get3A_914 : vector<16xf32>
        %swap3A_916 = arith.index_cast %rem3A_329 : i32 to index
        %swap3A_917 = arith.index_cast %add3A_831 : i32 to index
        %swap3A_918 = arith.constant 16 : index
        %swap3A_919 = tpu.vector_load %arg15[%swap3A_916, %swap3A_917, %swap3A_918] {strides = array<i32>} : memref<3x128x32xf32, #tpu.memory_space<vmem>>, vector<1x1x16xf32>,
        %swap3A_920 = vector.shape_cast %swap3A_919 : vector<1x1x16xf32> to vector<16xf32>
        %swap3A_921 = vector.shape_cast %mul3A_915 : vector<16xf32> to vector<1x1x16xf32>
        tpu.vector_store %arg15[%swap3A_916, %swap3A_917, %swap3A_918], %swap3A_921 {strides = array<i32>} : memref<3x128x32xf32, #tpu.memory_space<vmem>>, vector<1x1x16xf32>,
        %mul3A_922 = arith.constant 16 : i32
        %mul3A_923 = arith.muli %add3A_356, %mul3A_922 : i32
        %add3A_924 = arith.constant 6 : i32
        %add3A_925 = arith.addi %mul3A_923, %add3A_924 : i32
        %slice3A_926 = vector.extract_strided_slice %get3A_363 {offsets = [6], sizes = [1], strides = [1]} : vector<16xi32> to vector<1xi32>
        %squeeze3A_927 = vector.extract %slice3A_926[0] : i32 from vector<1xi32>
        %get3A_928 = arith.index_cast %rem3A_327 : i32 to index
        %get3A_929 = arith.index_cast %add3A_925 : i32 to index
        %get3A_930 = arith.constant 0 : index
        %get3A_931 = tpu.vector_load %arg14[%get3A_928, %get3A_929, %get3A_930] {strides = array<i32>} : memref<2x128x32xf32, #tpu.memory_space<vmem>>, vector<1x1x16xf32>,
        %get3A_932 = vector.shape_cast %get3A_931 : vector<1x1x16xf32> to vector<16xf32>
        %get3A_933 = arith.index_cast %rem3A_327 : i32 to index
        %get3A_934 = arith.index_cast %add3A_925 : i32 to index
        %get3A_935 = arith.constant 16 : index
        %get3A_936 = tpu.vector_load %arg14[%get3A_933, %get3A_934, %get3A_935] {strides = array<i32>} : memref<2x128x32xf32, #tpu.memory_space<vmem>>, vector<1x1x16xf32>,
        %get3A_937 = vector.shape_cast %get3A_936 : vector<1x1x16xf32> to vector<16xf32>
        %get3A_938 = arith.index_cast %squeeze3A_927 : i32 to index
        %get3A_939 = arith.constant 0 : index
        %get3A_940 = tpu.vector_load %arg16[%get3A_938, %get3A_939] {strides = array<i32>} : memref<125x32xf32, #tpu.memory_space<vmem>>, vector<1x16xf32>,
        %get3A_941 = vector.shape_cast %get3A_940 : vector<1x16xf32> to vector<16xf32>
        %get3A_942 = arith.index_cast %squeeze3A_927 : i32 to index
        %get3A_943 = arith.constant 16 : index
        %get3A_944 = tpu.vector_load %arg16[%get3A_942, %get3A_943] {strides = array<i32>} : memref<125x32xf32, #tpu.memory_space<vmem>>, vector<1x16xf32>,
        %get3A_945 = vector.shape_cast %get3A_944 : vector<1x16xf32> to vector<16xf32>
        %mul3A_946 = arith.mulf %get3A_932, %get3A_941 : vector<16xf32>
        %lt3A_947 = arith.constant 0 : i32
        %lt3A_948 = vector.broadcast %lt3A_947 : i32 to vector<16xi32>
        %lt3A_949 = arith.cmpi slt, %xor3A_4, %lt3A_948 : vector<16xi32>
        %add3A_950 = arith.constant 16 : i32
        %add3A_951 = vector.broadcast %add3A_950 : i32 to vector<16xi32>
        %add3A_952 = arith.addi %xor3A_4, %add3A_951 : vector<16xi32>
        %select_n3A_953 = arith.select %lt3A_949, %add3A_952, %xor3A_4 : vector<16xi1>, vector<16xi32>
        %broadcast_in_dim3A_954 = vector.shape_cast %select_n3A_953 : vector<16xi32> to vector<16x1xi32>
        %gather3A_955 = vector.shape_cast %broadcast_in_dim3A_954 : vector<16x1xi32> to vector<16xi32>
        %gather3A_956 = tpu.dynamic_gather %mul3A_946[%gather3A_955] in [0] : vector<16xf32>, vector<16xi32> -> vector<16xf32>
        %add3A_957 = arith.addf %mul3A_946, %gather3A_956 : vector<16xf32>
        %lt3A_958 = arith.constant 0 : i32
        %lt3A_959 = vector.broadcast %lt3A_958 : i32 to vector<16xi32>
        %lt3A_960 = arith.cmpi slt, %xor3A_7, %lt3A_959 : vector<16xi32>
        %add3A_961 = arith.constant 16 : i32
        %add3A_962 = vector.broadcast %add3A_961 : i32 to vector<16xi32>
        %add3A_963 = arith.addi %xor3A_7, %add3A_962 : vector<16xi32>
        %select_n3A_964 = arith.select %lt3A_960, %add3A_963, %xor3A_7 : vector<16xi1>, vector<16xi32>
        %broadcast_in_dim3A_965 = vector.shape_cast %select_n3A_964 : vector<16xi32> to vector<16x1xi32>
        %gather3A_966 = vector.shape_cast %broadcast_in_dim3A_965 : vector<16x1xi32> to vector<16xi32>
        %gather3A_967 = tpu.dynamic_gather %add3A_957[%gather3A_966] in [0] : vector<16xf32>, vector<16xi32> -> vector<16xf32>
        %add3A_968 = arith.addf %add3A_957, %gather3A_967 : vector<16xf32>
        %mul3A_969 = arith.mulf %get3A_937, %get3A_945 : vector<16xf32>
        %lt3A_970 = arith.constant 0 : i32
        %lt3A_971 = vector.broadcast %lt3A_970 : i32 to vector<16xi32>
        %lt3A_972 = arith.cmpi slt, %xor3A_4, %lt3A_971 : vector<16xi32>
        %add3A_973 = arith.constant 16 : i32
        %add3A_974 = vector.broadcast %add3A_973 : i32 to vector<16xi32>
        %add3A_975 = arith.addi %xor3A_4, %add3A_974 : vector<16xi32>
        %select_n3A_976 = arith.select %lt3A_972, %add3A_975, %xor3A_4 : vector<16xi1>, vector<16xi32>
        %broadcast_in_dim3A_977 = vector.shape_cast %select_n3A_976 : vector<16xi32> to vector<16x1xi32>
        %gather3A_978 = vector.shape_cast %broadcast_in_dim3A_977 : vector<16x1xi32> to vector<16xi32>
        %gather3A_979 = tpu.dynamic_gather %mul3A_969[%gather3A_978] in [0] : vector<16xf32>, vector<16xi32> -> vector<16xf32>
        %add3A_980 = arith.addf %mul3A_969, %gather3A_979 : vector<16xf32>
        %lt3A_981 = arith.constant 0 : i32
        %lt3A_982 = vector.broadcast %lt3A_981 : i32 to vector<16xi32>
        %lt3A_983 = arith.cmpi slt, %xor3A_7, %lt3A_982 : vector<16xi32>
        %add3A_984 = arith.constant 16 : i32
        %add3A_985 = vector.broadcast %add3A_984 : i32 to vector<16xi32>
        %add3A_986 = arith.addi %xor3A_7, %add3A_985 : vector<16xi32>
        %select_n3A_987 = arith.select %lt3A_983, %add3A_986, %xor3A_7 : vector<16xi1>, vector<16xi32>
        %broadcast_in_dim3A_988 = vector.shape_cast %select_n3A_987 : vector<16xi32> to vector<16x1xi32>
        %gather3A_989 = vector.shape_cast %broadcast_in_dim3A_988 : vector<16x1xi32> to vector<16xi32>
        %gather3A_990 = tpu.dynamic_gather %add3A_980[%gather3A_989] in [0] : vector<16xf32>, vector<16xi32> -> vector<16xf32>
        %add3A_991 = arith.addf %add3A_980, %gather3A_990 : vector<16xf32>
        %get3A_992 = arith.index_cast %rem3A_329 : i32 to index
        %get3A_993 = arith.index_cast %add3A_925 : i32 to index
        %get3A_994 = arith.constant 0 : index
        %get3A_995 = tpu.vector_load %arg15[%get3A_992, %get3A_993, %get3A_994] {strides = array<i32>} : memref<3x128x32xf32, #tpu.memory_space<vmem>>, vector<1x1x16xf32>,
        %get3A_996 = vector.shape_cast %get3A_995 : vector<1x1x16xf32> to vector<16xf32>
        %mul3A_997 = arith.mulf %add3A_968, %get3A_996 : vector<16xf32>
        %swap3A_998 = arith.index_cast %rem3A_329 : i32 to index
        %swap3A_999 = arith.index_cast %add3A_925 : i32 to index
        %swap3A_1000 = arith.constant 0 : index
        %swap3A_1001 = tpu.vector_load %arg15[%swap3A_998, %swap3A_999, %swap3A_1000] {strides = array<i32>} : memref<3x128x32xf32, #tpu.memory_space<vmem>>, vector<1x1x16xf32>,
        %swap3A_1002 = vector.shape_cast %swap3A_1001 : vector<1x1x16xf32> to vector<16xf32>
        %swap3A_1003 = vector.shape_cast %mul3A_997 : vector<16xf32> to vector<1x1x16xf32>
        tpu.vector_store %arg15[%swap3A_998, %swap3A_999, %swap3A_1000], %swap3A_1003 {strides = array<i32>} : memref<3x128x32xf32, #tpu.memory_space<vmem>>, vector<1x1x16xf32>,
        %get3A_1004 = arith.index_cast %rem3A_329 : i32 to index
        %get3A_1005 = arith.index_cast %add3A_925 : i32 to index
        %get3A_1006 = arith.constant 16 : index
        %get3A_1007 = tpu.vector_load %arg15[%get3A_1004, %get3A_1005, %get3A_1006] {strides = array<i32>} : memref<3x128x32xf32, #tpu.memory_space<vmem>>, vector<1x1x16xf32>,
        %get3A_1008 = vector.shape_cast %get3A_1007 : vector<1x1x16xf32> to vector<16xf32>
        %mul3A_1009 = arith.mulf %add3A_991, %get3A_1008 : vector<16xf32>
        %swap3A_1010 = arith.index_cast %rem3A_329 : i32 to index
        %swap3A_1011 = arith.index_cast %add3A_925 : i32 to index
        %swap3A_1012 = arith.constant 16 : index
        %swap3A_1013 = tpu.vector_load %arg15[%swap3A_1010, %swap3A_1011, %swap3A_1012] {strides = array<i32>} : memref<3x128x32xf32, #tpu.memory_space<vmem>>, vector<1x1x16xf32>,
        %swap3A_1014 = vector.shape_cast %swap3A_1013 : vector<1x1x16xf32> to vector<16xf32>
        %swap3A_1015 = vector.shape_cast %mul3A_1009 : vector<16xf32> to vector<1x1x16xf32>
        tpu.vector_store %arg15[%swap3A_1010, %swap3A_1011, %swap3A_1012], %swap3A_1015 {strides = array<i32>} : memref<3x128x32xf32, #tpu.memory_space<vmem>>, vector<1x1x16xf32>,
        %mul3A_1016 = arith.constant 16 : i32
        %mul3A_1017 = arith.muli %add3A_356, %mul3A_1016 : i32
        %add3A_1018 = arith.constant 7 : i32
        %add3A_1019 = arith.addi %mul3A_1017, %add3A_1018 : i32
        %slice3A_1020 = vector.extract_strided_slice %get3A_363 {offsets = [7], sizes = [1], strides = [1]} : vector<16xi32> to vector<1xi32>
        %squeeze3A_1021 = vector.extract %slice3A_1020[0] : i32 from vector<1xi32>
        %get3A_1022 = arith.index_cast %rem3A_327 : i32 to index
        %get3A_1023 = arith.index_cast %add3A_1019 : i32 to index
        %get3A_1024 = arith.constant 0 : index
        %get3A_1025 = tpu.vector_load %arg14[%get3A_1022, %get3A_1023, %get3A_1024] {strides = array<i32>} : memref<2x128x32xf32, #tpu.memory_space<vmem>>, vector<1x1x16xf32>,
        %get3A_1026 = vector.shape_cast %get3A_1025 : vector<1x1x16xf32> to vector<16xf32>
        %get3A_1027 = arith.index_cast %rem3A_327 : i32 to index
        %get3A_1028 = arith.index_cast %add3A_1019 : i32 to index
        %get3A_1029 = arith.constant 16 : index
        %get3A_1030 = tpu.vector_load %arg14[%get3A_1027, %get3A_1028, %get3A_1029] {strides = array<i32>} : memref<2x128x32xf32, #tpu.memory_space<vmem>>, vector<1x1x16xf32>,
        %get3A_1031 = vector.shape_cast %get3A_1030 : vector<1x1x16xf32> to vector<16xf32>
        %get3A_1032 = arith.index_cast %squeeze3A_1021 : i32 to index
        %get3A_1033 = arith.constant 0 : index
        %get3A_1034 = tpu.vector_load %arg16[%get3A_1032, %get3A_1033] {strides = array<i32>} : memref<125x32xf32, #tpu.memory_space<vmem>>, vector<1x16xf32>,
        %get3A_1035 = vector.shape_cast %get3A_1034 : vector<1x16xf32> to vector<16xf32>
        %get3A_1036 = arith.index_cast %squeeze3A_1021 : i32 to index
        %get3A_1037 = arith.constant 16 : index
        %get3A_1038 = tpu.vector_load %arg16[%get3A_1036, %get3A_1037] {strides = array<i32>} : memref<125x32xf32, #tpu.memory_space<vmem>>, vector<1x16xf32>,
        %get3A_1039 = vector.shape_cast %get3A_1038 : vector<1x16xf32> to vector<16xf32>
        %mul3A_1040 = arith.mulf %get3A_1026, %get3A_1035 : vector<16xf32>
        %lt3A_1041 = arith.constant 0 : i32
        %lt3A_1042 = vector.broadcast %lt3A_1041 : i32 to vector<16xi32>
        %lt3A_1043 = arith.cmpi slt, %xor3A_4, %lt3A_1042 : vector<16xi32>
        %add3A_1044 = arith.constant 16 : i32
        %add3A_1045 = vector.broadcast %add3A_1044 : i32 to vector<16xi32>
        %add3A_1046 = arith.addi %xor3A_4, %add3A_1045 : vector<16xi32>
        %select_n3A_1047 = arith.select %lt3A_1043, %add3A_1046, %xor3A_4 : vector<16xi1>, vector<16xi32>
        %broadcast_in_dim3A_1048 = vector.shape_cast %select_n3A_1047 : vector<16xi32> to vector<16x1xi32>
        %gather3A_1049 = vector.shape_cast %broadcast_in_dim3A_1048 : vector<16x1xi32> to vector<16xi32>
        %gather3A_1050 = tpu.dynamic_gather %mul3A_1040[%gather3A_1049] in [0] : vector<16xf32>, vector<16xi32> -> vector<16xf32>
        %add3A_1051 = arith.addf %mul3A_1040, %gather3A_1050 : vector<16xf32>
        %lt3A_1052 = arith.constant 0 : i32
        %lt3A_1053 = vector.broadcast %lt3A_1052 : i32 to vector<16xi32>
        %lt3A_1054 = arith.cmpi slt, %xor3A_7, %lt3A_1053 : vector<16xi32>
        %add3A_1055 = arith.constant 16 : i32
        %add3A_1056 = vector.broadcast %add3A_1055 : i32 to vector<16xi32>
        %add3A_1057 = arith.addi %xor3A_7, %add3A_1056 : vector<16xi32>
        %select_n3A_1058 = arith.select %lt3A_1054, %add3A_1057, %xor3A_7 : vector<16xi1>, vector<16xi32>
        %broadcast_in_dim3A_1059 = vector.shape_cast %select_n3A_1058 : vector<16xi32> to vector<16x1xi32>
        %gather3A_1060 = vector.shape_cast %broadcast_in_dim3A_1059 : vector<16x1xi32> to vector<16xi32>
        %gather3A_1061 = tpu.dynamic_gather %add3A_1051[%gather3A_1060] in [0] : vector<16xf32>, vector<16xi32> -> vector<16xf32>
        %add3A_1062 = arith.addf %add3A_1051, %gather3A_1061 : vector<16xf32>
        %mul3A_1063 = arith.mulf %get3A_1031, %get3A_1039 : vector<16xf32>
        %lt3A_1064 = arith.constant 0 : i32
        %lt3A_1065 = vector.broadcast %lt3A_1064 : i32 to vector<16xi32>
        %lt3A_1066 = arith.cmpi slt, %xor3A_4, %lt3A_1065 : vector<16xi32>
        %add3A_1067 = arith.constant 16 : i32
        %add3A_1068 = vector.broadcast %add3A_1067 : i32 to vector<16xi32>
        %add3A_1069 = arith.addi %xor3A_4, %add3A_1068 : vector<16xi32>
        %select_n3A_1070 = arith.select %lt3A_1066, %add3A_1069, %xor3A_4 : vector<16xi1>, vector<16xi32>
        %broadcast_in_dim3A_1071 = vector.shape_cast %select_n3A_1070 : vector<16xi32> to vector<16x1xi32>
        %gather3A_1072 = vector.shape_cast %broadcast_in_dim3A_1071 : vector<16x1xi32> to vector<16xi32>
        %gather3A_1073 = tpu.dynamic_gather %mul3A_1063[%gather3A_1072] in [0] : vector<16xf32>, vector<16xi32> -> vector<16xf32>
        %add3A_1074 = arith.addf %mul3A_1063, %gather3A_1073 : vector<16xf32>
        %lt3A_1075 = arith.constant 0 : i32
        %lt3A_1076 = vector.broadcast %lt3A_1075 : i32 to vector<16xi32>
        %lt3A_1077 = arith.cmpi slt, %xor3A_7, %lt3A_1076 : vector<16xi32>
        %add3A_1078 = arith.constant 16 : i32
        %add3A_1079 = vector.broadcast %add3A_1078 : i32 to vector<16xi32>
        %add3A_1080 = arith.addi %xor3A_7, %add3A_1079 : vector<16xi32>
        %select_n3A_1081 = arith.select %lt3A_1077, %add3A_1080, %xor3A_7 : vector<16xi1>, vector<16xi32>
        %broadcast_in_dim3A_1082 = vector.shape_cast %select_n3A_1081 : vector<16xi32> to vector<16x1xi32>
        %gather3A_1083 = vector.shape_cast %broadcast_in_dim3A_1082 : vector<16x1xi32> to vector<16xi32>
        %gather3A_1084 = tpu.dynamic_gather %add3A_1074[%gather3A_1083] in [0] : vector<16xf32>, vector<16xi32> -> vector<16xf32>
        %add3A_1085 = arith.addf %add3A_1074, %gather3A_1084 : vector<16xf32>
        %get3A_1086 = arith.index_cast %rem3A_329 : i32 to index
        %get3A_1087 = arith.index_cast %add3A_1019 : i32 to index
        %get3A_1088 = arith.constant 0 : index
        %get3A_1089 = tpu.vector_load %arg15[%get3A_1086, %get3A_1087, %get3A_1088] {strides = array<i32>} : memref<3x128x32xf32, #tpu.memory_space<vmem>>, vector<1x1x16xf32>,
        %get3A_1090 = vector.shape_cast %get3A_1089 : vector<1x1x16xf32> to vector<16xf32>
        %mul3A_1091 = arith.mulf %add3A_1062, %get3A_1090 : vector<16xf32>
        %swap3A_1092 = arith.index_cast %rem3A_329 : i32 to index
        %swap3A_1093 = arith.index_cast %add3A_1019 : i32 to index
        %swap3A_1094 = arith.constant 0 : index
        %swap3A_1095 = tpu.vector_load %arg15[%swap3A_1092, %swap3A_1093, %swap3A_1094] {strides = array<i32>} : memref<3x128x32xf32, #tpu.memory_space<vmem>>, vector<1x1x16xf32>,
        %swap3A_1096 = vector.shape_cast %swap3A_1095 : vector<1x1x16xf32> to vector<16xf32>
        %swap3A_1097 = vector.shape_cast %mul3A_1091 : vector<16xf32> to vector<1x1x16xf32>
        tpu.vector_store %arg15[%swap3A_1092, %swap3A_1093, %swap3A_1094], %swap3A_1097 {strides = array<i32>} : memref<3x128x32xf32, #tpu.memory_space<vmem>>, vector<1x1x16xf32>,
        %get3A_1098 = arith.index_cast %rem3A_329 : i32 to index
        %get3A_1099 = arith.index_cast %add3A_1019 : i32 to index
        %get3A_1100 = arith.constant 16 : index
        %get3A_1101 = tpu.vector_load %arg15[%get3A_1098, %get3A_1099, %get3A_1100] {strides = array<i32>} : memref<3x128x32xf32, #tpu.memory_space<vmem>>, vector<1x1x16xf32>,
        %get3A_1102 = vector.shape_cast %get3A_1101 : vector<1x1x16xf32> to vector<16xf32>
        %mul3A_1103 = arith.mulf %add3A_1085, %get3A_1102 : vector<16xf32>
        %swap3A_1104 = arith.index_cast %rem3A_329 : i32 to index
        %swap3A_1105 = arith.index_cast %add3A_1019 : i32 to index
        %swap3A_1106 = arith.constant 16 : index
        %swap3A_1107 = tpu.vector_load %arg15[%swap3A_1104, %swap3A_1105, %swap3A_1106] {strides = array<i32>} : memref<3x128x32xf32, #tpu.memory_space<vmem>>, vector<1x1x16xf32>,
        %swap3A_1108 = vector.shape_cast %swap3A_1107 : vector<1x1x16xf32> to vector<16xf32>
        %swap3A_1109 = vector.shape_cast %mul3A_1103 : vector<16xf32> to vector<1x1x16xf32>
        tpu.vector_store %arg15[%swap3A_1104, %swap3A_1105, %swap3A_1106], %swap3A_1109 {strides = array<i32>} : memref<3x128x32xf32, #tpu.memory_space<vmem>>, vector<1x1x16xf32>,
        %mul3A_1110 = arith.constant 16 : i32
        %mul3A_1111 = arith.muli %add3A_356, %mul3A_1110 : i32
        %add3A_1112 = arith.constant 8 : i32
        %add3A_1113 = arith.addi %mul3A_1111, %add3A_1112 : i32
        %slice3A_1114 = vector.extract_strided_slice %get3A_363 {offsets = [8], sizes = [1], strides = [1]} : vector<16xi32> to vector<1xi32>
        %squeeze3A_1115 = vector.extract %slice3A_1114[0] : i32 from vector<1xi32>
        %get3A_1116 = arith.index_cast %rem3A_327 : i32 to index
        %get3A_1117 = arith.index_cast %add3A_1113 : i32 to index
        %get3A_1118 = arith.constant 0 : index
        %get3A_1119 = tpu.vector_load %arg14[%get3A_1116, %get3A_1117, %get3A_1118] {strides = array<i32>} : memref<2x128x32xf32, #tpu.memory_space<vmem>>, vector<1x1x16xf32>,
        %get3A_1120 = vector.shape_cast %get3A_1119 : vector<1x1x16xf32> to vector<16xf32>
        %get3A_1121 = arith.index_cast %rem3A_327 : i32 to index
        %get3A_1122 = arith.index_cast %add3A_1113 : i32 to index
        %get3A_1123 = arith.constant 16 : index
        %get3A_1124 = tpu.vector_load %arg14[%get3A_1121, %get3A_1122, %get3A_1123] {strides = array<i32>} : memref<2x128x32xf32, #tpu.memory_space<vmem>>, vector<1x1x16xf32>,
        %get3A_1125 = vector.shape_cast %get3A_1124 : vector<1x1x16xf32> to vector<16xf32>
        %get3A_1126 = arith.index_cast %squeeze3A_1115 : i32 to index
        %get3A_1127 = arith.constant 0 : index
        %get3A_1128 = tpu.vector_load %arg16[%get3A_1126, %get3A_1127] {strides = array<i32>} : memref<125x32xf32, #tpu.memory_space<vmem>>, vector<1x16xf32>,
        %get3A_1129 = vector.shape_cast %get3A_1128 : vector<1x16xf32> to vector<16xf32>
        %get3A_1130 = arith.index_cast %squeeze3A_1115 : i32 to index
        %get3A_1131 = arith.constant 16 : index
        %get3A_1132 = tpu.vector_load %arg16[%get3A_1130, %get3A_1131] {strides = array<i32>} : memref<125x32xf32, #tpu.memory_space<vmem>>, vector<1x16xf32>,
        %get3A_1133 = vector.shape_cast %get3A_1132 : vector<1x16xf32> to vector<16xf32>
        %mul3A_1134 = arith.mulf %get3A_1120, %get3A_1129 : vector<16xf32>
        %lt3A_1135 = arith.constant 0 : i32
        %lt3A_1136 = vector.broadcast %lt3A_1135 : i32 to vector<16xi32>
        %lt3A_1137 = arith.cmpi slt, %xor3A_4, %lt3A_1136 : vector<16xi32>
        %add3A_1138 = arith.constant 16 : i32
        %add3A_1139 = vector.broadcast %add3A_1138 : i32 to vector<16xi32>
        %add3A_1140 = arith.addi %xor3A_4, %add3A_1139 : vector<16xi32>
        %select_n3A_1141 = arith.select %lt3A_1137, %add3A_1140, %xor3A_4 : vector<16xi1>, vector<16xi32>
        %broadcast_in_dim3A_1142 = vector.shape_cast %select_n3A_1141 : vector<16xi32> to vector<16x1xi32>
        %gather3A_1143 = vector.shape_cast %broadcast_in_dim3A_1142 : vector<16x1xi32> to vector<16xi32>
        %gather3A_1144 = tpu.dynamic_gather %mul3A_1134[%gather3A_1143] in [0] : vector<16xf32>, vector<16xi32> -> vector<16xf32>
        %add3A_1145 = arith.addf %mul3A_1134, %gather3A_1144 : vector<16xf32>
        %lt3A_1146 = arith.constant 0 : i32
        %lt3A_1147 = vector.broadcast %lt3A_1146 : i32 to vector<16xi32>
        %lt3A_1148 = arith.cmpi slt, %xor3A_7, %lt3A_1147 : vector<16xi32>
        %add3A_1149 = arith.constant 16 : i32
        %add3A_1150 = vector.broadcast %add3A_1149 : i32 to vector<16xi32>
        %add3A_1151 = arith.addi %xor3A_7, %add3A_1150 : vector<16xi32>
        %select_n3A_1152 = arith.select %lt3A_1148, %add3A_1151, %xor3A_7 : vector<16xi1>, vector<16xi32>
        %broadcast_in_dim3A_1153 = vector.shape_cast %select_n3A_1152 : vector<16xi32> to vector<16x1xi32>
        %gather3A_1154 = vector.shape_cast %broadcast_in_dim3A_1153 : vector<16x1xi32> to vector<16xi32>
        %gather3A_1155 = tpu.dynamic_gather %add3A_1145[%gather3A_1154] in [0] : vector<16xf32>, vector<16xi32> -> vector<16xf32>
        %add3A_1156 = arith.addf %add3A_1145, %gather3A_1155 : vector<16xf32>
        %mul3A_1157 = arith.mulf %get3A_1125, %get3A_1133 : vector<16xf32>
        %lt3A_1158 = arith.constant 0 : i32
        %lt3A_1159 = vector.broadcast %lt3A_1158 : i32 to vector<16xi32>
        %lt3A_1160 = arith.cmpi slt, %xor3A_4, %lt3A_1159 : vector<16xi32>
        %add3A_1161 = arith.constant 16 : i32
        %add3A_1162 = vector.broadcast %add3A_1161 : i32 to vector<16xi32>
        %add3A_1163 = arith.addi %xor3A_4, %add3A_1162 : vector<16xi32>
        %select_n3A_1164 = arith.select %lt3A_1160, %add3A_1163, %xor3A_4 : vector<16xi1>, vector<16xi32>
        %broadcast_in_dim3A_1165 = vector.shape_cast %select_n3A_1164 : vector<16xi32> to vector<16x1xi32>
        %gather3A_1166 = vector.shape_cast %broadcast_in_dim3A_1165 : vector<16x1xi32> to vector<16xi32>
        %gather3A_1167 = tpu.dynamic_gather %mul3A_1157[%gather3A_1166] in [0] : vector<16xf32>, vector<16xi32> -> vector<16xf32>
        %add3A_1168 = arith.addf %mul3A_1157, %gather3A_1167 : vector<16xf32>
        %lt3A_1169 = arith.constant 0 : i32
        %lt3A_1170 = vector.broadcast %lt3A_1169 : i32 to vector<16xi32>
        %lt3A_1171 = arith.cmpi slt, %xor3A_7, %lt3A_1170 : vector<16xi32>
        %add3A_1172 = arith.constant 16 : i32
        %add3A_1173 = vector.broadcast %add3A_1172 : i32 to vector<16xi32>
        %add3A_1174 = arith.addi %xor3A_7, %add3A_1173 : vector<16xi32>
        %select_n3A_1175 = arith.select %lt3A_1171, %add3A_1174, %xor3A_7 : vector<16xi1>, vector<16xi32>
        %broadcast_in_dim3A_1176 = vector.shape_cast %select_n3A_1175 : vector<16xi32> to vector<16x1xi32>
        %gather3A_1177 = vector.shape_cast %broadcast_in_dim3A_1176 : vector<16x1xi32> to vector<16xi32>
        %gather3A_1178 = tpu.dynamic_gather %add3A_1168[%gather3A_1177] in [0] : vector<16xf32>, vector<16xi32> -> vector<16xf32>
        %add3A_1179 = arith.addf %add3A_1168, %gather3A_1178 : vector<16xf32>
        %get3A_1180 = arith.index_cast %rem3A_329 : i32 to index
        %get3A_1181 = arith.index_cast %add3A_1113 : i32 to index
        %get3A_1182 = arith.constant 0 : index
        %get3A_1183 = tpu.vector_load %arg15[%get3A_1180, %get3A_1181, %get3A_1182] {strides = array<i32>} : memref<3x128x32xf32, #tpu.memory_space<vmem>>, vector<1x1x16xf32>,
        %get3A_1184 = vector.shape_cast %get3A_1183 : vector<1x1x16xf32> to vector<16xf32>
        %mul3A_1185 = arith.mulf %add3A_1156, %get3A_1184 : vector<16xf32>
        %swap3A_1186 = arith.index_cast %rem3A_329 : i32 to index
        %swap3A_1187 = arith.index_cast %add3A_1113 : i32 to index
        %swap3A_1188 = arith.constant 0 : index
        %swap3A_1189 = tpu.vector_load %arg15[%swap3A_1186, %swap3A_1187, %swap3A_1188] {strides = array<i32>} : memref<3x128x32xf32, #tpu.memory_space<vmem>>, vector<1x1x16xf32>,
        %swap3A_1190 = vector.shape_cast %swap3A_1189 : vector<1x1x16xf32> to vector<16xf32>
        %swap3A_1191 = vector.shape_cast %mul3A_1185 : vector<16xf32> to vector<1x1x16xf32>
        tpu.vector_store %arg15[%swap3A_1186, %swap3A_1187, %swap3A_1188], %swap3A_1191 {strides = array<i32>} : memref<3x128x32xf32, #tpu.memory_space<vmem>>, vector<1x1x16xf32>,
        %get3A_1192 = arith.index_cast %rem3A_329 : i32 to index
        %get3A_1193 = arith.index_cast %add3A_1113 : i32 to index
        %get3A_1194 = arith.constant 16 : index
        %get3A_1195 = tpu.vector_load %arg15[%get3A_1192, %get3A_1193, %get3A_1194] {strides = array<i32>} : memref<3x128x32xf32, #tpu.memory_space<vmem>>, vector<1x1x16xf32>,
        %get3A_1196 = vector.shape_cast %get3A_1195 : vector<1x1x16xf32> to vector<16xf32>
        %mul3A_1197 = arith.mulf %add3A_1179, %get3A_1196 : vector<16xf32>
        %swap3A_1198 = arith.index_cast %rem3A_329 : i32 to index
        %swap3A_1199 = arith.index_cast %add3A_1113 : i32 to index
        %swap3A_1200 = arith.constant 16 : index
        %swap3A_1201 = tpu.vector_load %arg15[%swap3A_1198, %swap3A_1199, %swap3A_1200] {strides = array<i32>} : memref<3x128x32xf32, #tpu.memory_space<vmem>>, vector<1x1x16xf32>,
        %swap3A_1202 = vector.shape_cast %swap3A_1201 : vector<1x1x16xf32> to vector<16xf32>
        %swap3A_1203 = vector.shape_cast %mul3A_1197 : vector<16xf32> to vector<1x1x16xf32>
        tpu.vector_store %arg15[%swap3A_1198, %swap3A_1199, %swap3A_1200], %swap3A_1203 {strides = array<i32>} : memref<3x128x32xf32, #tpu.memory_space<vmem>>, vector<1x1x16xf32>,
        %mul3A_1204 = arith.constant 16 : i32
        %mul3A_1205 = arith.muli %add3A_356, %mul3A_1204 : i32
        %add3A_1206 = arith.constant 9 : i32
        %add3A_1207 = arith.addi %mul3A_1205, %add3A_1206 : i32
        %slice3A_1208 = vector.extract_strided_slice %get3A_363 {offsets = [9], sizes = [1], strides = [1]} : vector<16xi32> to vector<1xi32>
        %squeeze3A_1209 = vector.extract %slice3A_1208[0] : i32 from vector<1xi32>
        %get3A_1210 = arith.index_cast %rem3A_327 : i32 to index
        %get3A_1211 = arith.index_cast %add3A_1207 : i32 to index
        %get3A_1212 = arith.constant 0 : index
        %get3A_1213 = tpu.vector_load %arg14[%get3A_1210, %get3A_1211, %get3A_1212] {strides = array<i32>} : memref<2x128x32xf32, #tpu.memory_space<vmem>>, vector<1x1x16xf32>,
        %get3A_1214 = vector.shape_cast %get3A_1213 : vector<1x1x16xf32> to vector<16xf32>
        %get3A_1215 = arith.index_cast %rem3A_327 : i32 to index
        %get3A_1216 = arith.index_cast %add3A_1207 : i32 to index
        %get3A_1217 = arith.constant 16 : index
        %get3A_1218 = tpu.vector_load %arg14[%get3A_1215, %get3A_1216, %get3A_1217] {strides = array<i32>} : memref<2x128x32xf32, #tpu.memory_space<vmem>>, vector<1x1x16xf32>,
        %get3A_1219 = vector.shape_cast %get3A_1218 : vector<1x1x16xf32> to vector<16xf32>
        %get3A_1220 = arith.index_cast %squeeze3A_1209 : i32 to index
        %get3A_1221 = arith.constant 0 : index
        %get3A_1222 = tpu.vector_load %arg16[%get3A_1220, %get3A_1221] {strides = array<i32>} : memref<125x32xf32, #tpu.memory_space<vmem>>, vector<1x16xf32>,
        %get3A_1223 = vector.shape_cast %get3A_1222 : vector<1x16xf32> to vector<16xf32>
        %get3A_1224 = arith.index_cast %squeeze3A_1209 : i32 to index
        %get3A_1225 = arith.constant 16 : index
        %get3A_1226 = tpu.vector_load %arg16[%get3A_1224, %get3A_1225] {strides = array<i32>} : memref<125x32xf32, #tpu.memory_space<vmem>>, vector<1x16xf32>,
        %get3A_1227 = vector.shape_cast %get3A_1226 : vector<1x16xf32> to vector<16xf32>
        %mul3A_1228 = arith.mulf %get3A_1214, %get3A_1223 : vector<16xf32>
        %lt3A_1229 = arith.constant 0 : i32
        %lt3A_1230 = vector.broadcast %lt3A_1229 : i32 to vector<16xi32>
        %lt3A_1231 = arith.cmpi slt, %xor3A_4, %lt3A_1230 : vector<16xi32>
        %add3A_1232 = arith.constant 16 : i32
        %add3A_1233 = vector.broadcast %add3A_1232 : i32 to vector<16xi32>
        %add3A_1234 = arith.addi %xor3A_4, %add3A_1233 : vector<16xi32>
        %select_n3A_1235 = arith.select %lt3A_1231, %add3A_1234, %xor3A_4 : vector<16xi1>, vector<16xi32>
        %broadcast_in_dim3A_1236 = vector.shape_cast %select_n3A_1235 : vector<16xi32> to vector<16x1xi32>
        %gather3A_1237 = vector.shape_cast %broadcast_in_dim3A_1236 : vector<16x1xi32> to vector<16xi32>
        %gather3A_1238 = tpu.dynamic_gather %mul3A_1228[%gather3A_1237] in [0] : vector<16xf32>, vector<16xi32> -> vector<16xf32>
        %add3A_1239 = arith.addf %mul3A_1228, %gather3A_1238 : vector<16xf32>
        %lt3A_1240 = arith.constant 0 : i32
        %lt3A_1241 = vector.broadcast %lt3A_1240 : i32 to vector<16xi32>
        %lt3A_1242 = arith.cmpi slt, %xor3A_7, %lt3A_1241 : vector<16xi32>
        %add3A_1243 = arith.constant 16 : i32
        %add3A_1244 = vector.broadcast %add3A_1243 : i32 to vector<16xi32>
        %add3A_1245 = arith.addi %xor3A_7, %add3A_1244 : vector<16xi32>
        %select_n3A_1246 = arith.select %lt3A_1242, %add3A_1245, %xor3A_7 : vector<16xi1>, vector<16xi32>
        %broadcast_in_dim3A_1247 = vector.shape_cast %select_n3A_1246 : vector<16xi32> to vector<16x1xi32>
        %gather3A_1248 = vector.shape_cast %broadcast_in_dim3A_1247 : vector<16x1xi32> to vector<16xi32>
        %gather3A_1249 = tpu.dynamic_gather %add3A_1239[%gather3A_1248] in [0] : vector<16xf32>, vector<16xi32> -> vector<16xf32>
        %add3A_1250 = arith.addf %add3A_1239, %gather3A_1249 : vector<16xf32>
        %mul3A_1251 = arith.mulf %get3A_1219, %get3A_1227 : vector<16xf32>
        %lt3A_1252 = arith.constant 0 : i32
        %lt3A_1253 = vector.broadcast %lt3A_1252 : i32 to vector<16xi32>
        %lt3A_1254 = arith.cmpi slt, %xor3A_4, %lt3A_1253 : vector<16xi32>
        %add3A_1255 = arith.constant 16 : i32
        %add3A_1256 = vector.broadcast %add3A_1255 : i32 to vector<16xi32>
        %add3A_1257 = arith.addi %xor3A_4, %add3A_1256 : vector<16xi32>
        %select_n3A_1258 = arith.select %lt3A_1254, %add3A_1257, %xor3A_4 : vector<16xi1>, vector<16xi32>
        %broadcast_in_dim3A_1259 = vector.shape_cast %select_n3A_1258 : vector<16xi32> to vector<16x1xi32>
        %gather3A_1260 = vector.shape_cast %broadcast_in_dim3A_1259 : vector<16x1xi32> to vector<16xi32>
        %gather3A_1261 = tpu.dynamic_gather %mul3A_1251[%gather3A_1260] in [0] : vector<16xf32>, vector<16xi32> -> vector<16xf32>
        %add3A_1262 = arith.addf %mul3A_1251, %gather3A_1261 : vector<16xf32>
        %lt3A_1263 = arith.constant 0 : i32
        %lt3A_1264 = vector.broadcast %lt3A_1263 : i32 to vector<16xi32>
        %lt3A_1265 = arith.cmpi slt, %xor3A_7, %lt3A_1264 : vector<16xi32>
        %add3A_1266 = arith.constant 16 : i32
        %add3A_1267 = vector.broadcast %add3A_1266 : i32 to vector<16xi32>
        %add3A_1268 = arith.addi %xor3A_7, %add3A_1267 : vector<16xi32>
        %select_n3A_1269 = arith.select %lt3A_1265, %add3A_1268, %xor3A_7 : vector<16xi1>, vector<16xi32>
        %broadcast_in_dim3A_1270 = vector.shape_cast %select_n3A_1269 : vector<16xi32> to vector<16x1xi32>
        %gather3A_1271 = vector.shape_cast %broadcast_in_dim3A_1270 : vector<16x1xi32> to vector<16xi32>
        %gather3A_1272 = tpu.dynamic_gather %add3A_1262[%gather3A_1271] in [0] : vector<16xf32>, vector<16xi32> -> vector<16xf32>
        %add3A_1273 = arith.addf %add3A_1262, %gather3A_1272 : vector<16xf32>
        %get3A_1274 = arith.index_cast %rem3A_329 : i32 to index
        %get3A_1275 = arith.index_cast %add3A_1207 : i32 to index
        %get3A_1276 = arith.constant 0 : index
        %get3A_1277 = tpu.vector_load %arg15[%get3A_1274, %get3A_1275, %get3A_1276] {strides = array<i32>} : memref<3x128x32xf32, #tpu.memory_space<vmem>>, vector<1x1x16xf32>,
        %get3A_1278 = vector.shape_cast %get3A_1277 : vector<1x1x16xf32> to vector<16xf32>
        %mul3A_1279 = arith.mulf %add3A_1250, %get3A_1278 : vector<16xf32>
        %swap3A_1280 = arith.index_cast %rem3A_329 : i32 to index
        %swap3A_1281 = arith.index_cast %add3A_1207 : i32 to index
        %swap3A_1282 = arith.constant 0 : index
        %swap3A_1283 = tpu.vector_load %arg15[%swap3A_1280, %swap3A_1281, %swap3A_1282] {strides = array<i32>} : memref<3x128x32xf32, #tpu.memory_space<vmem>>, vector<1x1x16xf32>,
        %swap3A_1284 = vector.shape_cast %swap3A_1283 : vector<1x1x16xf32> to vector<16xf32>
        %swap3A_1285 = vector.shape_cast %mul3A_1279 : vector<16xf32> to vector<1x1x16xf32>
        tpu.vector_store %arg15[%swap3A_1280, %swap3A_1281, %swap3A_1282], %swap3A_1285 {strides = array<i32>} : memref<3x128x32xf32, #tpu.memory_space<vmem>>, vector<1x1x16xf32>,
        %get3A_1286 = arith.index_cast %rem3A_329 : i32 to index
        %get3A_1287 = arith.index_cast %add3A_1207 : i32 to index
        %get3A_1288 = arith.constant 16 : index
        %get3A_1289 = tpu.vector_load %arg15[%get3A_1286, %get3A_1287, %get3A_1288] {strides = array<i32>} : memref<3x128x32xf32, #tpu.memory_space<vmem>>, vector<1x1x16xf32>,
        %get3A_1290 = vector.shape_cast %get3A_1289 : vector<1x1x16xf32> to vector<16xf32>
        %mul3A_1291 = arith.mulf %add3A_1273, %get3A_1290 : vector<16xf32>
        %swap3A_1292 = arith.index_cast %rem3A_329 : i32 to index
        %swap3A_1293 = arith.index_cast %add3A_1207 : i32 to index
        %swap3A_1294 = arith.constant 16 : index
        %swap3A_1295 = tpu.vector_load %arg15[%swap3A_1292, %swap3A_1293, %swap3A_1294] {strides = array<i32>} : memref<3x128x32xf32, #tpu.memory_space<vmem>>, vector<1x1x16xf32>,
        %swap3A_1296 = vector.shape_cast %swap3A_1295 : vector<1x1x16xf32> to vector<16xf32>
        %swap3A_1297 = vector.shape_cast %mul3A_1291 : vector<16xf32> to vector<1x1x16xf32>
        tpu.vector_store %arg15[%swap3A_1292, %swap3A_1293, %swap3A_1294], %swap3A_1297 {strides = array<i32>} : memref<3x128x32xf32, #tpu.memory_space<vmem>>, vector<1x1x16xf32>,
        %mul3A_1298 = arith.constant 16 : i32
        %mul3A_1299 = arith.muli %add3A_356, %mul3A_1298 : i32
        %add3A_1300 = arith.constant 10 : i32
        %add3A_1301 = arith.addi %mul3A_1299, %add3A_1300 : i32
        %slice3A_1302 = vector.extract_strided_slice %get3A_363 {offsets = [10], sizes = [1], strides = [1]} : vector<16xi32> to vector<1xi32>
        %squeeze3A_1303 = vector.extract %slice3A_1302[0] : i32 from vector<1xi32>
        %get3A_1304 = arith.index_cast %rem3A_327 : i32 to index
        %get3A_1305 = arith.index_cast %add3A_1301 : i32 to index
        %get3A_1306 = arith.constant 0 : index
        %get3A_1307 = tpu.vector_load %arg14[%get3A_1304, %get3A_1305, %get3A_1306] {strides = array<i32>} : memref<2x128x32xf32, #tpu.memory_space<vmem>>, vector<1x1x16xf32>,
        %get3A_1308 = vector.shape_cast %get3A_1307 : vector<1x1x16xf32> to vector<16xf32>
        %get3A_1309 = arith.index_cast %rem3A_327 : i32 to index
        %get3A_1310 = arith.index_cast %add3A_1301 : i32 to index
        %get3A_1311 = arith.constant 16 : index
        %get3A_1312 = tpu.vector_load %arg14[%get3A_1309, %get3A_1310, %get3A_1311] {strides = array<i32>} : memref<2x128x32xf32, #tpu.memory_space<vmem>>, vector<1x1x16xf32>,
        %get3A_1313 = vector.shape_cast %get3A_1312 : vector<1x1x16xf32> to vector<16xf32>
        %get3A_1314 = arith.index_cast %squeeze3A_1303 : i32 to index
        %get3A_1315 = arith.constant 0 : index
        %get3A_1316 = tpu.vector_load %arg16[%get3A_1314, %get3A_1315] {strides = array<i32>} : memref<125x32xf32, #tpu.memory_space<vmem>>, vector<1x16xf32>,
        %get3A_1317 = vector.shape_cast %get3A_1316 : vector<1x16xf32> to vector<16xf32>
        %get3A_1318 = arith.index_cast %squeeze3A_1303 : i32 to index
        %get3A_1319 = arith.constant 16 : index
        %get3A_1320 = tpu.vector_load %arg16[%get3A_1318, %get3A_1319] {strides = array<i32>} : memref<125x32xf32, #tpu.memory_space<vmem>>, vector<1x16xf32>,
        %get3A_1321 = vector.shape_cast %get3A_1320 : vector<1x16xf32> to vector<16xf32>
        %mul3A_1322 = arith.mulf %get3A_1308, %get3A_1317 : vector<16xf32>
        %lt3A_1323 = arith.constant 0 : i32
        %lt3A_1324 = vector.broadcast %lt3A_1323 : i32 to vector<16xi32>
        %lt3A_1325 = arith.cmpi slt, %xor3A_4, %lt3A_1324 : vector<16xi32>
        %add3A_1326 = arith.constant 16 : i32
        %add3A_1327 = vector.broadcast %add3A_1326 : i32 to vector<16xi32>
        %add3A_1328 = arith.addi %xor3A_4, %add3A_1327 : vector<16xi32>
        %select_n3A_1329 = arith.select %lt3A_1325, %add3A_1328, %xor3A_4 : vector<16xi1>, vector<16xi32>
        %broadcast_in_dim3A_1330 = vector.shape_cast %select_n3A_1329 : vector<16xi32> to vector<16x1xi32>
        %gather3A_1331 = vector.shape_cast %broadcast_in_dim3A_1330 : vector<16x1xi32> to vector<16xi32>
        %gather3A_1332 = tpu.dynamic_gather %mul3A_1322[%gather3A_1331] in [0] : vector<16xf32>, vector<16xi32> -> vector<16xf32>
        %add3A_1333 = arith.addf %mul3A_1322, %gather3A_1332 : vector<16xf32>
        %lt3A_1334 = arith.constant 0 : i32
        %lt3A_1335 = vector.broadcast %lt3A_1334 : i32 to vector<16xi32>
        %lt3A_1336 = arith.cmpi slt, %xor3A_7, %lt3A_1335 : vector<16xi32>
        %add3A_1337 = arith.constant 16 : i32
        %add3A_1338 = vector.broadcast %add3A_1337 : i32 to vector<16xi32>
        %add3A_1339 = arith.addi %xor3A_7, %add3A_1338 : vector<16xi32>
        %select_n3A_1340 = arith.select %lt3A_1336, %add3A_1339, %xor3A_7 : vector<16xi1>, vector<16xi32>
        %broadcast_in_dim3A_1341 = vector.shape_cast %select_n3A_1340 : vector<16xi32> to vector<16x1xi32>
        %gather3A_1342 = vector.shape_cast %broadcast_in_dim3A_1341 : vector<16x1xi32> to vector<16xi32>
        %gather3A_1343 = tpu.dynamic_gather %add3A_1333[%gather3A_1342] in [0] : vector<16xf32>, vector<16xi32> -> vector<16xf32>
        %add3A_1344 = arith.addf %add3A_1333, %gather3A_1343 : vector<16xf32>
        %mul3A_1345 = arith.mulf %get3A_1313, %get3A_1321 : vector<16xf32>
        %lt3A_1346 = arith.constant 0 : i32
        %lt3A_1347 = vector.broadcast %lt3A_1346 : i32 to vector<16xi32>
        %lt3A_1348 = arith.cmpi slt, %xor3A_4, %lt3A_1347 : vector<16xi32>
        %add3A_1349 = arith.constant 16 : i32
        %add3A_1350 = vector.broadcast %add3A_1349 : i32 to vector<16xi32>
        %add3A_1351 = arith.addi %xor3A_4, %add3A_1350 : vector<16xi32>
        %select_n3A_1352 = arith.select %lt3A_1348, %add3A_1351, %xor3A_4 : vector<16xi1>, vector<16xi32>
        %broadcast_in_dim3A_1353 = vector.shape_cast %select_n3A_1352 : vector<16xi32> to vector<16x1xi32>
        %gather3A_1354 = vector.shape_cast %broadcast_in_dim3A_1353 : vector<16x1xi32> to vector<16xi32>
        %gather3A_1355 = tpu.dynamic_gather %mul3A_1345[%gather3A_1354] in [0] : vector<16xf32>, vector<16xi32> -> vector<16xf32>
        %add3A_1356 = arith.addf %mul3A_1345, %gather3A_1355 : vector<16xf32>
        %lt3A_1357 = arith.constant 0 : i32
        %lt3A_1358 = vector.broadcast %lt3A_1357 : i32 to vector<16xi32>
        %lt3A_1359 = arith.cmpi slt, %xor3A_7, %lt3A_1358 : vector<16xi32>
        %add3A_1360 = arith.constant 16 : i32
        %add3A_1361 = vector.broadcast %add3A_1360 : i32 to vector<16xi32>
        %add3A_1362 = arith.addi %xor3A_7, %add3A_1361 : vector<16xi32>
        %select_n3A_1363 = arith.select %lt3A_1359, %add3A_1362, %xor3A_7 : vector<16xi1>, vector<16xi32>
        %broadcast_in_dim3A_1364 = vector.shape_cast %select_n3A_1363 : vector<16xi32> to vector<16x1xi32>
        %gather3A_1365 = vector.shape_cast %broadcast_in_dim3A_1364 : vector<16x1xi32> to vector<16xi32>
        %gather3A_1366 = tpu.dynamic_gather %add3A_1356[%gather3A_1365] in [0] : vector<16xf32>, vector<16xi32> -> vector<16xf32>
        %add3A_1367 = arith.addf %add3A_1356, %gather3A_1366 : vector<16xf32>
        %get3A_1368 = arith.index_cast %rem3A_329 : i32 to index
        %get3A_1369 = arith.index_cast %add3A_1301 : i32 to index
        %get3A_1370 = arith.constant 0 : index
        %get3A_1371 = tpu.vector_load %arg15[%get3A_1368, %get3A_1369, %get3A_1370] {strides = array<i32>} : memref<3x128x32xf32, #tpu.memory_space<vmem>>, vector<1x1x16xf32>,
        %get3A_1372 = vector.shape_cast %get3A_1371 : vector<1x1x16xf32> to vector<16xf32>
        %mul3A_1373 = arith.mulf %add3A_1344, %get3A_1372 : vector<16xf32>
        %swap3A_1374 = arith.index_cast %rem3A_329 : i32 to index
        %swap3A_1375 = arith.index_cast %add3A_1301 : i32 to index
        %swap3A_1376 = arith.constant 0 : index
        %swap3A_1377 = tpu.vector_load %arg15[%swap3A_1374, %swap3A_1375, %swap3A_1376] {strides = array<i32>} : memref<3x128x32xf32, #tpu.memory_space<vmem>>, vector<1x1x16xf32>,
        %swap3A_1378 = vector.shape_cast %swap3A_1377 : vector<1x1x16xf32> to vector<16xf32>
        %swap3A_1379 = vector.shape_cast %mul3A_1373 : vector<16xf32> to vector<1x1x16xf32>
        tpu.vector_store %arg15[%swap3A_1374, %swap3A_1375, %swap3A_1376], %swap3A_1379 {strides = array<i32>} : memref<3x128x32xf32, #tpu.memory_space<vmem>>, vector<1x1x16xf32>,
        %get3A_1380 = arith.index_cast %rem3A_329 : i32 to index
        %get3A_1381 = arith.index_cast %add3A_1301 : i32 to index
        %get3A_1382 = arith.constant 16 : index
        %get3A_1383 = tpu.vector_load %arg15[%get3A_1380, %get3A_1381, %get3A_1382] {strides = array<i32>} : memref<3x128x32xf32, #tpu.memory_space<vmem>>, vector<1x1x16xf32>,
        %get3A_1384 = vector.shape_cast %get3A_1383 : vector<1x1x16xf32> to vector<16xf32>
        %mul3A_1385 = arith.mulf %add3A_1367, %get3A_1384 : vector<16xf32>
        %swap3A_1386 = arith.index_cast %rem3A_329 : i32 to index
        %swap3A_1387 = arith.index_cast %add3A_1301 : i32 to index
        %swap3A_1388 = arith.constant 16 : index
        %swap3A_1389 = tpu.vector_load %arg15[%swap3A_1386, %swap3A_1387, %swap3A_1388] {strides = array<i32>} : memref<3x128x32xf32, #tpu.memory_space<vmem>>, vector<1x1x16xf32>,
        %swap3A_1390 = vector.shape_cast %swap3A_1389 : vector<1x1x16xf32> to vector<16xf32>
        %swap3A_1391 = vector.shape_cast %mul3A_1385 : vector<16xf32> to vector<1x1x16xf32>
        tpu.vector_store %arg15[%swap3A_1386, %swap3A_1387, %swap3A_1388], %swap3A_1391 {strides = array<i32>} : memref<3x128x32xf32, #tpu.memory_space<vmem>>, vector<1x1x16xf32>,
        %mul3A_1392 = arith.constant 16 : i32
        %mul3A_1393 = arith.muli %add3A_356, %mul3A_1392 : i32
        %add3A_1394 = arith.constant 11 : i32
        %add3A_1395 = arith.addi %mul3A_1393, %add3A_1394 : i32
        %slice3A_1396 = vector.extract_strided_slice %get3A_363 {offsets = [11], sizes = [1], strides = [1]} : vector<16xi32> to vector<1xi32>
        %squeeze3A_1397 = vector.extract %slice3A_1396[0] : i32 from vector<1xi32>
        %get3A_1398 = arith.index_cast %rem3A_327 : i32 to index
        %get3A_1399 = arith.index_cast %add3A_1395 : i32 to index
        %get3A_1400 = arith.constant 0 : index
        %get3A_1401 = tpu.vector_load %arg14[%get3A_1398, %get3A_1399, %get3A_1400] {strides = array<i32>} : memref<2x128x32xf32, #tpu.memory_space<vmem>>, vector<1x1x16xf32>,
        %get3A_1402 = vector.shape_cast %get3A_1401 : vector<1x1x16xf32> to vector<16xf32>
        %get3A_1403 = arith.index_cast %rem3A_327 : i32 to index
        %get3A_1404 = arith.index_cast %add3A_1395 : i32 to index
        %get3A_1405 = arith.constant 16 : index
        %get3A_1406 = tpu.vector_load %arg14[%get3A_1403, %get3A_1404, %get3A_1405] {strides = array<i32>} : memref<2x128x32xf32, #tpu.memory_space<vmem>>, vector<1x1x16xf32>,
        %get3A_1407 = vector.shape_cast %get3A_1406 : vector<1x1x16xf32> to vector<16xf32>
        %get3A_1408 = arith.index_cast %squeeze3A_1397 : i32 to index
        %get3A_1409 = arith.constant 0 : index
        %get3A_1410 = tpu.vector_load %arg16[%get3A_1408, %get3A_1409] {strides = array<i32>} : memref<125x32xf32, #tpu.memory_space<vmem>>, vector<1x16xf32>,
        %get3A_1411 = vector.shape_cast %get3A_1410 : vector<1x16xf32> to vector<16xf32>
        %get3A_1412 = arith.index_cast %squeeze3A_1397 : i32 to index
        %get3A_1413 = arith.constant 16 : index
        %get3A_1414 = tpu.vector_load %arg16[%get3A_1412, %get3A_1413] {strides = array<i32>} : memref<125x32xf32, #tpu.memory_space<vmem>>, vector<1x16xf32>,
        %get3A_1415 = vector.shape_cast %get3A_1414 : vector<1x16xf32> to vector<16xf32>
        %mul3A_1416 = arith.mulf %get3A_1402, %get3A_1411 : vector<16xf32>
        %lt3A_1417 = arith.constant 0 : i32
        %lt3A_1418 = vector.broadcast %lt3A_1417 : i32 to vector<16xi32>
        %lt3A_1419 = arith.cmpi slt, %xor3A_4, %lt3A_1418 : vector<16xi32>
        %add3A_1420 = arith.constant 16 : i32
        %add3A_1421 = vector.broadcast %add3A_1420 : i32 to vector<16xi32>
        %add3A_1422 = arith.addi %xor3A_4, %add3A_1421 : vector<16xi32>
        %select_n3A_1423 = arith.select %lt3A_1419, %add3A_1422, %xor3A_4 : vector<16xi1>, vector<16xi32>
        %broadcast_in_dim3A_1424 = vector.shape_cast %select_n3A_1423 : vector<16xi32> to vector<16x1xi32>
        %gather3A_1425 = vector.shape_cast %broadcast_in_dim3A_1424 : vector<16x1xi32> to vector<16xi32>
        %gather3A_1426 = tpu.dynamic_gather %mul3A_1416[%gather3A_1425] in [0] : vector<16xf32>, vector<16xi32> -> vector<16xf32>
        %add3A_1427 = arith.addf %mul3A_1416, %gather3A_1426 : vector<16xf32>
        %lt3A_1428 = arith.constant 0 : i32
        %lt3A_1429 = vector.broadcast %lt3A_1428 : i32 to vector<16xi32>
        %lt3A_1430 = arith.cmpi slt, %xor3A_7, %lt3A_1429 : vector<16xi32>
        %add3A_1431 = arith.constant 16 : i32
        %add3A_1432 = vector.broadcast %add3A_1431 : i32 to vector<16xi32>
        %add3A_1433 = arith.addi %xor3A_7, %add3A_1432 : vector<16xi32>
        %select_n3A_1434 = arith.select %lt3A_1430, %add3A_1433, %xor3A_7 : vector<16xi1>, vector<16xi32>
        %broadcast_in_dim3A_1435 = vector.shape_cast %select_n3A_1434 : vector<16xi32> to vector<16x1xi32>
        %gather3A_1436 = vector.shape_cast %broadcast_in_dim3A_1435 : vector<16x1xi32> to vector<16xi32>
        %gather3A_1437 = tpu.dynamic_gather %add3A_1427[%gather3A_1436] in [0] : vector<16xf32>, vector<16xi32> -> vector<16xf32>
        %add3A_1438 = arith.addf %add3A_1427, %gather3A_1437 : vector<16xf32>
        %mul3A_1439 = arith.mulf %get3A_1407, %get3A_1415 : vector<16xf32>
        %lt3A_1440 = arith.constant 0 : i32
        %lt3A_1441 = vector.broadcast %lt3A_1440 : i32 to vector<16xi32>
        %lt3A_1442 = arith.cmpi slt, %xor3A_4, %lt3A_1441 : vector<16xi32>
        %add3A_1443 = arith.constant 16 : i32
        %add3A_1444 = vector.broadcast %add3A_1443 : i32 to vector<16xi32>
        %add3A_1445 = arith.addi %xor3A_4, %add3A_1444 : vector<16xi32>
        %select_n3A_1446 = arith.select %lt3A_1442, %add3A_1445, %xor3A_4 : vector<16xi1>, vector<16xi32>
        %broadcast_in_dim3A_1447 = vector.shape_cast %select_n3A_1446 : vector<16xi32> to vector<16x1xi32>
        %gather3A_1448 = vector.shape_cast %broadcast_in_dim3A_1447 : vector<16x1xi32> to vector<16xi32>
        %gather3A_1449 = tpu.dynamic_gather %mul3A_1439[%gather3A_1448] in [0] : vector<16xf32>, vector<16xi32> -> vector<16xf32>
        %add3A_1450 = arith.addf %mul3A_1439, %gather3A_1449 : vector<16xf32>
        %lt3A_1451 = arith.constant 0 : i32
        %lt3A_1452 = vector.broadcast %lt3A_1451 : i32 to vector<16xi32>
        %lt3A_1453 = arith.cmpi slt, %xor3A_7, %lt3A_1452 : vector<16xi32>
        %add3A_1454 = arith.constant 16 : i32
        %add3A_1455 = vector.broadcast %add3A_1454 : i32 to vector<16xi32>
        %add3A_1456 = arith.addi %xor3A_7, %add3A_1455 : vector<16xi32>
        %select_n3A_1457 = arith.select %lt3A_1453, %add3A_1456, %xor3A_7 : vector<16xi1>, vector<16xi32>
        %broadcast_in_dim3A_1458 = vector.shape_cast %select_n3A_1457 : vector<16xi32> to vector<16x1xi32>
        %gather3A_1459 = vector.shape_cast %broadcast_in_dim3A_1458 : vector<16x1xi32> to vector<16xi32>
        %gather3A_1460 = tpu.dynamic_gather %add3A_1450[%gather3A_1459] in [0] : vector<16xf32>, vector<16xi32> -> vector<16xf32>
        %add3A_1461 = arith.addf %add3A_1450, %gather3A_1460 : vector<16xf32>
        %get3A_1462 = arith.index_cast %rem3A_329 : i32 to index
        %get3A_1463 = arith.index_cast %add3A_1395 : i32 to index
        %get3A_1464 = arith.constant 0 : index
        %get3A_1465 = tpu.vector_load %arg15[%get3A_1462, %get3A_1463, %get3A_1464] {strides = array<i32>} : memref<3x128x32xf32, #tpu.memory_space<vmem>>, vector<1x1x16xf32>,
        %get3A_1466 = vector.shape_cast %get3A_1465 : vector<1x1x16xf32> to vector<16xf32>
        %mul3A_1467 = arith.mulf %add3A_1438, %get3A_1466 : vector<16xf32>
        %swap3A_1468 = arith.index_cast %rem3A_329 : i32 to index
        %swap3A_1469 = arith.index_cast %add3A_1395 : i32 to index
        %swap3A_1470 = arith.constant 0 : index
        %swap3A_1471 = tpu.vector_load %arg15[%swap3A_1468, %swap3A_1469, %swap3A_1470] {strides = array<i32>} : memref<3x128x32xf32, #tpu.memory_space<vmem>>, vector<1x1x16xf32>,
        %swap3A_1472 = vector.shape_cast %swap3A_1471 : vector<1x1x16xf32> to vector<16xf32>
        %swap3A_1473 = vector.shape_cast %mul3A_1467 : vector<16xf32> to vector<1x1x16xf32>
        tpu.vector_store %arg15[%swap3A_1468, %swap3A_1469, %swap3A_1470], %swap3A_1473 {strides = array<i32>} : memref<3x128x32xf32, #tpu.memory_space<vmem>>, vector<1x1x16xf32>,
        %get3A_1474 = arith.index_cast %rem3A_329 : i32 to index
        %get3A_1475 = arith.index_cast %add3A_1395 : i32 to index
        %get3A_1476 = arith.constant 16 : index
        %get3A_1477 = tpu.vector_load %arg15[%get3A_1474, %get3A_1475, %get3A_1476] {strides = array<i32>} : memref<3x128x32xf32, #tpu.memory_space<vmem>>, vector<1x1x16xf32>,
        %get3A_1478 = vector.shape_cast %get3A_1477 : vector<1x1x16xf32> to vector<16xf32>
        %mul3A_1479 = arith.mulf %add3A_1461, %get3A_1478 : vector<16xf32>
        %swap3A_1480 = arith.index_cast %rem3A_329 : i32 to index
        %swap3A_1481 = arith.index_cast %add3A_1395 : i32 to index
        %swap3A_1482 = arith.constant 16 : index
        %swap3A_1483 = tpu.vector_load %arg15[%swap3A_1480, %swap3A_1481, %swap3A_1482] {strides = array<i32>} : memref<3x128x32xf32, #tpu.memory_space<vmem>>, vector<1x1x16xf32>,
        %swap3A_1484 = vector.shape_cast %swap3A_1483 : vector<1x1x16xf32> to vector<16xf32>
        %swap3A_1485 = vector.shape_cast %mul3A_1479 : vector<16xf32> to vector<1x1x16xf32>
        tpu.vector_store %arg15[%swap3A_1480, %swap3A_1481, %swap3A_1482], %swap3A_1485 {strides = array<i32>} : memref<3x128x32xf32, #tpu.memory_space<vmem>>, vector<1x1x16xf32>,
        %mul3A_1486 = arith.constant 16 : i32
        %mul3A_1487 = arith.muli %add3A_356, %mul3A_1486 : i32
        %add3A_1488 = arith.constant 12 : i32
        %add3A_1489 = arith.addi %mul3A_1487, %add3A_1488 : i32
        %slice3A_1490 = vector.extract_strided_slice %get3A_363 {offsets = [12], sizes = [1], strides = [1]} : vector<16xi32> to vector<1xi32>
        %squeeze3A_1491 = vector.extract %slice3A_1490[0] : i32 from vector<1xi32>
        %get3A_1492 = arith.index_cast %rem3A_327 : i32 to index
        %get3A_1493 = arith.index_cast %add3A_1489 : i32 to index
        %get3A_1494 = arith.constant 0 : index
        %get3A_1495 = tpu.vector_load %arg14[%get3A_1492, %get3A_1493, %get3A_1494] {strides = array<i32>} : memref<2x128x32xf32, #tpu.memory_space<vmem>>, vector<1x1x16xf32>,
        %get3A_1496 = vector.shape_cast %get3A_1495 : vector<1x1x16xf32> to vector<16xf32>
        %get3A_1497 = arith.index_cast %rem3A_327 : i32 to index
        %get3A_1498 = arith.index_cast %add3A_1489 : i32 to index
        %get3A_1499 = arith.constant 16 : index
        %get3A_1500 = tpu.vector_load %arg14[%get3A_1497, %get3A_1498, %get3A_1499] {strides = array<i32>} : memref<2x128x32xf32, #tpu.memory_space<vmem>>, vector<1x1x16xf32>,
        %get3A_1501 = vector.shape_cast %get3A_1500 : vector<1x1x16xf32> to vector<16xf32>
        %get3A_1502 = arith.index_cast %squeeze3A_1491 : i32 to index
        %get3A_1503 = arith.constant 0 : index
        %get3A_1504 = tpu.vector_load %arg16[%get3A_1502, %get3A_1503] {strides = array<i32>} : memref<125x32xf32, #tpu.memory_space<vmem>>, vector<1x16xf32>,
        %get3A_1505 = vector.shape_cast %get3A_1504 : vector<1x16xf32> to vector<16xf32>
        %get3A_1506 = arith.index_cast %squeeze3A_1491 : i32 to index
        %get3A_1507 = arith.constant 16 : index
        %get3A_1508 = tpu.vector_load %arg16[%get3A_1506, %get3A_1507] {strides = array<i32>} : memref<125x32xf32, #tpu.memory_space<vmem>>, vector<1x16xf32>,
        %get3A_1509 = vector.shape_cast %get3A_1508 : vector<1x16xf32> to vector<16xf32>
        %mul3A_1510 = arith.mulf %get3A_1496, %get3A_1505 : vector<16xf32>
        %lt3A_1511 = arith.constant 0 : i32
        %lt3A_1512 = vector.broadcast %lt3A_1511 : i32 to vector<16xi32>
        %lt3A_1513 = arith.cmpi slt, %xor3A_4, %lt3A_1512 : vector<16xi32>
        %add3A_1514 = arith.constant 16 : i32
        %add3A_1515 = vector.broadcast %add3A_1514 : i32 to vector<16xi32>
        %add3A_1516 = arith.addi %xor3A_4, %add3A_1515 : vector<16xi32>
        %select_n3A_1517 = arith.select %lt3A_1513, %add3A_1516, %xor3A_4 : vector<16xi1>, vector<16xi32>
        %broadcast_in_dim3A_1518 = vector.shape_cast %select_n3A_1517 : vector<16xi32> to vector<16x1xi32>
        %gather3A_1519 = vector.shape_cast %broadcast_in_dim3A_1518 : vector<16x1xi32> to vector<16xi32>
        %gather3A_1520 = tpu.dynamic_gather %mul3A_1510[%gather3A_1519] in [0] : vector<16xf32>, vector<16xi32> -> vector<16xf32>
        %add3A_1521 = arith.addf %mul3A_1510, %gather3A_1520 : vector<16xf32>
        %lt3A_1522 = arith.constant 0 : i32
        %lt3A_1523 = vector.broadcast %lt3A_1522 : i32 to vector<16xi32>
        %lt3A_1524 = arith.cmpi slt, %xor3A_7, %lt3A_1523 : vector<16xi32>
        %add3A_1525 = arith.constant 16 : i32
        %add3A_1526 = vector.broadcast %add3A_1525 : i32 to vector<16xi32>
        %add3A_1527 = arith.addi %xor3A_7, %add3A_1526 : vector<16xi32>
        %select_n3A_1528 = arith.select %lt3A_1524, %add3A_1527, %xor3A_7 : vector<16xi1>, vector<16xi32>
        %broadcast_in_dim3A_1529 = vector.shape_cast %select_n3A_1528 : vector<16xi32> to vector<16x1xi32>
        %gather3A_1530 = vector.shape_cast %broadcast_in_dim3A_1529 : vector<16x1xi32> to vector<16xi32>
        %gather3A_1531 = tpu.dynamic_gather %add3A_1521[%gather3A_1530] in [0] : vector<16xf32>, vector<16xi32> -> vector<16xf32>
        %add3A_1532 = arith.addf %add3A_1521, %gather3A_1531 : vector<16xf32>
        %mul3A_1533 = arith.mulf %get3A_1501, %get3A_1509 : vector<16xf32>
        %lt3A_1534 = arith.constant 0 : i32
        %lt3A_1535 = vector.broadcast %lt3A_1534 : i32 to vector<16xi32>
        %lt3A_1536 = arith.cmpi slt, %xor3A_4, %lt3A_1535 : vector<16xi32>
        %add3A_1537 = arith.constant 16 : i32
        %add3A_1538 = vector.broadcast %add3A_1537 : i32 to vector<16xi32>
        %add3A_1539 = arith.addi %xor3A_4, %add3A_1538 : vector<16xi32>
        %select_n3A_1540 = arith.select %lt3A_1536, %add3A_1539, %xor3A_4 : vector<16xi1>, vector<16xi32>
        %broadcast_in_dim3A_1541 = vector.shape_cast %select_n3A_1540 : vector<16xi32> to vector<16x1xi32>
        %gather3A_1542 = vector.shape_cast %broadcast_in_dim3A_1541 : vector<16x1xi32> to vector<16xi32>
        %gather3A_1543 = tpu.dynamic_gather %mul3A_1533[%gather3A_1542] in [0] : vector<16xf32>, vector<16xi32> -> vector<16xf32>
        %add3A_1544 = arith.addf %mul3A_1533, %gather3A_1543 : vector<16xf32>
        %lt3A_1545 = arith.constant 0 : i32
        %lt3A_1546 = vector.broadcast %lt3A_1545 : i32 to vector<16xi32>
        %lt3A_1547 = arith.cmpi slt, %xor3A_7, %lt3A_1546 : vector<16xi32>
        %add3A_1548 = arith.constant 16 : i32
        %add3A_1549 = vector.broadcast %add3A_1548 : i32 to vector<16xi32>
        %add3A_1550 = arith.addi %xor3A_7, %add3A_1549 : vector<16xi32>
        %select_n3A_1551 = arith.select %lt3A_1547, %add3A_1550, %xor3A_7 : vector<16xi1>, vector<16xi32>
        %broadcast_in_dim3A_1552 = vector.shape_cast %select_n3A_1551 : vector<16xi32> to vector<16x1xi32>
        %gather3A_1553 = vector.shape_cast %broadcast_in_dim3A_1552 : vector<16x1xi32> to vector<16xi32>
        %gather3A_1554 = tpu.dynamic_gather %add3A_1544[%gather3A_1553] in [0] : vector<16xf32>, vector<16xi32> -> vector<16xf32>
        %add3A_1555 = arith.addf %add3A_1544, %gather3A_1554 : vector<16xf32>
        %get3A_1556 = arith.index_cast %rem3A_329 : i32 to index
        %get3A_1557 = arith.index_cast %add3A_1489 : i32 to index
        %get3A_1558 = arith.constant 0 : index
        %get3A_1559 = tpu.vector_load %arg15[%get3A_1556, %get3A_1557, %get3A_1558] {strides = array<i32>} : memref<3x128x32xf32, #tpu.memory_space<vmem>>, vector<1x1x16xf32>,
        %get3A_1560 = vector.shape_cast %get3A_1559 : vector<1x1x16xf32> to vector<16xf32>
        %mul3A_1561 = arith.mulf %add3A_1532, %get3A_1560 : vector<16xf32>
        %swap3A_1562 = arith.index_cast %rem3A_329 : i32 to index
        %swap3A_1563 = arith.index_cast %add3A_1489 : i32 to index
        %swap3A_1564 = arith.constant 0 : index
        %swap3A_1565 = tpu.vector_load %arg15[%swap3A_1562, %swap3A_1563, %swap3A_1564] {strides = array<i32>} : memref<3x128x32xf32, #tpu.memory_space<vmem>>, vector<1x1x16xf32>,
        %swap3A_1566 = vector.shape_cast %swap3A_1565 : vector<1x1x16xf32> to vector<16xf32>
        %swap3A_1567 = vector.shape_cast %mul3A_1561 : vector<16xf32> to vector<1x1x16xf32>
        tpu.vector_store %arg15[%swap3A_1562, %swap3A_1563, %swap3A_1564], %swap3A_1567 {strides = array<i32>} : memref<3x128x32xf32, #tpu.memory_space<vmem>>, vector<1x1x16xf32>,
        %get3A_1568 = arith.index_cast %rem3A_329 : i32 to index
        %get3A_1569 = arith.index_cast %add3A_1489 : i32 to index
        %get3A_1570 = arith.constant 16 : index
        %get3A_1571 = tpu.vector_load %arg15[%get3A_1568, %get3A_1569, %get3A_1570] {strides = array<i32>} : memref<3x128x32xf32, #tpu.memory_space<vmem>>, vector<1x1x16xf32>,
        %get3A_1572 = vector.shape_cast %get3A_1571 : vector<1x1x16xf32> to vector<16xf32>
        %mul3A_1573 = arith.mulf %add3A_1555, %get3A_1572 : vector<16xf32>
        %swap3A_1574 = arith.index_cast %rem3A_329 : i32 to index
        %swap3A_1575 = arith.index_cast %add3A_1489 : i32 to index
        %swap3A_1576 = arith.constant 16 : index
        %swap3A_1577 = tpu.vector_load %arg15[%swap3A_1574, %swap3A_1575, %swap3A_1576] {strides = array<i32>} : memref<3x128x32xf32, #tpu.memory_space<vmem>>, vector<1x1x16xf32>,
        %swap3A_1578 = vector.shape_cast %swap3A_1577 : vector<1x1x16xf32> to vector<16xf32>
        %swap3A_1579 = vector.shape_cast %mul3A_1573 : vector<16xf32> to vector<1x1x16xf32>
        tpu.vector_store %arg15[%swap3A_1574, %swap3A_1575, %swap3A_1576], %swap3A_1579 {strides = array<i32>} : memref<3x128x32xf32, #tpu.memory_space<vmem>>, vector<1x1x16xf32>,
        %mul3A_1580 = arith.constant 16 : i32
        %mul3A_1581 = arith.muli %add3A_356, %mul3A_1580 : i32
        %add3A_1582 = arith.constant 13 : i32
        %add3A_1583 = arith.addi %mul3A_1581, %add3A_1582 : i32
        %slice3A_1584 = vector.extract_strided_slice %get3A_363 {offsets = [13], sizes = [1], strides = [1]} : vector<16xi32> to vector<1xi32>
        %squeeze3A_1585 = vector.extract %slice3A_1584[0] : i32 from vector<1xi32>
        %get3A_1586 = arith.index_cast %rem3A_327 : i32 to index
        %get3A_1587 = arith.index_cast %add3A_1583 : i32 to index
        %get3A_1588 = arith.constant 0 : index
        %get3A_1589 = tpu.vector_load %arg14[%get3A_1586, %get3A_1587, %get3A_1588] {strides = array<i32>} : memref<2x128x32xf32, #tpu.memory_space<vmem>>, vector<1x1x16xf32>,
        %get3A_1590 = vector.shape_cast %get3A_1589 : vector<1x1x16xf32> to vector<16xf32>
        %get3A_1591 = arith.index_cast %rem3A_327 : i32 to index
        %get3A_1592 = arith.index_cast %add3A_1583 : i32 to index
        %get3A_1593 = arith.constant 16 : index
        %get3A_1594 = tpu.vector_load %arg14[%get3A_1591, %get3A_1592, %get3A_1593] {strides = array<i32>} : memref<2x128x32xf32, #tpu.memory_space<vmem>>, vector<1x1x16xf32>,
        %get3A_1595 = vector.shape_cast %get3A_1594 : vector<1x1x16xf32> to vector<16xf32>
        %get3A_1596 = arith.index_cast %squeeze3A_1585 : i32 to index
        %get3A_1597 = arith.constant 0 : index
        %get3A_1598 = tpu.vector_load %arg16[%get3A_1596, %get3A_1597] {strides = array<i32>} : memref<125x32xf32, #tpu.memory_space<vmem>>, vector<1x16xf32>,
        %get3A_1599 = vector.shape_cast %get3A_1598 : vector<1x16xf32> to vector<16xf32>
        %get3A_1600 = arith.index_cast %squeeze3A_1585 : i32 to index
        %get3A_1601 = arith.constant 16 : index
        %get3A_1602 = tpu.vector_load %arg16[%get3A_1600, %get3A_1601] {strides = array<i32>} : memref<125x32xf32, #tpu.memory_space<vmem>>, vector<1x16xf32>,
        %get3A_1603 = vector.shape_cast %get3A_1602 : vector<1x16xf32> to vector<16xf32>
        %mul3A_1604 = arith.mulf %get3A_1590, %get3A_1599 : vector<16xf32>
        %lt3A_1605 = arith.constant 0 : i32
        %lt3A_1606 = vector.broadcast %lt3A_1605 : i32 to vector<16xi32>
        %lt3A_1607 = arith.cmpi slt, %xor3A_4, %lt3A_1606 : vector<16xi32>
        %add3A_1608 = arith.constant 16 : i32
        %add3A_1609 = vector.broadcast %add3A_1608 : i32 to vector<16xi32>
        %add3A_1610 = arith.addi %xor3A_4, %add3A_1609 : vector<16xi32>
        %select_n3A_1611 = arith.select %lt3A_1607, %add3A_1610, %xor3A_4 : vector<16xi1>, vector<16xi32>
        %broadcast_in_dim3A_1612 = vector.shape_cast %select_n3A_1611 : vector<16xi32> to vector<16x1xi32>
        %gather3A_1613 = vector.shape_cast %broadcast_in_dim3A_1612 : vector<16x1xi32> to vector<16xi32>
        %gather3A_1614 = tpu.dynamic_gather %mul3A_1604[%gather3A_1613] in [0] : vector<16xf32>, vector<16xi32> -> vector<16xf32>
        %add3A_1615 = arith.addf %mul3A_1604, %gather3A_1614 : vector<16xf32>
        %lt3A_1616 = arith.constant 0 : i32
        %lt3A_1617 = vector.broadcast %lt3A_1616 : i32 to vector<16xi32>
        %lt3A_1618 = arith.cmpi slt, %xor3A_7, %lt3A_1617 : vector<16xi32>
        %add3A_1619 = arith.constant 16 : i32
        %add3A_1620 = vector.broadcast %add3A_1619 : i32 to vector<16xi32>
        %add3A_1621 = arith.addi %xor3A_7, %add3A_1620 : vector<16xi32>
        %select_n3A_1622 = arith.select %lt3A_1618, %add3A_1621, %xor3A_7 : vector<16xi1>, vector<16xi32>
        %broadcast_in_dim3A_1623 = vector.shape_cast %select_n3A_1622 : vector<16xi32> to vector<16x1xi32>
        %gather3A_1624 = vector.shape_cast %broadcast_in_dim3A_1623 : vector<16x1xi32> to vector<16xi32>
        %gather3A_1625 = tpu.dynamic_gather %add3A_1615[%gather3A_1624] in [0] : vector<16xf32>, vector<16xi32> -> vector<16xf32>
        %add3A_1626 = arith.addf %add3A_1615, %gather3A_1625 : vector<16xf32>
        %mul3A_1627 = arith.mulf %get3A_1595, %get3A_1603 : vector<16xf32>
        %lt3A_1628 = arith.constant 0 : i32
        %lt3A_1629 = vector.broadcast %lt3A_1628 : i32 to vector<16xi32>
        %lt3A_1630 = arith.cmpi slt, %xor3A_4, %lt3A_1629 : vector<16xi32>
        %add3A_1631 = arith.constant 16 : i32
        %add3A_1632 = vector.broadcast %add3A_1631 : i32 to vector<16xi32>
        %add3A_1633 = arith.addi %xor3A_4, %add3A_1632 : vector<16xi32>
        %select_n3A_1634 = arith.select %lt3A_1630, %add3A_1633, %xor3A_4 : vector<16xi1>, vector<16xi32>
        %broadcast_in_dim3A_1635 = vector.shape_cast %select_n3A_1634 : vector<16xi32> to vector<16x1xi32>
        %gather3A_1636 = vector.shape_cast %broadcast_in_dim3A_1635 : vector<16x1xi32> to vector<16xi32>
        %gather3A_1637 = tpu.dynamic_gather %mul3A_1627[%gather3A_1636] in [0] : vector<16xf32>, vector<16xi32> -> vector<16xf32>
        %add3A_1638 = arith.addf %mul3A_1627, %gather3A_1637 : vector<16xf32>
        %lt3A_1639 = arith.constant 0 : i32
        %lt3A_1640 = vector.broadcast %lt3A_1639 : i32 to vector<16xi32>
        %lt3A_1641 = arith.cmpi slt, %xor3A_7, %lt3A_1640 : vector<16xi32>
        %add3A_1642 = arith.constant 16 : i32
        %add3A_1643 = vector.broadcast %add3A_1642 : i32 to vector<16xi32>
        %add3A_1644 = arith.addi %xor3A_7, %add3A_1643 : vector<16xi32>
        %select_n3A_1645 = arith.select %lt3A_1641, %add3A_1644, %xor3A_7 : vector<16xi1>, vector<16xi32>
        %broadcast_in_dim3A_1646 = vector.shape_cast %select_n3A_1645 : vector<16xi32> to vector<16x1xi32>
        %gather3A_1647 = vector.shape_cast %broadcast_in_dim3A_1646 : vector<16x1xi32> to vector<16xi32>
        %gather3A_1648 = tpu.dynamic_gather %add3A_1638[%gather3A_1647] in [0] : vector<16xf32>, vector<16xi32> -> vector<16xf32>
        %add3A_1649 = arith.addf %add3A_1638, %gather3A_1648 : vector<16xf32>
        %get3A_1650 = arith.index_cast %rem3A_329 : i32 to index
        %get3A_1651 = arith.index_cast %add3A_1583 : i32 to index
        %get3A_1652 = arith.constant 0 : index
        %get3A_1653 = tpu.vector_load %arg15[%get3A_1650, %get3A_1651, %get3A_1652] {strides = array<i32>} : memref<3x128x32xf32, #tpu.memory_space<vmem>>, vector<1x1x16xf32>,
        %get3A_1654 = vector.shape_cast %get3A_1653 : vector<1x1x16xf32> to vector<16xf32>
        %mul3A_1655 = arith.mulf %add3A_1626, %get3A_1654 : vector<16xf32>
        %swap3A_1656 = arith.index_cast %rem3A_329 : i32 to index
        %swap3A_1657 = arith.index_cast %add3A_1583 : i32 to index
        %swap3A_1658 = arith.constant 0 : index
        %swap3A_1659 = tpu.vector_load %arg15[%swap3A_1656, %swap3A_1657, %swap3A_1658] {strides = array<i32>} : memref<3x128x32xf32, #tpu.memory_space<vmem>>, vector<1x1x16xf32>,
        %swap3A_1660 = vector.shape_cast %swap3A_1659 : vector<1x1x16xf32> to vector<16xf32>
        %swap3A_1661 = vector.shape_cast %mul3A_1655 : vector<16xf32> to vector<1x1x16xf32>
        tpu.vector_store %arg15[%swap3A_1656, %swap3A_1657, %swap3A_1658], %swap3A_1661 {strides = array<i32>} : memref<3x128x32xf32, #tpu.memory_space<vmem>>, vector<1x1x16xf32>,
        %get3A_1662 = arith.index_cast %rem3A_329 : i32 to index
        %get3A_1663 = arith.index_cast %add3A_1583 : i32 to index
        %get3A_1664 = arith.constant 16 : index
        %get3A_1665 = tpu.vector_load %arg15[%get3A_1662, %get3A_1663, %get3A_1664] {strides = array<i32>} : memref<3x128x32xf32, #tpu.memory_space<vmem>>, vector<1x1x16xf32>,
        %get3A_1666 = vector.shape_cast %get3A_1665 : vector<1x1x16xf32> to vector<16xf32>
        %mul3A_1667 = arith.mulf %add3A_1649, %get3A_1666 : vector<16xf32>
        %swap3A_1668 = arith.index_cast %rem3A_329 : i32 to index
        %swap3A_1669 = arith.index_cast %add3A_1583 : i32 to index
        %swap3A_1670 = arith.constant 16 : index
        %swap3A_1671 = tpu.vector_load %arg15[%swap3A_1668, %swap3A_1669, %swap3A_1670] {strides = array<i32>} : memref<3x128x32xf32, #tpu.memory_space<vmem>>, vector<1x1x16xf32>,
        %swap3A_1672 = vector.shape_cast %swap3A_1671 : vector<1x1x16xf32> to vector<16xf32>
        %swap3A_1673 = vector.shape_cast %mul3A_1667 : vector<16xf32> to vector<1x1x16xf32>
        tpu.vector_store %arg15[%swap3A_1668, %swap3A_1669, %swap3A_1670], %swap3A_1673 {strides = array<i32>} : memref<3x128x32xf32, #tpu.memory_space<vmem>>, vector<1x1x16xf32>,
        %mul3A_1674 = arith.constant 16 : i32
        %mul3A_1675 = arith.muli %add3A_356, %mul3A_1674 : i32
        %add3A_1676 = arith.constant 14 : i32
        %add3A_1677 = arith.addi %mul3A_1675, %add3A_1676 : i32
        %slice3A_1678 = vector.extract_strided_slice %get3A_363 {offsets = [14], sizes = [1], strides = [1]} : vector<16xi32> to vector<1xi32>
        %squeeze3A_1679 = vector.extract %slice3A_1678[0] : i32 from vector<1xi32>
        %get3A_1680 = arith.index_cast %rem3A_327 : i32 to index
        %get3A_1681 = arith.index_cast %add3A_1677 : i32 to index
        %get3A_1682 = arith.constant 0 : index
        %get3A_1683 = tpu.vector_load %arg14[%get3A_1680, %get3A_1681, %get3A_1682] {strides = array<i32>} : memref<2x128x32xf32, #tpu.memory_space<vmem>>, vector<1x1x16xf32>,
        %get3A_1684 = vector.shape_cast %get3A_1683 : vector<1x1x16xf32> to vector<16xf32>
        %get3A_1685 = arith.index_cast %rem3A_327 : i32 to index
        %get3A_1686 = arith.index_cast %add3A_1677 : i32 to index
        %get3A_1687 = arith.constant 16 : index
        %get3A_1688 = tpu.vector_load %arg14[%get3A_1685, %get3A_1686, %get3A_1687] {strides = array<i32>} : memref<2x128x32xf32, #tpu.memory_space<vmem>>, vector<1x1x16xf32>,
        %get3A_1689 = vector.shape_cast %get3A_1688 : vector<1x1x16xf32> to vector<16xf32>
        %get3A_1690 = arith.index_cast %squeeze3A_1679 : i32 to index
        %get3A_1691 = arith.constant 0 : index
        %get3A_1692 = tpu.vector_load %arg16[%get3A_1690, %get3A_1691] {strides = array<i32>} : memref<125x32xf32, #tpu.memory_space<vmem>>, vector<1x16xf32>,
        %get3A_1693 = vector.shape_cast %get3A_1692 : vector<1x16xf32> to vector<16xf32>
        %get3A_1694 = arith.index_cast %squeeze3A_1679 : i32 to index
        %get3A_1695 = arith.constant 16 : index
        %get3A_1696 = tpu.vector_load %arg16[%get3A_1694, %get3A_1695] {strides = array<i32>} : memref<125x32xf32, #tpu.memory_space<vmem>>, vector<1x16xf32>,
        %get3A_1697 = vector.shape_cast %get3A_1696 : vector<1x16xf32> to vector<16xf32>
        %mul3A_1698 = arith.mulf %get3A_1684, %get3A_1693 : vector<16xf32>
        %lt3A_1699 = arith.constant 0 : i32
        %lt3A_1700 = vector.broadcast %lt3A_1699 : i32 to vector<16xi32>
        %lt3A_1701 = arith.cmpi slt, %xor3A_4, %lt3A_1700 : vector<16xi32>
        %add3A_1702 = arith.constant 16 : i32
        %add3A_1703 = vector.broadcast %add3A_1702 : i32 to vector<16xi32>
        %add3A_1704 = arith.addi %xor3A_4, %add3A_1703 : vector<16xi32>
        %select_n3A_1705 = arith.select %lt3A_1701, %add3A_1704, %xor3A_4 : vector<16xi1>, vector<16xi32>
        %broadcast_in_dim3A_1706 = vector.shape_cast %select_n3A_1705 : vector<16xi32> to vector<16x1xi32>
        %gather3A_1707 = vector.shape_cast %broadcast_in_dim3A_1706 : vector<16x1xi32> to vector<16xi32>
        %gather3A_1708 = tpu.dynamic_gather %mul3A_1698[%gather3A_1707] in [0] : vector<16xf32>, vector<16xi32> -> vector<16xf32>
        %add3A_1709 = arith.addf %mul3A_1698, %gather3A_1708 : vector<16xf32>
        %lt3A_1710 = arith.constant 0 : i32
        %lt3A_1711 = vector.broadcast %lt3A_1710 : i32 to vector<16xi32>
        %lt3A_1712 = arith.cmpi slt, %xor3A_7, %lt3A_1711 : vector<16xi32>
        %add3A_1713 = arith.constant 16 : i32
        %add3A_1714 = vector.broadcast %add3A_1713 : i32 to vector<16xi32>
        %add3A_1715 = arith.addi %xor3A_7, %add3A_1714 : vector<16xi32>
        %select_n3A_1716 = arith.select %lt3A_1712, %add3A_1715, %xor3A_7 : vector<16xi1>, vector<16xi32>
        %broadcast_in_dim3A_1717 = vector.shape_cast %select_n3A_1716 : vector<16xi32> to vector<16x1xi32>
        %gather3A_1718 = vector.shape_cast %broadcast_in_dim3A_1717 : vector<16x1xi32> to vector<16xi32>
        %gather3A_1719 = tpu.dynamic_gather %add3A_1709[%gather3A_1718] in [0] : vector<16xf32>, vector<16xi32> -> vector<16xf32>
        %add3A_1720 = arith.addf %add3A_1709, %gather3A_1719 : vector<16xf32>
        %mul3A_1721 = arith.mulf %get3A_1689, %get3A_1697 : vector<16xf32>
        %lt3A_1722 = arith.constant 0 : i32
        %lt3A_1723 = vector.broadcast %lt3A_1722 : i32 to vector<16xi32>
        %lt3A_1724 = arith.cmpi slt, %xor3A_4, %lt3A_1723 : vector<16xi32>
        %add3A_1725 = arith.constant 16 : i32
        %add3A_1726 = vector.broadcast %add3A_1725 : i32 to vector<16xi32>
        %add3A_1727 = arith.addi %xor3A_4, %add3A_1726 : vector<16xi32>
        %select_n3A_1728 = arith.select %lt3A_1724, %add3A_1727, %xor3A_4 : vector<16xi1>, vector<16xi32>
        %broadcast_in_dim3A_1729 = vector.shape_cast %select_n3A_1728 : vector<16xi32> to vector<16x1xi32>
        %gather3A_1730 = vector.shape_cast %broadcast_in_dim3A_1729 : vector<16x1xi32> to vector<16xi32>
        %gather3A_1731 = tpu.dynamic_gather %mul3A_1721[%gather3A_1730] in [0] : vector<16xf32>, vector<16xi32> -> vector<16xf32>
        %add3A_1732 = arith.addf %mul3A_1721, %gather3A_1731 : vector<16xf32>
        %lt3A_1733 = arith.constant 0 : i32
        %lt3A_1734 = vector.broadcast %lt3A_1733 : i32 to vector<16xi32>
        %lt3A_1735 = arith.cmpi slt, %xor3A_7, %lt3A_1734 : vector<16xi32>
        %add3A_1736 = arith.constant 16 : i32
        %add3A_1737 = vector.broadcast %add3A_1736 : i32 to vector<16xi32>
        %add3A_1738 = arith.addi %xor3A_7, %add3A_1737 : vector<16xi32>
        %select_n3A_1739 = arith.select %lt3A_1735, %add3A_1738, %xor3A_7 : vector<16xi1>, vector<16xi32>
        %broadcast_in_dim3A_1740 = vector.shape_cast %select_n3A_1739 : vector<16xi32> to vector<16x1xi32>
        %gather3A_1741 = vector.shape_cast %broadcast_in_dim3A_1740 : vector<16x1xi32> to vector<16xi32>
        %gather3A_1742 = tpu.dynamic_gather %add3A_1732[%gather3A_1741] in [0] : vector<16xf32>, vector<16xi32> -> vector<16xf32>
        %add3A_1743 = arith.addf %add3A_1732, %gather3A_1742 : vector<16xf32>
        %get3A_1744 = arith.index_cast %rem3A_329 : i32 to index
        %get3A_1745 = arith.index_cast %add3A_1677 : i32 to index
        %get3A_1746 = arith.constant 0 : index
        %get3A_1747 = tpu.vector_load %arg15[%get3A_1744, %get3A_1745, %get3A_1746] {strides = array<i32>} : memref<3x128x32xf32, #tpu.memory_space<vmem>>, vector<1x1x16xf32>,
        %get3A_1748 = vector.shape_cast %get3A_1747 : vector<1x1x16xf32> to vector<16xf32>
        %mul3A_1749 = arith.mulf %add3A_1720, %get3A_1748 : vector<16xf32>
        %swap3A_1750 = arith.index_cast %rem3A_329 : i32 to index
        %swap3A_1751 = arith.index_cast %add3A_1677 : i32 to index
        %swap3A_1752 = arith.constant 0 : index
        %swap3A_1753 = tpu.vector_load %arg15[%swap3A_1750, %swap3A_1751, %swap3A_1752] {strides = array<i32>} : memref<3x128x32xf32, #tpu.memory_space<vmem>>, vector<1x1x16xf32>,
        %swap3A_1754 = vector.shape_cast %swap3A_1753 : vector<1x1x16xf32> to vector<16xf32>
        %swap3A_1755 = vector.shape_cast %mul3A_1749 : vector<16xf32> to vector<1x1x16xf32>
        tpu.vector_store %arg15[%swap3A_1750, %swap3A_1751, %swap3A_1752], %swap3A_1755 {strides = array<i32>} : memref<3x128x32xf32, #tpu.memory_space<vmem>>, vector<1x1x16xf32>,
        %get3A_1756 = arith.index_cast %rem3A_329 : i32 to index
        %get3A_1757 = arith.index_cast %add3A_1677 : i32 to index
        %get3A_1758 = arith.constant 16 : index
        %get3A_1759 = tpu.vector_load %arg15[%get3A_1756, %get3A_1757, %get3A_1758] {strides = array<i32>} : memref<3x128x32xf32, #tpu.memory_space<vmem>>, vector<1x1x16xf32>,
        %get3A_1760 = vector.shape_cast %get3A_1759 : vector<1x1x16xf32> to vector<16xf32>
        %mul3A_1761 = arith.mulf %add3A_1743, %get3A_1760 : vector<16xf32>
        %swap3A_1762 = arith.index_cast %rem3A_329 : i32 to index
        %swap3A_1763 = arith.index_cast %add3A_1677 : i32 to index
        %swap3A_1764 = arith.constant 16 : index
        %swap3A_1765 = tpu.vector_load %arg15[%swap3A_1762, %swap3A_1763, %swap3A_1764] {strides = array<i32>} : memref<3x128x32xf32, #tpu.memory_space<vmem>>, vector<1x1x16xf32>,
        %swap3A_1766 = vector.shape_cast %swap3A_1765 : vector<1x1x16xf32> to vector<16xf32>
        %swap3A_1767 = vector.shape_cast %mul3A_1761 : vector<16xf32> to vector<1x1x16xf32>
        tpu.vector_store %arg15[%swap3A_1762, %swap3A_1763, %swap3A_1764], %swap3A_1767 {strides = array<i32>} : memref<3x128x32xf32, #tpu.memory_space<vmem>>, vector<1x1x16xf32>,
        %mul3A_1768 = arith.constant 16 : i32
        %mul3A_1769 = arith.muli %add3A_356, %mul3A_1768 : i32
        %add3A_1770 = arith.constant 15 : i32
        %add3A_1771 = arith.addi %mul3A_1769, %add3A_1770 : i32
        %slice3A_1772 = vector.extract_strided_slice %get3A_363 {offsets = [15], sizes = [1], strides = [1]} : vector<16xi32> to vector<1xi32>
        %squeeze3A_1773 = vector.extract %slice3A_1772[0] : i32 from vector<1xi32>
        %get3A_1774 = arith.index_cast %rem3A_327 : i32 to index
        %get3A_1775 = arith.index_cast %add3A_1771 : i32 to index
        %get3A_1776 = arith.constant 0 : index
        %get3A_1777 = tpu.vector_load %arg14[%get3A_1774, %get3A_1775, %get3A_1776] {strides = array<i32>} : memref<2x128x32xf32, #tpu.memory_space<vmem>>, vector<1x1x16xf32>,
        %get3A_1778 = vector.shape_cast %get3A_1777 : vector<1x1x16xf32> to vector<16xf32>
        %get3A_1779 = arith.index_cast %rem3A_327 : i32 to index
        %get3A_1780 = arith.index_cast %add3A_1771 : i32 to index
        %get3A_1781 = arith.constant 16 : index
        %get3A_1782 = tpu.vector_load %arg14[%get3A_1779, %get3A_1780, %get3A_1781] {strides = array<i32>} : memref<2x128x32xf32, #tpu.memory_space<vmem>>, vector<1x1x16xf32>,
        %get3A_1783 = vector.shape_cast %get3A_1782 : vector<1x1x16xf32> to vector<16xf32>
        %get3A_1784 = arith.index_cast %squeeze3A_1773 : i32 to index
        %get3A_1785 = arith.constant 0 : index
        %get3A_1786 = tpu.vector_load %arg16[%get3A_1784, %get3A_1785] {strides = array<i32>} : memref<125x32xf32, #tpu.memory_space<vmem>>, vector<1x16xf32>,
        %get3A_1787 = vector.shape_cast %get3A_1786 : vector<1x16xf32> to vector<16xf32>
        %get3A_1788 = arith.index_cast %squeeze3A_1773 : i32 to index
        %get3A_1789 = arith.constant 16 : index
        %get3A_1790 = tpu.vector_load %arg16[%get3A_1788, %get3A_1789] {strides = array<i32>} : memref<125x32xf32, #tpu.memory_space<vmem>>, vector<1x16xf32>,
        %get3A_1791 = vector.shape_cast %get3A_1790 : vector<1x16xf32> to vector<16xf32>
        %mul3A_1792 = arith.mulf %get3A_1778, %get3A_1787 : vector<16xf32>
        %lt3A_1793 = arith.constant 0 : i32
        %lt3A_1794 = vector.broadcast %lt3A_1793 : i32 to vector<16xi32>
        %lt3A_1795 = arith.cmpi slt, %xor3A_4, %lt3A_1794 : vector<16xi32>
        %add3A_1796 = arith.constant 16 : i32
        %add3A_1797 = vector.broadcast %add3A_1796 : i32 to vector<16xi32>
        %add3A_1798 = arith.addi %xor3A_4, %add3A_1797 : vector<16xi32>
        %select_n3A_1799 = arith.select %lt3A_1795, %add3A_1798, %xor3A_4 : vector<16xi1>, vector<16xi32>
        %broadcast_in_dim3A_1800 = vector.shape_cast %select_n3A_1799 : vector<16xi32> to vector<16x1xi32>
        %gather3A_1801 = vector.shape_cast %broadcast_in_dim3A_1800 : vector<16x1xi32> to vector<16xi32>
        %gather3A_1802 = tpu.dynamic_gather %mul3A_1792[%gather3A_1801] in [0] : vector<16xf32>, vector<16xi32> -> vector<16xf32>
        %add3A_1803 = arith.addf %mul3A_1792, %gather3A_1802 : vector<16xf32>
        %lt3A_1804 = arith.constant 0 : i32
        %lt3A_1805 = vector.broadcast %lt3A_1804 : i32 to vector<16xi32>
        %lt3A_1806 = arith.cmpi slt, %xor3A_7, %lt3A_1805 : vector<16xi32>
        %add3A_1807 = arith.constant 16 : i32
        %add3A_1808 = vector.broadcast %add3A_1807 : i32 to vector<16xi32>
        %add3A_1809 = arith.addi %xor3A_7, %add3A_1808 : vector<16xi32>
        %select_n3A_1810 = arith.select %lt3A_1806, %add3A_1809, %xor3A_7 : vector<16xi1>, vector<16xi32>
        %broadcast_in_dim3A_1811 = vector.shape_cast %select_n3A_1810 : vector<16xi32> to vector<16x1xi32>
        %gather3A_1812 = vector.shape_cast %broadcast_in_dim3A_1811 : vector<16x1xi32> to vector<16xi32>
        %gather3A_1813 = tpu.dynamic_gather %add3A_1803[%gather3A_1812] in [0] : vector<16xf32>, vector<16xi32> -> vector<16xf32>
        %add3A_1814 = arith.addf %add3A_1803, %gather3A_1813 : vector<16xf32>
        %mul3A_1815 = arith.mulf %get3A_1783, %get3A_1791 : vector<16xf32>
        %lt3A_1816 = arith.constant 0 : i32
        %lt3A_1817 = vector.broadcast %lt3A_1816 : i32 to vector<16xi32>
        %lt3A_1818 = arith.cmpi slt, %xor3A_4, %lt3A_1817 : vector<16xi32>
        %add3A_1819 = arith.constant 16 : i32
        %add3A_1820 = vector.broadcast %add3A_1819 : i32 to vector<16xi32>
        %add3A_1821 = arith.addi %xor3A_4, %add3A_1820 : vector<16xi32>
        %select_n3A_1822 = arith.select %lt3A_1818, %add3A_1821, %xor3A_4 : vector<16xi1>, vector<16xi32>
        %broadcast_in_dim3A_1823 = vector.shape_cast %select_n3A_1822 : vector<16xi32> to vector<16x1xi32>
        %gather3A_1824 = vector.shape_cast %broadcast_in_dim3A_1823 : vector<16x1xi32> to vector<16xi32>
        %gather3A_1825 = tpu.dynamic_gather %mul3A_1815[%gather3A_1824] in [0] : vector<16xf32>, vector<16xi32> -> vector<16xf32>
        %add3A_1826 = arith.addf %mul3A_1815, %gather3A_1825 : vector<16xf32>
        %lt3A_1827 = arith.constant 0 : i32
        %lt3A_1828 = vector.broadcast %lt3A_1827 : i32 to vector<16xi32>
        %lt3A_1829 = arith.cmpi slt, %xor3A_7, %lt3A_1828 : vector<16xi32>
        %add3A_1830 = arith.constant 16 : i32
        %add3A_1831 = vector.broadcast %add3A_1830 : i32 to vector<16xi32>
        %add3A_1832 = arith.addi %xor3A_7, %add3A_1831 : vector<16xi32>
        %select_n3A_1833 = arith.select %lt3A_1829, %add3A_1832, %xor3A_7 : vector<16xi1>, vector<16xi32>
        %broadcast_in_dim3A_1834 = vector.shape_cast %select_n3A_1833 : vector<16xi32> to vector<16x1xi32>
        %gather3A_1835 = vector.shape_cast %broadcast_in_dim3A_1834 : vector<16x1xi32> to vector<16xi32>
        %gather3A_1836 = tpu.dynamic_gather %add3A_1826[%gather3A_1835] in [0] : vector<16xf32>, vector<16xi32> -> vector<16xf32>
        %add3A_1837 = arith.addf %add3A_1826, %gather3A_1836 : vector<16xf32>
        %get3A_1838 = arith.index_cast %rem3A_329 : i32 to index
        %get3A_1839 = arith.index_cast %add3A_1771 : i32 to index
        %get3A_1840 = arith.constant 0 : index
        %get3A_1841 = tpu.vector_load %arg15[%get3A_1838, %get3A_1839, %get3A_1840] {strides = array<i32>} : memref<3x128x32xf32, #tpu.memory_space<vmem>>, vector<1x1x16xf32>,
        %get3A_1842 = vector.shape_cast %get3A_1841 : vector<1x1x16xf32> to vector<16xf32>
        %mul3A_1843 = arith.mulf %add3A_1814, %get3A_1842 : vector<16xf32>
        %swap3A_1844 = arith.index_cast %rem3A_329 : i32 to index
        %swap3A_1845 = arith.index_cast %add3A_1771 : i32 to index
        %swap3A_1846 = arith.constant 0 : index
        %swap3A_1847 = tpu.vector_load %arg15[%swap3A_1844, %swap3A_1845, %swap3A_1846] {strides = array<i32>} : memref<3x128x32xf32, #tpu.memory_space<vmem>>, vector<1x1x16xf32>,
        %swap3A_1848 = vector.shape_cast %swap3A_1847 : vector<1x1x16xf32> to vector<16xf32>
        %swap3A_1849 = vector.shape_cast %mul3A_1843 : vector<16xf32> to vector<1x1x16xf32>
        tpu.vector_store %arg15[%swap3A_1844, %swap3A_1845, %swap3A_1846], %swap3A_1849 {strides = array<i32>} : memref<3x128x32xf32, #tpu.memory_space<vmem>>, vector<1x1x16xf32>,
        %get3A_1850 = arith.index_cast %rem3A_329 : i32 to index
        %get3A_1851 = arith.index_cast %add3A_1771 : i32 to index
        %get3A_1852 = arith.constant 16 : index
        %get3A_1853 = tpu.vector_load %arg15[%get3A_1850, %get3A_1851, %get3A_1852] {strides = array<i32>} : memref<3x128x32xf32, #tpu.memory_space<vmem>>, vector<1x1x16xf32>,
        %get3A_1854 = vector.shape_cast %get3A_1853 : vector<1x1x16xf32> to vector<16xf32>
        %mul3A_1855 = arith.mulf %add3A_1837, %get3A_1854 : vector<16xf32>
        %swap3A_1856 = arith.index_cast %rem3A_329 : i32 to index
        %swap3A_1857 = arith.index_cast %add3A_1771 : i32 to index
        %swap3A_1858 = arith.constant 16 : index
        %swap3A_1859 = tpu.vector_load %arg15[%swap3A_1856, %swap3A_1857, %swap3A_1858] {strides = array<i32>} : memref<3x128x32xf32, #tpu.memory_space<vmem>>, vector<1x1x16xf32>,
        %swap3A_1860 = vector.shape_cast %swap3A_1859 : vector<1x1x16xf32> to vector<16xf32>
        %swap3A_1861 = vector.shape_cast %mul3A_1855 : vector<16xf32> to vector<1x1x16xf32>
        tpu.vector_store %arg15[%swap3A_1856, %swap3A_1857, %swap3A_1858], %swap3A_1861 {strides = array<i32>} : memref<3x128x32xf32, #tpu.memory_space<vmem>>, vector<1x1x16xf32>,
      }
      %scan3A_336 = arith.constant 8 : i32
      %rem3A_337 = arith.constant 4 : i32
      %rem3A_338 = arith.remsi %add3A_280, %rem3A_337 : i32
      %rem3A_339 = arith.constant 3 : i32
      %rem3A_340 = arith.remsi %add3A_280, %rem3A_339 : i32
      %dma_start3A_341 = arith.constant 0 : i32
      %dma_start3A_342 = arith.constant 0 : i32
      %dma_start3A_343 = arith.constant 0 : i32
      %dma_start3A_344 = tpu.memref_slice %arg15[%rem3A_340, %dma_start3A_342, %dma_start3A_343] : memref<3x128x32xf32, #tpu.memory_space<vmem>> -> memref<1x128x32xf32, #tpu.memory_space<vmem>>
      %dma_start3A_345 = tpu.memref_squeeze %dma_start3A_344 : memref<1x128x32xf32, #tpu.memory_space<vmem>> -> memref<128x32xf32, #tpu.memory_space<vmem>>
      %dma_start3A_346 = arith.constant 0 : i32
      %dma_start3A_347 = tpu.memref_slice %arg10[%rem3A_338, %dma_start3A_341, %dma_start3A_346] : memref<4x1x128xi32, #tpu.memory_space<vmem>> -> memref<1x1x128xi32, #tpu.memory_space<vmem>>
      %dma_start3A_348 = tpu.memref_squeeze %dma_start3A_347 : memref<1x1x128xi32, #tpu.memory_space<vmem>> -> memref<128xi32, #tpu.memory_space<vmem>>
      %dma_start3A_349 = arith.constant 0 : i32
      %dma_start3A_350 = arith.constant 0 : i32
      %dma_start3A_351 = tpu.memref_slice %arg17[%dma_start3A_349, %dma_start3A_350] : memref<50176x32xf32, #tpu.memory_space<vmem_shared>> -> memref<50176x32xf32, #tpu.memory_space<vmem_shared>>
      tpu.enqueue_indirect_dma source(%dma_start3A_345 : memref<128x32xf32, #tpu.memory_space<vmem>>) target(%dma_start3A_351 : memref<50176x32xf32, #tpu.memory_space<vmem_shared>>) offsets(%dma_start3A_348 : memref<128xi32, #tpu.memory_space<vmem>>) semaphore(%arg23 : memref<!tpu.dma_semaphore, #tpu.memory_space<semaphore_mem>>) {add = true}
    }
    %scan3A_166 = arith.constant 98 : i32
    %rem3A_167 = arith.constant 194 : i32
    %rem3A_168 = arith.constant 4 : i32
    %rem3A_169 = arith.remsi %rem3A_167, %rem3A_168 : i32
    %rem3A_170 = arith.constant 194 : i32
    %rem3A_171 = arith.constant 3 : i32
    %rem3A_172 = arith.remsi %rem3A_170, %rem3A_171 : i32
    %dma_wait3A_173 = arith.constant 0 : i32
    %dma_wait3A_174 = arith.constant 0 : i32
    %dma_wait3A_175 = arith.constant 0 : i32
    %dma_wait3A_176 = tpu.memref_slice %arg15[%rem3A_172, %dma_wait3A_174, %dma_wait3A_175] : memref<3x128x32xf32, #tpu.memory_space<vmem>> -> memref<1x128x32xf32, #tpu.memory_space<vmem>>
    %dma_wait3A_177 = tpu.memref_squeeze %dma_wait3A_176 : memref<1x128x32xf32, #tpu.memory_space<vmem>> -> memref<128x32xf32, #tpu.memory_space<vmem>>
    %dma_wait3A_178 = arith.constant 0 : i32
    %dma_wait3A_179 = tpu.memref_slice %arg10[%rem3A_169, %dma_wait3A_173, %dma_wait3A_178] : memref<4x1x128xi32, #tpu.memory_space<vmem>> -> memref<1x1x128xi32, #tpu.memory_space<vmem>>
    %dma_wait3A_180 = tpu.memref_squeeze %dma_wait3A_179 : memref<1x1x128xi32, #tpu.memory_space<vmem>> -> memref<128xi32, #tpu.memory_space<vmem>>
    %dma_wait3A_181 = arith.constant 0 : i32
    %dma_wait3A_182 = arith.constant 0 : i32
    %dma_wait3A_183 = tpu.memref_slice %arg17[%dma_wait3A_181, %dma_wait3A_182] : memref<50176x32xf32, #tpu.memory_space<vmem_shared>> -> memref<50176x32xf32, #tpu.memory_space<vmem_shared>>
    tpu.wait_indirect_dma semaphore(%arg22 : memref<!tpu.dma_semaphore, #tpu.memory_space<semaphore_mem>>) src(%dma_wait3A_177 : memref<128x32xf32, #tpu.memory_space<vmem>>) dst(%dma_wait3A_183 : memref<50176x32xf32, #tpu.memory_space<vmem_shared>>)
    %rem3A_184 = arith.constant 195 : i32
    %rem3A_185 = arith.constant 4 : i32
    %rem3A_186 = arith.remsi %rem3A_184, %rem3A_185 : i32
    %rem3A_187 = arith.constant 195 : i32
    %rem3A_188 = arith.constant 3 : i32
    %rem3A_189 = arith.remsi %rem3A_187, %rem3A_188 : i32
    %dma_wait3A_190 = arith.constant 0 : i32
    %dma_wait3A_191 = arith.constant 0 : i32
    %dma_wait3A_192 = arith.constant 0 : i32
    %dma_wait3A_193 = tpu.memref_slice %arg15[%rem3A_189, %dma_wait3A_191, %dma_wait3A_192] : memref<3x128x32xf32, #tpu.memory_space<vmem>> -> memref<1x128x32xf32, #tpu.memory_space<vmem>>
    %dma_wait3A_194 = tpu.memref_squeeze %dma_wait3A_193 : memref<1x128x32xf32, #tpu.memory_space<vmem>> -> memref<128x32xf32, #tpu.memory_space<vmem>>
    %dma_wait3A_195 = arith.constant 0 : i32
    %dma_wait3A_196 = tpu.memref_slice %arg10[%rem3A_186, %dma_wait3A_190, %dma_wait3A_195] : memref<4x1x128xi32, #tpu.memory_space<vmem>> -> memref<1x1x128xi32, #tpu.memory_space<vmem>>
    %dma_wait3A_197 = tpu.memref_squeeze %dma_wait3A_196 : memref<1x1x128xi32, #tpu.memory_space<vmem>> -> memref<128xi32, #tpu.memory_space<vmem>>
    %dma_wait3A_198 = arith.constant 0 : i32
    %dma_wait3A_199 = arith.constant 0 : i32
    %dma_wait3A_200 = tpu.memref_slice %arg17[%dma_wait3A_198, %dma_wait3A_199] : memref<50176x32xf32, #tpu.memory_space<vmem_shared>> -> memref<50176x32xf32, #tpu.memory_space<vmem_shared>>
    tpu.wait_indirect_dma semaphore(%arg23 : memref<!tpu.dma_semaphore, #tpu.memory_space<semaphore_mem>>) src(%dma_wait3A_194 : memref<128x32xf32, #tpu.memory_space<vmem>>) dst(%dma_wait3A_200 : memref<50176x32xf32, #tpu.memory_space<vmem_shared>>)
    %barrier3A_201 = arith.constant 0 : index
    tpu.barrier barrier_id(%barrier3A_201)
    %mul3A_202 = arith.constant 3136 : i32
    %mul3A_203 = arith.muli %arg1, %mul3A_202 : i32
    %mul3A_204 = arith.constant 3136 : i32
    %mul3A_205 = arith.muli %arg1, %mul3A_204 : i32
    "tpu.region"() ({
      %run_scoped3A = tpu.sem_alloc : memref<!tpu.dma_semaphore, #tpu.memory_space<semaphore_mem>>
      %dma_start3A_206 = arith.constant 0 : i32
      %dma_start3A_207 = tpu.memref_slice %arg9[%arg0, %mul3A_205, %dma_start3A_206] : memref<2x50176x32xf32, #tpu.memory_space<hbm>> -> memref<1x3136x32xf32, #tpu.memory_space<hbm>>
      %dma_start3A_208 = tpu.memref_squeeze %dma_start3A_207 : memref<1x3136x32xf32, #tpu.memory_space<hbm>> -> memref<3136x32xf32, #tpu.memory_space<hbm>>
      %dma_start3A_209 = arith.constant 0 : i32
      %dma_start3A_210 = tpu.memref_slice %arg17[%mul3A_203, %dma_start3A_209] : memref<50176x32xf32, #tpu.memory_space<vmem_shared>> -> memref<3136x32xf32, #tpu.memory_space<vmem_shared>>
      tpu.enqueue_dma source(%dma_start3A_210 : memref<3136x32xf32, #tpu.memory_space<vmem_shared>>) target(%dma_start3A_208 : memref<3136x32xf32, #tpu.memory_space<hbm>>) target_semaphore(%run_scoped3A : memref<!tpu.dma_semaphore, #tpu.memory_space<semaphore_mem>>)
      %dma_wait3A_211 = arith.constant 0 : i32
      %dma_wait3A_212 = tpu.memref_slice %arg9[%arg0, %mul3A_205, %dma_wait3A_211] : memref<2x50176x32xf32, #tpu.memory_space<hbm>> -> memref<1x3136x32xf32, #tpu.memory_space<hbm>>
      %dma_wait3A_213 = tpu.memref_squeeze %dma_wait3A_212 : memref<1x3136x32xf32, #tpu.memory_space<hbm>> -> memref<3136x32xf32, #tpu.memory_space<hbm>>
      %dma_wait3A_214 = arith.constant 0 : i32
      %dma_wait3A_215 = tpu.memref_slice %arg17[%mul3A_203, %dma_wait3A_214] : memref<50176x32xf32, #tpu.memory_space<vmem_shared>> -> memref<3136x32xf32, #tpu.memory_space<vmem_shared>>
      tpu.wait_dma2 semaphore(%run_scoped3A : memref<!tpu.dma_semaphore, #tpu.memory_space<semaphore_mem>>) src(%dma_wait3A_215 : memref<3136x32xf32, #tpu.memory_space<vmem_shared>>) dst(%dma_wait3A_213 : memref<3136x32xf32, #tpu.memory_space<hbm>>)
      tpu.yield
    }) : () -> ()
    return
  }
}

module attributes {stable_mosaic.version = 14 : i64} {
  func.func @body(%arg0: memref<3x50000xf32, #tpu.memory_space<vmem>>, %arg1: memref<35x50000xf32, #tpu.memory_space<vmem>>, %arg2: memref<3x3xf32, #tpu.memory_space<vmem>>, %arg3: memref<3x1xf32, #tpu.memory_space<vmem>>, %arg4: memref<3x1xf32, #tpu.memory_space<vmem>>, %arg5: memref<35x3xf32, #tpu.memory_space<vmem>>, %arg6: memref<35x1xf32, #tpu.memory_space<vmem>>, %arg7: memref<35x1xf32, #tpu.memory_space<vmem>>, %arg8: memref<35x35xf32, #tpu.memory_space<vmem>>, %arg9: memref<35x1xf32, #tpu.memory_space<vmem>>, %arg10: memref<32x35xf32, #tpu.memory_space<vmem>>, %arg11: memref<32x1xf32, #tpu.memory_space<vmem>>, %arg12: memref<32x35xf32, #tpu.memory_space<vmem>>, %arg13: memref<32x1xf32, #tpu.memory_space<vmem>>, %arg14: memref<125x32xf32, #tpu.memory_space<vmem>>, %arg15: memref<32x50000xf32, #tpu.memory_space<vmem>>, %arg16: memref<32x50000xf32, #tpu.memory_space<vmem>>, %arg17: memref<125x32xf32, #tpu.memory_space<vmem>>) attributes {dimension_semantics = [], scalar_prefetch = 0 : i64, scratch_operands = 0 : i64, tpu.core_type = #tpu.core_type<tc>} {
    %get3A = arith.constant 0 : index
    %get3A_0 = arith.constant 0 : index
    %get3A_1 = vector.load %arg2[%get3A, %get3A_0] : memref<3x3xf32, #tpu.memory_space<vmem>>, vector<3x3xf32>
    %get3A_2 = arith.constant 0 : index
    %get3A_3 = arith.constant 0 : index
    %get3A_4 = vector.load %arg0[%get3A_2, %get3A_3] : memref<3x50000xf32, #tpu.memory_space<vmem>>, vector<3x50000xf32>
    %dot_general3A = arith.constant dense<0.000000e+00> : vector<3x50000xf32>
    %dot_general3A_5 = tpu.matmul %get3A_1, %get3A_4, %dot_general3A {dimension_numbers = #tpu.dot_dimension_numbers<[1], [0], [0], [1], [0, 0, 1, 1], [], []>, transpose_lhs_hint = false} : vector<3x3xf32>, vector<3x50000xf32>, vector<3x50000xf32> -> vector<3x50000xf32>
    %get3A_6 = arith.constant 0 : index
    %get3A_7 = arith.constant 0 : index
    %get3A_8 = vector.load %arg3[%get3A_6, %get3A_7] : memref<3x1xf32, #tpu.memory_space<vmem>>, vector<3x1xf32>
    %get3A_9 = arith.constant 0 : index
    %get3A_10 = arith.constant 0 : index
    %get3A_11 = vector.load %arg4[%get3A_9, %get3A_10] : memref<3x1xf32, #tpu.memory_space<vmem>>, vector<3x1xf32>
    %reduce_sum3A = arith.constant dense<0.000000e+00> : vector<3xf32>
    %reduce_sum3A_12 = vector.multi_reduction <add>, %dot_general3A_5, %reduce_sum3A [1] : vector<3x50000xf32> to vector<3xf32>
    %broadcast_in_dim3A = vector.shape_cast %reduce_sum3A_12 : vector<3xf32> to vector<3x1xf32>
    %div3A = arith.constant 5.000000e+04 : f32
    %div3A_13 = vector.broadcast %div3A : f32 to vector<3x1xf32>
    %div3A_14 = arith.divf %broadcast_in_dim3A, %div3A_13 : vector<3x1xf32>
    %sub3A = vector.broadcast %div3A_14 : vector<3x1xf32> to vector<3x50000xf32>
    %sub3A_15 = arith.subf %dot_general3A_5, %sub3A : vector<3x50000xf32>
    %integer_pow3A = arith.mulf %sub3A_15, %sub3A_15 : vector<3x50000xf32>
    %reduce_sum3A_16 = arith.constant dense<0.000000e+00> : vector<3xf32>
    %reduce_sum3A_17 = vector.multi_reduction <add>, %integer_pow3A, %reduce_sum3A_16 [1] : vector<3x50000xf32> to vector<3xf32>
    %broadcast_in_dim3A_18 = vector.shape_cast %reduce_sum3A_17 : vector<3xf32> to vector<3x1xf32>
    %div3A_19 = arith.constant 5.000000e+04 : f32
    %div3A_20 = vector.broadcast %div3A_19 : f32 to vector<3x1xf32>
    %div3A_21 = arith.divf %broadcast_in_dim3A_18, %div3A_20 : vector<3x1xf32>
    %sub3A_22 = vector.broadcast %div3A_14 : vector<3x1xf32> to vector<3x50000xf32>
    %sub3A_23 = arith.subf %dot_general3A_5, %sub3A_22 : vector<3x50000xf32>
    %add3A = arith.constant 9.99999974E-6 : f32
    %add3A_24 = vector.broadcast %add3A : f32 to vector<3x1xf32>
    %add3A_25 = arith.addf %div3A_21, %add3A_24 : vector<3x1xf32>
    %sqrt3A = math.sqrt %add3A_25 : vector<3x1xf32>
    %div3A_26 = vector.broadcast %sqrt3A : vector<3x1xf32> to vector<3x50000xf32>
    %div3A_27 = arith.divf %sub3A_23, %div3A_26 : vector<3x50000xf32>
    %mul3A = vector.broadcast %get3A_8 : vector<3x1xf32> to vector<3x50000xf32>
    %mul3A_28 = arith.mulf %div3A_27, %mul3A : vector<3x50000xf32>
    %add3A_29 = vector.broadcast %get3A_11 : vector<3x1xf32> to vector<3x50000xf32>
    %add3A_30 = arith.addf %mul3A_28, %add3A_29 : vector<3x50000xf32>
    %max3A = arith.constant 0.000000e+00 : f32
    %max3A_31 = vector.broadcast %max3A : f32 to vector<3x50000xf32>
    %max3A_32 = arith.maximumf %add3A_30, %max3A_31 : vector<3x50000xf32>
    %get3A_33 = arith.constant 0 : index
    %get3A_34 = arith.constant 0 : index
    %get3A_35 = vector.load %arg5[%get3A_33, %get3A_34] : memref<35x3xf32, #tpu.memory_space<vmem>>, vector<35x3xf32>
    %dot_general3A_36 = arith.constant dense<0.000000e+00> : vector<35x50000xf32>
    %dot_general3A_37 = tpu.matmul %get3A_35, %max3A_32, %dot_general3A_36 {dimension_numbers = #tpu.dot_dimension_numbers<[1], [0], [0], [1], [0, 0, 1, 1], [], []>, transpose_lhs_hint = false} : vector<35x3xf32>, vector<3x50000xf32>, vector<35x50000xf32> -> vector<35x50000xf32>
    %get3A_38 = arith.constant 0 : index
    %get3A_39 = arith.constant 0 : index
    %get3A_40 = vector.load %arg6[%get3A_38, %get3A_39] : memref<35x1xf32, #tpu.memory_space<vmem>>, vector<35x1xf32>
    %get3A_41 = arith.constant 0 : index
    %get3A_42 = arith.constant 0 : index
    %get3A_43 = vector.load %arg7[%get3A_41, %get3A_42] : memref<35x1xf32, #tpu.memory_space<vmem>>, vector<35x1xf32>
    %reduce_sum3A_44 = arith.constant dense<0.000000e+00> : vector<35xf32>
    %reduce_sum3A_45 = vector.multi_reduction <add>, %dot_general3A_37, %reduce_sum3A_44 [1] : vector<35x50000xf32> to vector<35xf32>
    %broadcast_in_dim3A_46 = vector.shape_cast %reduce_sum3A_45 : vector<35xf32> to vector<35x1xf32>
    %div3A_47 = arith.constant 5.000000e+04 : f32
    %div3A_48 = vector.broadcast %div3A_47 : f32 to vector<35x1xf32>
    %div3A_49 = arith.divf %broadcast_in_dim3A_46, %div3A_48 : vector<35x1xf32>
    %sub3A_50 = vector.broadcast %div3A_49 : vector<35x1xf32> to vector<35x50000xf32>
    %sub3A_51 = arith.subf %dot_general3A_37, %sub3A_50 : vector<35x50000xf32>
    %integer_pow3A_52 = arith.mulf %sub3A_51, %sub3A_51 : vector<35x50000xf32>
    %reduce_sum3A_53 = arith.constant dense<0.000000e+00> : vector<35xf32>
    %reduce_sum3A_54 = vector.multi_reduction <add>, %integer_pow3A_52, %reduce_sum3A_53 [1] : vector<35x50000xf32> to vector<35xf32>
    %broadcast_in_dim3A_55 = vector.shape_cast %reduce_sum3A_54 : vector<35xf32> to vector<35x1xf32>
    %div3A_56 = arith.constant 5.000000e+04 : f32
    %div3A_57 = vector.broadcast %div3A_56 : f32 to vector<35x1xf32>
    %div3A_58 = arith.divf %broadcast_in_dim3A_55, %div3A_57 : vector<35x1xf32>
    %sub3A_59 = vector.broadcast %div3A_49 : vector<35x1xf32> to vector<35x50000xf32>
    %sub3A_60 = arith.subf %dot_general3A_37, %sub3A_59 : vector<35x50000xf32>
    %add3A_61 = arith.constant 9.99999974E-6 : f32
    %add3A_62 = vector.broadcast %add3A_61 : f32 to vector<35x1xf32>
    %add3A_63 = arith.addf %div3A_58, %add3A_62 : vector<35x1xf32>
    %sqrt3A_64 = math.sqrt %add3A_63 : vector<35x1xf32>
    %div3A_65 = vector.broadcast %sqrt3A_64 : vector<35x1xf32> to vector<35x50000xf32>
    %div3A_66 = arith.divf %sub3A_60, %div3A_65 : vector<35x50000xf32>
    %mul3A_67 = vector.broadcast %get3A_40 : vector<35x1xf32> to vector<35x50000xf32>
    %mul3A_68 = arith.mulf %div3A_66, %mul3A_67 : vector<35x50000xf32>
    %add3A_69 = vector.broadcast %get3A_43 : vector<35x1xf32> to vector<35x50000xf32>
    %add3A_70 = arith.addf %mul3A_68, %add3A_69 : vector<35x50000xf32>
    %max3A_71 = arith.constant 0.000000e+00 : f32
    %max3A_72 = vector.broadcast %max3A_71 : f32 to vector<35x50000xf32>
    %max3A_73 = arith.maximumf %add3A_70, %max3A_72 : vector<35x50000xf32>
    %get3A_74 = arith.constant 0 : index
    %get3A_75 = arith.constant 0 : index
    %get3A_76 = vector.load %arg8[%get3A_74, %get3A_75] : memref<35x35xf32, #tpu.memory_space<vmem>>, vector<35x35xf32>
    %dot_general3A_77 = arith.constant dense<0.000000e+00> : vector<35x50000xf32>
    %dot_general3A_78 = tpu.matmul %get3A_76, %max3A_73, %dot_general3A_77 {dimension_numbers = #tpu.dot_dimension_numbers<[1], [0], [0], [1], [0, 0, 1, 1], [], []>, transpose_lhs_hint = false} : vector<35x35xf32>, vector<35x50000xf32>, vector<35x50000xf32> -> vector<35x50000xf32>
    %get3A_79 = arith.constant 0 : index
    %get3A_80 = arith.constant 0 : index
    %get3A_81 = vector.load %arg9[%get3A_79, %get3A_80] : memref<35x1xf32, #tpu.memory_space<vmem>>, vector<35x1xf32>
    %add3A_82 = vector.broadcast %get3A_81 : vector<35x1xf32> to vector<35x50000xf32>
    %add3A_83 = arith.addf %dot_general3A_78, %add3A_82 : vector<35x50000xf32>
    %get3A_84 = arith.constant 0 : index
    %get3A_85 = arith.constant 0 : index
    %get3A_86 = vector.load %arg1[%get3A_84, %get3A_85] : memref<35x50000xf32, #tpu.memory_space<vmem>>, vector<35x50000xf32>
    %add3A_87 = arith.addf %get3A_86, %add3A_83 : vector<35x50000xf32>
    %get3A_88 = arith.constant 0 : index
    %get3A_89 = arith.constant 0 : index
    %get3A_90 = vector.load %arg10[%get3A_88, %get3A_89] : memref<32x35xf32, #tpu.memory_space<vmem>>, vector<32x35xf32>
    %dot_general3A_91 = arith.constant dense<0.000000e+00> : vector<32x50000xf32>
    %dot_general3A_92 = tpu.matmul %get3A_90, %add3A_87, %dot_general3A_91 {dimension_numbers = #tpu.dot_dimension_numbers<[1], [0], [0], [1], [0, 0, 1, 1], [], []>, transpose_lhs_hint = false} : vector<32x35xf32>, vector<35x50000xf32>, vector<32x50000xf32> -> vector<32x50000xf32>
    %get3A_93 = arith.constant 0 : index
    %get3A_94 = arith.constant 0 : index
    %get3A_95 = vector.load %arg11[%get3A_93, %get3A_94] : memref<32x1xf32, #tpu.memory_space<vmem>>, vector<32x1xf32>
    %add3A_96 = vector.broadcast %get3A_95 : vector<32x1xf32> to vector<32x50000xf32>
    %add3A_97 = arith.addf %dot_general3A_92, %add3A_96 : vector<32x50000xf32>
    %get3A_98 = arith.constant 0 : index
    %get3A_99 = arith.constant 0 : index
    %get3A_100 = vector.load %arg12[%get3A_98, %get3A_99] : memref<32x35xf32, #tpu.memory_space<vmem>>, vector<32x35xf32>
    %dot_general3A_101 = arith.constant dense<0.000000e+00> : vector<32x50000xf32>
    %dot_general3A_102 = tpu.matmul %get3A_100, %add3A_87, %dot_general3A_101 {dimension_numbers = #tpu.dot_dimension_numbers<[1], [0], [0], [1], [0, 0, 1, 1], [], []>, transpose_lhs_hint = false} : vector<32x35xf32>, vector<35x50000xf32>, vector<32x50000xf32> -> vector<32x50000xf32>
    %get3A_103 = arith.constant 0 : index
    %get3A_104 = arith.constant 0 : index
    %get3A_105 = vector.load %arg13[%get3A_103, %get3A_104] : memref<32x1xf32, #tpu.memory_space<vmem>>, vector<32x1xf32>
    %add3A_106 = vector.broadcast %get3A_105 : vector<32x1xf32> to vector<32x50000xf32>
    %add3A_107 = arith.addf %dot_general3A_102, %add3A_106 : vector<32x50000xf32>
    %iota3A = tpu.iota {dimensions = array<i32: 0>} : vector<8x32xi32>
    %iota3A_108 = tpu.iota {dimensions = array<i32: 1>} : vector<8x32xi32>
    %jit3A = arith.constant 4 : i32
    %div3A_109 = vector.broadcast %jit3A : i32 to vector<8x32xi32>
    %div3A_110 = arith.divsi %iota3A_108, %div3A_109 : vector<8x32xi32>
    %sign3A = arith.constant 0 : i32
    %sign3A_111 = vector.broadcast %sign3A : i32 to vector<8x32xi32>
    %sign3A_112 = arith.cmpi sgt, %iota3A_108, %sign3A_111 : vector<8x32xi32>
    %sign3A_113 = arith.extui %sign3A_112 : vector<8x32xi1> to vector<8x32xi32>
    %sign3A_114 = arith.constant 0 : i32
    %sign3A_115 = vector.broadcast %sign3A_114 : i32 to vector<8x32xi32>
    %sign3A_116 = arith.cmpi slt, %iota3A_108, %sign3A_115 : vector<8x32xi32>
    %sign3A_117 = arith.extui %sign3A_116 : vector<8x32xi1> to vector<8x32xi32>
    %sign3A_118 = arith.subi %sign3A_113, %sign3A_117 : vector<8x32xi32>
    %sign3A_119 = arith.constant 0 : i32
    %sign3A_120 = arith.cmpi sgt, %jit3A, %sign3A_119 : i32
    %sign3A_121 = arith.extui %sign3A_120 : i1 to i32
    %sign3A_122 = arith.constant 0 : i32
    %sign3A_123 = arith.cmpi slt, %jit3A, %sign3A_122 : i32
    %sign3A_124 = arith.extui %sign3A_123 : i1 to i32
    %sign3A_125 = arith.subi %sign3A_121, %sign3A_124 : i32
    %ne3A = vector.broadcast %sign3A_125 : i32 to vector<8x32xi32>
    %ne3A_126 = arith.cmpi ne, %sign3A_118, %ne3A : vector<8x32xi32>
    %rem3A = vector.broadcast %jit3A : i32 to vector<8x32xi32>
    %rem3A_127 = arith.remsi %iota3A_108, %rem3A : vector<8x32xi32>
    %ne3A_128 = arith.constant 0 : i32
    %ne3A_129 = vector.broadcast %ne3A_128 : i32 to vector<8x32xi32>
    %ne3A_130 = arith.cmpi ne, %rem3A_127, %ne3A_129 : vector<8x32xi32>
    %and3A = arith.andi %ne3A_126, %ne3A_130 : vector<8x32xi1>
    %sub3A_131 = arith.constant 1 : i32
    %sub3A_132 = vector.broadcast %sub3A_131 : i32 to vector<8x32xi32>
    %sub3A_133 = arith.subi %div3A_110, %sub3A_132 : vector<8x32xi32>
    %select_n3A = arith.select %and3A, %sub3A_133, %div3A_110 : vector<8x32xi1>, vector<8x32xi32>
    %eq3A = arith.cmpi eq, %select_n3A, %iota3A : vector<8x32xi32>
    %convert_element_type3A = arith.extui %eq3A : vector<8x32xi1> to vector<8x32xi32>
    %convert_element_type3A_134 = arith.sitofp %convert_element_type3A : vector<8x32xi32> to vector<8x32xf32>
    %iota3A_135 = tpu.iota {dimensions = array<i32: 0>} : vector<32x8xi32>
    %iota3A_136 = tpu.iota {dimensions = array<i32: 1>} : vector<32x8xi32>
    %jit3A_137 = arith.constant 4 : i32
    %div3A_138 = vector.broadcast %jit3A_137 : i32 to vector<32x8xi32>
    %div3A_139 = arith.divsi %iota3A_135, %div3A_138 : vector<32x8xi32>
    %sign3A_140 = arith.constant 0 : i32
    %sign3A_141 = vector.broadcast %sign3A_140 : i32 to vector<32x8xi32>
    %sign3A_142 = arith.cmpi sgt, %iota3A_135, %sign3A_141 : vector<32x8xi32>
    %sign3A_143 = arith.extui %sign3A_142 : vector<32x8xi1> to vector<32x8xi32>
    %sign3A_144 = arith.constant 0 : i32
    %sign3A_145 = vector.broadcast %sign3A_144 : i32 to vector<32x8xi32>
    %sign3A_146 = arith.cmpi slt, %iota3A_135, %sign3A_145 : vector<32x8xi32>
    %sign3A_147 = arith.extui %sign3A_146 : vector<32x8xi1> to vector<32x8xi32>
    %sign3A_148 = arith.subi %sign3A_143, %sign3A_147 : vector<32x8xi32>
    %sign3A_149 = arith.constant 0 : i32
    %sign3A_150 = arith.cmpi sgt, %jit3A_137, %sign3A_149 : i32
    %sign3A_151 = arith.extui %sign3A_150 : i1 to i32
    %sign3A_152 = arith.constant 0 : i32
    %sign3A_153 = arith.cmpi slt, %jit3A_137, %sign3A_152 : i32
    %sign3A_154 = arith.extui %sign3A_153 : i1 to i32
    %sign3A_155 = arith.subi %sign3A_151, %sign3A_154 : i32
    %ne3A_156 = vector.broadcast %sign3A_155 : i32 to vector<32x8xi32>
    %ne3A_157 = arith.cmpi ne, %sign3A_148, %ne3A_156 : vector<32x8xi32>
    %rem3A_158 = vector.broadcast %jit3A_137 : i32 to vector<32x8xi32>
    %rem3A_159 = arith.remsi %iota3A_135, %rem3A_158 : vector<32x8xi32>
    %ne3A_160 = arith.constant 0 : i32
    %ne3A_161 = vector.broadcast %ne3A_160 : i32 to vector<32x8xi32>
    %ne3A_162 = arith.cmpi ne, %rem3A_159, %ne3A_161 : vector<32x8xi32>
    %and3A_163 = arith.andi %ne3A_157, %ne3A_162 : vector<32x8xi1>
    %sub3A_164 = arith.constant 1 : i32
    %sub3A_165 = vector.broadcast %sub3A_164 : i32 to vector<32x8xi32>
    %sub3A_166 = arith.subi %div3A_139, %sub3A_165 : vector<32x8xi32>
    %select_n3A_167 = arith.select %and3A_163, %sub3A_166, %div3A_139 : vector<32x8xi1>, vector<32x8xi32>
    %eq3A_168 = arith.cmpi eq, %select_n3A_167, %iota3A_136 : vector<32x8xi32>
    %convert_element_type3A_169 = arith.extui %eq3A_168 : vector<32x8xi1> to vector<32x8xi32>
    %convert_element_type3A_170 = arith.sitofp %convert_element_type3A_169 : vector<32x8xi32> to vector<32x8xf32>
    %mul3A_171 = arith.mulf %add3A_97, %add3A_97 : vector<32x50000xf32>
    %dot_general3A_172 = arith.constant dense<0.000000e+00> : vector<8x50000xf32>
    %dot_general3A_173 = tpu.matmul %convert_element_type3A_134, %mul3A_171, %dot_general3A_172 {dimension_numbers = #tpu.dot_dimension_numbers<[1], [0], [0], [1], [0, 0, 1, 1], [], []>, transpose_lhs_hint = false} : vector<8x32xf32>, vector<32x50000xf32>, vector<8x50000xf32> -> vector<8x50000xf32>
    %sqrt3A_174 = math.sqrt %dot_general3A_173 : vector<8x50000xf32>
    %max3A_175 = arith.constant 9.99999996E-13 : f32
    %max3A_176 = vector.broadcast %max3A_175 : f32 to vector<8x50000xf32>
    %max3A_177 = arith.maximumf %sqrt3A_174, %max3A_176 : vector<8x50000xf32>
    %div3A_178 = arith.constant 1.000000e+00 : f32
    %div3A_179 = vector.broadcast %div3A_178 : f32 to vector<8x50000xf32>
    %div3A_180 = arith.divf %div3A_179, %max3A_177 : vector<8x50000xf32>
    %dot_general3A_181 = arith.constant dense<0.000000e+00> : vector<32x50000xf32>
    %dot_general3A_182 = tpu.matmul %convert_element_type3A_170, %div3A_180, %dot_general3A_181 {dimension_numbers = #tpu.dot_dimension_numbers<[1], [0], [0], [1], [0, 0, 1, 1], [], []>, transpose_lhs_hint = false} : vector<32x8xf32>, vector<8x50000xf32>, vector<32x50000xf32> -> vector<32x50000xf32>
    %mul3A_183 = arith.mulf %add3A_97, %dot_general3A_182 : vector<32x50000xf32>
    %swap3A = arith.constant 0 : index
    %swap3A_184 = arith.constant 0 : index
    %swap3A_185 = vector.load %arg15[%swap3A, %swap3A_184] : memref<32x50000xf32, #tpu.memory_space<vmem>>, vector<32x50000xf32>
    tpu.vector_store %arg15[%swap3A, %swap3A_184], %mul3A_183 {strides = array<i32>} : memref<32x50000xf32, #tpu.memory_space<vmem>>, vector<32x50000xf32>,
    %swap3A_186 = arith.constant 0 : index
    %swap3A_187 = arith.constant 0 : index
    %swap3A_188 = vector.load %arg16[%swap3A_186, %swap3A_187] : memref<32x50000xf32, #tpu.memory_space<vmem>>, vector<32x50000xf32>
    tpu.vector_store %arg16[%swap3A_186, %swap3A_187], %add3A_107 {strides = array<i32>} : memref<32x50000xf32, #tpu.memory_space<vmem>>, vector<32x50000xf32>,
    %get3A_189 = arith.constant 0 : index
    %get3A_190 = arith.constant 0 : index
    %get3A_191 = vector.load %arg14[%get3A_189, %get3A_190] : memref<125x32xf32, #tpu.memory_space<vmem>>, vector<125x32xf32>
    %mul3A_192 = arith.mulf %get3A_191, %get3A_191 : vector<125x32xf32>
    %dot_general3A_193 = arith.constant dense<0.000000e+00> : vector<125x8xf32>
    %dot_general3A_194 = tpu.matmul %mul3A_192, %convert_element_type3A_170, %dot_general3A_193 {dimension_numbers = #tpu.dot_dimension_numbers<[1], [0], [0], [1], [0, 0, 1, 1], [], []>, transpose_lhs_hint = false} : vector<125x32xf32>, vector<32x8xf32>, vector<125x8xf32> -> vector<125x8xf32>
    %sqrt3A_195 = math.sqrt %dot_general3A_194 : vector<125x8xf32>
    %max3A_196 = arith.constant 9.99999996E-13 : f32
    %max3A_197 = vector.broadcast %max3A_196 : f32 to vector<125x8xf32>
    %max3A_198 = arith.maximumf %sqrt3A_195, %max3A_197 : vector<125x8xf32>
    %div3A_199 = arith.constant 1.000000e+00 : f32
    %div3A_200 = vector.broadcast %div3A_199 : f32 to vector<125x8xf32>
    %div3A_201 = arith.divf %div3A_200, %max3A_198 : vector<125x8xf32>
    %dot_general3A_202 = arith.constant dense<0.000000e+00> : vector<125x32xf32>
    %dot_general3A_203 = tpu.matmul %div3A_201, %convert_element_type3A_134, %dot_general3A_202 {dimension_numbers = #tpu.dot_dimension_numbers<[1], [0], [0], [1], [0, 0, 1, 1], [], []>, transpose_lhs_hint = false} : vector<125x8xf32>, vector<8x32xf32>, vector<125x32xf32> -> vector<125x32xf32>
    %mul3A_204 = arith.mulf %get3A_191, %dot_general3A_203 : vector<125x32xf32>
    %swap3A_205 = arith.constant 0 : index
    %swap3A_206 = arith.constant 0 : index
    %swap3A_207 = vector.load %arg17[%swap3A_205, %swap3A_206] : memref<125x32xf32, #tpu.memory_space<vmem>>, vector<125x32xf32>
    tpu.vector_store %arg17[%swap3A_205, %swap3A_206], %mul3A_204 {strides = array<i32>} : memref<125x32xf32, #tpu.memory_space<vmem>>, vector<125x32xf32>,
    return
  }
}

module attributes {stable_mosaic.version = 14 : i64} {
  func.func @body(%arg0: i32, %arg1: memref<2000x32xf32, #tpu.memory_space<vmem>>, %arg2: memref<2000x32xf32, #tpu.memory_space<vmem>>, %arg3: memref<32x32xf32, #tpu.memory_space<vmem>>, %arg4: memref<1x32xf32, #tpu.memory_space<vmem>>, %arg5: memref<2000x32xf32, #tpu.memory_space<vmem>>) attributes {dimension_semantics = [#tpu.dimension_semantics<arbitrary>], iteration_bounds = array<i64: 25>, scalar_prefetch = 0 : i64, scratch_operands = 0 : i64, tpu.core_type = #tpu.core_type<tc>, window_params = [{transform_indices = @transform_0, window_bounds = array<i64: 2000, 32>}, {transform_indices = @transform_1, window_bounds = array<i64: 2000, 32>}, {pipeline_mode = #tpu.pipeline_mode<synchronous>, transform_indices = @transform_2, window_bounds = array<i64: 32, 32>}, {pipeline_mode = #tpu.pipeline_mode<synchronous>, transform_indices = @transform_3, window_bounds = array<i64: 1, 32>}, {transform_indices = @transform_4, window_bounds = array<i64: 2000, 32>}]} {
    %get3A = arith.constant 0 : index
    %get3A_0 = arith.constant 0 : index
    %get3A_1 = vector.load %arg1[%get3A, %get3A_0] : memref<2000x32xf32, #tpu.memory_space<vmem>>, vector<2000x32xf32>
    %get3A_2 = arith.constant 0 : index
    %get3A_3 = arith.constant 0 : index
    %get3A_4 = vector.load %arg2[%get3A_2, %get3A_3] : memref<2000x32xf32, #tpu.memory_space<vmem>>, vector<2000x32xf32>
    %add3A = arith.addf %get3A_1, %get3A_4 : vector<2000x32xf32>
    %get3A_5 = arith.constant 0 : index
    %get3A_6 = arith.constant 0 : index
    %get3A_7 = vector.load %arg3[%get3A_5, %get3A_6] : memref<32x32xf32, #tpu.memory_space<vmem>>, vector<32x32xf32>
    %dot_general3A = arith.constant dense<0.000000e+00> : vector<2000x32xf32>
    %dot_general3A_8 = tpu.matmul %add3A, %get3A_7, %dot_general3A {dimension_numbers = #tpu.dot_dimension_numbers<[1], [0], [0], [1], [0, 0, 1, 1], [], []>, transpose_lhs_hint = false} : vector<2000x32xf32>, vector<32x32xf32>, vector<2000x32xf32> -> vector<2000x32xf32>
    %get3A_9 = arith.constant 0 : index
    %get3A_10 = arith.constant 0 : index
    %get3A_11 = vector.load %arg4[%get3A_9, %get3A_10] : memref<1x32xf32, #tpu.memory_space<vmem>>, vector<1x32xf32>
    %add3A_12 = vector.broadcast %get3A_11 : vector<1x32xf32> to vector<2000x32xf32>
    %add3A_13 = arith.addf %dot_general3A_8, %add3A_12 : vector<2000x32xf32>
    %swap3A = arith.constant 0 : index
    %swap3A_14 = arith.constant 0 : index
    %swap3A_15 = vector.load %arg5[%swap3A, %swap3A_14] : memref<2000x32xf32, #tpu.memory_space<vmem>>, vector<2000x32xf32>
    tpu.vector_store %arg5[%swap3A, %swap3A_14], %add3A_13 {strides = array<i32>} : memref<2000x32xf32, #tpu.memory_space<vmem>>, vector<2000x32xf32>,
    return
  }
  func.func @transform_0(%arg0: i32) -> (i32, i32) {
    %c0_i32 = arith.constant 0 : i32
    %c0_i32_0 = arith.constant 0 : i32
    return %arg0, %c0_i32 : i32, i32
  }
  func.func @transform_1(%arg0: i32) -> (i32, i32) {
    %c0_i32 = arith.constant 0 : i32
    %c0_i32_0 = arith.constant 0 : i32
    return %arg0, %c0_i32 : i32, i32
  }
  func.func @transform_2(%arg0: i32) -> (i32, i32) {
    %c0_i32 = arith.constant 0 : i32
    %c0_i32_0 = arith.constant 0 : i32
    %c0_i32_1 = arith.constant 0 : i32
    return %c0_i32, %c0_i32_0 : i32, i32
  }
  func.func @transform_3(%arg0: i32) -> (i32, i32) {
    %c0_i32 = arith.constant 0 : i32
    %c0_i32_0 = arith.constant 0 : i32
    %c0_i32_1 = arith.constant 0 : i32
    return %c0_i32, %c0_i32_0 : i32, i32
  }
  func.func @transform_4(%arg0: i32) -> (i32, i32) {
    %c0_i32 = arith.constant 0 : i32
    %c0_i32_0 = arith.constant 0 : i32
    return %arg0, %c0_i32 : i32, i32
  }
}

</mosaic_0001>

<sc_bundles>
// kernel: kernel.5.cloned.1.call-start
scs
__scs_entry_jumppad:
0x0: {  	(pc) =	sbr.rel $0x88, $3  }
0x1: {  	(tag) =	ssettag $0x0;
	lr =	simm.s32 $0x1  }
0x2: {  	[smem:$0x3F8D] =	sst lr;
	_ =	strace $0xD0000000  }
0x3: {  	_ = 	snop  }
0x4: {  	_ = 	snop  }
0x5: {  	_ = 	snop  }
0x6: {  	_ = 	snop  }
0x7: {  	_ = 	snop  }
__scs_overlays_trampoline_lowered:
0x8: {  	[smem:$0x3F9C] =	sst s0  }
0x9: {  	[smem:$0x3F9D] =	sst s1  }
0xa: {  	[smem:$0x3F9E] =	sst s2  }
0xb: {  	[smem:$0x3F9F] =	sst s3  }
0xc: {  	[smem:$0x3FA0] =	sst s4  }
0xd: {  	[smem:$0x3FA1] =	sst s5  }
0xe: {  	[smem:$0x3FA2] =	sst s6  }
0xf: {  	[smem:$0x3FA3] =	sst s7  }
0x10: {  	[smem:$0x3FA4] =	sst s8  }
0x11: {  	[smem:$0x3FA5] =	sst s9;
	s0 =	simm.s32 @!p0 $0x0  }
0x12: {  	s1 =	sld [smem:$0x3F8B];
	s0 =	simm.s32 @p0 $0x1  }
0x13: {  	[smem:$0x3FA6] =	sst s0;
	s0 =	simm.s32 @!p1 $0x0  }
0x14: {  	s2 =	sld [smem:$0x3F8A];
	s0 =	simm.s32 @p1 $0x1  }
0x15: {  	[smem:$0x3FA7] =	sst s0;
	s0 =	simm.s32 @!p2 $0x0  }
0x16: {  	s3 =	sld [smem:$0x3FDB];
	s0 =	simm.s32 @p2 $0x1  }
0x17: {  	s4 =	simm.s32 $0x1BF5;
	[smem:$0x3FA9] =	sst s0  }
0x18: {  	s0 =	sld [smem:$0x3F8C];
	_ =	swait.ge [sflag:s4], $0x0  }
0x19: {  	s7 =	sld [smem:$0x3F8D]  }
0x1a: {  	s8 =	sadd.s32 $0xFFFFE003, lr  }
0x1b: {  	s9 =	sadd.s32 $0xFFFFFEF7, lr;
	s5 =	simm.s32 $0xFFFFFFFF;
	p2 =	slt.u32 s8, $0xFFFFF086  }
0x1c: {  	p1 =	slt.u32 s9, $0xF7A;
	s5 =	simm.s32 @!p2 $0x0  }
0x1d: {  	s5 =	simm.s32 @p1 $0x1;
	p0 =	seq.s32 s7, s2  }
0x1e: {  	s7 =	smul.u32 @!p0 $0xF7A, s2;
	p2 =	seq.s32 @!p0 s5, $0x0  }
0x1f: {  	s9 =	smul.u32 $0xF7A, s1;
	s8 =	simm.s32 @!p0 $0x1BF5;
	p2 =	por !p2, p0  }
0x20: {  	[sflag:s8] =	ssyncset.s32 @!p0 $0xFFFFF086;
	s6 =	sadd.s32 @!p0 s3, s7;
	s7 =	simm.s32 @!p0 $0x108  }
0x21: {  	s3 =	sadd.s32 s3, s9;
	s6 =	sadd.s32 @!p0 $0x88, s6;
	s7 =	simm.s32 @p2 $0x1082  }
0x22: {  	[simem:s7], [sflag:s8] =	dma.local @!p0 [hbm:s6], $0xF7A  }
0x23: {  	s9 =	sor.u32 $0xD0000000, s2;
	s6 =	simm.s32 $0x108;
	_ =	swait.ge @!p0 [sflag:s8], $0x0  }
0x24: {  	s3 =	sadd.s32 $0x88, s3;
	s6 =	simm.s32 @!p1 $0x1082;
	[sflag:s4] =	ssyncset.s32 $0xFFFFF086  }
0x25: {  	[simem:s6], [sflag:s4] =	dma.local [hbm:s3], $0xF7A  }
0x26: {  	[smem:$0x3F8D] =	sst s1;
	(tag) =	ssettag s2;
	_ =	strace s9  }
0x27: {  	s1 =	sld [smem:$0x3F9D]  }
0x28: {  	s2 =	sld [smem:$0x3F9E]  }
0x29: {  	s4 =	sld [smem:$0x3FA0]  }
0x2a: {  	p0 =	seq.s32 s5, $0x0;
	s5 =	sld [smem:$0x3FA1]  }
0x2b: {  	s6 =	sld [smem:$0x3FA2]  }
0x2c: {  	s7 =	sld [smem:$0x3FA3]  }
0x2d: {  	s3 =	simm.s32 $0x108;
	s8 =	sld [smem:$0x3FA4]  }
0x2e: {  	s3 =	simm.s32 @!p0 $0x1082;
	s9 =	sld [smem:$0x3FA5]  }
0x2f: {  	lr =	sadd.s32 s0, s3;
	s0 =	sld [smem:$0x3F9C]  }
0x30: {  	s3 =	sld [smem:$0x3F9F]  }
0x31: {  	[smem:$0x3FA8] =	sst s10  }
0x32: {  	s10 =	sld [smem:$0x3FA6];
	_ =	sdelay $0x3  }
0x33: {  	p0 =	seq.s32 s10, $0x1;
	s10 =	sld [smem:$0x3FA8];
	_ =	sdelay $0x3  }
0x34: {  	[smem:$0x3FA8] =	sst s10  }
0x35: {  	s10 =	sld [smem:$0x3FA7];
	_ =	sdelay $0x3  }
0x36: {  	p1 =	seq.s32 s10, $0x1;
	s10 =	sld [smem:$0x3FA8];
	_ =	sdelay $0x3  }
0x37: {  	[smem:$0x3FA8] =	sst s10  }
0x38: {  	s10 =	sld [smem:$0x3FA9]  }
0x39: {  	_ = 	snop;
	(pc) =	sbr.ind lr, $3  }
0x3a: {  	_ = 	snop  }
0x3b: {  	_ = 	snop  }
0x3c: {  	p2 =	seq.s32 s10, $0x1;
	s10 =	sld [smem:$0x3FA8]  }
0x3d: {  	_ =	shalt  }
0x3e: {  	_ =	shalt  }
0x3f: {  	_ =	shalt  }
0x40: {  	_ =	shalt  }
0x41: {  	_ =	shalt  }
0x42: {  	_ =	shalt  }
0x43: {  	_ =	shalt  }
0x44: {  	_ =	shalt  }
0x45: {  	_ =	shalt  }
0x46: {  	_ =	shalt  }
0x47: {  	_ =	shalt  }
0x48: {  	_ =	shalt  }
0x49: {  	_ =	shalt  }
0x4a: {  	_ =	shalt  }
0x4b: {  	_ =	shalt  }
0x4c: {  	_ =	shalt  }
0x4d: {  	_ =	shalt  }
0x4e: {  	_ =	shalt  }
0x4f: {  	_ =	shalt  }
0x50: {  	_ =	shalt  }
0x51: {  	_ =	shalt  }
0x52: {  	_ =	shalt  }
0x53: {  	_ =	shalt  }
0x54: {  	_ =	shalt  }
0x55: {  	_ =	shalt  }
0x56: {  	_ =	shalt  }
0x57: {  	_ =	shalt  }
0x58: {  	_ =	shalt  }
0x59: {  	_ =	shalt  }
0x5a: {  	_ =	shalt  }
0x5b: {  	_ =	shalt  }
0x5c: {  	_ =	shalt  }
0x5d: {  	_ =	shalt  }
0x5e: {  	_ =	shalt  }
0x5f: {  	_ =	shalt  }
0x60: {  	_ =	shalt  }
0x61: {  	_ =	shalt  }
0x62: {  	_ =	shalt  }
0x63: {  	_ =	shalt  }
0x64: {  	_ =	shalt  }
0x65: {  	_ =	shalt  }
0x66: {  	_ =	shalt  }
0x67: {  	_ =	shalt  }
0x68: {  	_ =	shalt  }
0x69: {  	_ =	shalt  }
0x6a: {  	_ =	shalt  }
0x6b: {  	_ =	shalt  }
0x6c: {  	_ =	shalt  }
0x6d: {  	_ =	shalt  }
0x6e: {  	_ =	shalt  }
0x6f: {  	_ =	shalt  }
0x70: {  	_ =	shalt  }
0x71: {  	_ =	shalt  }
0x72: {  	_ =	shalt  }
0x73: {  	_ =	shalt  }
0x74: {  	_ =	shalt  }
0x75: {  	_ =	shalt  }
0x76: {  	_ =	shalt  }
0x77: {  	_ =	shalt  }
0x78: {  	_ =	shalt  }
0x79: {  	_ =	shalt  }
0x7a: {  	_ =	shalt  }
0x7b: {  	_ =	shalt  }
0x7c: {  	_ =	shalt  }
0x7d: {  	_ =	shalt  }
0x7e: {  	_ =	shalt  }
0x7f: {  	_ =	shalt  }
0x80: {  	_ =	shalt  }
0x81: {  	_ =	shalt  }
0x82: {  	_ =	shalt  }
0x83: {  	_ =	shalt  }
0x84: {  	_ =	shalt  }
0x85: {  	_ =	shalt  }
0x86: {  	_ =	shalt  }
0x87: {  	_ =	shalt  }
.Lfunc_end0:
.L_simem_size_0:
called_computation_lowered:
.L_overlay_start_0:
0x88: {  	s2 =	sld [smem:$0x3FD9]  }
0x89: {  	s3 =	sld [smem:$0x3FFE];
	_ =	sdelay $0x1  }
0x8a: {  	s1 =	srdreg.scid  }
0x8b: {  	s0 =	sand.u32 $0x1, s1  }
0x8c: {  	s17 =	sshll.u32 s0, $0xA;
	s2 =	sadd.s32 s3, s2  }
0x8d: {  	s2 =	sadd.s32 s2, s17  }
0x8e: {  	[smem:$0x3FB4] =	sst s2  }
0x8f: {  	_ = 	snop  }
0x90: {  	s2 =	sld [smem:$0x3FD0];
	(tm) =	ssettm $0x1  }
0x91: {  	s18 =	sld [smem:$0x3FFB];
	_ =	sdelay $0x3  }
0x92: {  	_ =	strace s18  }
0x93: {  	s3 =	sld [smem:$0x3FFC];
	_ =	sdelay $0x3  }
0x94: {  	_ =	strace s3  }
0x95: {  	s3 =	sld [smem:$0x3FFD];
	_ =	sdelay $0x3  }
0x96: {  	_ =	strace s3  }
0x97: {  	_ =	strace $0x8FFFFFFF  }
0x98: {  	s19 =	sld [smem:$0x3FDB];
	_ =	sdelay $0x1  }
0x99: {  	s4 =	simm.s32 $_scs_section_size  }
0x9a: {  	s5 =	simm.s32 $_size__tile_overlayer_lowered;
	s6 =	simm.s32 $_tile_overlayer_lowered  }
0x9b: {  	s22 =	simm.s32 $0x1BFF;
	s21 =	sshll.u32 s6, $0x1;
	s3 =	sadd.s32 s4, s19  }
0x9c: {  	s7 =	simm.s32 $0x0;
	s20 =	sshll.u32 s5, $0x1;
	s5 =	sadd.s32 s21, s3  }
0x9d: {  	[timem:s7], [sflag:s22] =	dma.local [hbm:s5], s20  }
0x9e: {  	_ =	swait.ge [sflag:s22], s20  }
0x9f: {  	s4 =	ssub.s32 $0x0, s20;
	[sflag:s22] =	ssyncset.done $0x0  }
0xa0: {  	[sflag:s22] =	ssyncadd.s32 s4;
	_ =	sdelay $0x1  }
0xa1: {  	s23 =	simm.s32 $0x1B8B  }
0xa2: {  	_ =	swait.ge [sflag:s23], $0x1  }
0xa3: {  	[sflag:s23] =	ssyncset.done $0x0  }
0xa4: {  	s25 =	simm.s32 $0x1B8E;
	s24 =	sld [smem:$0x3FFE];
	[sflag:s23] =	ssyncadd.s32 $0xFFFFFFFF  }
0xa5: {  	s26 =	simm.s32 $execute0_lowered;
	[smem:$0x3FD2] =	sst s25  }
0xa6: {  	s5 =	sshll.u32 s26, $0x1;
	_ =	strace $0x80000046;
	[dreg:$0x1] =	wrdreg $0xFFFFFFFF  }
0xa7: {  	s28 =	simm.s32 $_size_execute0_lowered;
	s3 =	sadd.s32 s3, s5;
	[dreg:$0x0] =	wrdreg $0x0  }
0xa8: {  	s5 =	sshll.u32 s28, $0x1;
	[dreg:$0x2] =	wrdreg s3  }
0xa9: {  	[dreg:$0x3] =	wrdreg s5  }
0xaa: {  	[dreg:$0x4] =	wrdreg $0xC0  }
0xab: {  	_ =	task [dreg:s7], $0x5FFFF  }
0xac: {  	[dreg:$0x1] =	wrdreg $0xFFFFFFFF  }
0xad: {  	[dreg:$0x0] =	wrdreg $0x60  }
0xae: {  	[dreg:$0x2] =	wrdreg s2  }
0xaf: {  	[dreg:$0x3] =	wrdreg s24  }
0xb0: {  	[dreg:$0x4] =	wrdreg $0x65A00  }
0xb1: {  	[dreg:$0x5] =	wrdreg $0x9  }
0xb2: {  	_ =	task.clear_ibuf [dreg:s7], $0x6FFFF;
	_ =	strace $0x90000046  }
0xb3: {  	s29 =	simm.s32 $0x9;
	_ =	strace $0x80000048  }
0xb4: {  	_ =	swait.ge [sflag:s29], $0x1  }
0xb5: {  	[sflag:s29] =	ssyncadd.s32 $0xFFFFFFFF  }
0xb6: {  	_ =	strace $0x90000048  }
0xb7: {  	_ =	sfence  }
0xb8: {  	s30 =	sld [smem:$0x0];
	_ =	sdelay $0x2  }
0xb9: {  	s31 =	sshll.u32 s1, $0xD;
	s1 =	sshrl.u32 s1, $0x2  }
0xba: {  	s3 =	sand.u32 $0x4000, s31;
	s1 =	sadd.s32 s1, s30  }
0xbb: {  	s0 =	sor.u32 s3, s0;
	s1 =	sshll.u32 s1, $0x11  }
0xbc: {  	s0 =	sor.u32 s1, s0  }
0xbd: {  	s0 =	sadd.s32 $0x8F2B, s0  }
0xbe: {  	[sflag:s0] =	ssyncadd.remote.s32 $0x1  }
0xbf: {  	_ =	sfence.sel $0xFFFF  }
0xc0: {  	[dreg:$0x0] =	wrdreg $0xFFFFFFFF;
	(pc) =	sbr.abs _section_cstart, $3  }
0xc1: {  	[dreg:$0x1] =	wrdreg $0xFFFFFFFF  }
0xc2: {  	_ =	task.clear_ibuf [dreg:s7], $0x2FFFF;
	_ =	strace $0x9FFFFFFF  }
0xc3: {  	(tm) =	ssettm $0x7FFFFFFF  }
tec
execute0_lowered:
.L_overlay_start_1:
0x0: {  	(tag) =	ssettag $0x1  }
0x1: {  	s1 =	rddreg [dreg:$0x0]  }
0x2: {  	s0 =	rddreg [dreg:$0x1]  }
0x3: {  	s2 =	rddreg [dreg:$0x2]  }
0x4: {  	s4 =	simm.s32 $0x0;
	s15 =	stileid.u32;
	s6 =	srdreg.scid  }
0x5: {  	[smem:$0x7FF] =	sst s4;
	s5 =	sadd.s32 $0xF6000, s0;
	s3 =	smul.u32 $0x18800, s15  }
0x6: {  	s7 =	sadd.s32 $0x32800, s0;
	s6 =	sand.u32 $0x1, s6;
	s8 =	sadd.s32 $0x1800, s0  }
0x7: {  	s9 =	sadd.s32 $0x1A000, s0;
	s19 =	sshll.u32 s15, $0x1;
	s21 =	sshll.u32 s15, $0x6  }
0x8: {  	_ =	strace $0x80000047;
	[dreg:$0x4] =	wrdreg s7;
	s7 =	sadd.s32 $0x32A00, s0  }
0x9: {  	s11 =	smul.u32 $0x188000, s6;
	s13 =	ssub.s32 $0x2, s6;
	s10 =	sshrl.u32 s3, $0x3  }
0xa: {  	s6 =	sor.u32 s6, s19;
	s14 =	sshrl.u32 s13, $0x1;
	s12 =	sadd.s32 s10, s0  }
0xb: {  	s10 =	smul.u32 $0xC4, s6;
	s20 =	ssub.s32 s13, s14;
	s13 =	sor.u32 $0x1C07, s21  }
0xc: {  	s6 =	smul.u32 $0xC40, s6;
	s12 =	sadd.s32 $0x4B200, s12;
	[dreg:$0x6] =	wrdreg s13  }
0xd: {  	s11 =	sadd.s32 s3, s11;
	s29 =	smax.u32 s20, $0x1;
	[dreg:$0x5] =	wrdreg s12  }
0xe: {  	s3 =	sadd.s32 s3, s2;
	s22 =	sadd.s32 s7, s6;
	[dreg:$0xe] =	wrdreg s29  }
0xf: {  	v0 =	vimm.s32 $0xEFCDAB89;
	v1 =	vimm.s32 $0x67452301;
	s11 =	sshrl.u32 s11, $0x3;
	s24 =	sadd.s32 s8, s6;
	[dreg:$0x7] =	wrdreg s22  }
0x10: {  	v2 =	vimm.s32 $0xDCFE98BA;
	v3 =	vimm.s32 $0x54761032;
	v0 =	vunpack.c.l.s4.s8 v0;
	s23 =	sor.u32 $0x10, s6;
	s6 =	sadd.s32 s9, s6;
	[dreg:$0x8] =	wrdreg s24  }
0x11: {  	v1 =	vunpack.c.l.s4.s8 v1;
	v2 =	vunpack.c.l.s4.s8 v2;
	v3 =	vunpack.c.l.s4.s8 v3;
	s0 =	sadd.s32 s11, s0;
	s11 =	sshrl.u32 s3, $0x3;
	[dreg:$0x9] =	wrdreg s6  }
0x12: {  	v0 =	vunpack.c.0.s8.s32 v0;
	s25 =	sadd.s32 s7, s23;
	[dreg:$0xf] =	wrdreg s11  }
0x13: {  	s31 =	simm.s32 $0x1;
	v1 =	vunpack.c.0.s8.s32 v1;
	v2 =	vunpack.c.0.s8.s32 v2;
	v3 =	vunpack.c.0.s8.s32 v3;
	s26 =	sadd.s32 s8, s23;
	[dreg:$0xa] =	wrdreg s25  }
0x14: {  	s30 =	simm.s32 $0x0;
	s28 =	sadd.s32 s9, s23;
	[dreg:$0xb] =	wrdreg s26  }
0x15: {  	v0 =	vcombine.low v1, v0;
	v1 =	vcombine.low v3, v2;
	s12 =	simm.s32 $0x7;
	s0 =	sadd.s32 $0x7C200, s0;
	[dreg:$0xc] =	wrdreg s28  }
0x16: {  	s3 =	simm.s32 $0x1600;
	s23 =	simm.s32 $0x3;
	[dreg:$0xd] =	wrdreg s0  }
0x17: {  	v0 =	vand.u32 $0xF, v0;
	v1 =	vand.u32 $0xF, v1;
	s26 =	simm.s32 $0x80;
	s0 =	simm.s32 $0x2;
	s25 =	simm.s32 $0x4  }
.LBB2_1:
0x18: {  	s6 =	rddreg [dreg:$0x5]  }
0x19: {  	[spmem:s11], [sflag:s13] =	dma.local [hbm:s6], $0x3100  }
0x1a: {  	_ =	swait.ge [sflag:s12], $0x3100  }
0x1b: {  	[sflag:s12] =	ssyncset.done $0x0  }
0x1c: {  	s14 =	simm.s32 $0x5600;
	s13 =	rddreg [dreg:$0x4];
	[sflag:s12] =	ssyncadd.s32 $0xFFFFCF00  }
0x1d: {  	[tilespmem:s14], [sflag:$0x7] =	stream.linear.gather [hbm4b:s13+s4], $0xFA0, $0x38;
	[tilespmem:$0x1EDA0] =	vst v63  }
0x1e: {  	_ =	swait.ge [sflag:s12], $0xFA0  }
0x1f: {  	[sflag:s12] =	ssyncset.done $0x0  }
0x20: {  	[sflag:s12] =	ssyncadd.s32 $0xFFFFF060  }
0x21: {  	[bflag:$0x0] =	sbarrier.arrive $0xFFFF  }
0x22: {  	s15 =	rddreg [dreg:$0x7]  }
0x23: {  	[tilespmem:s4], [sflag:$0x1] =	stream.linear.gather [hbm4b:s15+s4], $0x80, $0x38;
	[tilespmem:$0x1EDA0] =	vst v63  }
0x24: {  	s17 =	simm.s32 $0x200;
	s16 =	rddreg [dreg:$0x8]  }
0x25: {  	[tilespmem:s17], [sflag:$0x1] =	stream.linear.gather [hbm4b:s16+s4], $0x80, $0x38;
	[tilespmem:$0x1EDA0] =	vst v63  }
0x26: {  	s19 =	simm.s32 $0x400;
	s18 =	rddreg [dreg:$0x9]  }
0x27: {  	[tilespmem:s19], [sflag:$0x1] =	stream.linear.gather [hbm4b:s18+s4], $0x80, $0x38;
	[tilespmem:$0x1EDA0] =	vst v63  }
0x28: {  	s20 =	rddreg [dreg:$0xa]  }
0x29: {  	[tilespmem:s26], [sflag:$0x2] =	stream.linear.gather [hbm4b:s20+s4], $0x80, $0x38;
	[tilespmem:$0x1EDA0] =	vst v63  }
0x2a: {  	s22 =	simm.s32 $0x280;
	s21 =	rddreg [dreg:$0xb]  }
0x2b: {  	[tilespmem:s22], [sflag:$0x2] =	stream.linear.gather [hbm4b:s21+s4], $0x80, $0x38;
	[tilespmem:$0x1EDA0] =	vst v63  }
0x2c: {  	s28 =	simm.s32 $0x480;
	s24 =	rddreg [dreg:$0xc]  }
0x2d: {  	[tilespmem:s28], [sflag:$0x2] =	stream.linear.gather [hbm4b:s24+s4], $0x80, $0x38;
	[tilespmem:$0x1EDA0] =	vst v63  }
0x2e: {  	_ =	swait.ge [sflag:s31], $0x80  }
0x2f: {  	[sflag:s31] =	ssyncset.done $0x0  }
0x30: {  	[sflag:s31] =	ssyncadd.s32 $0xFFFFFF80  }
0x31: {  	_ =	swait.ge [sflag:s31], $0x80  }
0x32: {  	[sflag:s31] =	ssyncset.done $0x0  }
0x33: {  	[sflag:s31] =	ssyncadd.s32 $0xFFFFFF80  }
0x34: {  	_ =	swait.ge [sflag:s31], $0x80  }
0x35: {  	s29 =	simm.s32 $0x600;
	p0 =	por $0x0, $0x0;
	[sflag:s31] =	ssyncset.done $0x0  }
0x36: {  	s6 =	simm.s32 $0x2600;
	s11 =	simm.s32 $0x0;
	[sflag:s31] =	ssyncadd.s32 $0xFFFFFF80  }
0x37: {  	[tilespmem:s29], [sflag:$0x3] =	stream.indirect.gather [hbm4b:s1+s26], $0x20, s4, s26, $0xb8;
	[tilespmem:$0x1EDA0] =	vst v63  }
0x38: {  	s13 =	simm.s32 $0x1;
	s14 =	simm.s32 $0x0;
	s15 =	simm.s32 $0x0  }
0x39: {  	[tilespmem:s6], [sflag:$0x3] =	stream.indirect.gather [hbm4b:s5+s26], $0x20, s17, s26, $0xb8;
	[tilespmem:$0x1EDA0] =	vst v63  }
.LBB2_2:
0x3a: {  	p2 =	seq.s32 s15, $0x0  }
0x3b: {  	s12 =	simm.s32 @!p2 $0x5  }
0x3c: {  	p1 =	seq.s32 @!p2 s15, $0x61;
	_ =	swait.ge @!p2 [sflag:s12], $0x1000  }
0x3d: {  	s17 =	sshll.u32 s15, $0x1;
	p3 =	por p2, !p1;
	[sflag:s12] =	ssyncset.done @!p2 $0x0  }
0x3e: {  	[sflag:s12] =	ssyncadd.s32 @!p2 $0xFFFFF000;
	s12 =	sadd.s32 @p3 $0x2, s17  }
0x3f: {  	s20 =	smulhi.u32 $0xAAAAAAAB, s13;
	s16 =	sadd.s32 @p3 s10, s12  }
0x40: {  	s24 =	smulhi.u32 $0xAAAAAAAB, s14;
	s16 =	sshll.u32 @p3 s16, $0x4  }
0x41: {  	s28 =	smul.u32 $0xAB, s17;
	s12 =	sshll.u32 @p3 s12, $0x7;
	s16 =	sand.u32 @p3 $0x1FFFFFE0, s16  }
0x42: {  	p1 =	por @!p2 $0x1, $0x1;
	s12 =	sand.u32 @p3 $0x100, s12;
	s18 =	sadd.s32 @p3 s7, s16  }
0x43: {  	[tilespmem:s12], [sflag:$0x1] =	stream.linear.gather @p3 [hbm4b:s18+s4], $0x80, $0x38;
	[tilespmem:$0x1EDA0] =	vst v63  }
0x44: {  	s24 =	sshrl.u32 s24, $0x1;
	s19 =	sadd.s32 @p3 s8, s16;
	s18 =	sor.u32 @p3 $0x200, s12  }
0x45: {  	[tilespmem:s18], [sflag:$0x1] =	stream.linear.gather @p3 [hbm4b:s19+s4], $0x80, $0x38;
	[tilespmem:$0x1EDA0] =	vst v63  }
0x46: {  	p1 =	por @p3 $0x0, $0x0;
	s16 =	sadd.s32 @p3 s9, s16;
	s18 =	sor.u32 $0x1, s17  }
0x47: {  	s12 =	sor.u32 @p3 $0x400, s12;
	s21 =	smul.u32 $0xAB, s18;
	s22 =	sshll.u32 s18, $0x7  }
0x48: {  	[tilespmem:s12], [sflag:$0x1] =	stream.linear.gather @p3 [hbm4b:s16+s4], $0x80, $0x38;
	[tilespmem:$0x1EDA0] =	vst v63  }
0x49: {  	s12 =	sshrl.u32 s20, $0x1;
	s20 =	sand.u32 $0x3, s11;
	_ =	swait.ge [sflag:s0], $0x80  }
0x4a: {  	s12 =	smul.u32 $0xFFFF4000, s12;
	s16 =	sshrl.u32 s21, $0x9;
	[sflag:s0] =	ssyncset.done $0x0  }
0x4b: {  	s21 =	simm.s32 $0x1;
	s16 =	sand.u32 $0x7F, s16;
	[sflag:s0] =	ssyncadd.s32 $0xFFFFFF80  }
0x4c: {  	s21 =	simm.s32 @!p0 $0x0;
	s12 =	sshra.s32 s12, $0x2;
	_ =	swait.ge [sflag:s0], $0x80  }
0x4d: {  	s16 =	smul.u32 $0x3, s16;
	s21 =	sshll.u32 s21, $0x8;
	[sflag:s0] =	ssyncset.done $0x0  }
0x4e: {  	s19 =	sadd.s32 s12, s6;
	s12 =	sshll.u32 s20, $0x7;
	[sflag:s0] =	ssyncadd.s32 $0xFFFFFF80  }
0x4f: {  	s20 =	sand.u32 $0x180, s22;
	s16 =	ssub.s32 s18, s16;
	_ =	swait.ge [sflag:s0], $0x80  }
0x50: {  	s22 =	sshrl.u32 s28, $0x9;
	s16 =	sand.u32 $0xFF, s16;
	[sflag:s0] =	ssyncset.done $0x0  }
0x51: {  	s28 =	smul.u32 $0xFFFF4000, s24;
	s16 =	sshll.u32 s16, $0xC;
	[sflag:s0] =	ssyncadd.s32 $0xFFFFFF80  }
0x52: {  	[tilespmem:s3], [sflag:$0x4] =	stream.indirect.gather [hbm4b:s1+s26], $0x20, s20, s26, $0xb8;
	[tilespmem:$0x1EDA0] =	vst v63  }
0x53: {  	s24 =	sand.u32 $0x7F, s22;
	s16 =	sadd.s32 $0x2600, s16;
	s20 =	sor.u32 $0x200, s20  }
0x54: {  	[tilespmem:s16], [sflag:$0x4] =	stream.indirect.gather [hbm4b:s5+s26], $0x20, s20, s26, $0xb8;
	[tilespmem:$0x1EDA0] =	vst v63  }
0x55: {  	s29 =	smul.u32 $0x3, s24;
	s22 =	sshra.s32 s28, $0x2;
	_ =	swait.ge [sflag:s23], $0x1000  }
0x56: {  	s24 =	sadd.s32 $0x480, s12;
	s22 =	sadd.s32 s22, s6;
	[sflag:s23] =	ssyncset.done $0x0  }
0x57: {  	s20 =	sor.u32 $0x400, s21;
	s21 =	ssub.s32 s17, s29;
	[sflag:s23] =	ssyncadd.s32 $0xFFFFF000  }
0x58: {  	s12 =	sand.u32 $0xFF, s21;
	s21 =	sshll.u32 s15, $0xA;
	_ =	swait.ge [sflag:s23], $0x1000  }
0x59: {  	s12 =	sshll.u32 s12, $0xC;
	s28 =	sand.u32 $0x400, s21;
	[sflag:s23] =	ssyncset.done $0x0  }
0x5a: {  	v2 =	vmov s22;
	s29 =	sadd.s32 $0x2600, s12;
	s12 =	simm.s32 $0x0;
	[sflag:s23] =	ssyncadd.s32 $0xFFFFF000  }
.LBB2_3:
0x5b: {  	v3 =	vld [tilespmem:s20+$0x0];
	_ =	sdelay $0x4  }
0x5c: {  	v3 =	vshll.u32 v3, $0x7  }
0x5d: {  	v3 =	vshra.s32 v3, $0x2  }
0x5e: {  	(v2sf) =	vpush v3, $0x0;
	_ =	sdelay $0xd  }
0x5f: {  	s21 =	sshra.s32 s12, $0x2  }
0x60: {  	v4 =	vld [tilespmem:s21+$0x600];
	s22 =	spop (v2sf)  }
0x61: {  	v5 =	vld [tilespmem:s22+$0x5600];
	_ =	sdelay $0x4  }
0x62: {  	v4 =	vmul.f32 v5, v4;
	_ =	sdelay $0x1  }
0x63: {  	v62 =	vld [tilespmem:s21+$0x610];
	v6 =	vperm.xlane v4, v0  }
0x64: {  	v7 =	vld [tilespmem:s22+$0x5610]  }
0x65: {  	v4 =	vadd.f32 v6, v4  }
0x66: {  	v63 =	vld.idx.msk [tilespmem:v2+s21+$0x0 ss:$0x1], $0xffff  }
0x67: {  	(v2sf) =	vpush v3, $0x1;
	v8 =	vperm.xlane v4, v1;
	_ =	sdelay $0x1  }
0x68: {  	v5 =	vmul.f32 v7, v62;
	v4 =	vadd.f32 v8, v4;
	_ =	sdelay $0x1  }
0x69: {  	v7 =	vperm.xlane v5, v0;
	v4 =	vmul.f32 v63, v4;
	_ =	sdelay $0x1  }
0x6a: {  	v5 =	vadd.f32 v7, v5;
	[tilespmem:v2+s21+$0x0 ss:$0x1] =	vst.idx.msk $0xffff, v4  }
0x6b: {  	v4 =	vld.idx.msk [tilespmem:v2+s21+$0x10 ss:$0x1], $0xffff  }
0x6c: {  	v12 =	vperm.xlane v5, v1;
	_ =	sdelay $0x1  }
0x6d: {  	v5 =	vadd.f32 v12, v5;
	_ =	sdelay $0x1  }
0x6e: {  	v4 =	vmul.f32 v4, v5;
	_ =	sdelay $0x1  }
0x6f: {  	[tilespmem:v2+s21+$0x10 ss:$0x1] =	vst.idx.msk $0xffff, v4  }
0x70: {  	s22 =	spop (v2sf);
	v4 =	vld [tilespmem:s21+$0x620]  }
0x71: {  	v13 =	vld [tilespmem:s22+$0x5600];
	_ =	sdelay $0x4  }
0x72: {  	v4 =	vmul.f32 v13, v4;
	_ =	sdelay $0x1  }
0x73: {  	v14 =	vld [tilespmem:s21+$0x630];
	v15 =	vperm.xlane v4, v0  }
0x74: {  	v16 =	vld [tilespmem:s22+$0x5610]  }
0x75: {  	v4 =	vadd.f32 v15, v4  }
0x76: {  	v17 =	vld.idx.msk [tilespmem:v2+s21+$0x20 ss:$0x1], $0xffff  }
0x77: {  	(v2sf) =	vpush v3, $0x2;
	v18 =	vperm.xlane v4, v1;
	_ =	sdelay $0x1  }
0x78: {  	v5 =	vmul.f32 v16, v14;
	v4 =	vadd.f32 v18, v4;
	_ =	sdelay $0x1  }
0x79: {  	v7 =	vperm.xlane v5, v0;
	v4 =	vmul.f32 v17, v4;
	_ =	sdelay $0x1  }
0x7a: {  	v5 =	vadd.f32 v7, v5;
	[tilespmem:v2+s21+$0x20 ss:$0x1] =	vst.idx.msk $0xffff, v4  }
0x7b: {  	v4 =	vld.idx.msk [tilespmem:v2+s21+$0x30 ss:$0x1], $0xffff  }
0x7c: {  	v19 =	vperm.xlane v5, v1;
	_ =	sdelay $0x1  }
0x7d: {  	v5 =	vadd.f32 v19, v5;
	_ =	sdelay $0x1  }
0x7e: {  	v4 =	vmul.f32 v4, v5;
	_ =	sdelay $0x1  }
0x7f: {  	[tilespmem:v2+s21+$0x30 ss:$0x1] =	vst.idx.msk $0xffff, v4  }
0x80: {  	s22 =	spop (v2sf);
	v4 =	vld [tilespmem:s21+$0x640]  }
0x81: {  	v20 =	vld [tilespmem:s22+$0x5600];
	_ =	sdelay $0x4  }
0x82: {  	v4 =	vmul.f32 v20, v4;
	_ =	sdelay $0x1  }
0x83: {  	v21 =	vld [tilespmem:s21+$0x650];
	v22 =	vperm.xlane v4, v0  }
0x84: {  	v23 =	vld [tilespmem:s22+$0x5610]  }
0x85: {  	v4 =	vadd.f32 v22, v4  }
0x86: {  	v24 =	vld.idx.msk [tilespmem:v2+s21+$0x40 ss:$0x1], $0xffff  }
0x87: {  	(v2sf) =	vpush v3, $0x3;
	v25 =	vperm.xlane v4, v1;
	_ =	sdelay $0x1  }
0x88: {  	v5 =	vmul.f32 v23, v21;
	v4 =	vadd.f32 v25, v4;
	_ =	sdelay $0x1  }
0x89: {  	v7 =	vperm.xlane v5, v0;
	v4 =	vmul.f32 v24, v4;
	_ =	sdelay $0x1  }
0x8a: {  	v5 =	vadd.f32 v7, v5;
	[tilespmem:v2+s21+$0x40 ss:$0x1] =	vst.idx.msk $0xffff, v4  }
0x8b: {  	v4 =	vld.idx.msk [tilespmem:v2+s21+$0x50 ss:$0x1], $0xffff  }
0x8c: {  	v26 =	vperm.xlane v5, v1;
	_ =	sdelay $0x1  }
0x8d: {  	v5 =	vadd.f32 v26, v5;
	_ =	sdelay $0x1  }
0x8e: {  	v4 =	vmul.f32 v4, v5;
	_ =	sdelay $0x1  }
0x8f: {  	[tilespmem:v2+s21+$0x50 ss:$0x1] =	vst.idx.msk $0xffff, v4  }
0x90: {  	s22 =	spop (v2sf);
	v4 =	vld [tilespmem:s21+$0x660]  }
0x91: {  	v27 =	vld [tilespmem:s22+$0x5600];
	_ =	sdelay $0x4  }
0x92: {  	v4 =	vmul.f32 v27, v4;
	_ =	sdelay $0x1  }
0x93: {  	v28 =	vld [tilespmem:s21+$0x670];
	v29 =	vperm.xlane v4, v0  }
0x94: {  	v30 =	vld [tilespmem:s22+$0x5610]  }
0x95: {  	v4 =	vadd.f32 v29, v4  }
0x96: {  	v31 =	vld.idx.msk [tilespmem:v2+s21+$0x60 ss:$0x1], $0xffff  }
0x97: {  	(v2sf) =	vpush v3, $0x4;
	v32 =	vperm.xlane v4, v1;
	_ =	sdelay $0x1  }
0x98: {  	v5 =	vmul.f32 v30, v28;
	v4 =	vadd.f32 v32, v4;
	_ =	sdelay $0x1  }
0x99: {  	v7 =	vperm.xlane v5, v0;
	v4 =	vmul.f32 v31, v4;
	_ =	sdelay $0x1  }
0x9a: {  	v5 =	vadd.f32 v7, v5;
	[tilespmem:v2+s21+$0x60 ss:$0x1] =	vst.idx.msk $0xffff, v4  }
0x9b: {  	v4 =	vld.idx.msk [tilespmem:v2+s21+$0x70 ss:$0x1], $0xffff  }
0x9c: {  	v33 =	vperm.xlane v5, v1;
	_ =	sdelay $0x1  }
0x9d: {  	v5 =	vadd.f32 v33, v5;
	_ =	sdelay $0x1  }
0x9e: {  	v4 =	vmul.f32 v4, v5;
	_ =	sdelay $0x1  }
0x9f: {  	[tilespmem:v2+s21+$0x70 ss:$0x1] =	vst.idx.msk $0xffff, v4  }
0xa0: {  	s22 =	spop (v2sf);
	v4 =	vld [tilespmem:s21+$0x680]  }
0xa1: {  	v34 =	vld [tilespmem:s22+$0x5600];
	_ =	sdelay $0x4  }
0xa2: {  	v4 =	vmul.f32 v34, v4;
	_ =	sdelay $0x1  }
0xa3: {  	v35 =	vld [tilespmem:s21+$0x690];
	v36 =	vperm.xlane v4, v0  }
0xa4: {  	v37 =	vld [tilespmem:s22+$0x5610]  }
0xa5: {  	v4 =	vadd.f32 v36, v4  }
0xa6: {  	v38 =	vld.idx.msk [tilespmem:v2+s21+$0x80 ss:$0x1], $0xffff  }
0xa7: {  	(v2sf) =	vpush v3, $0x5;
	v39 =	vperm.xlane v4, v1;
	_ =	sdelay $0x1  }
0xa8: {  	v5 =	vmul.f32 v37, v35;
	v4 =	vadd.f32 v39, v4;
	_ =	sdelay $0x1  }
0xa9: {  	v7 =	vperm.xlane v5, v0;
	v4 =	vmul.f32 v38, v4;
	_ =	sdelay $0x1  }
0xaa: {  	v5 =	vadd.f32 v7, v5;
	[tilespmem:v2+s21+$0x80 ss:$0x1] =	vst.idx.msk $0xffff, v4  }
0xab: {  	v4 =	vld.idx.msk [tilespmem:v2+s21+$0x90 ss:$0x1], $0xffff  }
0xac: {  	v40 =	vperm.xlane v5, v1;
	_ =	sdelay $0x1  }
0xad: {  	v5 =	vadd.f32 v40, v5;
	_ =	sdelay $0x1  }
0xae: {  	v4 =	vmul.f32 v4, v5;
	_ =	sdelay $0x1  }
0xaf: {  	[tilespmem:v2+s21+$0x90 ss:$0x1] =	vst.idx.msk $0xffff, v4  }
0xb0: {  	s22 =	spop (v2sf);
	v4 =	vld [tilespmem:s21+$0x6A0]  }
0xb1: {  	v41 =	vld [tilespmem:s22+$0x5600];
	_ =	sdelay $0x4  }
0xb2: {  	v4 =	vmul.f32 v41, v4;
	_ =	sdelay $0x1  }
0xb3: {  	v42 =	vld [tilespmem:s21+$0x6B0];
	v43 =	vperm.xlane v4, v0  }
0xb4: {  	v44 =	vld [tilespmem:s22+$0x5610]  }
0xb5: {  	v4 =	vadd.f32 v43, v4  }
0xb6: {  	v45 =	vld.idx.msk [tilespmem:v2+s21+$0xA0 ss:$0x1], $0xffff  }
0xb7: {  	(v2sf) =	vpush v3, $0x6;
	v46 =	vperm.xlane v4, v1;
	_ =	sdelay $0x1  }
0xb8: {  	v5 =	vmul.f32 v44, v42;
	v4 =	vadd.f32 v46, v4;
	_ =	sdelay $0x1  }
0xb9: {  	v7 =	vperm.xlane v5, v0;
	v4 =	vmul.f32 v45, v4;
	_ =	sdelay $0x1  }
0xba: {  	v5 =	vadd.f32 v7, v5;
	[tilespmem:v2+s21+$0xA0 ss:$0x1] =	vst.idx.msk $0xffff, v4  }
0xbb: {  	v4 =	vld.idx.msk [tilespmem:v2+s21+$0xB0 ss:$0x1], $0xffff  }
0xbc: {  	v47 =	vperm.xlane v5, v1;
	_ =	sdelay $0x1  }
0xbd: {  	v5 =	vadd.f32 v47, v5;
	_ =	sdelay $0x1  }
0xbe: {  	v4 =	vmul.f32 v4, v5;
	_ =	sdelay $0x1  }
0xbf: {  	[tilespmem:v2+s21+$0xB0 ss:$0x1] =	vst.idx.msk $0xffff, v4  }
0xc0: {  	s22 =	spop (v2sf);
	v4 =	vld [tilespmem:s21+$0x6C0]  }
0xc1: {  	v48 =	vld [tilespmem:s22+$0x5600];
	_ =	sdelay $0x4  }
0xc2: {  	v4 =	vmul.f32 v48, v4;
	_ =	sdelay $0x1  }
0xc3: {  	v49 =	vld [tilespmem:s21+$0x6D0];
	v50 =	vperm.xlane v4, v0  }
0xc4: {  	v51 =	vld [tilespmem:s22+$0x5610]  }
0xc5: {  	v4 =	vadd.f32 v50, v4  }
0xc6: {  	v52 =	vld.idx.msk [tilespmem:v2+s21+$0xC0 ss:$0x1], $0xffff  }
0xc7: {  	(v2sf) =	vpush v3, $0x7;
	v53 =	vperm.xlane v4, v1;
	_ =	sdelay $0x1  }
0xc8: {  	v5 =	vmul.f32 v51, v49;
	v4 =	vadd.f32 v53, v4;
	_ =	sdelay $0x1  }
0xc9: {  	v7 =	vperm.xlane v5, v0;
	v4 =	vmul.f32 v52, v4;
	_ =	sdelay $0x1  }
0xca: {  	v5 =	vadd.f32 v7, v5;
	[tilespmem:v2+s21+$0xC0 ss:$0x1] =	vst.idx.msk $0xffff, v4  }
0xcb: {  	v4 =	vld.idx.msk [tilespmem:v2+s21+$0xD0 ss:$0x1], $0xffff  }
0xcc: {  	v54 =	vperm.xlane v5, v1;
	_ =	sdelay $0x1  }
0xcd: {  	v5 =	vadd.f32 v54, v5;
	_ =	sdelay $0x1  }
0xce: {  	v4 =	vmul.f32 v4, v5;
	_ =	sdelay $0x1  }
0xcf: {  	[tilespmem:v2+s21+$0xD0 ss:$0x1] =	vst.idx.msk $0xffff, v4  }
0xd0: {  	s22 =	spop (v2sf);
	v4 =	vld [tilespmem:s21+$0x6E0]  }
0xd1: {  	v55 =	vld [tilespmem:s22+$0x5600];
	_ =	sdelay $0x4  }
0xd2: {  	v4 =	vmul.f32 v55, v4;
	_ =	sdelay $0x1  }
0xd3: {  	v56 =	vld [tilespmem:s21+$0x6F0];
	v57 =	vperm.xlane v4, v0  }
0xd4: {  	v58 =	vld [tilespmem:s22+$0x5610]  }
0xd5: {  	v4 =	vadd.f32 v57, v4  }
0xd6: {  	v59 =	vld.idx.msk [tilespmem:v2+s21+$0xE0 ss:$0x1], $0xffff  }
0xd7: {  	(v2sf) =	vpush v3, $0x8;
	v60 =	vperm.xlane v4, v1;
	_ =	sdelay $0x1  }
0xd8: {  	v5 =	vmul.f32 v58, v56;
	v4 =	vadd.f32 v60, v4;
	_ =	sdelay $0x1  }
0xd9: {  	v7 =	vperm.xlane v5, v0;
	v4 =	vmul.f32 v59, v4;
	_ =	sdelay $0x1  }
0xda: {  	v5 =	vadd.f32 v7, v5;
	[tilespmem:v2+s21+$0xE0 ss:$0x1] =	vst.idx.msk $0xffff, v4  }
0xdb: {  	v4 =	vld.idx.msk [tilespmem:v2+s21+$0xF0 ss:$0x1], $0xffff  }
0xdc: {  	v61 =	vperm.xlane v5, v1;
	_ =	sdelay $0x1  }
0xdd: {  	v5 =	vadd.f32 v61, v5;
	_ =	sdelay $0x1  }
0xde: {  	v4 =	vmul.f32 v4, v5;
	_ =	sdelay $0x1  }
0xdf: {  	[tilespmem:v2+s21+$0xF0 ss:$0x1] =	vst.idx.msk $0xffff, v4  }
0xe0: {  	s22 =	spop (v2sf);
	v4 =	vld [tilespmem:s21+$0x700]  }
0xe1: {  	v62 =	vld [tilespmem:s22+$0x5600];
	_ =	sdelay $0x4  }
0xe2: {  	v4 =	vmul.f32 v62, v4;
	_ =	sdelay $0x1  }
0xe3: {  	v63 =	vld [tilespmem:s21+$0x710];
	v11 =	vperm.xlane v4, v0  }
0xe4: {  	v12 =	vld [tilespmem:s22+$0x5610]  }
0xe5: {  	v4 =	vadd.f32 v11, v4  }
0xe6: {  	v13 =	vld.idx.msk [tilespmem:v2+s21+$0x100 ss:$0x1], $0xffff  }
0xe7: {  	(v2sf) =	vpush v3, $0x9;
	v14 =	vperm.xlane v4, v1;
	_ =	sdelay $0x1  }
0xe8: {  	v5 =	vmul.f32 v12, v63;
	v4 =	vadd.f32 v14, v4;
	_ =	sdelay $0x1  }
0xe9: {  	v7 =	vperm.xlane v5, v0;
	v4 =	vmul.f32 v13, v4;
	_ =	sdelay $0x1  }
0xea: {  	v5 =	vadd.f32 v7, v5;
	[tilespmem:v2+s21+$0x100 ss:$0x1] =	vst.idx.msk $0xffff, v4  }
0xeb: {  	v4 =	vld.idx.msk [tilespmem:v2+s21+$0x110 ss:$0x1], $0xffff  }
0xec: {  	v15 =	vperm.xlane v5, v1;
	_ =	sdelay $0x1  }
0xed: {  	v5 =	vadd.f32 v15, v5;
	_ =	sdelay $0x1  }
0xee: {  	v4 =	vmul.f32 v4, v5;
	_ =	sdelay $0x1  }
0xef: {  	[tilespmem:v2+s21+$0x110 ss:$0x1] =	vst.idx.msk $0xffff, v4  }
0xf0: {  	s22 =	spop (v2sf);
	v4 =	vld [tilespmem:s21+$0x720]  }
0xf1: {  	v16 =	vld [tilespmem:s22+$0x5600];
	_ =	sdelay $0x4  }
0xf2: {  	v4 =	vmul.f32 v16, v4;
	_ =	sdelay $0x1  }
0xf3: {  	v17 =	vld [tilespmem:s21+$0x730];
	v18 =	vperm.xlane v4, v0  }
0xf4: {  	v19 =	vld [tilespmem:s22+$0x5610]  }
0xf5: {  	v4 =	vadd.f32 v18, v4  }
0xf6: {  	v20 =	vld.idx.msk [tilespmem:v2+s21+$0x120 ss:$0x1], $0xffff  }
0xf7: {  	(v2sf) =	vpush v3, $0xA;
	v21 =	vperm.xlane v4, v1;
	_ =	sdelay $0x1  }
0xf8: {  	v5 =	vmul.f32 v19, v17;
	v4 =	vadd.f32 v21, v4;
	_ =	sdelay $0x1  }
0xf9: {  	v7 =	vperm.xlane v5, v0;
	v4 =	vmul.f32 v20, v4;
	_ =	sdelay $0x1  }
0xfa: {  	v5 =	vadd.f32 v7, v5;
	[tilespmem:v2+s21+$0x120 ss:$0x1] =	vst.idx.msk $0xffff, v4  }
0xfb: {  	v4 =	vld.idx.msk [tilespmem:v2+s21+$0x130 ss:$0x1], $0xffff  }
0xfc: {  	v22 =	vperm.xlane v5, v1;
	_ =	sdelay $0x1  }
0xfd: {  	v5 =	vadd.f32 v22, v5;
	_ =	sdelay $0x1  }
0xfe: {  	v4 =	vmul.f32 v4, v5;
	_ =	sdelay $0x1  }
0xff: {  	[tilespmem:v2+s21+$0x130 ss:$0x1] =	vst.idx.msk $0xffff, v4  }
0x100: {  	s22 =	spop (v2sf);
	v4 =	vld [tilespmem:s21+$0x740]  }
0x101: {  	v23 =	vld [tilespmem:s22+$0x5600];
	_ =	sdelay $0x4  }
0x102: {  	v4 =	vmul.f32 v23, v4;
	_ =	sdelay $0x1  }
0x103: {  	v24 =	vld [tilespmem:s21+$0x750];
	v25 =	vperm.xlane v4, v0  }
0x104: {  	v26 =	vld [tilespmem:s22+$0x5610]  }
0x105: {  	v4 =	vadd.f32 v25, v4  }
0x106: {  	v27 =	vld.idx.msk [tilespmem:v2+s21+$0x140 ss:$0x1], $0xffff  }
0x107: {  	(v2sf) =	vpush v3, $0xB;
	v28 =	vperm.xlane v4, v1;
	_ =	sdelay $0x1  }
0x108: {  	v5 =	vmul.f32 v26, v24;
	v4 =	vadd.f32 v28, v4;
	_ =	sdelay $0x1  }
0x109: {  	v7 =	vperm.xlane v5, v0;
	v4 =	vmul.f32 v27, v4;
	_ =	sdelay $0x1  }
0x10a: {  	v5 =	vadd.f32 v7, v5;
	[tilespmem:v2+s21+$0x140 ss:$0x1] =	vst.idx.msk $0xffff, v4  }
0x10b: {  	v4 =	vld.idx.msk [tilespmem:v2+s21+$0x150 ss:$0x1], $0xffff  }
0x10c: {  	v29 =	vperm.xlane v5, v1;
	_ =	sdelay $0x1  }
0x10d: {  	v5 =	vadd.f32 v29, v5;
	_ =	sdelay $0x1  }
0x10e: {  	v4 =	vmul.f32 v4, v5;
	_ =	sdelay $0x1  }
0x10f: {  	[tilespmem:v2+s21+$0x150 ss:$0x1] =	vst.idx.msk $0xffff, v4  }
0x110: {  	s22 =	spop (v2sf);
	v4 =	vld [tilespmem:s21+$0x760]  }
0x111: {  	v30 =	vld [tilespmem:s22+$0x5600];
	_ =	sdelay $0x4  }
0x112: {  	v4 =	vmul.f32 v30, v4;
	_ =	sdelay $0x1  }
0x113: {  	v31 =	vld [tilespmem:s21+$0x770];
	v32 =	vperm.xlane v4, v0  }
0x114: {  	v33 =	vld [tilespmem:s22+$0x5610]  }
0x115: {  	v4 =	vadd.f32 v32, v4  }
0x116: {  	v34 =	vld.idx.msk [tilespmem:v2+s21+$0x160 ss:$0x1], $0xffff  }
0x117: {  	(v2sf) =	vpush v3, $0xC;
	v35 =	vperm.xlane v4, v1;
	_ =	sdelay $0x1  }
0x118: {  	v5 =	vmul.f32 v33, v31;
	v4 =	vadd.f32 v35, v4;
	_ =	sdelay $0x1  }
0x119: {  	v7 =	vperm.xlane v5, v0;
	v4 =	vmul.f32 v34, v4;
	_ =	sdelay $0x1  }
0x11a: {  	v5 =	vadd.f32 v7, v5;
	[tilespmem:v2+s21+$0x160 ss:$0x1] =	vst.idx.msk $0xffff, v4  }
0x11b: {  	v4 =	vld.idx.msk [tilespmem:v2+s21+$0x170 ss:$0x1], $0xffff  }
0x11c: {  	v36 =	vperm.xlane v5, v1;
	_ =	sdelay $0x1  }
0x11d: {  	v5 =	vadd.f32 v36, v5;
	_ =	sdelay $0x1  }
0x11e: {  	v4 =	vmul.f32 v4, v5;
	_ =	sdelay $0x1  }
0x11f: {  	[tilespmem:v2+s21+$0x170 ss:$0x1] =	vst.idx.msk $0xffff, v4  }
0x120: {  	s22 =	spop (v2sf);
	v4 =	vld [tilespmem:s21+$0x780]  }
0x121: {  	v37 =	vld [tilespmem:s22+$0x5600];
	_ =	sdelay $0x4  }
0x122: {  	v4 =	vmul.f32 v37, v4;
	_ =	sdelay $0x1  }
0x123: {  	v38 =	vld [tilespmem:s21+$0x790];
	v39 =	vperm.xlane v4, v0  }
0x124: {  	v40 =	vld [tilespmem:s22+$0x5610]  }
0x125: {  	v4 =	vadd.f32 v39, v4  }
0x126: {  	v41 =	vld.idx.msk [tilespmem:v2+s21+$0x180 ss:$0x1], $0xffff  }
0x127: {  	(v2sf) =	vpush v3, $0xD;
	v42 =	vperm.xlane v4, v1;
	_ =	sdelay $0x1  }
0x128: {  	v5 =	vmul.f32 v40, v38;
	v4 =	vadd.f32 v42, v4;
	_ =	sdelay $0x1  }
0x129: {  	v7 =	vperm.xlane v5, v0;
	v4 =	vmul.f32 v41, v4;
	_ =	sdelay $0x1  }
0x12a: {  	v5 =	vadd.f32 v7, v5;
	[tilespmem:v2+s21+$0x180 ss:$0x1] =	vst.idx.msk $0xffff, v4  }
0x12b: {  	v4 =	vld.idx.msk [tilespmem:v2+s21+$0x190 ss:$0x1], $0xffff  }
0x12c: {  	v43 =	vperm.xlane v5, v1;
	_ =	sdelay $0x1  }
0x12d: {  	v5 =	vadd.f32 v43, v5;
	_ =	sdelay $0x1  }
0x12e: {  	v4 =	vmul.f32 v4, v5;
	_ =	sdelay $0x1  }
0x12f: {  	[tilespmem:v2+s21+$0x190 ss:$0x1] =	vst.idx.msk $0xffff, v4  }
0x130: {  	s22 =	spop (v2sf);
	v4 =	vld [tilespmem:s21+$0x7A0]  }
0x131: {  	v44 =	vld [tilespmem:s22+$0x5600];
	_ =	sdelay $0x4  }
0x132: {  	v4 =	vmul.f32 v44, v4;
	_ =	sdelay $0x1  }
0x133: {  	v45 =	vld [tilespmem:s21+$0x7B0];
	v46 =	vperm.xlane v4, v0  }
0x134: {  	v47 =	vld [tilespmem:s22+$0x5610]  }
0x135: {  	v4 =	vadd.f32 v46, v4  }
0x136: {  	v48 =	vld.idx.msk [tilespmem:v2+s21+$0x1A0 ss:$0x1], $0xffff  }
0x137: {  	(v2sf) =	vpush v3, $0xE;
	v49 =	vperm.xlane v4, v1;
	_ =	sdelay $0x1  }
0x138: {  	v5 =	vmul.f32 v47, v45;
	v4 =	vadd.f32 v49, v4;
	_ =	sdelay $0x1  }
0x139: {  	v7 =	vperm.xlane v5, v0;
	v4 =	vmul.f32 v48, v4;
	_ =	sdelay $0x1  }
0x13a: {  	v5 =	vadd.f32 v7, v5;
	[tilespmem:v2+s21+$0x1A0 ss:$0x1] =	vst.idx.msk $0xffff, v4  }
0x13b: {  	v4 =	vld.idx.msk [tilespmem:v2+s21+$0x1B0 ss:$0x1], $0xffff  }
0x13c: {  	v50 =	vperm.xlane v5, v1;
	_ =	sdelay $0x1  }
0x13d: {  	v5 =	vadd.f32 v50, v5;
	_ =	sdelay $0x1  }
0x13e: {  	v4 =	vmul.f32 v4, v5;
	_ =	sdelay $0x1  }
0x13f: {  	[tilespmem:v2+s21+$0x1B0 ss:$0x1] =	vst.idx.msk $0xffff, v4  }
0x140: {  	s22 =	spop (v2sf);
	v4 =	vld [tilespmem:s21+$0x7C0]  }
0x141: {  	v51 =	vld [tilespmem:s22+$0x5600];
	_ =	sdelay $0x4  }
0x142: {  	v4 =	vmul.f32 v51, v4;
	_ =	sdelay $0x1  }
0x143: {  	v52 =	vld [tilespmem:s21+$0x7D0];
	v53 =	vperm.xlane v4, v0  }
0x144: {  	v54 =	vld [tilespmem:s22+$0x5610]  }
0x145: {  	v4 =	vadd.f32 v53, v4  }
0x146: {  	v55 =	vld.idx.msk [tilespmem:v2+s21+$0x1C0 ss:$0x1], $0xffff  }
0x147: {  	(v2sf) =	vpush v3, $0xF;
	v3 =	vperm.xlane v4, v1;
	_ =	sdelay $0x1  }
0x148: {  	v56 =	vmul.f32 v54, v52;
	v3 =	vadd.f32 v3, v4;
	_ =	sdelay $0x1  }
0x149: {  	v5 =	vperm.xlane v56, v0;
	v3 =	vmul.f32 v55, v3;
	_ =	sdelay $0x1  }
0x14a: {  	v4 =	vadd.f32 v5, v56;
	[tilespmem:v2+s21+$0x1C0 ss:$0x1] =	vst.idx.msk $0xffff, v3  }
0x14b: {  	v3 =	vld.idx.msk [tilespmem:v2+s21+$0x1D0 ss:$0x1], $0xffff  }
0x14c: {  	v5 =	vperm.xlane v4, v1;
	_ =	sdelay $0x1  }
0x14d: {  	v4 =	vadd.f32 v5, v4;
	_ =	sdelay $0x1  }
0x14e: {  	v3 =	vmul.f32 v3, v4;
	_ =	sdelay $0x1  }
0x14f: {  	[tilespmem:v2+s21+$0x1D0 ss:$0x1] =	vst.idx.msk $0xffff, v3  }
0x150: {  	s22 =	spop (v2sf);
	v3 =	vld [tilespmem:s21+$0x7E0]  }
0x151: {  	v57 =	vld [tilespmem:s22+$0x5600];
	_ =	sdelay $0x4  }
0x152: {  	v3 =	vmul.f32 v57, v3;
	_ =	sdelay $0x1  }
0x153: {  	v58 =	vld [tilespmem:s21+$0x7F0];
	v59 =	vperm.xlane v3, v0  }
0x154: {  	v60 =	vld [tilespmem:s22+$0x5610]  }
0x155: {  	v3 =	vadd.f32 v59, v3  }
0x156: {  	v61 =	vld.idx.msk [tilespmem:v2+s21+$0x1E0 ss:$0x1], $0xffff  }
0x157: {  	v62 =	vperm.xlane v3, v1;
	_ =	sdelay $0x1  }
0x158: {  	v4 =	vmul.f32 v60, v58;
	v3 =	vadd.f32 v62, v3;
	_ =	sdelay $0x1  }
0x159: {  	v6 =	vperm.xlane v4, v0;
	v3 =	vmul.f32 v61, v3;
	_ =	sdelay $0x1  }
0x15a: {  	v4 =	vadd.f32 v6, v4;
	[tilespmem:v2+s21+$0x1E0 ss:$0x1] =	vst.idx.msk $0xffff, v3  }
0x15b: {  	v3 =	vld.idx.msk [tilespmem:v2+s21+$0x1F0 ss:$0x1], $0xffff  }
0x15c: {  	v63 =	vperm.xlane v4, v1  }
0x15d: {  	p3 =	sne.s32 s12, $0x3800  }
.Ltmp0:
0x15e: {  	v4 =	vadd.f32 v63, v4;
	(pc) =	sbr.rel @p3 .LBB2_3-.Ltmp0, $3  }
0x15f: {  	_ = 	snop  }
0x160: {  	v3 =	vmul.f32 v3, v4;
	_ =	sdelay $0x1  }
0x161: {  	s20 =	sadd.s32 $0x10, s20;
	s12 =	sadd.s32 $0x800, s12;
	[tilespmem:v2+s21+$0x1F0 ss:$0x1] =	vst.idx.msk $0xffff, v3  }
0x162: {  	s12 =	sshrl.u32 s28, $0x2  }
0x163: {  	[spmem:s2] =	stream.indirect.scatter.add.f32 [tilespmem:s29], [sflag:$0x5], $0x20, s12, s26, $0xb8;
	[tilespmem:$0x1EDA0] =	vst v63  }
0x164: {  	s20 =	sadd.s32 @!p1 $0x3, s17;
	s12 =	simm.s32 @!p2 $0x6  }
0x165: {  	s21 =	sadd.s32 @!p1 s10, s20;
	_ =	swait.ge @!p2 [sflag:s12], $0x1000  }
0x166: {  	s21 =	sshll.u32 @!p1 s21, $0x4;
	[sflag:s12] =	ssyncset.done @!p2 $0x0  }
0x167: {  	[sflag:s12] =	ssyncadd.s32 @!p2 $0xFFFFF000;
	s12 =	sshll.u32 @!p1 s20, $0x7;
	s20 =	sand.u32 @!p1 $0x1FFFFFF0, s21  }
0x168: {  	s22 =	simm.s32 @!p1 $0x0;
	s12 =	sand.u32 @!p1 $0x180, s12;
	s21 =	sadd.s32 @!p1 s7, s20  }
0x169: {  	[tilespmem:s12], [sflag:$0x2] =	stream.linear.gather @!p1 [hbm4b:s21+s22], $0x80, $0x38;
	[tilespmem:$0x1EDA0] =	vst v63  }
0x16a: {  	s28 =	sadd.s32 @!p1 s8, s20;
	s21 =	sor.u32 @!p1 $0x200, s12  }
0x16b: {  	[tilespmem:s21], [sflag:$0x2] =	stream.linear.gather @!p1 [hbm4b:s28+s22], $0x80, $0x38;
	[tilespmem:$0x1EDA0] =	vst v63  }
0x16c: {  	s20 =	sadd.s32 @!p1 s9, s20;
	s12 =	sor.u32 @!p1 $0x400, s12  }
0x16d: {  	[tilespmem:s12], [sflag:$0x2] =	stream.linear.gather @!p1 [hbm4b:s20+s22], $0x80, $0x38;
	[tilespmem:$0x1EDA0] =	vst v63  }
0x16e: {  	s12 =	simm.s32 @!p1 $0x1  }
0x16f: {  	_ =	swait.ge @!p1 [sflag:s12], $0x80  }
0x170: {  	[sflag:s12] =	ssyncset.done @!p1 $0x0  }
0x171: {  	[sflag:s12] =	ssyncadd.s32 @!p1 $0xFFFFFF80  }
0x172: {  	_ =	swait.ge @!p1 [sflag:s12], $0x80  }
0x173: {  	s17 =	sadd.s32 @!p1 $0x2, s17;
	[sflag:s12] =	ssyncset.done @!p1 $0x0  }
0x174: {  	s20 =	smulhi.u32 @!p1 $0x55555556, s17;
	[sflag:s12] =	ssyncadd.s32 @!p1 $0xFFFFFF80  }
0x175: {  	_ =	swait.ge @!p1 [sflag:s12], $0x80  }
0x176: {  	s21 =	sshll.u32 @!p1 s17, $0x7;
	s20 =	smul.u32 @!p1 $0x3, s20;
	[sflag:s12] =	ssyncset.done @!p1 $0x0  }
0x177: {  	s21 =	sand.u32 @!p1 $0x100, s21;
	[sflag:s12] =	ssyncadd.s32 @!p1 $0xFFFFFF80  }
0x178: {  	s12 =	ssub.s32 @!p1 s17, s20;
	s17 =	simm.s32 @!p1 $0x80;
	s20 =	simm.s32 @!p1 $0x600  }
0x179: {  	[tilespmem:s20], [sflag:$0x3] =	stream.indirect.gather @!p1 [hbm4b:s1+s17], $0x20, s21, s17, $0xb8;
	[tilespmem:$0x1EDA0] =	vst v63  }
0x17a: {  	s12 =	sshll.u32 @!p1 s12, $0xC  }
0x17b: {  	s20 =	sor.u32 @!p1 $0x200, s21;
	s12 =	sadd.s32 @!p1 $0x2600, s12  }
0x17c: {  	[tilespmem:s12], [sflag:$0x3] =	stream.indirect.gather @!p1 [hbm4b:s5+s17], $0x20, s20, s17, $0xb8;
	[tilespmem:$0x1EDA0] =	vst v63  }
0x17d: {  	_ =	swait.ge [sflag:s25], $0x1000  }
0x17e: {  	[sflag:s25] =	ssyncset.done $0x0  }
0x17f: {  	[sflag:s25] =	ssyncadd.s32 $0xFFFFF000  }
0x180: {  	_ =	swait.ge [sflag:s25], $0x1000  }
0x181: {  	s29 =	sshll.u32 s18, $0x9;
	[sflag:s25] =	ssyncset.done $0x0  }
0x182: {  	v2 =	vmov s19;
	s17 =	sand.u32 $0x600, s29;
	s12 =	simm.s32 $0x0;
	[sflag:s25] =	ssyncadd.s32 $0xFFFFF000  }
.LBB2_5:
0x183: {  	v3 =	vld [tilespmem:s24+$0x0];
	_ =	sdelay $0x4  }
0x184: {  	v3 =	vshll.u32 v3, $0x7  }
0x185: {  	v3 =	vshra.s32 v3, $0x2  }
0x186: {  	(v2sf) =	vpush v3, $0x0;
	_ =	sdelay $0xd  }
0x187: {  	s18 =	sshra.s32 s12, $0x2  }
0x188: {  	v4 =	vld [tilespmem:s18+$0x1600];
	s19 =	spop (v2sf)  }
0x189: {  	v5 =	vld [tilespmem:s19+$0x5600];
	_ =	sdelay $0x4  }
0x18a: {  	v4 =	vmul.f32 v5, v4;
	_ =	sdelay $0x1  }
0x18b: {  	v62 =	vld [tilespmem:s18+$0x1610];
	v6 =	vperm.xlane v4, v0  }
0x18c: {  	v7 =	vld [tilespmem:s19+$0x5610]  }
0x18d: {  	v4 =	vadd.f32 v6, v4  }
0x18e: {  	v63 =	vld.idx.msk [tilespmem:v2+s18+$0x1000 ss:$0x1], $0xffff  }
0x18f: {  	(v2sf) =	vpush v3, $0x1;
	v8 =	vperm.xlane v4, v1;
	_ =	sdelay $0x1  }
0x190: {  	v5 =	vmul.f32 v7, v62;
	v4 =	vadd.f32 v8, v4;
	_ =	sdelay $0x1  }
0x191: {  	v7 =	vperm.xlane v5, v0;
	v4 =	vmul.f32 v63, v4;
	_ =	sdelay $0x1  }
0x192: {  	v5 =	vadd.f32 v7, v5;
	[tilespmem:v2+s18+$0x1000 ss:$0x1] =	vst.idx.msk $0xffff, v4  }
0x193: {  	v4 =	vld.idx.msk [tilespmem:v2+s18+$0x1010 ss:$0x1], $0xffff  }
0x194: {  	v12 =	vperm.xlane v5, v1;
	_ =	sdelay $0x1  }
0x195: {  	v5 =	vadd.f32 v12, v5;
	_ =	sdelay $0x1  }
0x196: {  	v4 =	vmul.f32 v4, v5;
	_ =	sdelay $0x1  }
0x197: {  	[tilespmem:v2+s18+$0x1010 ss:$0x1] =	vst.idx.msk $0xffff, v4  }
0x198: {  	s20 =	spop (v2sf);
	v4 =	vld [tilespmem:s18+$0x1620]  }
0x199: {  	v13 =	vld [tilespmem:s20+$0x5600];
	_ =	sdelay $0x4  }
0x19a: {  	v4 =	vmul.f32 v13, v4;
	_ =	sdelay $0x1  }
0x19b: {  	v14 =	vld [tilespmem:s18+$0x1630];
	v15 =	vperm.xlane v4, v0  }
0x19c: {  	v16 =	vld [tilespmem:s20+$0x5610]  }
0x19d: {  	v4 =	vadd.f32 v15, v4  }
0x19e: {  	v17 =	vld.idx.msk [tilespmem:v2+s18+$0x1020 ss:$0x1], $0xffff  }
0x19f: {  	(v2sf) =	vpush v3, $0x2;
	v18 =	vperm.xlane v4, v1;
	_ =	sdelay $0x1  }
0x1a0: {  	v5 =	vmul.f32 v16, v14;
	v4 =	vadd.f32 v18, v4;
	_ =	sdelay $0x1  }
0x1a1: {  	v7 =	vperm.xlane v5, v0;
	v4 =	vmul.f32 v17, v4;
	_ =	sdelay $0x1  }
0x1a2: {  	v5 =	vadd.f32 v7, v5;
	[tilespmem:v2+s18+$0x1020 ss:$0x1] =	vst.idx.msk $0xffff, v4  }
0x1a3: {  	v4 =	vld.idx.msk [tilespmem:v2+s18+$0x1030 ss:$0x1], $0xffff  }
0x1a4: {  	v19 =	vperm.xlane v5, v1;
	_ =	sdelay $0x1  }
0x1a5: {  	v5 =	vadd.f32 v19, v5;
	_ =	sdelay $0x1  }
0x1a6: {  	v4 =	vmul.f32 v4, v5;
	_ =	sdelay $0x1  }
0x1a7: {  	[tilespmem:v2+s18+$0x1030 ss:$0x1] =	vst.idx.msk $0xffff, v4  }
0x1a8: {  	s21 =	spop (v2sf);
	v4 =	vld [tilespmem:s18+$0x1640]  }
0x1a9: {  	v20 =	vld [tilespmem:s21+$0x5600];
	_ =	sdelay $0x4  }
0x1aa: {  	v4 =	vmul.f32 v20, v4;
	_ =	sdelay $0x1  }
0x1ab: {  	v21 =	vld [tilespmem:s18+$0x1650];
	v22 =	vperm.xlane v4, v0  }
0x1ac: {  	v23 =	vld [tilespmem:s21+$0x5610]  }
0x1ad: {  	v4 =	vadd.f32 v22, v4  }
0x1ae: {  	v24 =	vld.idx.msk [tilespmem:v2+s18+$0x1040 ss:$0x1], $0xffff  }
0x1af: {  	(v2sf) =	vpush v3, $0x3;
	v25 =	vperm.xlane v4, v1;
	_ =	sdelay $0x1  }
0x1b0: {  	v5 =	vmul.f32 v23, v21;
	v4 =	vadd.f32 v25, v4;
	_ =	sdelay $0x1  }
0x1b1: {  	v7 =	vperm.xlane v5, v0;
	v4 =	vmul.f32 v24, v4;
	_ =	sdelay $0x1  }
0x1b2: {  	v5 =	vadd.f32 v7, v5;
	[tilespmem:v2+s18+$0x1040 ss:$0x1] =	vst.idx.msk $0xffff, v4  }
0x1b3: {  	v4 =	vld.idx.msk [tilespmem:v2+s18+$0x1050 ss:$0x1], $0xffff  }
0x1b4: {  	v26 =	vperm.xlane v5, v1;
	_ =	sdelay $0x1  }
0x1b5: {  	v5 =	vadd.f32 v26, v5;
	_ =	sdelay $0x1  }
0x1b6: {  	v4 =	vmul.f32 v4, v5;
	_ =	sdelay $0x1  }
0x1b7: {  	[tilespmem:v2+s18+$0x1050 ss:$0x1] =	vst.idx.msk $0xffff, v4  }
0x1b8: {  	s22 =	spop (v2sf);
	v4 =	vld [tilespmem:s18+$0x1660]  }
0x1b9: {  	v27 =	vld [tilespmem:s22+$0x5600];
	_ =	sdelay $0x4  }
0x1ba: {  	v4 =	vmul.f32 v27, v4;
	_ =	sdelay $0x1  }
0x1bb: {  	v28 =	vld [tilespmem:s18+$0x1670];
	v29 =	vperm.xlane v4, v0  }
0x1bc: {  	v30 =	vld [tilespmem:s22+$0x5610]  }
0x1bd: {  	v4 =	vadd.f32 v29, v4  }
0x1be: {  	v31 =	vld.idx.msk [tilespmem:v2+s18+$0x1060 ss:$0x1], $0xffff  }
0x1bf: {  	(v2sf) =	vpush v3, $0x4;
	v32 =	vperm.xlane v4, v1;
	_ =	sdelay $0x1  }
0x1c0: {  	v5 =	vmul.f32 v30, v28;
	v4 =	vadd.f32 v32, v4;
	_ =	sdelay $0x1  }
0x1c1: {  	v7 =	vperm.xlane v5, v0;
	v4 =	vmul.f32 v31, v4;
	_ =	sdelay $0x1  }
0x1c2: {  	v5 =	vadd.f32 v7, v5;
	[tilespmem:v2+s18+$0x1060 ss:$0x1] =	vst.idx.msk $0xffff, v4  }
0x1c3: {  	v4 =	vld.idx.msk [tilespmem:v2+s18+$0x1070 ss:$0x1], $0xffff  }
0x1c4: {  	v33 =	vperm.xlane v5, v1;
	_ =	sdelay $0x1  }
0x1c5: {  	v5 =	vadd.f32 v33, v5;
	_ =	sdelay $0x1  }
0x1c6: {  	v4 =	vmul.f32 v4, v5;
	_ =	sdelay $0x1  }
0x1c7: {  	[tilespmem:v2+s18+$0x1070 ss:$0x1] =	vst.idx.msk $0xffff, v4  }
0x1c8: {  	s28 =	spop (v2sf);
	v4 =	vld [tilespmem:s18+$0x1680]  }
0x1c9: {  	v34 =	vld [tilespmem:s28+$0x5600];
	_ =	sdelay $0x4  }
0x1ca: {  	v4 =	vmul.f32 v34, v4;
	_ =	sdelay $0x1  }
0x1cb: {  	v35 =	vld [tilespmem:s18+$0x1690];
	v36 =	vperm.xlane v4, v0  }
0x1cc: {  	v37 =	vld [tilespmem:s28+$0x5610]  }
0x1cd: {  	v4 =	vadd.f32 v36, v4  }
0x1ce: {  	v38 =	vld.idx.msk [tilespmem:v2+s18+$0x1080 ss:$0x1], $0xffff  }
0x1cf: {  	(v2sf) =	vpush v3, $0x5;
	v39 =	vperm.xlane v4, v1;
	_ =	sdelay $0x1  }
0x1d0: {  	v5 =	vmul.f32 v37, v35;
	v4 =	vadd.f32 v39, v4;
	_ =	sdelay $0x1  }
0x1d1: {  	v7 =	vperm.xlane v5, v0;
	v4 =	vmul.f32 v38, v4;
	_ =	sdelay $0x1  }
0x1d2: {  	v5 =	vadd.f32 v7, v5;
	[tilespmem:v2+s18+$0x1080 ss:$0x1] =	vst.idx.msk $0xffff, v4  }
0x1d3: {  	v4 =	vld.idx.msk [tilespmem:v2+s18+$0x1090 ss:$0x1], $0xffff  }
0x1d4: {  	v40 =	vperm.xlane v5, v1;
	_ =	sdelay $0x1  }
0x1d5: {  	v5 =	vadd.f32 v40, v5;
	_ =	sdelay $0x1  }
0x1d6: {  	v4 =	vmul.f32 v4, v5;
	_ =	sdelay $0x1  }
0x1d7: {  	[tilespmem:v2+s18+$0x1090 ss:$0x1] =	vst.idx.msk $0xffff, v4  }
0x1d8: {  	s29 =	spop (v2sf);
	v4 =	vld [tilespmem:s18+$0x16A0]  }
0x1d9: {  	v41 =	vld [tilespmem:s29+$0x5600];
	_ =	sdelay $0x4  }
0x1da: {  	v4 =	vmul.f32 v41, v4;
	_ =	sdelay $0x1  }
0x1db: {  	v42 =	vld [tilespmem:s18+$0x16B0];
	v43 =	vperm.xlane v4, v0  }
0x1dc: {  	v44 =	vld [tilespmem:s29+$0x5610]  }
0x1dd: {  	v4 =	vadd.f32 v43, v4  }
0x1de: {  	v45 =	vld.idx.msk [tilespmem:v2+s18+$0x10A0 ss:$0x1], $0xffff  }
0x1df: {  	(v2sf) =	vpush v3, $0x6;
	v46 =	vperm.xlane v4, v1;
	_ =	sdelay $0x1  }
0x1e0: {  	v5 =	vmul.f32 v44, v42;
	v4 =	vadd.f32 v46, v4;
	_ =	sdelay $0x1  }
0x1e1: {  	v7 =	vperm.xlane v5, v0;
	v4 =	vmul.f32 v45, v4;
	_ =	sdelay $0x1  }
0x1e2: {  	v5 =	vadd.f32 v7, v5;
	[tilespmem:v2+s18+$0x10A0 ss:$0x1] =	vst.idx.msk $0xffff, v4  }
0x1e3: {  	v4 =	vld.idx.msk [tilespmem:v2+s18+$0x10B0 ss:$0x1], $0xffff  }
0x1e4: {  	v47 =	vperm.xlane v5, v1;
	_ =	sdelay $0x1  }
0x1e5: {  	v5 =	vadd.f32 v47, v5;
	_ =	sdelay $0x1  }
0x1e6: {  	v4 =	vmul.f32 v4, v5;
	_ =	sdelay $0x1  }
0x1e7: {  	[tilespmem:v2+s18+$0x10B0 ss:$0x1] =	vst.idx.msk $0xffff, v4  }
0x1e8: {  	s20 =	spop (v2sf);
	v4 =	vld [tilespmem:s18+$0x16C0]  }
0x1e9: {  	v48 =	vld [tilespmem:s20+$0x5600];
	_ =	sdelay $0x4  }
0x1ea: {  	v4 =	vmul.f32 v48, v4;
	_ =	sdelay $0x1  }
0x1eb: {  	v49 =	vld [tilespmem:s18+$0x16D0];
	v50 =	vperm.xlane v4, v0  }
0x1ec: {  	v51 =	vld [tilespmem:s20+$0x5610]  }
0x1ed: {  	v4 =	vadd.f32 v50, v4  }
0x1ee: {  	v52 =	vld.idx.msk [tilespmem:v2+s18+$0x10C0 ss:$0x1], $0xffff  }
0x1ef: {  	(v2sf) =	vpush v3, $0x7;
	v53 =	vperm.xlane v4, v1;
	_ =	sdelay $0x1  }
0x1f0: {  	v5 =	vmul.f32 v51, v49;
	v4 =	vadd.f32 v53, v4;
	_ =	sdelay $0x1  }
0x1f1: {  	v7 =	vperm.xlane v5, v0;
	v4 =	vmul.f32 v52, v4;
	_ =	sdelay $0x1  }
0x1f2: {  	v5 =	vadd.f32 v7, v5;
	[tilespmem:v2+s18+$0x10C0 ss:$0x1] =	vst.idx.msk $0xffff, v4  }
0x1f3: {  	v4 =	vld.idx.msk [tilespmem:v2+s18+$0x10D0 ss:$0x1], $0xffff  }
0x1f4: {  	v54 =	vperm.xlane v5, v1;
	_ =	sdelay $0x1  }
0x1f5: {  	v5 =	vadd.f32 v54, v5;
	_ =	sdelay $0x1  }
0x1f6: {  	v4 =	vmul.f32 v4, v5;
	_ =	sdelay $0x1  }
0x1f7: {  	[tilespmem:v2+s18+$0x10D0 ss:$0x1] =	vst.idx.msk $0xffff, v4  }
0x1f8: {  	s21 =	spop (v2sf);
	v4 =	vld [tilespmem:s18+$0x16E0]  }
0x1f9: {  	v55 =	vld [tilespmem:s21+$0x5600];
	_ =	sdelay $0x4  }
0x1fa: {  	v4 =	vmul.f32 v55, v4;
	_ =	sdelay $0x1  }
0x1fb: {  	v56 =	vld [tilespmem:s18+$0x16F0];
	v57 =	vperm.xlane v4, v0  }
0x1fc: {  	v58 =	vld [tilespmem:s21+$0x5610]  }
0x1fd: {  	v4 =	vadd.f32 v57, v4  }
0x1fe: {  	v59 =	vld.idx.msk [tilespmem:v2+s18+$0x10E0 ss:$0x1], $0xffff  }
0x1ff: {  	(v2sf) =	vpush v3, $0x8;
	v60 =	vperm.xlane v4, v1;
	_ =	sdelay $0x1  }
0x200: {  	v5 =	vmul.f32 v58, v56;
	v4 =	vadd.f32 v60, v4;
	_ =	sdelay $0x1  }
0x201: {  	v7 =	vperm.xlane v5, v0;
	v4 =	vmul.f32 v59, v4;
	_ =	sdelay $0x1  }
0x202: {  	v5 =	vadd.f32 v7, v5;
	[tilespmem:v2+s18+$0x10E0 ss:$0x1] =	vst.idx.msk $0xffff, v4  }
0x203: {  	v4 =	vld.idx.msk [tilespmem:v2+s18+$0x10F0 ss:$0x1], $0xffff  }
0x204: {  	v61 =	vperm.xlane v5, v1;
	_ =	sdelay $0x1  }
0x205: {  	v5 =	vadd.f32 v61, v5;
	_ =	sdelay $0x1  }
0x206: {  	v4 =	vmul.f32 v4, v5;
	_ =	sdelay $0x1  }
0x207: {  	[tilespmem:v2+s18+$0x10F0 ss:$0x1] =	vst.idx.msk $0xffff, v4  }
0x208: {  	s22 =	spop (v2sf);
	v4 =	vld [tilespmem:s18+$0x1700]  }
0x209: {  	v62 =	vld [tilespmem:s22+$0x5600];
	_ =	sdelay $0x4  }
0x20a: {  	v4 =	vmul.f32 v62, v4;
	_ =	sdelay $0x1  }
0x20b: {  	v63 =	vld [tilespmem:s18+$0x1710];
	v11 =	vperm.xlane v4, v0  }
0x20c: {  	v12 =	vld [tilespmem:s22+$0x5610]  }
0x20d: {  	v4 =	vadd.f32 v11, v4  }
0x20e: {  	v13 =	vld.idx.msk [tilespmem:v2+s18+$0x1100 ss:$0x1], $0xffff  }
0x20f: {  	(v2sf) =	vpush v3, $0x9;
	v14 =	vperm.xlane v4, v1;
	_ =	sdelay $0x1  }
0x210: {  	v5 =	vmul.f32 v12, v63;
	v4 =	vadd.f32 v14, v4;
	_ =	sdelay $0x1  }
0x211: {  	v7 =	vperm.xlane v5, v0;
	v4 =	vmul.f32 v13, v4;
	_ =	sdelay $0x1  }
0x212: {  	v5 =	vadd.f32 v7, v5;
	[tilespmem:v2+s18+$0x1100 ss:$0x1] =	vst.idx.msk $0xffff, v4  }
0x213: {  	v4 =	vld.idx.msk [tilespmem:v2+s18+$0x1110 ss:$0x1], $0xffff  }
0x214: {  	v15 =	vperm.xlane v5, v1;
	_ =	sdelay $0x1  }
0x215: {  	v5 =	vadd.f32 v15, v5;
	_ =	sdelay $0x1  }
0x216: {  	v4 =	vmul.f32 v4, v5;
	_ =	sdelay $0x1  }
0x217: {  	[tilespmem:v2+s18+$0x1110 ss:$0x1] =	vst.idx.msk $0xffff, v4  }
0x218: {  	s28 =	spop (v2sf);
	v4 =	vld [tilespmem:s18+$0x1720]  }
0x219: {  	v16 =	vld [tilespmem:s28+$0x5600];
	_ =	sdelay $0x4  }
0x21a: {  	v4 =	vmul.f32 v16, v4;
	_ =	sdelay $0x1  }
0x21b: {  	v17 =	vld [tilespmem:s18+$0x1730];
	v18 =	vperm.xlane v4, v0  }
0x21c: {  	v19 =	vld [tilespmem:s28+$0x5610]  }
0x21d: {  	v4 =	vadd.f32 v18, v4  }
0x21e: {  	v20 =	vld.idx.msk [tilespmem:v2+s18+$0x1120 ss:$0x1], $0xffff  }
0x21f: {  	(v2sf) =	vpush v3, $0xA;
	v21 =	vperm.xlane v4, v1;
	_ =	sdelay $0x1  }
0x220: {  	v5 =	vmul.f32 v19, v17;
	v4 =	vadd.f32 v21, v4;
	_ =	sdelay $0x1  }
0x221: {  	v7 =	vperm.xlane v5, v0;
	v4 =	vmul.f32 v20, v4;
	_ =	sdelay $0x1  }
0x222: {  	v5 =	vadd.f32 v7, v5;
	[tilespmem:v2+s18+$0x1120 ss:$0x1] =	vst.idx.msk $0xffff, v4  }
0x223: {  	v4 =	vld.idx.msk [tilespmem:v2+s18+$0x1130 ss:$0x1], $0xffff  }
0x224: {  	v22 =	vperm.xlane v5, v1;
	_ =	sdelay $0x1  }
0x225: {  	v5 =	vadd.f32 v22, v5;
	_ =	sdelay $0x1  }
0x226: {  	v4 =	vmul.f32 v4, v5;
	_ =	sdelay $0x1  }
0x227: {  	[tilespmem:v2+s18+$0x1130 ss:$0x1] =	vst.idx.msk $0xffff, v4  }
0x228: {  	s29 =	spop (v2sf);
	v4 =	vld [tilespmem:s18+$0x1740]  }
0x229: {  	v23 =	vld [tilespmem:s29+$0x5600];
	_ =	sdelay $0x4  }
0x22a: {  	v4 =	vmul.f32 v23, v4;
	_ =	sdelay $0x1  }
0x22b: {  	v24 =	vld [tilespmem:s18+$0x1750];
	v25 =	vperm.xlane v4, v0  }
0x22c: {  	v26 =	vld [tilespmem:s29+$0x5610]  }
0x22d: {  	v4 =	vadd.f32 v25, v4  }
0x22e: {  	v27 =	vld.idx.msk [tilespmem:v2+s18+$0x1140 ss:$0x1], $0xffff  }
0x22f: {  	(v2sf) =	vpush v3, $0xB;
	v28 =	vperm.xlane v4, v1;
	_ =	sdelay $0x1  }
0x230: {  	v5 =	vmul.f32 v26, v24;
	v4 =	vadd.f32 v28, v4;
	_ =	sdelay $0x1  }
0x231: {  	v7 =	vperm.xlane v5, v0;
	v4 =	vmul.f32 v27, v4;
	_ =	sdelay $0x1  }
0x232: {  	v5 =	vadd.f32 v7, v5;
	[tilespmem:v2+s18+$0x1140 ss:$0x1] =	vst.idx.msk $0xffff, v4  }
0x233: {  	v4 =	vld.idx.msk [tilespmem:v2+s18+$0x1150 ss:$0x1], $0xffff  }
0x234: {  	v29 =	vperm.xlane v5, v1;
	_ =	sdelay $0x1  }
0x235: {  	v5 =	vadd.f32 v29, v5;
	_ =	sdelay $0x1  }
0x236: {  	v4 =	vmul.f32 v4, v5;
	_ =	sdelay $0x1  }
0x237: {  	[tilespmem:v2+s18+$0x1150 ss:$0x1] =	vst.idx.msk $0xffff, v4  }
0x238: {  	s20 =	spop (v2sf);
	v4 =	vld [tilespmem:s18+$0x1760]  }
0x239: {  	v30 =	vld [tilespmem:s20+$0x5600];
	_ =	sdelay $0x4  }
0x23a: {  	v4 =	vmul.f32 v30, v4;
	_ =	sdelay $0x1  }
0x23b: {  	v31 =	vld [tilespmem:s18+$0x1770];
	v32 =	vperm.xlane v4, v0  }
0x23c: {  	v33 =	vld [tilespmem:s20+$0x5610]  }
0x23d: {  	v4 =	vadd.f32 v32, v4  }
0x23e: {  	v34 =	vld.idx.msk [tilespmem:v2+s18+$0x1160 ss:$0x1], $0xffff  }
0x23f: {  	(v2sf) =	vpush v3, $0xC;
	v35 =	vperm.xlane v4, v1;
	_ =	sdelay $0x1  }
0x240: {  	v5 =	vmul.f32 v33, v31;
	v4 =	vadd.f32 v35, v4;
	_ =	sdelay $0x1  }
0x241: {  	v7 =	vperm.xlane v5, v0;
	v4 =	vmul.f32 v34, v4;
	_ =	sdelay $0x1  }
0x242: {  	v5 =	vadd.f32 v7, v5;
	[tilespmem:v2+s18+$0x1160 ss:$0x1] =	vst.idx.msk $0xffff, v4  }
0x243: {  	v4 =	vld.idx.msk [tilespmem:v2+s18+$0x1170 ss:$0x1], $0xffff  }
0x244: {  	v36 =	vperm.xlane v5, v1;
	_ =	sdelay $0x1  }
0x245: {  	v5 =	vadd.f32 v36, v5;
	_ =	sdelay $0x1  }
0x246: {  	v4 =	vmul.f32 v4, v5;
	_ =	sdelay $0x1  }
0x247: {  	[tilespmem:v2+s18+$0x1170 ss:$0x1] =	vst.idx.msk $0xffff, v4  }
0x248: {  	s21 =	spop (v2sf);
	v4 =	vld [tilespmem:s18+$0x1780]  }
0x249: {  	v37 =	vld [tilespmem:s21+$0x5600];
	_ =	sdelay $0x4  }
0x24a: {  	v4 =	vmul.f32 v37, v4;
	_ =	sdelay $0x1  }
0x24b: {  	v38 =	vld [tilespmem:s18+$0x1790];
	v39 =	vperm.xlane v4, v0  }
0x24c: {  	v40 =	vld [tilespmem:s21+$0x5610]  }
0x24d: {  	v4 =	vadd.f32 v39, v4  }
0x24e: {  	v41 =	vld.idx.msk [tilespmem:v2+s18+$0x1180 ss:$0x1], $0xffff  }
0x24f: {  	(v2sf) =	vpush v3, $0xD;
	v42 =	vperm.xlane v4, v1;
	_ =	sdelay $0x1  }
0x250: {  	v5 =	vmul.f32 v40, v38;
	v4 =	vadd.f32 v42, v4;
	_ =	sdelay $0x1  }
0x251: {  	v7 =	vperm.xlane v5, v0;
	v4 =	vmul.f32 v41, v4;
	_ =	sdelay $0x1  }
0x252: {  	v5 =	vadd.f32 v7, v5;
	[tilespmem:v2+s18+$0x1180 ss:$0x1] =	vst.idx.msk $0xffff, v4  }
0x253: {  	v4 =	vld.idx.msk [tilespmem:v2+s18+$0x1190 ss:$0x1], $0xffff  }
0x254: {  	v43 =	vperm.xlane v5, v1;
	_ =	sdelay $0x1  }
0x255: {  	v5 =	vadd.f32 v43, v5;
	_ =	sdelay $0x1  }
0x256: {  	v4 =	vmul.f32 v4, v5;
	_ =	sdelay $0x1  }
0x257: {  	[tilespmem:v2+s18+$0x1190 ss:$0x1] =	vst.idx.msk $0xffff, v4  }
0x258: {  	s22 =	spop (v2sf);
	v4 =	vld [tilespmem:s18+$0x17A0]  }
0x259: {  	v44 =	vld [tilespmem:s22+$0x5600];
	_ =	sdelay $0x4  }
0x25a: {  	v4 =	vmul.f32 v44, v4;
	_ =	sdelay $0x1  }
0x25b: {  	v45 =	vld [tilespmem:s18+$0x17B0];
	v46 =	vperm.xlane v4, v0  }
0x25c: {  	v47 =	vld [tilespmem:s22+$0x5610]  }
0x25d: {  	v4 =	vadd.f32 v46, v4  }
0x25e: {  	v48 =	vld.idx.msk [tilespmem:v2+s18+$0x11A0 ss:$0x1], $0xffff  }
0x25f: {  	(v2sf) =	vpush v3, $0xE;
	v49 =	vperm.xlane v4, v1;
	_ =	sdelay $0x1  }
0x260: {  	v5 =	vmul.f32 v47, v45;
	v4 =	vadd.f32 v49, v4;
	_ =	sdelay $0x1  }
0x261: {  	v7 =	vperm.xlane v5, v0;
	v4 =	vmul.f32 v48, v4;
	_ =	sdelay $0x1  }
0x262: {  	v5 =	vadd.f32 v7, v5;
	[tilespmem:v2+s18+$0x11A0 ss:$0x1] =	vst.idx.msk $0xffff, v4  }
0x263: {  	v4 =	vld.idx.msk [tilespmem:v2+s18+$0x11B0 ss:$0x1], $0xffff  }
0x264: {  	v50 =	vperm.xlane v5, v1;
	_ =	sdelay $0x1  }
0x265: {  	v5 =	vadd.f32 v50, v5;
	_ =	sdelay $0x1  }
0x266: {  	v4 =	vmul.f32 v4, v5;
	_ =	sdelay $0x1  }
0x267: {  	[tilespmem:v2+s18+$0x11B0 ss:$0x1] =	vst.idx.msk $0xffff, v4  }
0x268: {  	s28 =	spop (v2sf);
	v4 =	vld [tilespmem:s18+$0x17C0]  }
0x269: {  	v51 =	vld [tilespmem:s28+$0x5600];
	_ =	sdelay $0x4  }
0x26a: {  	v4 =	vmul.f32 v51, v4;
	_ =	sdelay $0x1  }
0x26b: {  	v52 =	vld [tilespmem:s18+$0x17D0];
	v53 =	vperm.xlane v4, v0  }
0x26c: {  	v54 =	vld [tilespmem:s28+$0x5610]  }
0x26d: {  	v4 =	vadd.f32 v53, v4  }
0x26e: {  	v55 =	vld.idx.msk [tilespmem:v2+s18+$0x11C0 ss:$0x1], $0xffff  }
0x26f: {  	(v2sf) =	vpush v3, $0xF;
	v3 =	vperm.xlane v4, v1;
	_ =	sdelay $0x1  }
0x270: {  	v56 =	vmul.f32 v54, v52;
	v3 =	vadd.f32 v3, v4;
	_ =	sdelay $0x1  }
0x271: {  	v5 =	vperm.xlane v56, v0;
	v3 =	vmul.f32 v55, v3;
	_ =	sdelay $0x1  }
0x272: {  	v4 =	vadd.f32 v5, v56;
	[tilespmem:v2+s18+$0x11C0 ss:$0x1] =	vst.idx.msk $0xffff, v3  }
0x273: {  	v3 =	vld.idx.msk [tilespmem:v2+s18+$0x11D0 ss:$0x1], $0xffff  }
0x274: {  	v5 =	vperm.xlane v4, v1;
	_ =	sdelay $0x1  }
0x275: {  	v4 =	vadd.f32 v5, v4;
	_ =	sdelay $0x1  }
0x276: {  	v3 =	vmul.f32 v3, v4;
	_ =	sdelay $0x1  }
0x277: {  	[tilespmem:v2+s18+$0x11D0 ss:$0x1] =	vst.idx.msk $0xffff, v3  }
0x278: {  	s29 =	spop (v2sf);
	v3 =	vld [tilespmem:s18+$0x17E0]  }
0x279: {  	v57 =	vld [tilespmem:s29+$0x5600];
	_ =	sdelay $0x4  }
0x27a: {  	v3 =	vmul.f32 v57, v3;
	_ =	sdelay $0x1  }
0x27b: {  	v58 =	vld [tilespmem:s18+$0x17F0];
	v59 =	vperm.xlane v3, v0  }
0x27c: {  	v60 =	vld [tilespmem:s29+$0x5610]  }
0x27d: {  	v3 =	vadd.f32 v59, v3  }
0x27e: {  	v61 =	vld.idx.msk [tilespmem:v2+s18+$0x11E0 ss:$0x1], $0xffff  }
0x27f: {  	v62 =	vperm.xlane v3, v1;
	_ =	sdelay $0x1  }
0x280: {  	v4 =	vmul.f32 v60, v58;
	v3 =	vadd.f32 v62, v3;
	_ =	sdelay $0x1  }
0x281: {  	v6 =	vperm.xlane v4, v0;
	v3 =	vmul.f32 v61, v3;
	_ =	sdelay $0x1  }
0x282: {  	v4 =	vadd.f32 v6, v4;
	[tilespmem:v2+s18+$0x11E0 ss:$0x1] =	vst.idx.msk $0xffff, v3  }
0x283: {  	v3 =	vld.idx.msk [tilespmem:v2+s18+$0x11F0 ss:$0x1], $0xffff  }
0x284: {  	v63 =	vperm.xlane v4, v1  }
0x285: {  	p1 =	sne.s32 s12, $0x3800  }
.Ltmp1:
0x286: {  	v4 =	vadd.f32 v63, v4;
	(pc) =	sbr.rel @p1 .LBB2_5-.Ltmp1, $3  }
0x287: {  	_ = 	snop  }
0x288: {  	v3 =	vmul.f32 v3, v4;
	_ =	sdelay $0x1  }
0x289: {  	s24 =	sadd.s32 $0x10, s24;
	s12 =	sadd.s32 $0x800, s12;
	[tilespmem:v2+s18+$0x11F0 ss:$0x1] =	vst.idx.msk $0xffff, v3  }
0x28a: {  	s15 =	sadd.s32 $0x1, s15  }
0x28b: {  	p1 =	sne.s32 s15, $0x62  }
.Ltmp2:
0x28c: {  	_ = 	snop;
	(pc) =	sbr.rel @p1 .LBB2_2-.Ltmp2, $4  }
0x28d: {  	_ = 	snop  }
0x28e: {  	s12 =	sshrl.u32 s17, $0x2;
	p0 =	por !p0, !p0;
	s6 =	sadd.s32 $0x2000, s6  }
0x28f: {  	s14 =	sadd.s32 $0x2, s14;
	s13 =	sadd.s32 $0x2, s13;
	s11 =	sadd.s32 $0x2, s11  }
0x290: {  	[spmem:s2] =	stream.indirect.scatter.add.f32 [tilespmem:s16], [sflag:$0x6], $0x20, s12, s26, $0xb8;
	[tilespmem:$0x1EDA0] =	vst v63  }
0x291: {  	s6 =	simm.s32 $0x5  }
0x292: {  	_ =	swait.ge [sflag:s6], $0x1000  }
0x293: {  	[sflag:s6] =	ssyncset.done $0x0  }
0x294: {  	s24 =	simm.s32 $0x6;
	[sflag:s6] =	ssyncadd.s32 $0xFFFFF000  }
0x295: {  	_ =	swait.ge [sflag:s24], $0x1000  }
0x296: {  	[sflag:s24] =	ssyncset.done $0x0  }
0x297: {  	[sflag:s24] =	ssyncadd.s32 $0xFFFFF000  }
0x298: {  	[bflag:$0x0] =	sbarrier.arrive $0xFFFF  }
0x299: {  	s13 =	rddreg [dreg:$0x6]  }
0x29a: {  	s28 =	rddreg [dreg:$0xd]  }
0x29b: {  	s12 =	simm.s32 $0x7;
	s11 =	rddreg [dreg:$0xf]  }
0x29c: {  	[hbm:s28], [sflag:s13] =	dma.local [spmem:s11], $0x3100  }
0x29d: {  	_ =	swait.ge [sflag:s12], $0x3100  }
0x29e: {  	s30 =	sadd.s32 $0x1, s30;
	s29 =	rddreg [dreg:$0xe]  }
0x29f: {  	p0 =	sne.s32 s30, s29  }
.Ltmp3:
0x2a0: {  	_ = 	snop;
	(pc) =	sbr.rel @p0 .LBB2_1-.Ltmp3, $3  }
0x2a1: {  	_ =	sdelay $0x1  }
0x2a2: {  	[sflag:s12] =	ssyncset.done $0x0  }
0x2a3: {  	[sflag:s12] =	ssyncadd.s32 $0xFFFFCF00  }
0x2a4: {  	_ =	sfence.sel $0x180000  }
0x2a5: {  	[bflag:$0x0] =	sbarrier.arrive $0xFFFF  }
0x2a6: {  	_ =	strace $0x90000047  }
0x2a7: {  	s0 =	stileid.u32;
	[bflag:$0x2] =	sbarrier.arrive $0xFFFF  }
0x2a8: {  	p0 =	sne.s32 s0, $0x0;
	s0 =	rddreg [dreg:$0x3]  }
0x2a9: {  	s0 =	sadd.s32 @!p0 $0x100000, s0  }
0x2aa: {  	[sflag:s0] =	ssyncadd.tile.s32 @!p0 $0x1;
	_ =	shalt  }
.Lfunc_end2:
_tile_overlayer_lowered:
.L_overlay_start_2:
0x2ab: {  	(tag) =	ssettag $0x2  }
0x2ac: {  	s0 =	rddreg [dreg:$0x0];
	s2 =	stileid.u32  }
0x2ad: {  	s1 =	rddreg [dreg:$0x1];
	p0 =	sne.s32 s2, $0x0  }
0x2ae: {  	s3 =	rddreg [dreg:$0x2];
	[bflag:$0x3] =	sbarrier.arrive $0xFFFF;
	s2 =	simm.s32 @!p0 $0x1C07  }
0x2af: {  	[timem:s3], [sflag:s2] =	dma.local @!p0 [hbm:s0], s1  }
0x2b0: {  	s0 =	simm.s32 @!p0 $0x7  }
0x2b1: {  	_ =	swait.ge @!p0 [sflag:s0], s1  }
0x2b2: {  	s1 =	ssub.s32 @!p0 $0x0, s1;
	[sflag:s0] =	ssyncset.done @!p0 $0x0  }
0x2b3: {  	[sflag:s0] =	ssyncadd.s32 @!p0 s1  }
0x2b4: {  	[bflag:$0x3] =	sbarrier.arrive $0xFFFF  }
0x2b5: {  	_ =	shalt  }

</sc_bundles>
